<compile_context>
chip_gen: v7x
topology: tpu7x:2x2x1
jax: 0.10.2.dev20260603
libtpu: 0.0.44.dev20260713+nightly
codegen_flags: <defaults>
</compile_context>

<pallas_src>
import functools

import jax
import jax.numpy as jnp
from jax import lax
from jax.experimental import pallas as pl
from jax.experimental.pallas import tpu as pltpu
from jax.experimental.pallas import tpu_sc as plsc

N = 10000
E = 320000
D = 128
D_OUT = 64

CHUNK = 128
NW = 32
K_PER_W = 80
NCH = K_PER_W * NW
PAD_E = NCH * CHUNK
K_C0 = 152
K_C1 = K_PER_W * 2 - K_C0
NBLK = 8
RPT = 632
NP = RPT * 16

_mesh = plsc.VectorSubcoreMesh(core_axis_name="c", subcore_axis_name="s")


@functools.partial(
    pl.kernel,
    out_type=jax.ShapeDtypeStruct((2, NP, D), jnp.float32),
    mesh=_mesh,
    scratch_types=[
        pltpu.VMEM((K_PER_W, CHUNK), jnp.int32),
        pltpu.VMEM((CHUNK, D), jnp.float32),
        pltpu.VMEM_SHARED((NP, D), jnp.float32),
    ],
)
def _deg_sc(dst_hbm, ones_hbm, zeros_hbm, out_hbm, didx_v, ones_v, acc):
    c = lax.axis_index("c")
    s = lax.axis_index("s")
    wid = s * 2 + c

    pltpu.sync_copy(dst_hbm.at[pl.ds(wid * K_PER_W, K_PER_W)], didx_v)
    pltpu.sync_copy(ones_hbm, ones_v)
    pltpu.sync_copy(zeros_hbm, acc.at[pl.ds(s * RPT, RPT)])
    plsc.subcore_barrier()

    def body(j, carry):
        pltpu.sync_copy(ones_v, acc.at[didx_v.at[j]], add=True)
        return carry

    lax.fori_loop(0, K_PER_W, body, 0)
    plsc.subcore_barrier()
    pltpu.sync_copy(acc.at[pl.ds(s * RPT, RPT)],
                    out_hbm.at[c, pl.ds(s * RPT, RPT)])


@functools.partial(
    pl.kernel,
    out_type=jax.ShapeDtypeStruct((2, NP, D), jnp.float32),
    mesh=_mesh,
    scratch_types=[
        pltpu.VMEM((2, NBLK, CHUNK), jnp.int32),
        pltpu.VMEM((2, NBLK, CHUNK), jnp.int32),
        pltpu.VMEM((2, CHUNK, D), jnp.float32),
        pltpu.VMEM_SHARED((NP, D), jnp.float32),
        pltpu.SemaphoreType.DMA,
        pltpu.SemaphoreType.DMA,
        pltpu.SemaphoreType.DMA,
        pltpu.SemaphoreType.DMA,
    ],
)
def _agg_sc(feat_hbm, src_hbm, dst_hbm, zeros_hbm, out_hbm, sidx_v, didx_v,
            rows_v, acc, sem0, sem1, sem_si, sem_di):
    c = lax.axis_index("c")
    s = lax.axis_index("s")
    start = jnp.where(c == 0, s * K_C0, 16 * K_C0 + s * K_C1)
    nblocks = jnp.where(c == 0, K_C0 // NBLK, K_C1 // NBLK)

    pltpu.sync_copy(zeros_hbm, acc.at[pl.ds(s * RPT, RPT)])
    pltpu.sync_copy(src_hbm.at[pl.ds(start, NBLK)], sidx_v.at[0])
    pltpu.sync_copy(dst_hbm.at[pl.ds(start, NBLK)], didx_v.at[0])
    plsc.subcore_barrier()

    def blk_body(bi, carry):
        cur = lax.rem(bi, 2)
        nxt = 1 - cur
        off = start + jnp.minimum(bi + 1, nblocks - 1) * NBLK
        hs_ = pltpu.async_copy(src_hbm.at[pl.ds(off, NBLK)], sidx_v.at[nxt], sem_si)
        hd_ = pltpu.async_copy(dst_hbm.at[pl.ds(off, NBLK)], didx_v.at[nxt], sem_di)
        for p in range(NBLK // 2):
            b = 2 * p
            h0 = pltpu.async_copy(feat_hbm.at[sidx_v.at[cur, b]], rows_v.at[0], sem0)
            h1 = pltpu.async_copy(feat_hbm.at[sidx_v.at[cur, b + 1]], rows_v.at[1], sem1)
            h0.wait()
            pltpu.sync_copy(rows_v.at[0], acc.at[didx_v.at[cur, b]], add=True)
            h1.wait()
            pltpu.sync_copy(rows_v.at[1], acc.at[didx_v.at[cur, b + 1]], add=True)
        hs_.wait()
        hd_.wait()
        return carry

    lax.fori_loop(0, nblocks, blk_body, 0)
    plsc.subcore_barrier()
    pltpu.sync_copy(acc.at[pl.ds(s * RPT, RPT)],
                    out_hbm.at[c, pl.ds(s * RPT, RPT)])


_BN = 1000


def _xs_body(x_ref, degp_ref, xs_ref):
    deg = degp_ref[0, :, 0:1] + degp_ref[1, :, 0:1] + 1.0
    dinv = lax.rsqrt(deg)
    xs_ref[...] = x_ref[...] * dinv


_xs_tc = pl.pallas_call(
    _xs_body,
    grid=(N // _BN,),
    in_specs=[
        pl.BlockSpec((_BN, D), lambda i: (i, 0)),
        pl.BlockSpec((2, _BN, D), lambda i: (0, i, 0)),
    ],
    out_specs=pl.BlockSpec((_BN, D), lambda i: (i, 0)),
    out_shape=jax.ShapeDtypeStruct((NP, D), jnp.float32),
)


def _l1_body(p_ref, xs_ref, degp_ref, w_ref, b_ref, hs_ref):
    deg = degp_ref[0, :, 0:1] + degp_ref[1, :, 0:1] + 1.0
    dinv = lax.rsqrt(deg)
    ax = (p_ref[0] + p_ref[1] + xs_ref[...]) * dinv
    h = jnp.dot(ax, w_ref[...], preferred_element_type=jnp.float32,
                precision=lax.Precision.HIGHEST)
    h = jnp.maximum(h + b_ref[...], 0.0)
    hs_ref[...] = h * dinv


_l1_tc = pl.pallas_call(
    _l1_body,
    grid=(N // _BN,),
    in_specs=[
        pl.BlockSpec((2, _BN, D), lambda i: (0, i, 0)),
        pl.BlockSpec((_BN, D), lambda i: (i, 0)),
        pl.BlockSpec((2, _BN, D), lambda i: (0, i, 0)),
        pl.BlockSpec((D, D), lambda i: (0, 0)),
        pl.BlockSpec((1, D), lambda i: (0, 0)),
    ],
    out_specs=pl.BlockSpec((_BN, D), lambda i: (i, 0)),
    out_shape=jax.ShapeDtypeStruct((NP, D), jnp.float32),
)


def _l2_body(q_ref, hs_ref, degp_ref, w_ref, b_ref, o_ref):
    deg = degp_ref[0, :, 0:1] + degp_ref[1, :, 0:1] + 1.0
    dinv = lax.rsqrt(deg)
    ah = (q_ref[0] + q_ref[1] + hs_ref[...]) * dinv
    o_ref[...] = jnp.dot(ah, w_ref[...], preferred_element_type=jnp.float32,
                         precision=lax.Precision.HIGHEST) + b_ref[...]


_l2_tc = pl.pallas_call(
    _l2_body,
    grid=(N // _BN,),
    in_specs=[
        pl.BlockSpec((2, _BN, D), lambda i: (0, i, 0)),
        pl.BlockSpec((_BN, D), lambda i: (i, 0)),
        pl.BlockSpec((2, _BN, D), lambda i: (0, i, 0)),
        pl.BlockSpec((D, D), lambda i: (0, 0)),
        pl.BlockSpec((1, D), lambda i: (0, 0)),
    ],
    out_specs=pl.BlockSpec((_BN, D), lambda i: (i, 0)),
    out_shape=jax.ShapeDtypeStruct((N, D), jnp.float32),
)


def kernel(x, edge_index, W1, b1, Wmu, bmu, Wls, bls):
    src = edge_index[0]
    dst = edge_index[1]
    pad = jnp.full((PAD_E - E,), N, dtype=jnp.int32)
    srcp = jnp.concatenate([src, pad]).reshape(NCH, CHUNK)
    dstp = jnp.concatenate([dst, pad]).reshape(NCH, CHUNK)

    ones128 = jnp.ones((CHUNK, D), jnp.float32)
    zeros128 = jnp.zeros((RPT, D), jnp.float32)

    degp = _deg_sc(dstp, ones128, zeros128)

    xs = _xs_tc(x, degp)
    p = _agg_sc(xs, srcp, dstp, zeros128)
    hs = _l1_tc(p, xs, degp, W1, b1.reshape(1, D))

    q = _agg_sc(hs, srcp, dstp, zeros128)
    W2 = jnp.concatenate([Wmu, Wls], axis=1)
    b2 = jnp.concatenate([bmu, bls]).reshape(1, D)
    out = _l2_tc(q, hs, degp, W2, b2)
    return out[:, :D_OUT], out[:, D_OUT:]

# --- scband reference (transcript-rebuilt; emitter-appended) ---
"""Pipeline reference for scband-variational-gcnencoder-9715216023982 (READ-ONLY COPY).

The authoritative reference and input builder live on the scoring server;
editing this copy changes nothing except your own understanding.
"""

import jax, jax.numpy as jnp
import numpy as np

N = 10000
E = 320000
D_IN = 128
D_OUT = 64
HID = 2 * D_OUT  # hidden * out_channels = 128


def _glorot(key, fan_in, fan_out):
    std = np.sqrt(2.0 / (fan_in + fan_out))
    return jax.random.normal(key, (fan_in, fan_out), dtype=jnp.float32) * std


def setup_inputs(seed: int = 0) -> dict:
    key = jax.random.key(seed)
    ks = jax.random.split(key, 8)
    x = jax.random.normal(ks[0], (N, D_IN), dtype=jnp.float32)
    edge_index = jax.random.randint(ks[1], (2, E), 0, N, dtype=jnp.int32)
    W1 = _glorot(ks[2], D_IN, HID)
    b1 = jnp.zeros((HID,), dtype=jnp.float32)
    Wmu = _glorot(ks[3], HID, D_OUT)
    bmu = jnp.zeros((D_OUT,), dtype=jnp.float32)
    Wls = _glorot(ks[4], HID, D_OUT)
    bls = jnp.zeros((D_OUT,), dtype=jnp.float32)
    return {"x": x, "edge_index": edge_index, "W1": W1, "b1": b1,
            "Wmu": Wmu, "bmu": bmu, "Wls": Wls, "bls": bls}


def _gcn_conv(x, src, dst, dinv, W, b):
    # GCNConv: D^-1/2 (A + I) D^-1/2 X W + b
    h = x @ W
    norm = dinv[src] * dinv[dst]
    msg = jnp.take(h, src, axis=0) * norm[:, None]
    out = jax.ops.segment_sum(msg, dst, num_segments=N)
    return out + b


def reference(x, edge_index, W1, b1, Wmu, bmu, Wls, bls):
    loop = jnp.arange(N, dtype=edge_index.dtype)
    src = jnp.concatenate([edge_index[0], loop])
    dst = jnp.concatenate([edge_index[1], loop])
    deg = jax.ops.segment_sum(jnp.ones_like(dst, dtype=jnp.float32), dst, num_segments=N)
    dinv = jnp.where(deg > 0, deg ** -0.5, 0.0)
    h = jax.nn.relu(_gcn_conv(x, src, dst, dinv, W1, b1))
    mu = _gcn_conv(h, src, dst, dinv, Wmu, bmu)
    logstd = _gcn_conv(h, src, dst, dinv, Wls, bls)
    return (mu, logstd)

if __name__ == "__main__":
    import jax
    _d = setup_inputs()
    print(jax.jit(kernel)(*tuple(_d.values())))

</pallas_src>

<mosaic_0001>
#map = affine_map<(d0, d1) -> (0, 0)>
#map1 = affine_map<(d0, d1) -> (0, 0, 0)>
module attributes {stable_mosaic.version = 14 : i64} {
  func.func @_agg_sc(%arg0: i32, %arg1: i32, %arg2: memref<10112x128xf32, #tpu.memory_space<hbm>>, %arg3: memref<2560x128xi32, #tpu.memory_space<hbm>>, %arg4: memref<2560x128xi32, #tpu.memory_space<hbm>>, %arg5: memref<632x128xf32, #tpu.memory_space<hbm>>, %arg6: memref<2x10112x128xf32, #tpu.memory_space<hbm>>, %arg7: memref<2x8x128xi32, #tpu.memory_space<vmem>>, %arg8: memref<2x8x128xi32, #tpu.memory_space<vmem>>, %arg9: memref<2x128x128xf32, #tpu.memory_space<vmem>>, %arg10: memref<10112x128xf32, #tpu.memory_space<vmem_shared>>, %arg11: memref<!tpu.dma_semaphore, #tpu.memory_space<semaphore_mem>>, %arg12: memref<!tpu.dma_semaphore, #tpu.memory_space<semaphore_mem>>, %arg13: memref<!tpu.dma_semaphore, #tpu.memory_space<semaphore_mem>>, %arg14: memref<!tpu.dma_semaphore, #tpu.memory_space<semaphore_mem>>) attributes {dimension_semantics = [#tpu.dimension_semantics<core_parallel>, #tpu.dimension_semantics<subcore_parallel>], iteration_bounds = array<i64: 2, 16>, scalar_prefetch = 0 : i64, scratch_operands = 8 : i64, tpu.core_type = #tpu.core_type<sc_vector_subcore>, window_params = [{transform_indices = #map}, {transform_indices = #map}, {transform_indices = #map}, {transform_indices = #map}, {transform_indices = #map1}]} {
    %eq3A = arith.constant 0 : i32
    %eq3A_0 = arith.cmpi eq, %arg0, %eq3A : i32
    %mul3A = arith.constant 152 : i32
    %mul3A_1 = arith.muli %arg1, %mul3A : i32
    %mul3A_2 = arith.constant 8 : i32
    %mul3A_3 = arith.muli %arg1, %mul3A_2 : i32
    %add3A = arith.constant 2432 : i32
    %add3A_4 = arith.addi %add3A, %mul3A_3 : i32
    %select_n3A = arith.select %eq3A_0, %mul3A_1, %add3A_4 : i32
    %eq3A_5 = arith.constant 0 : i32
    %eq3A_6 = arith.cmpi eq, %arg0, %eq3A_5 : i32
    %jit3A = arith.constant 19 : i32
    %jit3A_7 = arith.constant 1 : i32
    %select_n3A_8 = arith.select %eq3A_6, %jit3A, %jit3A_7 : i32
    %mul3A_9 = arith.constant 632 : i32
    %mul3A_10 = arith.muli %arg1, %mul3A_9 : i32
    "tpu.region"() ({
      %run_scoped3A_26 = tpu.sem_alloc : memref<!tpu.dma_semaphore, #tpu.memory_space<semaphore_mem>>
      %dma_start3A = arith.constant 0 : i32
      %dma_start3A_27 = tpu.memref_slice %arg10[%mul3A_10, %dma_start3A] : memref<10112x128xf32, #tpu.memory_space<vmem_shared>> -> memref<632x128xf32, #tpu.memory_space<vmem_shared>>
      tpu.enqueue_dma source(%arg5 : memref<632x128xf32, #tpu.memory_space<hbm>>) target(%dma_start3A_27 : memref<632x128xf32, #tpu.memory_space<vmem_shared>>) target_semaphore(%run_scoped3A_26 : memref<!tpu.dma_semaphore, #tpu.memory_space<semaphore_mem>>)
      %dma_wait3A = arith.constant 0 : i32
      %dma_wait3A_28 = tpu.memref_slice %arg10[%mul3A_10, %dma_wait3A] : memref<10112x128xf32, #tpu.memory_space<vmem_shared>> -> memref<632x128xf32, #tpu.memory_space<vmem_shared>>
      tpu.wait_dma2 semaphore(%run_scoped3A_26 : memref<!tpu.dma_semaphore, #tpu.memory_space<semaphore_mem>>) src(%arg5 : memref<632x128xf32, #tpu.memory_space<hbm>>) dst(%dma_wait3A_28 : memref<632x128xf32, #tpu.memory_space<vmem_shared>>)
      tpu.yield
    }) : () -> ()
    %run_scoped3A = arith.constant 0 : i32
    "tpu.region"() ({
      %run_scoped3A_26 = tpu.sem_alloc : memref<!tpu.dma_semaphore, #tpu.memory_space<semaphore_mem>>
      %dma_start3A = arith.constant 0 : i32
      %dma_start3A_27 = arith.constant 0 : i32
      %dma_start3A_28 = tpu.memref_slice %arg7[%run_scoped3A, %dma_start3A, %dma_start3A_27] : memref<2x8x128xi32, #tpu.memory_space<vmem>> -> memref<1x8x128xi32, #tpu.memory_space<vmem>>
      %dma_start3A_29 = tpu.memref_squeeze %dma_start3A_28 : memref<1x8x128xi32, #tpu.memory_space<vmem>> -> memref<8x128xi32, #tpu.memory_space<vmem>>
      %dma_start3A_30 = arith.constant 0 : i32
      %dma_start3A_31 = tpu.memref_slice %arg3[%select_n3A, %dma_start3A_30] : memref<2560x128xi32, #tpu.memory_space<hbm>> -> memref<8x128xi32, #tpu.memory_space<hbm>>
      %dma_start3A_32 = arith.constant 0 : i32
      %dma_start3A_33 = arith.constant 0 : i32
      %dma_start3A_34 = tpu.memref_slice %arg7[%run_scoped3A, %dma_start3A_32, %dma_start3A_33] : memref<2x8x128xi32, #tpu.memory_space<vmem>> -> memref<1x8x128xi32, #tpu.memory_space<vmem>>
      %dma_start3A_35 = tpu.memref_squeeze %dma_start3A_34 : memref<1x8x128xi32, #tpu.memory_space<vmem>> -> memref<8x128xi32, #tpu.memory_space<vmem>>
      %dma_start3A_36 = arith.constant 0 : i32
      %dma_start3A_37 = tpu.memref_slice %arg3[%select_n3A, %dma_start3A_36] : memref<2560x128xi32, #tpu.memory_space<hbm>> -> memref<8x128xi32, #tpu.memory_space<hbm>>
      tpu.enqueue_dma source(%dma_start3A_37 : memref<8x128xi32, #tpu.memory_space<hbm>>) target(%dma_start3A_35 : memref<8x128xi32, #tpu.memory_space<vmem>>) target_semaphore(%run_scoped3A_26 : memref<!tpu.dma_semaphore, #tpu.memory_space<semaphore_mem>>)
      %dma_wait3A = arith.constant 0 : i32
      %dma_wait3A_38 = arith.constant 0 : i32
      %dma_wait3A_39 = tpu.memref_slice %arg7[%run_scoped3A, %dma_wait3A, %dma_wait3A_38] : memref<2x8x128xi32, #tpu.memory_space<vmem>> -> memref<1x8x128xi32, #tpu.memory_space<vmem>>
      %dma_wait3A_40 = tpu.memref_squeeze %dma_wait3A_39 : memref<1x8x128xi32, #tpu.memory_space<vmem>> -> memref<8x128xi32, #tpu.memory_space<vmem>>
      %dma_wait3A_41 = arith.constant 0 : i32
      %dma_wait3A_42 = tpu.memref_slice %arg3[%select_n3A, %dma_wait3A_41] : memref<2560x128xi32, #tpu.memory_space<hbm>> -> memref<8x128xi32, #tpu.memory_space<hbm>>
      %dma_wait3A_43 = arith.constant 0 : i32
      %dma_wait3A_44 = arith.constant 0 : i32
      %dma_wait3A_45 = tpu.memref_slice %arg7[%run_scoped3A, %dma_wait3A_43, %dma_wait3A_44] : memref<2x8x128xi32, #tpu.memory_space<vmem>> -> memref<1x8x128xi32, #tpu.memory_space<vmem>>
      %dma_wait3A_46 = tpu.memref_squeeze %dma_wait3A_45 : memref<1x8x128xi32, #tpu.memory_space<vmem>> -> memref<8x128xi32, #tpu.memory_space<vmem>>
      %dma_wait3A_47 = arith.constant 0 : i32
      %dma_wait3A_48 = tpu.memref_slice %arg3[%select_n3A, %dma_wait3A_47] : memref<2560x128xi32, #tpu.memory_space<hbm>> -> memref<8x128xi32, #tpu.memory_space<hbm>>
      tpu.wait_dma2 semaphore(%run_scoped3A_26 : memref<!tpu.dma_semaphore, #tpu.memory_space<semaphore_mem>>) src(%dma_wait3A_48 : memref<8x128xi32, #tpu.memory_space<hbm>>) dst(%dma_wait3A_46 : memref<8x128xi32, #tpu.memory_space<vmem>>)
      tpu.yield
    }) : () -> ()
    %run_scoped3A_11 = arith.constant 0 : i32
    "tpu.region"() ({
      %run_scoped3A_26 = tpu.sem_alloc : memref<!tpu.dma_semaphore, #tpu.memory_space<semaphore_mem>>
      %dma_start3A = arith.constant 0 : i32
      %dma_start3A_27 = arith.constant 0 : i32
      %dma_start3A_28 = tpu.memref_slice %arg8[%run_scoped3A_11, %dma_start3A, %dma_start3A_27] : memref<2x8x128xi32, #tpu.memory_space<vmem>> -> memref<1x8x128xi32, #tpu.memory_space<vmem>>
      %dma_start3A_29 = tpu.memref_squeeze %dma_start3A_28 : memref<1x8x128xi32, #tpu.memory_space<vmem>> -> memref<8x128xi32, #tpu.memory_space<vmem>>
      %dma_start3A_30 = arith.constant 0 : i32
      %dma_start3A_31 = tpu.memref_slice %arg4[%select_n3A, %dma_start3A_30] : memref<2560x128xi32, #tpu.memory_space<hbm>> -> memref<8x128xi32, #tpu.memory_space<hbm>>
      %dma_start3A_32 = arith.constant 0 : i32
      %dma_start3A_33 = arith.constant 0 : i32
      %dma_start3A_34 = tpu.memref_slice %arg8[%run_scoped3A_11, %dma_start3A_32, %dma_start3A_33] : memref<2x8x128xi32, #tpu.memory_space<vmem>> -> memref<1x8x128xi32, #tpu.memory_space<vmem>>
      %dma_start3A_35 = tpu.memref_squeeze %dma_start3A_34 : memref<1x8x128xi32, #tpu.memory_space<vmem>> -> memref<8x128xi32, #tpu.memory_space<vmem>>
      %dma_start3A_36 = arith.constant 0 : i32
      %dma_start3A_37 = tpu.memref_slice %arg4[%select_n3A, %dma_start3A_36] : memref<2560x128xi32, #tpu.memory_space<hbm>> -> memref<8x128xi32, #tpu.memory_space<hbm>>
      tpu.enqueue_dma source(%dma_start3A_37 : memref<8x128xi32, #tpu.memory_space<hbm>>) target(%dma_start3A_35 : memref<8x128xi32, #tpu.memory_space<vmem>>) target_semaphore(%run_scoped3A_26 : memref<!tpu.dma_semaphore, #tpu.memory_space<semaphore_mem>>)
      %dma_wait3A = arith.constant 0 : i32
      %dma_wait3A_38 = arith.constant 0 : i32
      %dma_wait3A_39 = tpu.memref_slice %arg8[%run_scoped3A_11, %dma_wait3A, %dma_wait3A_38] : memref<2x8x128xi32, #tpu.memory_space<vmem>> -> memref<1x8x128xi32, #tpu.memory_space<vmem>>
      %dma_wait3A_40 = tpu.memref_squeeze %dma_wait3A_39 : memref<1x8x128xi32, #tpu.memory_space<vmem>> -> memref<8x128xi32, #tpu.memory_space<vmem>>
      %dma_wait3A_41 = arith.constant 0 : i32
      %dma_wait3A_42 = tpu.memref_slice %arg4[%select_n3A, %dma_wait3A_41] : memref<2560x128xi32, #tpu.memory_space<hbm>> -> memref<8x128xi32, #tpu.memory_space<hbm>>
      %dma_wait3A_43 = arith.constant 0 : i32
      %dma_wait3A_44 = arith.constant 0 : i32
      %dma_wait3A_45 = tpu.memref_slice %arg8[%run_scoped3A_11, %dma_wait3A_43, %dma_wait3A_44] : memref<2x8x128xi32, #tpu.memory_space<vmem>> -> memref<1x8x128xi32, #tpu.memory_space<vmem>>
      %dma_wait3A_46 = tpu.memref_squeeze %dma_wait3A_45 : memref<1x8x128xi32, #tpu.memory_space<vmem>> -> memref<8x128xi32, #tpu.memory_space<vmem>>
      %dma_wait3A_47 = arith.constant 0 : i32
      %dma_wait3A_48 = tpu.memref_slice %arg4[%select_n3A, %dma_wait3A_47] : memref<2560x128xi32, #tpu.memory_space<hbm>> -> memref<8x128xi32, #tpu.memory_space<hbm>>
      tpu.wait_dma2 semaphore(%run_scoped3A_26 : memref<!tpu.dma_semaphore, #tpu.memory_space<semaphore_mem>>) src(%dma_wait3A_48 : memref<8x128xi32, #tpu.memory_space<hbm>>) dst(%dma_wait3A_46 : memref<8x128xi32, #tpu.memory_space<vmem>>)
      tpu.yield
    }) : () -> ()
    %barrier3A = arith.constant 0 : index
    tpu.barrier barrier_id(%barrier3A)
    %while3A = arith.constant 0 : i32
    %while3A_12 = arith.constant 0 : i32
    %while3A_13 = arith.subi %select_n3A_8, %while3A_12 : i32
    %while3A_14 = arith.addi %while3A_12, %while3A_13 : i32
    %while3A_15 = arith.constant 1 : i32
    %while3A_16 = arith.divsi %while3A_13, %while3A_15 : i32
    %while3A_17 = arith.muli %while3A_16, %while3A_15 : i32
    %while3A_18 = arith.addi %while3A_12, %while3A_17 : i32
    %while3A_19 = arith.constant 1 : i32
    scf.for %while3A_26 = %while3A_12 to %while3A_18 step %while3A_19  : i32 {
      %rem3A = arith.constant 2 : i32
      %rem3A_27 = arith.remsi %while3A_26, %rem3A : i32
      %sub3A = arith.constant 1 : i32
      %sub3A_28 = arith.subi %sub3A, %rem3A_27 : i32
      %add3A_29 = arith.constant 1 : i32
      %add3A_30 = arith.addi %while3A_26, %add3A_29 : i32
      %sub3A_31 = arith.constant 1 : i32
      %sub3A_32 = arith.subi %select_n3A_8, %sub3A_31 : i32
      %min3A = arith.minsi %add3A_30, %sub3A_32 : i32
      %mul3A_33 = arith.constant 8 : i32
      %mul3A_34 = arith.muli %min3A, %mul3A_33 : i32
      %add3A_35 = arith.addi %select_n3A, %mul3A_34 : i32
      %dma_start3A = arith.constant 0 : i32
      %dma_start3A_36 = arith.constant 0 : i32
      %dma_start3A_37 = tpu.memref_slice %arg7[%sub3A_28, %dma_start3A, %dma_start3A_36] : memref<2x8x128xi32, #tpu.memory_space<vmem>> -> memref<1x8x128xi32, #tpu.memory_space<vmem>>
      %dma_start3A_38 = tpu.memref_squeeze %dma_start3A_37 : memref<1x8x128xi32, #tpu.memory_space<vmem>> -> memref<8x128xi32, #tpu.memory_space<vmem>>
      %dma_start3A_39 = arith.constant 0 : i32
      %dma_start3A_40 = tpu.memref_slice %arg3[%add3A_35, %dma_start3A_39] : memref<2560x128xi32, #tpu.memory_space<hbm>> -> memref<8x128xi32, #tpu.memory_space<hbm>>
      %dma_start3A_41 = arith.constant 0 : i32
      %dma_start3A_42 = arith.constant 0 : i32
      %dma_start3A_43 = tpu.memref_slice %arg7[%sub3A_28, %dma_start3A_41, %dma_start3A_42] : memref<2x8x128xi32, #tpu.memory_space<vmem>> -> memref<1x8x128xi32, #tpu.memory_space<vmem>>
      %dma_start3A_44 = tpu.memref_squeeze %dma_start3A_43 : memref<1x8x128xi32, #tpu.memory_space<vmem>> -> memref<8x128xi32, #tpu.memory_space<vmem>>
      %dma_start3A_45 = arith.constant 0 : i32
      %dma_start3A_46 = tpu.memref_slice %arg3[%add3A_35, %dma_start3A_45] : memref<2560x128xi32, #tpu.memory_space<hbm>> -> memref<8x128xi32, #tpu.memory_space<hbm>>
      tpu.enqueue_dma source(%dma_start3A_46 : memref<8x128xi32, #tpu.memory_space<hbm>>) target(%dma_start3A_44 : memref<8x128xi32, #tpu.memory_space<vmem>>) target_semaphore(%arg13 : memref<!tpu.dma_semaphore, #tpu.memory_space<semaphore_mem>>)
      %dma_start3A_47 = arith.constant 0 : i32
      %dma_start3A_48 = arith.constant 0 : i32
      %dma_start3A_49 = tpu.memref_slice %arg8[%sub3A_28, %dma_start3A_47, %dma_start3A_48] : memref<2x8x128xi32, #tpu.memory_space<vmem>> -> memref<1x8x128xi32, #tpu.memory_space<vmem>>
      %dma_start3A_50 = tpu.memref_squeeze %dma_start3A_49 : memref<1x8x128xi32, #tpu.memory_space<vmem>> -> memref<8x128xi32, #tpu.memory_space<vmem>>
      %dma_start3A_51 = arith.constant 0 : i32
      %dma_start3A_52 = tpu.memref_slice %arg4[%add3A_35, %dma_start3A_51] : memref<2560x128xi32, #tpu.memory_space<hbm>> -> memref<8x128xi32, #tpu.memory_space<hbm>>
      %dma_start3A_53 = arith.constant 0 : i32
      %dma_start3A_54 = arith.constant 0 : i32
      %dma_start3A_55 = tpu.memref_slice %arg8[%sub3A_28, %dma_start3A_53, %dma_start3A_54] : memref<2x8x128xi32, #tpu.memory_space<vmem>> -> memref<1x8x128xi32, #tpu.memory_space<vmem>>
      %dma_start3A_56 = tpu.memref_squeeze %dma_start3A_55 : memref<1x8x128xi32, #tpu.memory_space<vmem>> -> memref<8x128xi32, #tpu.memory_space<vmem>>
      %dma_start3A_57 = arith.constant 0 : i32
      %dma_start3A_58 = tpu.memref_slice %arg4[%add3A_35, %dma_start3A_57] : memref<2560x128xi32, #tpu.memory_space<hbm>> -> memref<8x128xi32, #tpu.memory_space<hbm>>
      tpu.enqueue_dma source(%dma_start3A_58 : memref<8x128xi32, #tpu.memory_space<hbm>>) target(%dma_start3A_56 : memref<8x128xi32, #tpu.memory_space<vmem>>) target_semaphore(%arg14 : memref<!tpu.dma_semaphore, #tpu.memory_space<semaphore_mem>>)
      %dma_start3A_59 = arith.constant 0 : i32
      %dma_start3A_60 = arith.constant 0 : i32
      %dma_start3A_61 = arith.constant 0 : i32
      %dma_start3A_62 = arith.constant 0 : i32
      %dma_start3A_63 = tpu.memref_slice %arg9[%dma_start3A_60, %dma_start3A_61, %dma_start3A_62] : memref<2x128x128xf32, #tpu.memory_space<vmem>> -> memref<1x128x128xf32, #tpu.memory_space<vmem>>
      %dma_start3A_64 = tpu.memref_squeeze %dma_start3A_63 : memref<1x128x128xf32, #tpu.memory_space<vmem>> -> memref<128x128xf32, #tpu.memory_space<vmem>>
      %dma_start3A_65 = arith.constant 0 : i32
      %dma_start3A_66 = tpu.memref_slice %arg7[%rem3A_27, %dma_start3A_59, %dma_start3A_65] : memref<2x8x128xi32, #tpu.memory_space<vmem>> -> memref<1x1x128xi32, #tpu.memory_space<vmem>>
      %dma_start3A_67 = tpu.memref_squeeze %dma_start3A_66 : memref<1x1x128xi32, #tpu.memory_space<vmem>> -> memref<128xi32, #tpu.memory_space<vmem>>
      %dma_start3A_68 = arith.constant 0 : i32
      %dma_start3A_69 = arith.constant 0 : i32
      %dma_start3A_70 = tpu.memref_slice %arg2[%dma_start3A_68, %dma_start3A_69] : memref<10112x128xf32, #tpu.memory_space<hbm>> -> memref<10112x128xf32, #tpu.memory_space<hbm>>
      tpu.enqueue_indirect_dma source(%dma_start3A_70 : memref<10112x128xf32, #tpu.memory_space<hbm>>) target(%dma_start3A_64 : memref<128x128xf32, #tpu.memory_space<vmem>>) offsets(%dma_start3A_67 : memref<128xi32, #tpu.memory_space<vmem>>) semaphore(%arg11 : memref<!tpu.dma_semaphore, #tpu.memory_space<semaphore_mem>>)
      %dma_start3A_71 = arith.constant 1 : i32
      %dma_start3A_72 = arith.constant 1 : i32
      %dma_start3A_73 = arith.constant 0 : i32
      %dma_start3A_74 = arith.constant 0 : i32
      %dma_start3A_75 = tpu.memref_slice %arg9[%dma_start3A_72, %dma_start3A_73, %dma_start3A_74] : memref<2x128x128xf32, #tpu.memory_space<vmem>> -> memref<1x128x128xf32, #tpu.memory_space<vmem>>
      %dma_start3A_76 = tpu.memref_squeeze %dma_start3A_75 : memref<1x128x128xf32, #tpu.memory_space<vmem>> -> memref<128x128xf32, #tpu.memory_space<vmem>>
      %dma_start3A_77 = arith.constant 0 : i32
      %dma_start3A_78 = tpu.memref_slice %arg7[%rem3A_27, %dma_start3A_71, %dma_start3A_77] : memref<2x8x128xi32, #tpu.memory_space<vmem>> -> memref<1x1x128xi32, #tpu.memory_space<vmem>>
      %dma_start3A_79 = tpu.memref_squeeze %dma_start3A_78 : memref<1x1x128xi32, #tpu.memory_space<vmem>> -> memref<128xi32, #tpu.memory_space<vmem>>
      %dma_start3A_80 = arith.constant 0 : i32
      %dma_start3A_81 = arith.constant 0 : i32
      %dma_start3A_82 = tpu.memref_slice %arg2[%dma_start3A_80, %dma_start3A_81] : memref<10112x128xf32, #tpu.memory_space<hbm>> -> memref<10112x128xf32, #tpu.memory_space<hbm>>
      tpu.enqueue_indirect_dma source(%dma_start3A_82 : memref<10112x128xf32, #tpu.memory_space<hbm>>) target(%dma_start3A_76 : memref<128x128xf32, #tpu.memory_space<vmem>>) offsets(%dma_start3A_79 : memref<128xi32, #tpu.memory_space<vmem>>) semaphore(%arg12 : memref<!tpu.dma_semaphore, #tpu.memory_space<semaphore_mem>>)
      %dma_wait3A = arith.constant 0 : i32
      %dma_wait3A_83 = arith.constant 0 : i32
      %dma_wait3A_84 = arith.constant 0 : i32
      %dma_wait3A_85 = arith.constant 0 : i32
      %dma_wait3A_86 = tpu.memref_slice %arg9[%dma_wait3A_83, %dma_wait3A_84, %dma_wait3A_85] : memref<2x128x128xf32, #tpu.memory_space<vmem>> -> memref<1x128x128xf32, #tpu.memory_space<vmem>>
      %dma_wait3A_87 = tpu.memref_squeeze %dma_wait3A_86 : memref<1x128x128xf32, #tpu.memory_space<vmem>> -> memref<128x128xf32, #tpu.memory_space<vmem>>
      %dma_wait3A_88 = arith.constant 0 : i32
      %dma_wait3A_89 = tpu.memref_slice %arg7[%rem3A_27, %dma_wait3A, %dma_wait3A_88] : memref<2x8x128xi32, #tpu.memory_space<vmem>> -> memref<1x1x128xi32, #tpu.memory_space<vmem>>
      %dma_wait3A_90 = tpu.memref_squeeze %dma_wait3A_89 : memref<1x1x128xi32, #tpu.memory_space<vmem>> -> memref<128xi32, #tpu.memory_space<vmem>>
      %dma_wait3A_91 = arith.constant 0 : i32
      %dma_wait3A_92 = arith.constant 0 : i32
      %dma_wait3A_93 = tpu.memref_slice %arg2[%dma_wait3A_91, %dma_wait3A_92] : memref<10112x128xf32, #tpu.memory_space<hbm>> -> memref<10112x128xf32, #tpu.memory_space<hbm>>
      tpu.wait_indirect_dma semaphore(%arg11 : memref<!tpu.dma_semaphore, #tpu.memory_space<semaphore_mem>>) src(%dma_wait3A_93 : memref<10112x128xf32, #tpu.memory_space<hbm>>) dst(%dma_wait3A_87 : memref<128x128xf32, #tpu.memory_space<vmem>>)
      %run_scoped3A_94 = arith.constant 0 : i32
      %run_scoped3A_95 = arith.constant 0 : i32
      "tpu.region"() ({
        %run_scoped3A_290 = tpu.sem_alloc : memref<!tpu.dma_semaphore, #tpu.memory_space<semaphore_mem>>
        %dma_start3A_291 = arith.constant 0 : i32
        %dma_start3A_292 = arith.constant 0 : i32
        %dma_start3A_293 = tpu.memref_slice %arg9[%run_scoped3A_94, %dma_start3A_291, %dma_start3A_292] : memref<2x128x128xf32, #tpu.memory_space<vmem>> -> memref<1x128x128xf32, #tpu.memory_space<vmem>>
        %dma_start3A_294 = tpu.memref_squeeze %dma_start3A_293 : memref<1x128x128xf32, #tpu.memory_space<vmem>> -> memref<128x128xf32, #tpu.memory_space<vmem>>
        %dma_start3A_295 = arith.constant 0 : i32
        %dma_start3A_296 = tpu.memref_slice %arg8[%rem3A_27, %run_scoped3A_95, %dma_start3A_295] : memref<2x8x128xi32, #tpu.memory_space<vmem>> -> memref<1x1x128xi32, #tpu.memory_space<vmem>>
        %dma_start3A_297 = tpu.memref_squeeze %dma_start3A_296 : memref<1x1x128xi32, #tpu.memory_space<vmem>> -> memref<128xi32, #tpu.memory_space<vmem>>
        %dma_start3A_298 = arith.constant 0 : i32
        %dma_start3A_299 = arith.constant 0 : i32
        %dma_start3A_300 = tpu.memref_slice %arg10[%dma_start3A_298, %dma_start3A_299] : memref<10112x128xf32, #tpu.memory_space<vmem_shared>> -> memref<10112x128xf32, #tpu.memory_space<vmem_shared>>
        tpu.enqueue_indirect_dma source(%dma_start3A_294 : memref<128x128xf32, #tpu.memory_space<vmem>>) target(%dma_start3A_300 : memref<10112x128xf32, #tpu.memory_space<vmem_shared>>) offsets(%dma_start3A_297 : memref<128xi32, #tpu.memory_space<vmem>>) semaphore(%run_scoped3A_290 : memref<!tpu.dma_semaphore, #tpu.memory_space<semaphore_mem>>) {add = true}
        %dma_wait3A_301 = arith.constant 0 : i32
        %dma_wait3A_302 = arith.constant 0 : i32
        %dma_wait3A_303 = tpu.memref_slice %arg9[%run_scoped3A_94, %dma_wait3A_301, %dma_wait3A_302] : memref<2x128x128xf32, #tpu.memory_space<vmem>> -> memref<1x128x128xf32, #tpu.memory_space<vmem>>
        %dma_wait3A_304 = tpu.memref_squeeze %dma_wait3A_303 : memref<1x128x128xf32, #tpu.memory_space<vmem>> -> memref<128x128xf32, #tpu.memory_space<vmem>>
        %dma_wait3A_305 = arith.constant 0 : i32
        %dma_wait3A_306 = tpu.memref_slice %arg8[%rem3A_27, %run_scoped3A_95, %dma_wait3A_305] : memref<2x8x128xi32, #tpu.memory_space<vmem>> -> memref<1x1x128xi32, #tpu.memory_space<vmem>>
        %dma_wait3A_307 = tpu.memref_squeeze %dma_wait3A_306 : memref<1x1x128xi32, #tpu.memory_space<vmem>> -> memref<128xi32, #tpu.memory_space<vmem>>
        %dma_wait3A_308 = arith.constant 0 : i32
        %dma_wait3A_309 = arith.constant 0 : i32
        %dma_wait3A_310 = tpu.memref_slice %arg10[%dma_wait3A_308, %dma_wait3A_309] : memref<10112x128xf32, #tpu.memory_space<vmem_shared>> -> memref<10112x128xf32, #tpu.memory_space<vmem_shared>>
        tpu.wait_indirect_dma semaphore(%run_scoped3A_290 : memref<!tpu.dma_semaphore, #tpu.memory_space<semaphore_mem>>) src(%dma_wait3A_304 : memref<128x128xf32, #tpu.memory_space<vmem>>) dst(%dma_wait3A_310 : memref<10112x128xf32, #tpu.memory_space<vmem_shared>>)
        tpu.yield
      }) : () -> ()
      %dma_wait3A_96 = arith.constant 1 : i32
      %dma_wait3A_97 = arith.constant 1 : i32
      %dma_wait3A_98 = arith.constant 0 : i32
      %dma_wait3A_99 = arith.constant 0 : i32
      %dma_wait3A_100 = tpu.memref_slice %arg9[%dma_wait3A_97, %dma_wait3A_98, %dma_wait3A_99] : memref<2x128x128xf32, #tpu.memory_space<vmem>> -> memref<1x128x128xf32, #tpu.memory_space<vmem>>
      %dma_wait3A_101 = tpu.memref_squeeze %dma_wait3A_100 : memref<1x128x128xf32, #tpu.memory_space<vmem>> -> memref<128x128xf32, #tpu.memory_space<vmem>>
      %dma_wait3A_102 = arith.constant 0 : i32
      %dma_wait3A_103 = tpu.memref_slice %arg7[%rem3A_27, %dma_wait3A_96, %dma_wait3A_102] : memref<2x8x128xi32, #tpu.memory_space<vmem>> -> memref<1x1x128xi32, #tpu.memory_space<vmem>>
      %dma_wait3A_104 = tpu.memref_squeeze %dma_wait3A_103 : memref<1x1x128xi32, #tpu.memory_space<vmem>> -> memref<128xi32, #tpu.memory_space<vmem>>
      %dma_wait3A_105 = arith.constant 0 : i32
      %dma_wait3A_106 = arith.constant 0 : i32
      %dma_wait3A_107 = tpu.memref_slice %arg2[%dma_wait3A_105, %dma_wait3A_106] : memref<10112x128xf32, #tpu.memory_space<hbm>> -> memref<10112x128xf32, #tpu.memory_space<hbm>>
      tpu.wait_indirect_dma semaphore(%arg12 : memref<!tpu.dma_semaphore, #tpu.memory_space<semaphore_mem>>) src(%dma_wait3A_107 : memref<10112x128xf32, #tpu.memory_space<hbm>>) dst(%dma_wait3A_101 : memref<128x128xf32, #tpu.memory_space<vmem>>)
      %run_scoped3A_108 = arith.constant 1 : i32
      %run_scoped3A_109 = arith.constant 1 : i32
      "tpu.region"() ({
        %run_scoped3A_290 = tpu.sem_alloc : memref<!tpu.dma_semaphore, #tpu.memory_space<semaphore_mem>>
        %dma_start3A_291 = arith.constant 0 : i32
        %dma_start3A_292 = arith.constant 0 : i32
        %dma_start3A_293 = tpu.memref_slice %arg9[%run_scoped3A_108, %dma_start3A_291, %dma_start3A_292] : memref<2x128x128xf32, #tpu.memory_space<vmem>> -> memref<1x128x128xf32, #tpu.memory_space<vmem>>
        %dma_start3A_294 = tpu.memref_squeeze %dma_start3A_293 : memref<1x128x128xf32, #tpu.memory_space<vmem>> -> memref<128x128xf32, #tpu.memory_space<vmem>>
        %dma_start3A_295 = arith.constant 0 : i32
        %dma_start3A_296 = tpu.memref_slice %arg8[%rem3A_27, %run_scoped3A_109, %dma_start3A_295] : memref<2x8x128xi32, #tpu.memory_space<vmem>> -> memref<1x1x128xi32, #tpu.memory_space<vmem>>
        %dma_start3A_297 = tpu.memref_squeeze %dma_start3A_296 : memref<1x1x128xi32, #tpu.memory_space<vmem>> -> memref<128xi32, #tpu.memory_space<vmem>>
        %dma_start3A_298 = arith.constant 0 : i32
        %dma_start3A_299 = arith.constant 0 : i32
        %dma_start3A_300 = tpu.memref_slice %arg10[%dma_start3A_298, %dma_start3A_299] : memref<10112x128xf32, #tpu.memory_space<vmem_shared>> -> memref<10112x128xf32, #tpu.memory_space<vmem_shared>>
        tpu.enqueue_indirect_dma source(%dma_start3A_294 : memref<128x128xf32, #tpu.memory_space<vmem>>) target(%dma_start3A_300 : memref<10112x128xf32, #tpu.memory_space<vmem_shared>>) offsets(%dma_start3A_297 : memref<128xi32, #tpu.memory_space<vmem>>) semaphore(%run_scoped3A_290 : memref<!tpu.dma_semaphore, #tpu.memory_space<semaphore_mem>>) {add = true}
        %dma_wait3A_301 = arith.constant 0 : i32
        %dma_wait3A_302 = arith.constant 0 : i32
        %dma_wait3A_303 = tpu.memref_slice %arg9[%run_scoped3A_108, %dma_wait3A_301, %dma_wait3A_302] : memref<2x128x128xf32, #tpu.memory_space<vmem>> -> memref<1x128x128xf32, #tpu.memory_space<vmem>>
        %dma_wait3A_304 = tpu.memref_squeeze %dma_wait3A_303 : memref<1x128x128xf32, #tpu.memory_space<vmem>> -> memref<128x128xf32, #tpu.memory_space<vmem>>
        %dma_wait3A_305 = arith.constant 0 : i32
        %dma_wait3A_306 = tpu.memref_slice %arg8[%rem3A_27, %run_scoped3A_109, %dma_wait3A_305] : memref<2x8x128xi32, #tpu.memory_space<vmem>> -> memref<1x1x128xi32, #tpu.memory_space<vmem>>
        %dma_wait3A_307 = tpu.memref_squeeze %dma_wait3A_306 : memref<1x1x128xi32, #tpu.memory_space<vmem>> -> memref<128xi32, #tpu.memory_space<vmem>>
        %dma_wait3A_308 = arith.constant 0 : i32
        %dma_wait3A_309 = arith.constant 0 : i32
        %dma_wait3A_310 = tpu.memref_slice %arg10[%dma_wait3A_308, %dma_wait3A_309] : memref<10112x128xf32, #tpu.memory_space<vmem_shared>> -> memref<10112x128xf32, #tpu.memory_space<vmem_shared>>
        tpu.wait_indirect_dma semaphore(%run_scoped3A_290 : memref<!tpu.dma_semaphore, #tpu.memory_space<semaphore_mem>>) src(%dma_wait3A_304 : memref<128x128xf32, #tpu.memory_space<vmem>>) dst(%dma_wait3A_310 : memref<10112x128xf32, #tpu.memory_space<vmem_shared>>)
        tpu.yield
      }) : () -> ()
      %dma_start3A_110 = arith.constant 2 : i32
      %dma_start3A_111 = arith.constant 0 : i32
      %dma_start3A_112 = arith.constant 0 : i32
      %dma_start3A_113 = arith.constant 0 : i32
      %dma_start3A_114 = tpu.memref_slice %arg9[%dma_start3A_111, %dma_start3A_112, %dma_start3A_113] : memref<2x128x128xf32, #tpu.memory_space<vmem>> -> memref<1x128x128xf32, #tpu.memory_space<vmem>>
      %dma_start3A_115 = tpu.memref_squeeze %dma_start3A_114 : memref<1x128x128xf32, #tpu.memory_space<vmem>> -> memref<128x128xf32, #tpu.memory_space<vmem>>
      %dma_start3A_116 = arith.constant 0 : i32
      %dma_start3A_117 = tpu.memref_slice %arg7[%rem3A_27, %dma_start3A_110, %dma_start3A_116] : memref<2x8x128xi32, #tpu.memory_space<vmem>> -> memref<1x1x128xi32, #tpu.memory_space<vmem>>
      %dma_start3A_118 = tpu.memref_squeeze %dma_start3A_117 : memref<1x1x128xi32, #tpu.memory_space<vmem>> -> memref<128xi32, #tpu.memory_space<vmem>>
      %dma_start3A_119 = arith.constant 0 : i32
      %dma_start3A_120 = arith.constant 0 : i32
      %dma_start3A_121 = tpu.memref_slice %arg2[%dma_start3A_119, %dma_start3A_120] : memref<10112x128xf32, #tpu.memory_space<hbm>> -> memref<10112x128xf32, #tpu.memory_space<hbm>>
      tpu.enqueue_indirect_dma source(%dma_start3A_121 : memref<10112x128xf32, #tpu.memory_space<hbm>>) target(%dma_start3A_115 : memref<128x128xf32, #tpu.memory_space<vmem>>) offsets(%dma_start3A_118 : memref<128xi32, #tpu.memory_space<vmem>>) semaphore(%arg11 : memref<!tpu.dma_semaphore, #tpu.memory_space<semaphore_mem>>)
      %dma_start3A_122 = arith.constant 3 : i32
      %dma_start3A_123 = arith.constant 1 : i32
      %dma_start3A_124 = arith.constant 0 : i32
      %dma_start3A_125 = arith.constant 0 : i32
      %dma_start3A_126 = tpu.memref_slice %arg9[%dma_start3A_123, %dma_start3A_124, %dma_start3A_125] : memref<2x128x128xf32, #tpu.memory_space<vmem>> -> memref<1x128x128xf32, #tpu.memory_space<vmem>>
      %dma_start3A_127 = tpu.memref_squeeze %dma_start3A_126 : memref<1x128x128xf32, #tpu.memory_space<vmem>> -> memref<128x128xf32, #tpu.memory_space<vmem>>
      %dma_start3A_128 = arith.constant 0 : i32
      %dma_start3A_129 = tpu.memref_slice %arg7[%rem3A_27, %dma_start3A_122, %dma_start3A_128] : memref<2x8x128xi32, #tpu.memory_space<vmem>> -> memref<1x1x128xi32, #tpu.memory_space<vmem>>
      %dma_start3A_130 = tpu.memref_squeeze %dma_start3A_129 : memref<1x1x128xi32, #tpu.memory_space<vmem>> -> memref<128xi32, #tpu.memory_space<vmem>>
      %dma_start3A_131 = arith.constant 0 : i32
      %dma_start3A_132 = arith.constant 0 : i32
      %dma_start3A_133 = tpu.memref_slice %arg2[%dma_start3A_131, %dma_start3A_132] : memref<10112x128xf32, #tpu.memory_space<hbm>> -> memref<10112x128xf32, #tpu.memory_space<hbm>>
      tpu.enqueue_indirect_dma source(%dma_start3A_133 : memref<10112x128xf32, #tpu.memory_space<hbm>>) target(%dma_start3A_127 : memref<128x128xf32, #tpu.memory_space<vmem>>) offsets(%dma_start3A_130 : memref<128xi32, #tpu.memory_space<vmem>>) semaphore(%arg12 : memref<!tpu.dma_semaphore, #tpu.memory_space<semaphore_mem>>)
      %dma_wait3A_134 = arith.constant 2 : i32
      %dma_wait3A_135 = arith.constant 0 : i32
      %dma_wait3A_136 = arith.constant 0 : i32
      %dma_wait3A_137 = arith.constant 0 : i32
      %dma_wait3A_138 = tpu.memref_slice %arg9[%dma_wait3A_135, %dma_wait3A_136, %dma_wait3A_137] : memref<2x128x128xf32, #tpu.memory_space<vmem>> -> memref<1x128x128xf32, #tpu.memory_space<vmem>>
      %dma_wait3A_139 = tpu.memref_squeeze %dma_wait3A_138 : memref<1x128x128xf32, #tpu.memory_space<vmem>> -> memref<128x128xf32, #tpu.memory_space<vmem>>
      %dma_wait3A_140 = arith.constant 0 : i32
      %dma_wait3A_141 = tpu.memref_slice %arg7[%rem3A_27, %dma_wait3A_134, %dma_wait3A_140] : memref<2x8x128xi32, #tpu.memory_space<vmem>> -> memref<1x1x128xi32, #tpu.memory_space<vmem>>
      %dma_wait3A_142 = tpu.memref_squeeze %dma_wait3A_141 : memref<1x1x128xi32, #tpu.memory_space<vmem>> -> memref<128xi32, #tpu.memory_space<vmem>>
      %dma_wait3A_143 = arith.constant 0 : i32
      %dma_wait3A_144 = arith.constant 0 : i32
      %dma_wait3A_145 = tpu.memref_slice %arg2[%dma_wait3A_143, %dma_wait3A_144] : memref<10112x128xf32, #tpu.memory_space<hbm>> -> memref<10112x128xf32, #tpu.memory_space<hbm>>
      tpu.wait_indirect_dma semaphore(%arg11 : memref<!tpu.dma_semaphore, #tpu.memory_space<semaphore_mem>>) src(%dma_wait3A_145 : memref<10112x128xf32, #tpu.memory_space<hbm>>) dst(%dma_wait3A_139 : memref<128x128xf32, #tpu.memory_space<vmem>>)
      %run_scoped3A_146 = arith.constant 0 : i32
      %run_scoped3A_147 = arith.constant 2 : i32
      "tpu.region"() ({
        %run_scoped3A_290 = tpu.sem_alloc : memref<!tpu.dma_semaphore, #tpu.memory_space<semaphore_mem>>
        %dma_start3A_291 = arith.constant 0 : i32
        %dma_start3A_292 = arith.constant 0 : i32
        %dma_start3A_293 = tpu.memref_slice %arg9[%run_scoped3A_146, %dma_start3A_291, %dma_start3A_292] : memref<2x128x128xf32, #tpu.memory_space<vmem>> -> memref<1x128x128xf32, #tpu.memory_space<vmem>>
        %dma_start3A_294 = tpu.memref_squeeze %dma_start3A_293 : memref<1x128x128xf32, #tpu.memory_space<vmem>> -> memref<128x128xf32, #tpu.memory_space<vmem>>
        %dma_start3A_295 = arith.constant 0 : i32
        %dma_start3A_296 = tpu.memref_slice %arg8[%rem3A_27, %run_scoped3A_147, %dma_start3A_295] : memref<2x8x128xi32, #tpu.memory_space<vmem>> -> memref<1x1x128xi32, #tpu.memory_space<vmem>>
        %dma_start3A_297 = tpu.memref_squeeze %dma_start3A_296 : memref<1x1x128xi32, #tpu.memory_space<vmem>> -> memref<128xi32, #tpu.memory_space<vmem>>
        %dma_start3A_298 = arith.constant 0 : i32
        %dma_start3A_299 = arith.constant 0 : i32
        %dma_start3A_300 = tpu.memref_slice %arg10[%dma_start3A_298, %dma_start3A_299] : memref<10112x128xf32, #tpu.memory_space<vmem_shared>> -> memref<10112x128xf32, #tpu.memory_space<vmem_shared>>
        tpu.enqueue_indirect_dma source(%dma_start3A_294 : memref<128x128xf32, #tpu.memory_space<vmem>>) target(%dma_start3A_300 : memref<10112x128xf32, #tpu.memory_space<vmem_shared>>) offsets(%dma_start3A_297 : memref<128xi32, #tpu.memory_space<vmem>>) semaphore(%run_scoped3A_290 : memref<!tpu.dma_semaphore, #tpu.memory_space<semaphore_mem>>) {add = true}
        %dma_wait3A_301 = arith.constant 0 : i32
        %dma_wait3A_302 = arith.constant 0 : i32
        %dma_wait3A_303 = tpu.memref_slice %arg9[%run_scoped3A_146, %dma_wait3A_301, %dma_wait3A_302] : memref<2x128x128xf32, #tpu.memory_space<vmem>> -> memref<1x128x128xf32, #tpu.memory_space<vmem>>
        %dma_wait3A_304 = tpu.memref_squeeze %dma_wait3A_303 : memref<1x128x128xf32, #tpu.memory_space<vmem>> -> memref<128x128xf32, #tpu.memory_space<vmem>>
        %dma_wait3A_305 = arith.constant 0 : i32
        %dma_wait3A_306 = tpu.memref_slice %arg8[%rem3A_27, %run_scoped3A_147, %dma_wait3A_305] : memref<2x8x128xi32, #tpu.memory_space<vmem>> -> memref<1x1x128xi32, #tpu.memory_space<vmem>>
        %dma_wait3A_307 = tpu.memref_squeeze %dma_wait3A_306 : memref<1x1x128xi32, #tpu.memory_space<vmem>> -> memref<128xi32, #tpu.memory_space<vmem>>
        %dma_wait3A_308 = arith.constant 0 : i32
        %dma_wait3A_309 = arith.constant 0 : i32
        %dma_wait3A_310 = tpu.memref_slice %arg10[%dma_wait3A_308, %dma_wait3A_309] : memref<10112x128xf32, #tpu.memory_space<vmem_shared>> -> memref<10112x128xf32, #tpu.memory_space<vmem_shared>>
        tpu.wait_indirect_dma semaphore(%run_scoped3A_290 : memref<!tpu.dma_semaphore, #tpu.memory_space<semaphore_mem>>) src(%dma_wait3A_304 : memref<128x128xf32, #tpu.memory_space<vmem>>) dst(%dma_wait3A_310 : memref<10112x128xf32, #tpu.memory_space<vmem_shared>>)
        tpu.yield
      }) : () -> ()
      %dma_wait3A_148 = arith.constant 3 : i32
      %dma_wait3A_149 = arith.constant 1 : i32
      %dma_wait3A_150 = arith.constant 0 : i32
      %dma_wait3A_151 = arith.constant 0 : i32
      %dma_wait3A_152 = tpu.memref_slice %arg9[%dma_wait3A_149, %dma_wait3A_150, %dma_wait3A_151] : memref<2x128x128xf32, #tpu.memory_space<vmem>> -> memref<1x128x128xf32, #tpu.memory_space<vmem>>
      %dma_wait3A_153 = tpu.memref_squeeze %dma_wait3A_152 : memref<1x128x128xf32, #tpu.memory_space<vmem>> -> memref<128x128xf32, #tpu.memory_space<vmem>>
      %dma_wait3A_154 = arith.constant 0 : i32
      %dma_wait3A_155 = tpu.memref_slice %arg7[%rem3A_27, %dma_wait3A_148, %dma_wait3A_154] : memref<2x8x128xi32, #tpu.memory_space<vmem>> -> memref<1x1x128xi32, #tpu.memory_space<vmem>>
      %dma_wait3A_156 = tpu.memref_squeeze %dma_wait3A_155 : memref<1x1x128xi32, #tpu.memory_space<vmem>> -> memref<128xi32, #tpu.memory_space<vmem>>
      %dma_wait3A_157 = arith.constant 0 : i32
      %dma_wait3A_158 = arith.constant 0 : i32
      %dma_wait3A_159 = tpu.memref_slice %arg2[%dma_wait3A_157, %dma_wait3A_158] : memref<10112x128xf32, #tpu.memory_space<hbm>> -> memref<10112x128xf32, #tpu.memory_space<hbm>>
      tpu.wait_indirect_dma semaphore(%arg12 : memref<!tpu.dma_semaphore, #tpu.memory_space<semaphore_mem>>) src(%dma_wait3A_159 : memref<10112x128xf32, #tpu.memory_space<hbm>>) dst(%dma_wait3A_153 : memref<128x128xf32, #tpu.memory_space<vmem>>)
      %run_scoped3A_160 = arith.constant 1 : i32
      %run_scoped3A_161 = arith.constant 3 : i32
      "tpu.region"() ({
        %run_scoped3A_290 = tpu.sem_alloc : memref<!tpu.dma_semaphore, #tpu.memory_space<semaphore_mem>>
        %dma_start3A_291 = arith.constant 0 : i32
        %dma_start3A_292 = arith.constant 0 : i32
        %dma_start3A_293 = tpu.memref_slice %arg9[%run_scoped3A_160, %dma_start3A_291, %dma_start3A_292] : memref<2x128x128xf32, #tpu.memory_space<vmem>> -> memref<1x128x128xf32, #tpu.memory_space<vmem>>
        %dma_start3A_294 = tpu.memref_squeeze %dma_start3A_293 : memref<1x128x128xf32, #tpu.memory_space<vmem>> -> memref<128x128xf32, #tpu.memory_space<vmem>>
        %dma_start3A_295 = arith.constant 0 : i32
        %dma_start3A_296 = tpu.memref_slice %arg8[%rem3A_27, %run_scoped3A_161, %dma_start3A_295] : memref<2x8x128xi32, #tpu.memory_space<vmem>> -> memref<1x1x128xi32, #tpu.memory_space<vmem>>
        %dma_start3A_297 = tpu.memref_squeeze %dma_start3A_296 : memref<1x1x128xi32, #tpu.memory_space<vmem>> -> memref<128xi32, #tpu.memory_space<vmem>>
        %dma_start3A_298 = arith.constant 0 : i32
        %dma_start3A_299 = arith.constant 0 : i32
        %dma_start3A_300 = tpu.memref_slice %arg10[%dma_start3A_298, %dma_start3A_299] : memref<10112x128xf32, #tpu.memory_space<vmem_shared>> -> memref<10112x128xf32, #tpu.memory_space<vmem_shared>>
        tpu.enqueue_indirect_dma source(%dma_start3A_294 : memref<128x128xf32, #tpu.memory_space<vmem>>) target(%dma_start3A_300 : memref<10112x128xf32, #tpu.memory_space<vmem_shared>>) offsets(%dma_start3A_297 : memref<128xi32, #tpu.memory_space<vmem>>) semaphore(%run_scoped3A_290 : memref<!tpu.dma_semaphore, #tpu.memory_space<semaphore_mem>>) {add = true}
        %dma_wait3A_301 = arith.constant 0 : i32
        %dma_wait3A_302 = arith.constant 0 : i32
        %dma_wait3A_303 = tpu.memref_slice %arg9[%run_scoped3A_160, %dma_wait3A_301, %dma_wait3A_302] : memref<2x128x128xf32, #tpu.memory_space<vmem>> -> memref<1x128x128xf32, #tpu.memory_space<vmem>>
        %dma_wait3A_304 = tpu.memref_squeeze %dma_wait3A_303 : memref<1x128x128xf32, #tpu.memory_space<vmem>> -> memref<128x128xf32, #tpu.memory_space<vmem>>
        %dma_wait3A_305 = arith.constant 0 : i32
        %dma_wait3A_306 = tpu.memref_slice %arg8[%rem3A_27, %run_scoped3A_161, %dma_wait3A_305] : memref<2x8x128xi32, #tpu.memory_space<vmem>> -> memref<1x1x128xi32, #tpu.memory_space<vmem>>
        %dma_wait3A_307 = tpu.memref_squeeze %dma_wait3A_306 : memref<1x1x128xi32, #tpu.memory_space<vmem>> -> memref<128xi32, #tpu.memory_space<vmem>>
        %dma_wait3A_308 = arith.constant 0 : i32
        %dma_wait3A_309 = arith.constant 0 : i32
        %dma_wait3A_310 = tpu.memref_slice %arg10[%dma_wait3A_308, %dma_wait3A_309] : memref<10112x128xf32, #tpu.memory_space<vmem_shared>> -> memref<10112x128xf32, #tpu.memory_space<vmem_shared>>
        tpu.wait_indirect_dma semaphore(%run_scoped3A_290 : memref<!tpu.dma_semaphore, #tpu.memory_space<semaphore_mem>>) src(%dma_wait3A_304 : memref<128x128xf32, #tpu.memory_space<vmem>>) dst(%dma_wait3A_310 : memref<10112x128xf32, #tpu.memory_space<vmem_shared>>)
        tpu.yield
      }) : () -> ()
      %dma_start3A_162 = arith.constant 4 : i32
      %dma_start3A_163 = arith.constant 0 : i32
      %dma_start3A_164 = arith.constant 0 : i32
      %dma_start3A_165 = arith.constant 0 : i32
      %dma_start3A_166 = tpu.memref_slice %arg9[%dma_start3A_163, %dma_start3A_164, %dma_start3A_165] : memref<2x128x128xf32, #tpu.memory_space<vmem>> -> memref<1x128x128xf32, #tpu.memory_space<vmem>>
      %dma_start3A_167 = tpu.memref_squeeze %dma_start3A_166 : memref<1x128x128xf32, #tpu.memory_space<vmem>> -> memref<128x128xf32, #tpu.memory_space<vmem>>
      %dma_start3A_168 = arith.constant 0 : i32
      %dma_start3A_169 = tpu.memref_slice %arg7[%rem3A_27, %dma_start3A_162, %dma_start3A_168] : memref<2x8x128xi32, #tpu.memory_space<vmem>> -> memref<1x1x128xi32, #tpu.memory_space<vmem>>
      %dma_start3A_170 = tpu.memref_squeeze %dma_start3A_169 : memref<1x1x128xi32, #tpu.memory_space<vmem>> -> memref<128xi32, #tpu.memory_space<vmem>>
      %dma_start3A_171 = arith.constant 0 : i32
      %dma_start3A_172 = arith.constant 0 : i32
      %dma_start3A_173 = tpu.memref_slice %arg2[%dma_start3A_171, %dma_start3A_172] : memref<10112x128xf32, #tpu.memory_space<hbm>> -> memref<10112x128xf32, #tpu.memory_space<hbm>>
      tpu.enqueue_indirect_dma source(%dma_start3A_173 : memref<10112x128xf32, #tpu.memory_space<hbm>>) target(%dma_start3A_167 : memref<128x128xf32, #tpu.memory_space<vmem>>) offsets(%dma_start3A_170 : memref<128xi32, #tpu.memory_space<vmem>>) semaphore(%arg11 : memref<!tpu.dma_semaphore, #tpu.memory_space<semaphore_mem>>)
      %dma_start3A_174 = arith.constant 5 : i32
      %dma_start3A_175 = arith.constant 1 : i32
      %dma_start3A_176 = arith.constant 0 : i32
      %dma_start3A_177 = arith.constant 0 : i32
      %dma_start3A_178 = tpu.memref_slice %arg9[%dma_start3A_175, %dma_start3A_176, %dma_start3A_177] : memref<2x128x128xf32, #tpu.memory_space<vmem>> -> memref<1x128x128xf32, #tpu.memory_space<vmem>>
      %dma_start3A_179 = tpu.memref_squeeze %dma_start3A_178 : memref<1x128x128xf32, #tpu.memory_space<vmem>> -> memref<128x128xf32, #tpu.memory_space<vmem>>
      %dma_start3A_180 = arith.constant 0 : i32
      %dma_start3A_181 = tpu.memref_slice %arg7[%rem3A_27, %dma_start3A_174, %dma_start3A_180] : memref<2x8x128xi32, #tpu.memory_space<vmem>> -> memref<1x1x128xi32, #tpu.memory_space<vmem>>
      %dma_start3A_182 = tpu.memref_squeeze %dma_start3A_181 : memref<1x1x128xi32, #tpu.memory_space<vmem>> -> memref<128xi32, #tpu.memory_space<vmem>>
      %dma_start3A_183 = arith.constant 0 : i32
      %dma_start3A_184 = arith.constant 0 : i32
      %dma_start3A_185 = tpu.memref_slice %arg2[%dma_start3A_183, %dma_start3A_184] : memref<10112x128xf32, #tpu.memory_space<hbm>> -> memref<10112x128xf32, #tpu.memory_space<hbm>>
      tpu.enqueue_indirect_dma source(%dma_start3A_185 : memref<10112x128xf32, #tpu.memory_space<hbm>>) target(%dma_start3A_179 : memref<128x128xf32, #tpu.memory_space<vmem>>) offsets(%dma_start3A_182 : memref<128xi32, #tpu.memory_space<vmem>>) semaphore(%arg12 : memref<!tpu.dma_semaphore, #tpu.memory_space<semaphore_mem>>)
      %dma_wait3A_186 = arith.constant 4 : i32
      %dma_wait3A_187 = arith.constant 0 : i32
      %dma_wait3A_188 = arith.constant 0 : i32
      %dma_wait3A_189 = arith.constant 0 : i32
      %dma_wait3A_190 = tpu.memref_slice %arg9[%dma_wait3A_187, %dma_wait3A_188, %dma_wait3A_189] : memref<2x128x128xf32, #tpu.memory_space<vmem>> -> memref<1x128x128xf32, #tpu.memory_space<vmem>>
      %dma_wait3A_191 = tpu.memref_squeeze %dma_wait3A_190 : memref<1x128x128xf32, #tpu.memory_space<vmem>> -> memref<128x128xf32, #tpu.memory_space<vmem>>
      %dma_wait3A_192 = arith.constant 0 : i32
      %dma_wait3A_193 = tpu.memref_slice %arg7[%rem3A_27, %dma_wait3A_186, %dma_wait3A_192] : memref<2x8x128xi32, #tpu.memory_space<vmem>> -> memref<1x1x128xi32, #tpu.memory_space<vmem>>
      %dma_wait3A_194 = tpu.memref_squeeze %dma_wait3A_193 : memref<1x1x128xi32, #tpu.memory_space<vmem>> -> memref<128xi32, #tpu.memory_space<vmem>>
      %dma_wait3A_195 = arith.constant 0 : i32
      %dma_wait3A_196 = arith.constant 0 : i32
      %dma_wait3A_197 = tpu.memref_slice %arg2[%dma_wait3A_195, %dma_wait3A_196] : memref<10112x128xf32, #tpu.memory_space<hbm>> -> memref<10112x128xf32, #tpu.memory_space<hbm>>
      tpu.wait_indirect_dma semaphore(%arg11 : memref<!tpu.dma_semaphore, #tpu.memory_space<semaphore_mem>>) src(%dma_wait3A_197 : memref<10112x128xf32, #tpu.memory_space<hbm>>) dst(%dma_wait3A_191 : memref<128x128xf32, #tpu.memory_space<vmem>>)
      %run_scoped3A_198 = arith.constant 0 : i32
      %run_scoped3A_199 = arith.constant 4 : i32
      "tpu.region"() ({
        %run_scoped3A_290 = tpu.sem_alloc : memref<!tpu.dma_semaphore, #tpu.memory_space<semaphore_mem>>
        %dma_start3A_291 = arith.constant 0 : i32
        %dma_start3A_292 = arith.constant 0 : i32
        %dma_start3A_293 = tpu.memref_slice %arg9[%run_scoped3A_198, %dma_start3A_291, %dma_start3A_292] : memref<2x128x128xf32, #tpu.memory_space<vmem>> -> memref<1x128x128xf32, #tpu.memory_space<vmem>>
        %dma_start3A_294 = tpu.memref_squeeze %dma_start3A_293 : memref<1x128x128xf32, #tpu.memory_space<vmem>> -> memref<128x128xf32, #tpu.memory_space<vmem>>
        %dma_start3A_295 = arith.constant 0 : i32
        %dma_start3A_296 = tpu.memref_slice %arg8[%rem3A_27, %run_scoped3A_199, %dma_start3A_295] : memref<2x8x128xi32, #tpu.memory_space<vmem>> -> memref<1x1x128xi32, #tpu.memory_space<vmem>>
        %dma_start3A_297 = tpu.memref_squeeze %dma_start3A_296 : memref<1x1x128xi32, #tpu.memory_space<vmem>> -> memref<128xi32, #tpu.memory_space<vmem>>
        %dma_start3A_298 = arith.constant 0 : i32
        %dma_start3A_299 = arith.constant 0 : i32
        %dma_start3A_300 = tpu.memref_slice %arg10[%dma_start3A_298, %dma_start3A_299] : memref<10112x128xf32, #tpu.memory_space<vmem_shared>> -> memref<10112x128xf32, #tpu.memory_space<vmem_shared>>
        tpu.enqueue_indirect_dma source(%dma_start3A_294 : memref<128x128xf32, #tpu.memory_space<vmem>>) target(%dma_start3A_300 : memref<10112x128xf32, #tpu.memory_space<vmem_shared>>) offsets(%dma_start3A_297 : memref<128xi32, #tpu.memory_space<vmem>>) semaphore(%run_scoped3A_290 : memref<!tpu.dma_semaphore, #tpu.memory_space<semaphore_mem>>) {add = true}
        %dma_wait3A_301 = arith.constant 0 : i32
        %dma_wait3A_302 = arith.constant 0 : i32
        %dma_wait3A_303 = tpu.memref_slice %arg9[%run_scoped3A_198, %dma_wait3A_301, %dma_wait3A_302] : memref<2x128x128xf32, #tpu.memory_space<vmem>> -> memref<1x128x128xf32, #tpu.memory_space<vmem>>
        %dma_wait3A_304 = tpu.memref_squeeze %dma_wait3A_303 : memref<1x128x128xf32, #tpu.memory_space<vmem>> -> memref<128x128xf32, #tpu.memory_space<vmem>>
        %dma_wait3A_305 = arith.constant 0 : i32
        %dma_wait3A_306 = tpu.memref_slice %arg8[%rem3A_27, %run_scoped3A_199, %dma_wait3A_305] : memref<2x8x128xi32, #tpu.memory_space<vmem>> -> memref<1x1x128xi32, #tpu.memory_space<vmem>>
        %dma_wait3A_307 = tpu.memref_squeeze %dma_wait3A_306 : memref<1x1x128xi32, #tpu.memory_space<vmem>> -> memref<128xi32, #tpu.memory_space<vmem>>
        %dma_wait3A_308 = arith.constant 0 : i32
        %dma_wait3A_309 = arith.constant 0 : i32
        %dma_wait3A_310 = tpu.memref_slice %arg10[%dma_wait3A_308, %dma_wait3A_309] : memref<10112x128xf32, #tpu.memory_space<vmem_shared>> -> memref<10112x128xf32, #tpu.memory_space<vmem_shared>>
        tpu.wait_indirect_dma semaphore(%run_scoped3A_290 : memref<!tpu.dma_semaphore, #tpu.memory_space<semaphore_mem>>) src(%dma_wait3A_304 : memref<128x128xf32, #tpu.memory_space<vmem>>) dst(%dma_wait3A_310 : memref<10112x128xf32, #tpu.memory_space<vmem_shared>>)
        tpu.yield
      }) : () -> ()
      %dma_wait3A_200 = arith.constant 5 : i32
      %dma_wait3A_201 = arith.constant 1 : i32
      %dma_wait3A_202 = arith.constant 0 : i32
      %dma_wait3A_203 = arith.constant 0 : i32
      %dma_wait3A_204 = tpu.memref_slice %arg9[%dma_wait3A_201, %dma_wait3A_202, %dma_wait3A_203] : memref<2x128x128xf32, #tpu.memory_space<vmem>> -> memref<1x128x128xf32, #tpu.memory_space<vmem>>
      %dma_wait3A_205 = tpu.memref_squeeze %dma_wait3A_204 : memref<1x128x128xf32, #tpu.memory_space<vmem>> -> memref<128x128xf32, #tpu.memory_space<vmem>>
      %dma_wait3A_206 = arith.constant 0 : i32
      %dma_wait3A_207 = tpu.memref_slice %arg7[%rem3A_27, %dma_wait3A_200, %dma_wait3A_206] : memref<2x8x128xi32, #tpu.memory_space<vmem>> -> memref<1x1x128xi32, #tpu.memory_space<vmem>>
      %dma_wait3A_208 = tpu.memref_squeeze %dma_wait3A_207 : memref<1x1x128xi32, #tpu.memory_space<vmem>> -> memref<128xi32, #tpu.memory_space<vmem>>
      %dma_wait3A_209 = arith.constant 0 : i32
      %dma_wait3A_210 = arith.constant 0 : i32
      %dma_wait3A_211 = tpu.memref_slice %arg2[%dma_wait3A_209, %dma_wait3A_210] : memref<10112x128xf32, #tpu.memory_space<hbm>> -> memref<10112x128xf32, #tpu.memory_space<hbm>>
      tpu.wait_indirect_dma semaphore(%arg12 : memref<!tpu.dma_semaphore, #tpu.memory_space<semaphore_mem>>) src(%dma_wait3A_211 : memref<10112x128xf32, #tpu.memory_space<hbm>>) dst(%dma_wait3A_205 : memref<128x128xf32, #tpu.memory_space<vmem>>)
      %run_scoped3A_212 = arith.constant 1 : i32
      %run_scoped3A_213 = arith.constant 5 : i32
      "tpu.region"() ({
        %run_scoped3A_290 = tpu.sem_alloc : memref<!tpu.dma_semaphore, #tpu.memory_space<semaphore_mem>>
        %dma_start3A_291 = arith.constant 0 : i32
        %dma_start3A_292 = arith.constant 0 : i32
        %dma_start3A_293 = tpu.memref_slice %arg9[%run_scoped3A_212, %dma_start3A_291, %dma_start3A_292] : memref<2x128x128xf32, #tpu.memory_space<vmem>> -> memref<1x128x128xf32, #tpu.memory_space<vmem>>
        %dma_start3A_294 = tpu.memref_squeeze %dma_start3A_293 : memref<1x128x128xf32, #tpu.memory_space<vmem>> -> memref<128x128xf32, #tpu.memory_space<vmem>>
        %dma_start3A_295 = arith.constant 0 : i32
        %dma_start3A_296 = tpu.memref_slice %arg8[%rem3A_27, %run_scoped3A_213, %dma_start3A_295] : memref<2x8x128xi32, #tpu.memory_space<vmem>> -> memref<1x1x128xi32, #tpu.memory_space<vmem>>
        %dma_start3A_297 = tpu.memref_squeeze %dma_start3A_296 : memref<1x1x128xi32, #tpu.memory_space<vmem>> -> memref<128xi32, #tpu.memory_space<vmem>>
        %dma_start3A_298 = arith.constant 0 : i32
        %dma_start3A_299 = arith.constant 0 : i32
        %dma_start3A_300 = tpu.memref_slice %arg10[%dma_start3A_298, %dma_start3A_299] : memref<10112x128xf32, #tpu.memory_space<vmem_shared>> -> memref<10112x128xf32, #tpu.memory_space<vmem_shared>>
        tpu.enqueue_indirect_dma source(%dma_start3A_294 : memref<128x128xf32, #tpu.memory_space<vmem>>) target(%dma_start3A_300 : memref<10112x128xf32, #tpu.memory_space<vmem_shared>>) offsets(%dma_start3A_297 : memref<128xi32, #tpu.memory_space<vmem>>) semaphore(%run_scoped3A_290 : memref<!tpu.dma_semaphore, #tpu.memory_space<semaphore_mem>>) {add = true}
        %dma_wait3A_301 = arith.constant 0 : i32
        %dma_wait3A_302 = arith.constant 0 : i32
        %dma_wait3A_303 = tpu.memref_slice %arg9[%run_scoped3A_212, %dma_wait3A_301, %dma_wait3A_302] : memref<2x128x128xf32, #tpu.memory_space<vmem>> -> memref<1x128x128xf32, #tpu.memory_space<vmem>>
        %dma_wait3A_304 = tpu.memref_squeeze %dma_wait3A_303 : memref<1x128x128xf32, #tpu.memory_space<vmem>> -> memref<128x128xf32, #tpu.memory_space<vmem>>
        %dma_wait3A_305 = arith.constant 0 : i32
        %dma_wait3A_306 = tpu.memref_slice %arg8[%rem3A_27, %run_scoped3A_213, %dma_wait3A_305] : memref<2x8x128xi32, #tpu.memory_space<vmem>> -> memref<1x1x128xi32, #tpu.memory_space<vmem>>
        %dma_wait3A_307 = tpu.memref_squeeze %dma_wait3A_306 : memref<1x1x128xi32, #tpu.memory_space<vmem>> -> memref<128xi32, #tpu.memory_space<vmem>>
        %dma_wait3A_308 = arith.constant 0 : i32
        %dma_wait3A_309 = arith.constant 0 : i32
        %dma_wait3A_310 = tpu.memref_slice %arg10[%dma_wait3A_308, %dma_wait3A_309] : memref<10112x128xf32, #tpu.memory_space<vmem_shared>> -> memref<10112x128xf32, #tpu.memory_space<vmem_shared>>
        tpu.wait_indirect_dma semaphore(%run_scoped3A_290 : memref<!tpu.dma_semaphore, #tpu.memory_space<semaphore_mem>>) src(%dma_wait3A_304 : memref<128x128xf32, #tpu.memory_space<vmem>>) dst(%dma_wait3A_310 : memref<10112x128xf32, #tpu.memory_space<vmem_shared>>)
        tpu.yield
      }) : () -> ()
      %dma_start3A_214 = arith.constant 6 : i32
      %dma_start3A_215 = arith.constant 0 : i32
      %dma_start3A_216 = arith.constant 0 : i32
      %dma_start3A_217 = arith.constant 0 : i32
      %dma_start3A_218 = tpu.memref_slice %arg9[%dma_start3A_215, %dma_start3A_216, %dma_start3A_217] : memref<2x128x128xf32, #tpu.memory_space<vmem>> -> memref<1x128x128xf32, #tpu.memory_space<vmem>>
      %dma_start3A_219 = tpu.memref_squeeze %dma_start3A_218 : memref<1x128x128xf32, #tpu.memory_space<vmem>> -> memref<128x128xf32, #tpu.memory_space<vmem>>
      %dma_start3A_220 = arith.constant 0 : i32
      %dma_start3A_221 = tpu.memref_slice %arg7[%rem3A_27, %dma_start3A_214, %dma_start3A_220] : memref<2x8x128xi32, #tpu.memory_space<vmem>> -> memref<1x1x128xi32, #tpu.memory_space<vmem>>
      %dma_start3A_222 = tpu.memref_squeeze %dma_start3A_221 : memref<1x1x128xi32, #tpu.memory_space<vmem>> -> memref<128xi32, #tpu.memory_space<vmem>>
      %dma_start3A_223 = arith.constant 0 : i32
      %dma_start3A_224 = arith.constant 0 : i32
      %dma_start3A_225 = tpu.memref_slice %arg2[%dma_start3A_223, %dma_start3A_224] : memref<10112x128xf32, #tpu.memory_space<hbm>> -> memref<10112x128xf32, #tpu.memory_space<hbm>>
      tpu.enqueue_indirect_dma source(%dma_start3A_225 : memref<10112x128xf32, #tpu.memory_space<hbm>>) target(%dma_start3A_219 : memref<128x128xf32, #tpu.memory_space<vmem>>) offsets(%dma_start3A_222 : memref<128xi32, #tpu.memory_space<vmem>>) semaphore(%arg11 : memref<!tpu.dma_semaphore, #tpu.memory_space<semaphore_mem>>)
      %dma_start3A_226 = arith.constant 7 : i32
      %dma_start3A_227 = arith.constant 1 : i32
      %dma_start3A_228 = arith.constant 0 : i32
      %dma_start3A_229 = arith.constant 0 : i32
      %dma_start3A_230 = tpu.memref_slice %arg9[%dma_start3A_227, %dma_start3A_228, %dma_start3A_229] : memref<2x128x128xf32, #tpu.memory_space<vmem>> -> memref<1x128x128xf32, #tpu.memory_space<vmem>>
      %dma_start3A_231 = tpu.memref_squeeze %dma_start3A_230 : memref<1x128x128xf32, #tpu.memory_space<vmem>> -> memref<128x128xf32, #tpu.memory_space<vmem>>
      %dma_start3A_232 = arith.constant 0 : i32
      %dma_start3A_233 = tpu.memref_slice %arg7[%rem3A_27, %dma_start3A_226, %dma_start3A_232] : memref<2x8x128xi32, #tpu.memory_space<vmem>> -> memref<1x1x128xi32, #tpu.memory_space<vmem>>
      %dma_start3A_234 = tpu.memref_squeeze %dma_start3A_233 : memref<1x1x128xi32, #tpu.memory_space<vmem>> -> memref<128xi32, #tpu.memory_space<vmem>>
      %dma_start3A_235 = arith.constant 0 : i32
      %dma_start3A_236 = arith.constant 0 : i32
      %dma_start3A_237 = tpu.memref_slice %arg2[%dma_start3A_235, %dma_start3A_236] : memref<10112x128xf32, #tpu.memory_space<hbm>> -> memref<10112x128xf32, #tpu.memory_space<hbm>>
      tpu.enqueue_indirect_dma source(%dma_start3A_237 : memref<10112x128xf32, #tpu.memory_space<hbm>>) target(%dma_start3A_231 : memref<128x128xf32, #tpu.memory_space<vmem>>) offsets(%dma_start3A_234 : memref<128xi32, #tpu.memory_space<vmem>>) semaphore(%arg12 : memref<!tpu.dma_semaphore, #tpu.memory_space<semaphore_mem>>)
      %dma_wait3A_238 = arith.constant 6 : i32
      %dma_wait3A_239 = arith.constant 0 : i32
      %dma_wait3A_240 = arith.constant 0 : i32
      %dma_wait3A_241 = arith.constant 0 : i32
      %dma_wait3A_242 = tpu.memref_slice %arg9[%dma_wait3A_239, %dma_wait3A_240, %dma_wait3A_241] : memref<2x128x128xf32, #tpu.memory_space<vmem>> -> memref<1x128x128xf32, #tpu.memory_space<vmem>>
      %dma_wait3A_243 = tpu.memref_squeeze %dma_wait3A_242 : memref<1x128x128xf32, #tpu.memory_space<vmem>> -> memref<128x128xf32, #tpu.memory_space<vmem>>
      %dma_wait3A_244 = arith.constant 0 : i32
      %dma_wait3A_245 = tpu.memref_slice %arg7[%rem3A_27, %dma_wait3A_238, %dma_wait3A_244] : memref<2x8x128xi32, #tpu.memory_space<vmem>> -> memref<1x1x128xi32, #tpu.memory_space<vmem>>
      %dma_wait3A_246 = tpu.memref_squeeze %dma_wait3A_245 : memref<1x1x128xi32, #tpu.memory_space<vmem>> -> memref<128xi32, #tpu.memory_space<vmem>>
      %dma_wait3A_247 = arith.constant 0 : i32
      %dma_wait3A_248 = arith.constant 0 : i32
      %dma_wait3A_249 = tpu.memref_slice %arg2[%dma_wait3A_247, %dma_wait3A_248] : memref<10112x128xf32, #tpu.memory_space<hbm>> -> memref<10112x128xf32, #tpu.memory_space<hbm>>
      tpu.wait_indirect_dma semaphore(%arg11 : memref<!tpu.dma_semaphore, #tpu.memory_space<semaphore_mem>>) src(%dma_wait3A_249 : memref<10112x128xf32, #tpu.memory_space<hbm>>) dst(%dma_wait3A_243 : memref<128x128xf32, #tpu.memory_space<vmem>>)
      %run_scoped3A_250 = arith.constant 0 : i32
      %run_scoped3A_251 = arith.constant 6 : i32
      "tpu.region"() ({
        %run_scoped3A_290 = tpu.sem_alloc : memref<!tpu.dma_semaphore, #tpu.memory_space<semaphore_mem>>
        %dma_start3A_291 = arith.constant 0 : i32
        %dma_start3A_292 = arith.constant 0 : i32
        %dma_start3A_293 = tpu.memref_slice %arg9[%run_scoped3A_250, %dma_start3A_291, %dma_start3A_292] : memref<2x128x128xf32, #tpu.memory_space<vmem>> -> memref<1x128x128xf32, #tpu.memory_space<vmem>>
        %dma_start3A_294 = tpu.memref_squeeze %dma_start3A_293 : memref<1x128x128xf32, #tpu.memory_space<vmem>> -> memref<128x128xf32, #tpu.memory_space<vmem>>
        %dma_start3A_295 = arith.constant 0 : i32
        %dma_start3A_296 = tpu.memref_slice %arg8[%rem3A_27, %run_scoped3A_251, %dma_start3A_295] : memref<2x8x128xi32, #tpu.memory_space<vmem>> -> memref<1x1x128xi32, #tpu.memory_space<vmem>>
        %dma_start3A_297 = tpu.memref_squeeze %dma_start3A_296 : memref<1x1x128xi32, #tpu.memory_space<vmem>> -> memref<128xi32, #tpu.memory_space<vmem>>
        %dma_start3A_298 = arith.constant 0 : i32
        %dma_start3A_299 = arith.constant 0 : i32
        %dma_start3A_300 = tpu.memref_slice %arg10[%dma_start3A_298, %dma_start3A_299] : memref<10112x128xf32, #tpu.memory_space<vmem_shared>> -> memref<10112x128xf32, #tpu.memory_space<vmem_shared>>
        tpu.enqueue_indirect_dma source(%dma_start3A_294 : memref<128x128xf32, #tpu.memory_space<vmem>>) target(%dma_start3A_300 : memref<10112x128xf32, #tpu.memory_space<vmem_shared>>) offsets(%dma_start3A_297 : memref<128xi32, #tpu.memory_space<vmem>>) semaphore(%run_scoped3A_290 : memref<!tpu.dma_semaphore, #tpu.memory_space<semaphore_mem>>) {add = true}
        %dma_wait3A_301 = arith.constant 0 : i32
        %dma_wait3A_302 = arith.constant 0 : i32
        %dma_wait3A_303 = tpu.memref_slice %arg9[%run_scoped3A_250, %dma_wait3A_301, %dma_wait3A_302] : memref<2x128x128xf32, #tpu.memory_space<vmem>> -> memref<1x128x128xf32, #tpu.memory_space<vmem>>
        %dma_wait3A_304 = tpu.memref_squeeze %dma_wait3A_303 : memref<1x128x128xf32, #tpu.memory_space<vmem>> -> memref<128x128xf32, #tpu.memory_space<vmem>>
        %dma_wait3A_305 = arith.constant 0 : i32
        %dma_wait3A_306 = tpu.memref_slice %arg8[%rem3A_27, %run_scoped3A_251, %dma_wait3A_305] : memref<2x8x128xi32, #tpu.memory_space<vmem>> -> memref<1x1x128xi32, #tpu.memory_space<vmem>>
        %dma_wait3A_307 = tpu.memref_squeeze %dma_wait3A_306 : memref<1x1x128xi32, #tpu.memory_space<vmem>> -> memref<128xi32, #tpu.memory_space<vmem>>
        %dma_wait3A_308 = arith.constant 0 : i32
        %dma_wait3A_309 = arith.constant 0 : i32
        %dma_wait3A_310 = tpu.memref_slice %arg10[%dma_wait3A_308, %dma_wait3A_309] : memref<10112x128xf32, #tpu.memory_space<vmem_shared>> -> memref<10112x128xf32, #tpu.memory_space<vmem_shared>>
        tpu.wait_indirect_dma semaphore(%run_scoped3A_290 : memref<!tpu.dma_semaphore, #tpu.memory_space<semaphore_mem>>) src(%dma_wait3A_304 : memref<128x128xf32, #tpu.memory_space<vmem>>) dst(%dma_wait3A_310 : memref<10112x128xf32, #tpu.memory_space<vmem_shared>>)
        tpu.yield
      }) : () -> ()
      %dma_wait3A_252 = arith.constant 7 : i32
      %dma_wait3A_253 = arith.constant 1 : i32
      %dma_wait3A_254 = arith.constant 0 : i32
      %dma_wait3A_255 = arith.constant 0 : i32
      %dma_wait3A_256 = tpu.memref_slice %arg9[%dma_wait3A_253, %dma_wait3A_254, %dma_wait3A_255] : memref<2x128x128xf32, #tpu.memory_space<vmem>> -> memref<1x128x128xf32, #tpu.memory_space<vmem>>
      %dma_wait3A_257 = tpu.memref_squeeze %dma_wait3A_256 : memref<1x128x128xf32, #tpu.memory_space<vmem>> -> memref<128x128xf32, #tpu.memory_space<vmem>>
      %dma_wait3A_258 = arith.constant 0 : i32
      %dma_wait3A_259 = tpu.memref_slice %arg7[%rem3A_27, %dma_wait3A_252, %dma_wait3A_258] : memref<2x8x128xi32, #tpu.memory_space<vmem>> -> memref<1x1x128xi32, #tpu.memory_space<vmem>>
      %dma_wait3A_260 = tpu.memref_squeeze %dma_wait3A_259 : memref<1x1x128xi32, #tpu.memory_space<vmem>> -> memref<128xi32, #tpu.memory_space<vmem>>
      %dma_wait3A_261 = arith.constant 0 : i32
      %dma_wait3A_262 = arith.constant 0 : i32
      %dma_wait3A_263 = tpu.memref_slice %arg2[%dma_wait3A_261, %dma_wait3A_262] : memref<10112x128xf32, #tpu.memory_space<hbm>> -> memref<10112x128xf32, #tpu.memory_space<hbm>>
      tpu.wait_indirect_dma semaphore(%arg12 : memref<!tpu.dma_semaphore, #tpu.memory_space<semaphore_mem>>) src(%dma_wait3A_263 : memref<10112x128xf32, #tpu.memory_space<hbm>>) dst(%dma_wait3A_257 : memref<128x128xf32, #tpu.memory_space<vmem>>)
      %run_scoped3A_264 = arith.constant 1 : i32
      %run_scoped3A_265 = arith.constant 7 : i32
      "tpu.region"() ({
        %run_scoped3A_290 = tpu.sem_alloc : memref<!tpu.dma_semaphore, #tpu.memory_space<semaphore_mem>>
        %dma_start3A_291 = arith.constant 0 : i32
        %dma_start3A_292 = arith.constant 0 : i32
        %dma_start3A_293 = tpu.memref_slice %arg9[%run_scoped3A_264, %dma_start3A_291, %dma_start3A_292] : memref<2x128x128xf32, #tpu.memory_space<vmem>> -> memref<1x128x128xf32, #tpu.memory_space<vmem>>
        %dma_start3A_294 = tpu.memref_squeeze %dma_start3A_293 : memref<1x128x128xf32, #tpu.memory_space<vmem>> -> memref<128x128xf32, #tpu.memory_space<vmem>>
        %dma_start3A_295 = arith.constant 0 : i32
        %dma_start3A_296 = tpu.memref_slice %arg8[%rem3A_27, %run_scoped3A_265, %dma_start3A_295] : memref<2x8x128xi32, #tpu.memory_space<vmem>> -> memref<1x1x128xi32, #tpu.memory_space<vmem>>
        %dma_start3A_297 = tpu.memref_squeeze %dma_start3A_296 : memref<1x1x128xi32, #tpu.memory_space<vmem>> -> memref<128xi32, #tpu.memory_space<vmem>>
        %dma_start3A_298 = arith.constant 0 : i32
        %dma_start3A_299 = arith.constant 0 : i32
        %dma_start3A_300 = tpu.memref_slice %arg10[%dma_start3A_298, %dma_start3A_299] : memref<10112x128xf32, #tpu.memory_space<vmem_shared>> -> memref<10112x128xf32, #tpu.memory_space<vmem_shared>>
        tpu.enqueue_indirect_dma source(%dma_start3A_294 : memref<128x128xf32, #tpu.memory_space<vmem>>) target(%dma_start3A_300 : memref<10112x128xf32, #tpu.memory_space<vmem_shared>>) offsets(%dma_start3A_297 : memref<128xi32, #tpu.memory_space<vmem>>) semaphore(%run_scoped3A_290 : memref<!tpu.dma_semaphore, #tpu.memory_space<semaphore_mem>>) {add = true}
        %dma_wait3A_301 = arith.constant 0 : i32
        %dma_wait3A_302 = arith.constant 0 : i32
        %dma_wait3A_303 = tpu.memref_slice %arg9[%run_scoped3A_264, %dma_wait3A_301, %dma_wait3A_302] : memref<2x128x128xf32, #tpu.memory_space<vmem>> -> memref<1x128x128xf32, #tpu.memory_space<vmem>>
        %dma_wait3A_304 = tpu.memref_squeeze %dma_wait3A_303 : memref<1x128x128xf32, #tpu.memory_space<vmem>> -> memref<128x128xf32, #tpu.memory_space<vmem>>
        %dma_wait3A_305 = arith.constant 0 : i32
        %dma_wait3A_306 = tpu.memref_slice %arg8[%rem3A_27, %run_scoped3A_265, %dma_wait3A_305] : memref<2x8x128xi32, #tpu.memory_space<vmem>> -> memref<1x1x128xi32, #tpu.memory_space<vmem>>
        %dma_wait3A_307 = tpu.memref_squeeze %dma_wait3A_306 : memref<1x1x128xi32, #tpu.memory_space<vmem>> -> memref<128xi32, #tpu.memory_space<vmem>>
        %dma_wait3A_308 = arith.constant 0 : i32
        %dma_wait3A_309 = arith.constant 0 : i32
        %dma_wait3A_310 = tpu.memref_slice %arg10[%dma_wait3A_308, %dma_wait3A_309] : memref<10112x128xf32, #tpu.memory_space<vmem_shared>> -> memref<10112x128xf32, #tpu.memory_space<vmem_shared>>
        tpu.wait_indirect_dma semaphore(%run_scoped3A_290 : memref<!tpu.dma_semaphore, #tpu.memory_space<semaphore_mem>>) src(%dma_wait3A_304 : memref<128x128xf32, #tpu.memory_space<vmem>>) dst(%dma_wait3A_310 : memref<10112x128xf32, #tpu.memory_space<vmem_shared>>)
        tpu.yield
      }) : () -> ()
      %dma_wait3A_266 = arith.constant 0 : i32
      %dma_wait3A_267 = arith.constant 0 : i32
      %dma_wait3A_268 = tpu.memref_slice %arg7[%sub3A_28, %dma_wait3A_266, %dma_wait3A_267] : memref<2x8x128xi32, #tpu.memory_space<vmem>> -> memref<1x8x128xi32, #tpu.memory_space<vmem>>
      %dma_wait3A_269 = tpu.memref_squeeze %dma_wait3A_268 : memref<1x8x128xi32, #tpu.memory_space<vmem>> -> memref<8x128xi32, #tpu.memory_space<vmem>>
      %dma_wait3A_270 = arith.constant 0 : i32
      %dma_wait3A_271 = tpu.memref_slice %arg3[%add3A_35, %dma_wait3A_270] : memref<2560x128xi32, #tpu.memory_space<hbm>> -> memref<8x128xi32, #tpu.memory_space<hbm>>
      %dma_wait3A_272 = arith.constant 0 : i32
      %dma_wait3A_273 = arith.constant 0 : i32
      %dma_wait3A_274 = tpu.memref_slice %arg7[%sub3A_28, %dma_wait3A_272, %dma_wait3A_273] : memref<2x8x128xi32, #tpu.memory_space<vmem>> -> memref<1x8x128xi32, #tpu.memory_space<vmem>>
      %dma_wait3A_275 = tpu.memref_squeeze %dma_wait3A_274 : memref<1x8x128xi32, #tpu.memory_space<vmem>> -> memref<8x128xi32, #tpu.memory_space<vmem>>
      %dma_wait3A_276 = arith.constant 0 : i32
      %dma_wait3A_277 = tpu.memref_slice %arg3[%add3A_35, %dma_wait3A_276] : memref<2560x128xi32, #tpu.memory_space<hbm>> -> memref<8x128xi32, #tpu.memory_space<hbm>>
      tpu.wait_dma2 semaphore(%arg13 : memref<!tpu.dma_semaphore, #tpu.memory_space<semaphore_mem>>) src(%dma_wait3A_277 : memref<8x128xi32, #tpu.memory_space<hbm>>) dst(%dma_wait3A_275 : memref<8x128xi32, #tpu.memory_space<vmem>>)
      %dma_wait3A_278 = arith.constant 0 : i32
      %dma_wait3A_279 = arith.constant 0 : i32
      %dma_wait3A_280 = tpu.memref_slice %arg8[%sub3A_28, %dma_wait3A_278, %dma_wait3A_279] : memref<2x8x128xi32, #tpu.memory_space<vmem>> -> memref<1x8x128xi32, #tpu.memory_space<vmem>>
      %dma_wait3A_281 = tpu.memref_squeeze %dma_wait3A_280 : memref<1x8x128xi32, #tpu.memory_space<vmem>> -> memref<8x128xi32, #tpu.memory_space<vmem>>
      %dma_wait3A_282 = arith.constant 0 : i32
      %dma_wait3A_283 = tpu.memref_slice %arg4[%add3A_35, %dma_wait3A_282] : memref<2560x128xi32, #tpu.memory_space<hbm>> -> memref<8x128xi32, #tpu.memory_space<hbm>>
      %dma_wait3A_284 = arith.constant 0 : i32
      %dma_wait3A_285 = arith.constant 0 : i32
      %dma_wait3A_286 = tpu.memref_slice %arg8[%sub3A_28, %dma_wait3A_284, %dma_wait3A_285] : memref<2x8x128xi32, #tpu.memory_space<vmem>> -> memref<1x8x128xi32, #tpu.memory_space<vmem>>
      %dma_wait3A_287 = tpu.memref_squeeze %dma_wait3A_286 : memref<1x8x128xi32, #tpu.memory_space<vmem>> -> memref<8x128xi32, #tpu.memory_space<vmem>>
      %dma_wait3A_288 = arith.constant 0 : i32
      %dma_wait3A_289 = tpu.memref_slice %arg4[%add3A_35, %dma_wait3A_288] : memref<2560x128xi32, #tpu.memory_space<hbm>> -> memref<8x128xi32, #tpu.memory_space<hbm>>
      tpu.wait_dma2 semaphore(%arg14 : memref<!tpu.dma_semaphore, #tpu.memory_space<semaphore_mem>>) src(%dma_wait3A_289 : memref<8x128xi32, #tpu.memory_space<hbm>>) dst(%dma_wait3A_287 : memref<8x128xi32, #tpu.memory_space<vmem>>)
    }
    %while3A_20 = arith.constant 1 : i32
    scf.for %while3A_26 = %while3A_18 to %while3A_14 step %while3A_20  : i32 {
      %rem3A = arith.constant 2 : i32
      %rem3A_27 = arith.remsi %while3A_26, %rem3A : i32
      %sub3A = arith.constant 1 : i32
      %sub3A_28 = arith.subi %sub3A, %rem3A_27 : i32
      %add3A_29 = arith.constant 1 : i32
      %add3A_30 = arith.addi %while3A_26, %add3A_29 : i32
      %sub3A_31 = arith.constant 1 : i32
      %sub3A_32 = arith.subi %select_n3A_8, %sub3A_31 : i32
      %min3A = arith.minsi %add3A_30, %sub3A_32 : i32
      %mul3A_33 = arith.constant 8 : i32
      %mul3A_34 = arith.muli %min3A, %mul3A_33 : i32
      %add3A_35 = arith.addi %select_n3A, %mul3A_34 : i32
      %dma_start3A = arith.constant 0 : i32
      %dma_start3A_36 = arith.constant 0 : i32
      %dma_start3A_37 = tpu.memref_slice %arg7[%sub3A_28, %dma_start3A, %dma_start3A_36] : memref<2x8x128xi32, #tpu.memory_space<vmem>> -> memref<1x8x128xi32, #tpu.memory_space<vmem>>
      %dma_start3A_38 = tpu.memref_squeeze %dma_start3A_37 : memref<1x8x128xi32, #tpu.memory_space<vmem>> -> memref<8x128xi32, #tpu.memory_space<vmem>>
      %dma_start3A_39 = arith.constant 0 : i32
      %dma_start3A_40 = tpu.memref_slice %arg3[%add3A_35, %dma_start3A_39] : memref<2560x128xi32, #tpu.memory_space<hbm>> -> memref<8x128xi32, #tpu.memory_space<hbm>>
      %dma_start3A_41 = arith.constant 0 : i32
      %dma_start3A_42 = arith.constant 0 : i32
      %dma_start3A_43 = tpu.memref_slice %arg7[%sub3A_28, %dma_start3A_41, %dma_start3A_42] : memref<2x8x128xi32, #tpu.memory_space<vmem>> -> memref<1x8x128xi32, #tpu.memory_space<vmem>>
      %dma_start3A_44 = tpu.memref_squeeze %dma_start3A_43 : memref<1x8x128xi32, #tpu.memory_space<vmem>> -> memref<8x128xi32, #tpu.memory_space<vmem>>
      %dma_start3A_45 = arith.constant 0 : i32
      %dma_start3A_46 = tpu.memref_slice %arg3[%add3A_35, %dma_start3A_45] : memref<2560x128xi32, #tpu.memory_space<hbm>> -> memref<8x128xi32, #tpu.memory_space<hbm>>
      tpu.enqueue_dma source(%dma_start3A_46 : memref<8x128xi32, #tpu.memory_space<hbm>>) target(%dma_start3A_44 : memref<8x128xi32, #tpu.memory_space<vmem>>) target_semaphore(%arg13 : memref<!tpu.dma_semaphore, #tpu.memory_space<semaphore_mem>>)
      %dma_start3A_47 = arith.constant 0 : i32
      %dma_start3A_48 = arith.constant 0 : i32
      %dma_start3A_49 = tpu.memref_slice %arg8[%sub3A_28, %dma_start3A_47, %dma_start3A_48] : memref<2x8x128xi32, #tpu.memory_space<vmem>> -> memref<1x8x128xi32, #tpu.memory_space<vmem>>
      %dma_start3A_50 = tpu.memref_squeeze %dma_start3A_49 : memref<1x8x128xi32, #tpu.memory_space<vmem>> -> memref<8x128xi32, #tpu.memory_space<vmem>>
      %dma_start3A_51 = arith.constant 0 : i32
      %dma_start3A_52 = tpu.memref_slice %arg4[%add3A_35, %dma_start3A_51] : memref<2560x128xi32, #tpu.memory_space<hbm>> -> memref<8x128xi32, #tpu.memory_space<hbm>>
      %dma_start3A_53 = arith.constant 0 : i32
      %dma_start3A_54 = arith.constant 0 : i32
      %dma_start3A_55 = tpu.memref_slice %arg8[%sub3A_28, %dma_start3A_53, %dma_start3A_54] : memref<2x8x128xi32, #tpu.memory_space<vmem>> -> memref<1x8x128xi32, #tpu.memory_space<vmem>>
      %dma_start3A_56 = tpu.memref_squeeze %dma_start3A_55 : memref<1x8x128xi32, #tpu.memory_space<vmem>> -> memref<8x128xi32, #tpu.memory_space<vmem>>
      %dma_start3A_57 = arith.constant 0 : i32
      %dma_start3A_58 = tpu.memref_slice %arg4[%add3A_35, %dma_start3A_57] : memref<2560x128xi32, #tpu.memory_space<hbm>> -> memref<8x128xi32, #tpu.memory_space<hbm>>
      tpu.enqueue_dma source(%dma_start3A_58 : memref<8x128xi32, #tpu.memory_space<hbm>>) target(%dma_start3A_56 : memref<8x128xi32, #tpu.memory_space<vmem>>) target_semaphore(%arg14 : memref<!tpu.dma_semaphore, #tpu.memory_space<semaphore_mem>>)
      %dma_start3A_59 = arith.constant 0 : i32
      %dma_start3A_60 = arith.constant 0 : i32
      %dma_start3A_61 = arith.constant 0 : i32
      %dma_start3A_62 = arith.constant 0 : i32
      %dma_start3A_63 = tpu.memref_slice %arg9[%dma_start3A_60, %dma_start3A_61, %dma_start3A_62] : memref<2x128x128xf32, #tpu.memory_space<vmem>> -> memref<1x128x128xf32, #tpu.memory_space<vmem>>
      %dma_start3A_64 = tpu.memref_squeeze %dma_start3A_63 : memref<1x128x128xf32, #tpu.memory_space<vmem>> -> memref<128x128xf32, #tpu.memory_space<vmem>>
      %dma_start3A_65 = arith.constant 0 : i32
      %dma_start3A_66 = tpu.memref_slice %arg7[%rem3A_27, %dma_start3A_59, %dma_start3A_65] : memref<2x8x128xi32, #tpu.memory_space<vmem>> -> memref<1x1x128xi32, #tpu.memory_space<vmem>>
      %dma_start3A_67 = tpu.memref_squeeze %dma_start3A_66 : memref<1x1x128xi32, #tpu.memory_space<vmem>> -> memref<128xi32, #tpu.memory_space<vmem>>
      %dma_start3A_68 = arith.constant 0 : i32
      %dma_start3A_69 = arith.constant 0 : i32
      %dma_start3A_70 = tpu.memref_slice %arg2[%dma_start3A_68, %dma_start3A_69] : memref<10112x128xf32, #tpu.memory_space<hbm>> -> memref<10112x128xf32, #tpu.memory_space<hbm>>
      tpu.enqueue_indirect_dma source(%dma_start3A_70 : memref<10112x128xf32, #tpu.memory_space<hbm>>) target(%dma_start3A_64 : memref<128x128xf32, #tpu.memory_space<vmem>>) offsets(%dma_start3A_67 : memref<128xi32, #tpu.memory_space<vmem>>) semaphore(%arg11 : memref<!tpu.dma_semaphore, #tpu.memory_space<semaphore_mem>>)
      %dma_start3A_71 = arith.constant 1 : i32
      %dma_start3A_72 = arith.constant 1 : i32
      %dma_start3A_73 = arith.constant 0 : i32
      %dma_start3A_74 = arith.constant 0 : i32
      %dma_start3A_75 = tpu.memref_slice %arg9[%dma_start3A_72, %dma_start3A_73, %dma_start3A_74] : memref<2x128x128xf32, #tpu.memory_space<vmem>> -> memref<1x128x128xf32, #tpu.memory_space<vmem>>
      %dma_start3A_76 = tpu.memref_squeeze %dma_start3A_75 : memref<1x128x128xf32, #tpu.memory_space<vmem>> -> memref<128x128xf32, #tpu.memory_space<vmem>>
      %dma_start3A_77 = arith.constant 0 : i32
      %dma_start3A_78 = tpu.memref_slice %arg7[%rem3A_27, %dma_start3A_71, %dma_start3A_77] : memref<2x8x128xi32, #tpu.memory_space<vmem>> -> memref<1x1x128xi32, #tpu.memory_space<vmem>>
      %dma_start3A_79 = tpu.memref_squeeze %dma_start3A_78 : memref<1x1x128xi32, #tpu.memory_space<vmem>> -> memref<128xi32, #tpu.memory_space<vmem>>
      %dma_start3A_80 = arith.constant 0 : i32
      %dma_start3A_81 = arith.constant 0 : i32
      %dma_start3A_82 = tpu.memref_slice %arg2[%dma_start3A_80, %dma_start3A_81] : memref<10112x128xf32, #tpu.memory_space<hbm>> -> memref<10112x128xf32, #tpu.memory_space<hbm>>
      tpu.enqueue_indirect_dma source(%dma_start3A_82 : memref<10112x128xf32, #tpu.memory_space<hbm>>) target(%dma_start3A_76 : memref<128x128xf32, #tpu.memory_space<vmem>>) offsets(%dma_start3A_79 : memref<128xi32, #tpu.memory_space<vmem>>) semaphore(%arg12 : memref<!tpu.dma_semaphore, #tpu.memory_space<semaphore_mem>>)
      %dma_wait3A = arith.constant 0 : i32
      %dma_wait3A_83 = arith.constant 0 : i32
      %dma_wait3A_84 = arith.constant 0 : i32
      %dma_wait3A_85 = arith.constant 0 : i32
      %dma_wait3A_86 = tpu.memref_slice %arg9[%dma_wait3A_83, %dma_wait3A_84, %dma_wait3A_85] : memref<2x128x128xf32, #tpu.memory_space<vmem>> -> memref<1x128x128xf32, #tpu.memory_space<vmem>>
      %dma_wait3A_87 = tpu.memref_squeeze %dma_wait3A_86 : memref<1x128x128xf32, #tpu.memory_space<vmem>> -> memref<128x128xf32, #tpu.memory_space<vmem>>
      %dma_wait3A_88 = arith.constant 0 : i32
      %dma_wait3A_89 = tpu.memref_slice %arg7[%rem3A_27, %dma_wait3A, %dma_wait3A_88] : memref<2x8x128xi32, #tpu.memory_space<vmem>> -> memref<1x1x128xi32, #tpu.memory_space<vmem>>
      %dma_wait3A_90 = tpu.memref_squeeze %dma_wait3A_89 : memref<1x1x128xi32, #tpu.memory_space<vmem>> -> memref<128xi32, #tpu.memory_space<vmem>>
      %dma_wait3A_91 = arith.constant 0 : i32
      %dma_wait3A_92 = arith.constant 0 : i32
      %dma_wait3A_93 = tpu.memref_slice %arg2[%dma_wait3A_91, %dma_wait3A_92] : memref<10112x128xf32, #tpu.memory_space<hbm>> -> memref<10112x128xf32, #tpu.memory_space<hbm>>
      tpu.wait_indirect_dma semaphore(%arg11 : memref<!tpu.dma_semaphore, #tpu.memory_space<semaphore_mem>>) src(%dma_wait3A_93 : memref<10112x128xf32, #tpu.memory_space<hbm>>) dst(%dma_wait3A_87 : memref<128x128xf32, #tpu.memory_space<vmem>>)
      %run_scoped3A_94 = arith.constant 0 : i32
      %run_scoped3A_95 = arith.constant 0 : i32
      "tpu.region"() ({
        %run_scoped3A_290 = tpu.sem_alloc : memref<!tpu.dma_semaphore, #tpu.memory_space<semaphore_mem>>
        %dma_start3A_291 = arith.constant 0 : i32
        %dma_start3A_292 = arith.constant 0 : i32
        %dma_start3A_293 = tpu.memref_slice %arg9[%run_scoped3A_94, %dma_start3A_291, %dma_start3A_292] : memref<2x128x128xf32, #tpu.memory_space<vmem>> -> memref<1x128x128xf32, #tpu.memory_space<vmem>>
        %dma_start3A_294 = tpu.memref_squeeze %dma_start3A_293 : memref<1x128x128xf32, #tpu.memory_space<vmem>> -> memref<128x128xf32, #tpu.memory_space<vmem>>
        %dma_start3A_295 = arith.constant 0 : i32
        %dma_start3A_296 = tpu.memref_slice %arg8[%rem3A_27, %run_scoped3A_95, %dma_start3A_295] : memref<2x8x128xi32, #tpu.memory_space<vmem>> -> memref<1x1x128xi32, #tpu.memory_space<vmem>>
        %dma_start3A_297 = tpu.memref_squeeze %dma_start3A_296 : memref<1x1x128xi32, #tpu.memory_space<vmem>> -> memref<128xi32, #tpu.memory_space<vmem>>
        %dma_start3A_298 = arith.constant 0 : i32
        %dma_start3A_299 = arith.constant 0 : i32
        %dma_start3A_300 = tpu.memref_slice %arg10[%dma_start3A_298, %dma_start3A_299] : memref<10112x128xf32, #tpu.memory_space<vmem_shared>> -> memref<10112x128xf32, #tpu.memory_space<vmem_shared>>
        tpu.enqueue_indirect_dma source(%dma_start3A_294 : memref<128x128xf32, #tpu.memory_space<vmem>>) target(%dma_start3A_300 : memref<10112x128xf32, #tpu.memory_space<vmem_shared>>) offsets(%dma_start3A_297 : memref<128xi32, #tpu.memory_space<vmem>>) semaphore(%run_scoped3A_290 : memref<!tpu.dma_semaphore, #tpu.memory_space<semaphore_mem>>) {add = true}
        %dma_wait3A_301 = arith.constant 0 : i32
        %dma_wait3A_302 = arith.constant 0 : i32
        %dma_wait3A_303 = tpu.memref_slice %arg9[%run_scoped3A_94, %dma_wait3A_301, %dma_wait3A_302] : memref<2x128x128xf32, #tpu.memory_space<vmem>> -> memref<1x128x128xf32, #tpu.memory_space<vmem>>
        %dma_wait3A_304 = tpu.memref_squeeze %dma_wait3A_303 : memref<1x128x128xf32, #tpu.memory_space<vmem>> -> memref<128x128xf32, #tpu.memory_space<vmem>>
        %dma_wait3A_305 = arith.constant 0 : i32
        %dma_wait3A_306 = tpu.memref_slice %arg8[%rem3A_27, %run_scoped3A_95, %dma_wait3A_305] : memref<2x8x128xi32, #tpu.memory_space<vmem>> -> memref<1x1x128xi32, #tpu.memory_space<vmem>>
        %dma_wait3A_307 = tpu.memref_squeeze %dma_wait3A_306 : memref<1x1x128xi32, #tpu.memory_space<vmem>> -> memref<128xi32, #tpu.memory_space<vmem>>
        %dma_wait3A_308 = arith.constant 0 : i32
        %dma_wait3A_309 = arith.constant 0 : i32
        %dma_wait3A_310 = tpu.memref_slice %arg10[%dma_wait3A_308, %dma_wait3A_309] : memref<10112x128xf32, #tpu.memory_space<vmem_shared>> -> memref<10112x128xf32, #tpu.memory_space<vmem_shared>>
        tpu.wait_indirect_dma semaphore(%run_scoped3A_290 : memref<!tpu.dma_semaphore, #tpu.memory_space<semaphore_mem>>) src(%dma_wait3A_304 : memref<128x128xf32, #tpu.memory_space<vmem>>) dst(%dma_wait3A_310 : memref<10112x128xf32, #tpu.memory_space<vmem_shared>>)
        tpu.yield
      }) : () -> ()
      %dma_wait3A_96 = arith.constant 1 : i32
      %dma_wait3A_97 = arith.constant 1 : i32
      %dma_wait3A_98 = arith.constant 0 : i32
      %dma_wait3A_99 = arith.constant 0 : i32
      %dma_wait3A_100 = tpu.memref_slice %arg9[%dma_wait3A_97, %dma_wait3A_98, %dma_wait3A_99] : memref<2x128x128xf32, #tpu.memory_space<vmem>> -> memref<1x128x128xf32, #tpu.memory_space<vmem>>
      %dma_wait3A_101 = tpu.memref_squeeze %dma_wait3A_100 : memref<1x128x128xf32, #tpu.memory_space<vmem>> -> memref<128x128xf32, #tpu.memory_space<vmem>>
      %dma_wait3A_102 = arith.constant 0 : i32
      %dma_wait3A_103 = tpu.memref_slice %arg7[%rem3A_27, %dma_wait3A_96, %dma_wait3A_102] : memref<2x8x128xi32, #tpu.memory_space<vmem>> -> memref<1x1x128xi32, #tpu.memory_space<vmem>>
      %dma_wait3A_104 = tpu.memref_squeeze %dma_wait3A_103 : memref<1x1x128xi32, #tpu.memory_space<vmem>> -> memref<128xi32, #tpu.memory_space<vmem>>
      %dma_wait3A_105 = arith.constant 0 : i32
      %dma_wait3A_106 = arith.constant 0 : i32
      %dma_wait3A_107 = tpu.memref_slice %arg2[%dma_wait3A_105, %dma_wait3A_106] : memref<10112x128xf32, #tpu.memory_space<hbm>> -> memref<10112x128xf32, #tpu.memory_space<hbm>>
      tpu.wait_indirect_dma semaphore(%arg12 : memref<!tpu.dma_semaphore, #tpu.memory_space<semaphore_mem>>) src(%dma_wait3A_107 : memref<10112x128xf32, #tpu.memory_space<hbm>>) dst(%dma_wait3A_101 : memref<128x128xf32, #tpu.memory_space<vmem>>)
      %run_scoped3A_108 = arith.constant 1 : i32
      %run_scoped3A_109 = arith.constant 1 : i32
      "tpu.region"() ({
        %run_scoped3A_290 = tpu.sem_alloc : memref<!tpu.dma_semaphore, #tpu.memory_space<semaphore_mem>>
        %dma_start3A_291 = arith.constant 0 : i32
        %dma_start3A_292 = arith.constant 0 : i32
        %dma_start3A_293 = tpu.memref_slice %arg9[%run_scoped3A_108, %dma_start3A_291, %dma_start3A_292] : memref<2x128x128xf32, #tpu.memory_space<vmem>> -> memref<1x128x128xf32, #tpu.memory_space<vmem>>
        %dma_start3A_294 = tpu.memref_squeeze %dma_start3A_293 : memref<1x128x128xf32, #tpu.memory_space<vmem>> -> memref<128x128xf32, #tpu.memory_space<vmem>>
        %dma_start3A_295 = arith.constant 0 : i32
        %dma_start3A_296 = tpu.memref_slice %arg8[%rem3A_27, %run_scoped3A_109, %dma_start3A_295] : memref<2x8x128xi32, #tpu.memory_space<vmem>> -> memref<1x1x128xi32, #tpu.memory_space<vmem>>
        %dma_start3A_297 = tpu.memref_squeeze %dma_start3A_296 : memref<1x1x128xi32, #tpu.memory_space<vmem>> -> memref<128xi32, #tpu.memory_space<vmem>>
        %dma_start3A_298 = arith.constant 0 : i32
        %dma_start3A_299 = arith.constant 0 : i32
        %dma_start3A_300 = tpu.memref_slice %arg10[%dma_start3A_298, %dma_start3A_299] : memref<10112x128xf32, #tpu.memory_space<vmem_shared>> -> memref<10112x128xf32, #tpu.memory_space<vmem_shared>>
        tpu.enqueue_indirect_dma source(%dma_start3A_294 : memref<128x128xf32, #tpu.memory_space<vmem>>) target(%dma_start3A_300 : memref<10112x128xf32, #tpu.memory_space<vmem_shared>>) offsets(%dma_start3A_297 : memref<128xi32, #tpu.memory_space<vmem>>) semaphore(%run_scoped3A_290 : memref<!tpu.dma_semaphore, #tpu.memory_space<semaphore_mem>>) {add = true}
        %dma_wait3A_301 = arith.constant 0 : i32
        %dma_wait3A_302 = arith.constant 0 : i32
        %dma_wait3A_303 = tpu.memref_slice %arg9[%run_scoped3A_108, %dma_wait3A_301, %dma_wait3A_302] : memref<2x128x128xf32, #tpu.memory_space<vmem>> -> memref<1x128x128xf32, #tpu.memory_space<vmem>>
        %dma_wait3A_304 = tpu.memref_squeeze %dma_wait3A_303 : memref<1x128x128xf32, #tpu.memory_space<vmem>> -> memref<128x128xf32, #tpu.memory_space<vmem>>
        %dma_wait3A_305 = arith.constant 0 : i32
        %dma_wait3A_306 = tpu.memref_slice %arg8[%rem3A_27, %run_scoped3A_109, %dma_wait3A_305] : memref<2x8x128xi32, #tpu.memory_space<vmem>> -> memref<1x1x128xi32, #tpu.memory_space<vmem>>
        %dma_wait3A_307 = tpu.memref_squeeze %dma_wait3A_306 : memref<1x1x128xi32, #tpu.memory_space<vmem>> -> memref<128xi32, #tpu.memory_space<vmem>>
        %dma_wait3A_308 = arith.constant 0 : i32
        %dma_wait3A_309 = arith.constant 0 : i32
        %dma_wait3A_310 = tpu.memref_slice %arg10[%dma_wait3A_308, %dma_wait3A_309] : memref<10112x128xf32, #tpu.memory_space<vmem_shared>> -> memref<10112x128xf32, #tpu.memory_space<vmem_shared>>
        tpu.wait_indirect_dma semaphore(%run_scoped3A_290 : memref<!tpu.dma_semaphore, #tpu.memory_space<semaphore_mem>>) src(%dma_wait3A_304 : memref<128x128xf32, #tpu.memory_space<vmem>>) dst(%dma_wait3A_310 : memref<10112x128xf32, #tpu.memory_space<vmem_shared>>)
        tpu.yield
      }) : () -> ()
      %dma_start3A_110 = arith.constant 2 : i32
      %dma_start3A_111 = arith.constant 0 : i32
      %dma_start3A_112 = arith.constant 0 : i32
      %dma_start3A_113 = arith.constant 0 : i32
      %dma_start3A_114 = tpu.memref_slice %arg9[%dma_start3A_111, %dma_start3A_112, %dma_start3A_113] : memref<2x128x128xf32, #tpu.memory_space<vmem>> -> memref<1x128x128xf32, #tpu.memory_space<vmem>>
      %dma_start3A_115 = tpu.memref_squeeze %dma_start3A_114 : memref<1x128x128xf32, #tpu.memory_space<vmem>> -> memref<128x128xf32, #tpu.memory_space<vmem>>
      %dma_start3A_116 = arith.constant 0 : i32
      %dma_start3A_117 = tpu.memref_slice %arg7[%rem3A_27, %dma_start3A_110, %dma_start3A_116] : memref<2x8x128xi32, #tpu.memory_space<vmem>> -> memref<1x1x128xi32, #tpu.memory_space<vmem>>
      %dma_start3A_118 = tpu.memref_squeeze %dma_start3A_117 : memref<1x1x128xi32, #tpu.memory_space<vmem>> -> memref<128xi32, #tpu.memory_space<vmem>>
      %dma_start3A_119 = arith.constant 0 : i32
      %dma_start3A_120 = arith.constant 0 : i32
      %dma_start3A_121 = tpu.memref_slice %arg2[%dma_start3A_119, %dma_start3A_120] : memref<10112x128xf32, #tpu.memory_space<hbm>> -> memref<10112x128xf32, #tpu.memory_space<hbm>>
      tpu.enqueue_indirect_dma source(%dma_start3A_121 : memref<10112x128xf32, #tpu.memory_space<hbm>>) target(%dma_start3A_115 : memref<128x128xf32, #tpu.memory_space<vmem>>) offsets(%dma_start3A_118 : memref<128xi32, #tpu.memory_space<vmem>>) semaphore(%arg11 : memref<!tpu.dma_semaphore, #tpu.memory_space<semaphore_mem>>)
      %dma_start3A_122 = arith.constant 3 : i32
      %dma_start3A_123 = arith.constant 1 : i32
      %dma_start3A_124 = arith.constant 0 : i32
      %dma_start3A_125 = arith.constant 0 : i32
      %dma_start3A_126 = tpu.memref_slice %arg9[%dma_start3A_123, %dma_start3A_124, %dma_start3A_125] : memref<2x128x128xf32, #tpu.memory_space<vmem>> -> memref<1x128x128xf32, #tpu.memory_space<vmem>>
      %dma_start3A_127 = tpu.memref_squeeze %dma_start3A_126 : memref<1x128x128xf32, #tpu.memory_space<vmem>> -> memref<128x128xf32, #tpu.memory_space<vmem>>
      %dma_start3A_128 = arith.constant 0 : i32
      %dma_start3A_129 = tpu.memref_slice %arg7[%rem3A_27, %dma_start3A_122, %dma_start3A_128] : memref<2x8x128xi32, #tpu.memory_space<vmem>> -> memref<1x1x128xi32, #tpu.memory_space<vmem>>
      %dma_start3A_130 = tpu.memref_squeeze %dma_start3A_129 : memref<1x1x128xi32, #tpu.memory_space<vmem>> -> memref<128xi32, #tpu.memory_space<vmem>>
      %dma_start3A_131 = arith.constant 0 : i32
      %dma_start3A_132 = arith.constant 0 : i32
      %dma_start3A_133 = tpu.memref_slice %arg2[%dma_start3A_131, %dma_start3A_132] : memref<10112x128xf32, #tpu.memory_space<hbm>> -> memref<10112x128xf32, #tpu.memory_space<hbm>>
      tpu.enqueue_indirect_dma source(%dma_start3A_133 : memref<10112x128xf32, #tpu.memory_space<hbm>>) target(%dma_start3A_127 : memref<128x128xf32, #tpu.memory_space<vmem>>) offsets(%dma_start3A_130 : memref<128xi32, #tpu.memory_space<vmem>>) semaphore(%arg12 : memref<!tpu.dma_semaphore, #tpu.memory_space<semaphore_mem>>)
      %dma_wait3A_134 = arith.constant 2 : i32
      %dma_wait3A_135 = arith.constant 0 : i32
      %dma_wait3A_136 = arith.constant 0 : i32
      %dma_wait3A_137 = arith.constant 0 : i32
      %dma_wait3A_138 = tpu.memref_slice %arg9[%dma_wait3A_135, %dma_wait3A_136, %dma_wait3A_137] : memref<2x128x128xf32, #tpu.memory_space<vmem>> -> memref<1x128x128xf32, #tpu.memory_space<vmem>>
      %dma_wait3A_139 = tpu.memref_squeeze %dma_wait3A_138 : memref<1x128x128xf32, #tpu.memory_space<vmem>> -> memref<128x128xf32, #tpu.memory_space<vmem>>
      %dma_wait3A_140 = arith.constant 0 : i32
      %dma_wait3A_141 = tpu.memref_slice %arg7[%rem3A_27, %dma_wait3A_134, %dma_wait3A_140] : memref<2x8x128xi32, #tpu.memory_space<vmem>> -> memref<1x1x128xi32, #tpu.memory_space<vmem>>
      %dma_wait3A_142 = tpu.memref_squeeze %dma_wait3A_141 : memref<1x1x128xi32, #tpu.memory_space<vmem>> -> memref<128xi32, #tpu.memory_space<vmem>>
      %dma_wait3A_143 = arith.constant 0 : i32
      %dma_wait3A_144 = arith.constant 0 : i32
      %dma_wait3A_145 = tpu.memref_slice %arg2[%dma_wait3A_143, %dma_wait3A_144] : memref<10112x128xf32, #tpu.memory_space<hbm>> -> memref<10112x128xf32, #tpu.memory_space<hbm>>
      tpu.wait_indirect_dma semaphore(%arg11 : memref<!tpu.dma_semaphore, #tpu.memory_space<semaphore_mem>>) src(%dma_wait3A_145 : memref<10112x128xf32, #tpu.memory_space<hbm>>) dst(%dma_wait3A_139 : memref<128x128xf32, #tpu.memory_space<vmem>>)
      %run_scoped3A_146 = arith.constant 0 : i32
      %run_scoped3A_147 = arith.constant 2 : i32
      "tpu.region"() ({
        %run_scoped3A_290 = tpu.sem_alloc : memref<!tpu.dma_semaphore, #tpu.memory_space<semaphore_mem>>
        %dma_start3A_291 = arith.constant 0 : i32
        %dma_start3A_292 = arith.constant 0 : i32
        %dma_start3A_293 = tpu.memref_slice %arg9[%run_scoped3A_146, %dma_start3A_291, %dma_start3A_292] : memref<2x128x128xf32, #tpu.memory_space<vmem>> -> memref<1x128x128xf32, #tpu.memory_space<vmem>>
        %dma_start3A_294 = tpu.memref_squeeze %dma_start3A_293 : memref<1x128x128xf32, #tpu.memory_space<vmem>> -> memref<128x128xf32, #tpu.memory_space<vmem>>
        %dma_start3A_295 = arith.constant 0 : i32
        %dma_start3A_296 = tpu.memref_slice %arg8[%rem3A_27, %run_scoped3A_147, %dma_start3A_295] : memref<2x8x128xi32, #tpu.memory_space<vmem>> -> memref<1x1x128xi32, #tpu.memory_space<vmem>>
        %dma_start3A_297 = tpu.memref_squeeze %dma_start3A_296 : memref<1x1x128xi32, #tpu.memory_space<vmem>> -> memref<128xi32, #tpu.memory_space<vmem>>
        %dma_start3A_298 = arith.constant 0 : i32
        %dma_start3A_299 = arith.constant 0 : i32
        %dma_start3A_300 = tpu.memref_slice %arg10[%dma_start3A_298, %dma_start3A_299] : memref<10112x128xf32, #tpu.memory_space<vmem_shared>> -> memref<10112x128xf32, #tpu.memory_space<vmem_shared>>
        tpu.enqueue_indirect_dma source(%dma_start3A_294 : memref<128x128xf32, #tpu.memory_space<vmem>>) target(%dma_start3A_300 : memref<10112x128xf32, #tpu.memory_space<vmem_shared>>) offsets(%dma_start3A_297 : memref<128xi32, #tpu.memory_space<vmem>>) semaphore(%run_scoped3A_290 : memref<!tpu.dma_semaphore, #tpu.memory_space<semaphore_mem>>) {add = true}
        %dma_wait3A_301 = arith.constant 0 : i32
        %dma_wait3A_302 = arith.constant 0 : i32
        %dma_wait3A_303 = tpu.memref_slice %arg9[%run_scoped3A_146, %dma_wait3A_301, %dma_wait3A_302] : memref<2x128x128xf32, #tpu.memory_space<vmem>> -> memref<1x128x128xf32, #tpu.memory_space<vmem>>
        %dma_wait3A_304 = tpu.memref_squeeze %dma_wait3A_303 : memref<1x128x128xf32, #tpu.memory_space<vmem>> -> memref<128x128xf32, #tpu.memory_space<vmem>>
        %dma_wait3A_305 = arith.constant 0 : i32
        %dma_wait3A_306 = tpu.memref_slice %arg8[%rem3A_27, %run_scoped3A_147, %dma_wait3A_305] : memref<2x8x128xi32, #tpu.memory_space<vmem>> -> memref<1x1x128xi32, #tpu.memory_space<vmem>>
        %dma_wait3A_307 = tpu.memref_squeeze %dma_wait3A_306 : memref<1x1x128xi32, #tpu.memory_space<vmem>> -> memref<128xi32, #tpu.memory_space<vmem>>
        %dma_wait3A_308 = arith.constant 0 : i32
        %dma_wait3A_309 = arith.constant 0 : i32
        %dma_wait3A_310 = tpu.memref_slice %arg10[%dma_wait3A_308, %dma_wait3A_309] : memref<10112x128xf32, #tpu.memory_space<vmem_shared>> -> memref<10112x128xf32, #tpu.memory_space<vmem_shared>>
        tpu.wait_indirect_dma semaphore(%run_scoped3A_290 : memref<!tpu.dma_semaphore, #tpu.memory_space<semaphore_mem>>) src(%dma_wait3A_304 : memref<128x128xf32, #tpu.memory_space<vmem>>) dst(%dma_wait3A_310 : memref<10112x128xf32, #tpu.memory_space<vmem_shared>>)
        tpu.yield
      }) : () -> ()
      %dma_wait3A_148 = arith.constant 3 : i32
      %dma_wait3A_149 = arith.constant 1 : i32
      %dma_wait3A_150 = arith.constant 0 : i32
      %dma_wait3A_151 = arith.constant 0 : i32
      %dma_wait3A_152 = tpu.memref_slice %arg9[%dma_wait3A_149, %dma_wait3A_150, %dma_wait3A_151] : memref<2x128x128xf32, #tpu.memory_space<vmem>> -> memref<1x128x128xf32, #tpu.memory_space<vmem>>
      %dma_wait3A_153 = tpu.memref_squeeze %dma_wait3A_152 : memref<1x128x128xf32, #tpu.memory_space<vmem>> -> memref<128x128xf32, #tpu.memory_space<vmem>>
      %dma_wait3A_154 = arith.constant 0 : i32
      %dma_wait3A_155 = tpu.memref_slice %arg7[%rem3A_27, %dma_wait3A_148, %dma_wait3A_154] : memref<2x8x128xi32, #tpu.memory_space<vmem>> -> memref<1x1x128xi32, #tpu.memory_space<vmem>>
      %dma_wait3A_156 = tpu.memref_squeeze %dma_wait3A_155 : memref<1x1x128xi32, #tpu.memory_space<vmem>> -> memref<128xi32, #tpu.memory_space<vmem>>
      %dma_wait3A_157 = arith.constant 0 : i32
      %dma_wait3A_158 = arith.constant 0 : i32
      %dma_wait3A_159 = tpu.memref_slice %arg2[%dma_wait3A_157, %dma_wait3A_158] : memref<10112x128xf32, #tpu.memory_space<hbm>> -> memref<10112x128xf32, #tpu.memory_space<hbm>>
      tpu.wait_indirect_dma semaphore(%arg12 : memref<!tpu.dma_semaphore, #tpu.memory_space<semaphore_mem>>) src(%dma_wait3A_159 : memref<10112x128xf32, #tpu.memory_space<hbm>>) dst(%dma_wait3A_153 : memref<128x128xf32, #tpu.memory_space<vmem>>)
      %run_scoped3A_160 = arith.constant 1 : i32
      %run_scoped3A_161 = arith.constant 3 : i32
      "tpu.region"() ({
        %run_scoped3A_290 = tpu.sem_alloc : memref<!tpu.dma_semaphore, #tpu.memory_space<semaphore_mem>>
        %dma_start3A_291 = arith.constant 0 : i32
        %dma_start3A_292 = arith.constant 0 : i32
        %dma_start3A_293 = tpu.memref_slice %arg9[%run_scoped3A_160, %dma_start3A_291, %dma_start3A_292] : memref<2x128x128xf32, #tpu.memory_space<vmem>> -> memref<1x128x128xf32, #tpu.memory_space<vmem>>
        %dma_start3A_294 = tpu.memref_squeeze %dma_start3A_293 : memref<1x128x128xf32, #tpu.memory_space<vmem>> -> memref<128x128xf32, #tpu.memory_space<vmem>>
        %dma_start3A_295 = arith.constant 0 : i32
        %dma_start3A_296 = tpu.memref_slice %arg8[%rem3A_27, %run_scoped3A_161, %dma_start3A_295] : memref<2x8x128xi32, #tpu.memory_space<vmem>> -> memref<1x1x128xi32, #tpu.memory_space<vmem>>
        %dma_start3A_297 = tpu.memref_squeeze %dma_start3A_296 : memref<1x1x128xi32, #tpu.memory_space<vmem>> -> memref<128xi32, #tpu.memory_space<vmem>>
        %dma_start3A_298 = arith.constant 0 : i32
        %dma_start3A_299 = arith.constant 0 : i32
        %dma_start3A_300 = tpu.memref_slice %arg10[%dma_start3A_298, %dma_start3A_299] : memref<10112x128xf32, #tpu.memory_space<vmem_shared>> -> memref<10112x128xf32, #tpu.memory_space<vmem_shared>>
        tpu.enqueue_indirect_dma source(%dma_start3A_294 : memref<128x128xf32, #tpu.memory_space<vmem>>) target(%dma_start3A_300 : memref<10112x128xf32, #tpu.memory_space<vmem_shared>>) offsets(%dma_start3A_297 : memref<128xi32, #tpu.memory_space<vmem>>) semaphore(%run_scoped3A_290 : memref<!tpu.dma_semaphore, #tpu.memory_space<semaphore_mem>>) {add = true}
        %dma_wait3A_301 = arith.constant 0 : i32
        %dma_wait3A_302 = arith.constant 0 : i32
        %dma_wait3A_303 = tpu.memref_slice %arg9[%run_scoped3A_160, %dma_wait3A_301, %dma_wait3A_302] : memref<2x128x128xf32, #tpu.memory_space<vmem>> -> memref<1x128x128xf32, #tpu.memory_space<vmem>>
        %dma_wait3A_304 = tpu.memref_squeeze %dma_wait3A_303 : memref<1x128x128xf32, #tpu.memory_space<vmem>> -> memref<128x128xf32, #tpu.memory_space<vmem>>
        %dma_wait3A_305 = arith.constant 0 : i32
        %dma_wait3A_306 = tpu.memref_slice %arg8[%rem3A_27, %run_scoped3A_161, %dma_wait3A_305] : memref<2x8x128xi32, #tpu.memory_space<vmem>> -> memref<1x1x128xi32, #tpu.memory_space<vmem>>
        %dma_wait3A_307 = tpu.memref_squeeze %dma_wait3A_306 : memref<1x1x128xi32, #tpu.memory_space<vmem>> -> memref<128xi32, #tpu.memory_space<vmem>>
        %dma_wait3A_308 = arith.constant 0 : i32
        %dma_wait3A_309 = arith.constant 0 : i32
        %dma_wait3A_310 = tpu.memref_slice %arg10[%dma_wait3A_308, %dma_wait3A_309] : memref<10112x128xf32, #tpu.memory_space<vmem_shared>> -> memref<10112x128xf32, #tpu.memory_space<vmem_shared>>
        tpu.wait_indirect_dma semaphore(%run_scoped3A_290 : memref<!tpu.dma_semaphore, #tpu.memory_space<semaphore_mem>>) src(%dma_wait3A_304 : memref<128x128xf32, #tpu.memory_space<vmem>>) dst(%dma_wait3A_310 : memref<10112x128xf32, #tpu.memory_space<vmem_shared>>)
        tpu.yield
      }) : () -> ()
      %dma_start3A_162 = arith.constant 4 : i32
      %dma_start3A_163 = arith.constant 0 : i32
      %dma_start3A_164 = arith.constant 0 : i32
      %dma_start3A_165 = arith.constant 0 : i32
      %dma_start3A_166 = tpu.memref_slice %arg9[%dma_start3A_163, %dma_start3A_164, %dma_start3A_165] : memref<2x128x128xf32, #tpu.memory_space<vmem>> -> memref<1x128x128xf32, #tpu.memory_space<vmem>>
      %dma_start3A_167 = tpu.memref_squeeze %dma_start3A_166 : memref<1x128x128xf32, #tpu.memory_space<vmem>> -> memref<128x128xf32, #tpu.memory_space<vmem>>
      %dma_start3A_168 = arith.constant 0 : i32
      %dma_start3A_169 = tpu.memref_slice %arg7[%rem3A_27, %dma_start3A_162, %dma_start3A_168] : memref<2x8x128xi32, #tpu.memory_space<vmem>> -> memref<1x1x128xi32, #tpu.memory_space<vmem>>
      %dma_start3A_170 = tpu.memref_squeeze %dma_start3A_169 : memref<1x1x128xi32, #tpu.memory_space<vmem>> -> memref<128xi32, #tpu.memory_space<vmem>>
      %dma_start3A_171 = arith.constant 0 : i32
      %dma_start3A_172 = arith.constant 0 : i32
      %dma_start3A_173 = tpu.memref_slice %arg2[%dma_start3A_171, %dma_start3A_172] : memref<10112x128xf32, #tpu.memory_space<hbm>> -> memref<10112x128xf32, #tpu.memory_space<hbm>>
      tpu.enqueue_indirect_dma source(%dma_start3A_173 : memref<10112x128xf32, #tpu.memory_space<hbm>>) target(%dma_start3A_167 : memref<128x128xf32, #tpu.memory_space<vmem>>) offsets(%dma_start3A_170 : memref<128xi32, #tpu.memory_space<vmem>>) semaphore(%arg11 : memref<!tpu.dma_semaphore, #tpu.memory_space<semaphore_mem>>)
      %dma_start3A_174 = arith.constant 5 : i32
      %dma_start3A_175 = arith.constant 1 : i32
      %dma_start3A_176 = arith.constant 0 : i32
      %dma_start3A_177 = arith.constant 0 : i32
      %dma_start3A_178 = tpu.memref_slice %arg9[%dma_start3A_175, %dma_start3A_176, %dma_start3A_177] : memref<2x128x128xf32, #tpu.memory_space<vmem>> -> memref<1x128x128xf32, #tpu.memory_space<vmem>>
      %dma_start3A_179 = tpu.memref_squeeze %dma_start3A_178 : memref<1x128x128xf32, #tpu.memory_space<vmem>> -> memref<128x128xf32, #tpu.memory_space<vmem>>
      %dma_start3A_180 = arith.constant 0 : i32
      %dma_start3A_181 = tpu.memref_slice %arg7[%rem3A_27, %dma_start3A_174, %dma_start3A_180] : memref<2x8x128xi32, #tpu.memory_space<vmem>> -> memref<1x1x128xi32, #tpu.memory_space<vmem>>
      %dma_start3A_182 = tpu.memref_squeeze %dma_start3A_181 : memref<1x1x128xi32, #tpu.memory_space<vmem>> -> memref<128xi32, #tpu.memory_space<vmem>>
      %dma_start3A_183 = arith.constant 0 : i32
      %dma_start3A_184 = arith.constant 0 : i32
      %dma_start3A_185 = tpu.memref_slice %arg2[%dma_start3A_183, %dma_start3A_184] : memref<10112x128xf32, #tpu.memory_space<hbm>> -> memref<10112x128xf32, #tpu.memory_space<hbm>>
      tpu.enqueue_indirect_dma source(%dma_start3A_185 : memref<10112x128xf32, #tpu.memory_space<hbm>>) target(%dma_start3A_179 : memref<128x128xf32, #tpu.memory_space<vmem>>) offsets(%dma_start3A_182 : memref<128xi32, #tpu.memory_space<vmem>>) semaphore(%arg12 : memref<!tpu.dma_semaphore, #tpu.memory_space<semaphore_mem>>)
      %dma_wait3A_186 = arith.constant 4 : i32
      %dma_wait3A_187 = arith.constant 0 : i32
      %dma_wait3A_188 = arith.constant 0 : i32
      %dma_wait3A_189 = arith.constant 0 : i32
      %dma_wait3A_190 = tpu.memref_slice %arg9[%dma_wait3A_187, %dma_wait3A_188, %dma_wait3A_189] : memref<2x128x128xf32, #tpu.memory_space<vmem>> -> memref<1x128x128xf32, #tpu.memory_space<vmem>>
      %dma_wait3A_191 = tpu.memref_squeeze %dma_wait3A_190 : memref<1x128x128xf32, #tpu.memory_space<vmem>> -> memref<128x128xf32, #tpu.memory_space<vmem>>
      %dma_wait3A_192 = arith.constant 0 : i32
      %dma_wait3A_193 = tpu.memref_slice %arg7[%rem3A_27, %dma_wait3A_186, %dma_wait3A_192] : memref<2x8x128xi32, #tpu.memory_space<vmem>> -> memref<1x1x128xi32, #tpu.memory_space<vmem>>
      %dma_wait3A_194 = tpu.memref_squeeze %dma_wait3A_193 : memref<1x1x128xi32, #tpu.memory_space<vmem>> -> memref<128xi32, #tpu.memory_space<vmem>>
      %dma_wait3A_195 = arith.constant 0 : i32
      %dma_wait3A_196 = arith.constant 0 : i32
      %dma_wait3A_197 = tpu.memref_slice %arg2[%dma_wait3A_195, %dma_wait3A_196] : memref<10112x128xf32, #tpu.memory_space<hbm>> -> memref<10112x128xf32, #tpu.memory_space<hbm>>
      tpu.wait_indirect_dma semaphore(%arg11 : memref<!tpu.dma_semaphore, #tpu.memory_space<semaphore_mem>>) src(%dma_wait3A_197 : memref<10112x128xf32, #tpu.memory_space<hbm>>) dst(%dma_wait3A_191 : memref<128x128xf32, #tpu.memory_space<vmem>>)
      %run_scoped3A_198 = arith.constant 0 : i32
      %run_scoped3A_199 = arith.constant 4 : i32
      "tpu.region"() ({
        %run_scoped3A_290 = tpu.sem_alloc : memref<!tpu.dma_semaphore, #tpu.memory_space<semaphore_mem>>
        %dma_start3A_291 = arith.constant 0 : i32
        %dma_start3A_292 = arith.constant 0 : i32
        %dma_start3A_293 = tpu.memref_slice %arg9[%run_scoped3A_198, %dma_start3A_291, %dma_start3A_292] : memref<2x128x128xf32, #tpu.memory_space<vmem>> -> memref<1x128x128xf32, #tpu.memory_space<vmem>>
        %dma_start3A_294 = tpu.memref_squeeze %dma_start3A_293 : memref<1x128x128xf32, #tpu.memory_space<vmem>> -> memref<128x128xf32, #tpu.memory_space<vmem>>
        %dma_start3A_295 = arith.constant 0 : i32
        %dma_start3A_296 = tpu.memref_slice %arg8[%rem3A_27, %run_scoped3A_199, %dma_start3A_295] : memref<2x8x128xi32, #tpu.memory_space<vmem>> -> memref<1x1x128xi32, #tpu.memory_space<vmem>>
        %dma_start3A_297 = tpu.memref_squeeze %dma_start3A_296 : memref<1x1x128xi32, #tpu.memory_space<vmem>> -> memref<128xi32, #tpu.memory_space<vmem>>
        %dma_start3A_298 = arith.constant 0 : i32
        %dma_start3A_299 = arith.constant 0 : i32
        %dma_start3A_300 = tpu.memref_slice %arg10[%dma_start3A_298, %dma_start3A_299] : memref<10112x128xf32, #tpu.memory_space<vmem_shared>> -> memref<10112x128xf32, #tpu.memory_space<vmem_shared>>
        tpu.enqueue_indirect_dma source(%dma_start3A_294 : memref<128x128xf32, #tpu.memory_space<vmem>>) target(%dma_start3A_300 : memref<10112x128xf32, #tpu.memory_space<vmem_shared>>) offsets(%dma_start3A_297 : memref<128xi32, #tpu.memory_space<vmem>>) semaphore(%run_scoped3A_290 : memref<!tpu.dma_semaphore, #tpu.memory_space<semaphore_mem>>) {add = true}
        %dma_wait3A_301 = arith.constant 0 : i32
        %dma_wait3A_302 = arith.constant 0 : i32
        %dma_wait3A_303 = tpu.memref_slice %arg9[%run_scoped3A_198, %dma_wait3A_301, %dma_wait3A_302] : memref<2x128x128xf32, #tpu.memory_space<vmem>> -> memref<1x128x128xf32, #tpu.memory_space<vmem>>
        %dma_wait3A_304 = tpu.memref_squeeze %dma_wait3A_303 : memref<1x128x128xf32, #tpu.memory_space<vmem>> -> memref<128x128xf32, #tpu.memory_space<vmem>>
        %dma_wait3A_305 = arith.constant 0 : i32
        %dma_wait3A_306 = tpu.memref_slice %arg8[%rem3A_27, %run_scoped3A_199, %dma_wait3A_305] : memref<2x8x128xi32, #tpu.memory_space<vmem>> -> memref<1x1x128xi32, #tpu.memory_space<vmem>>
        %dma_wait3A_307 = tpu.memref_squeeze %dma_wait3A_306 : memref<1x1x128xi32, #tpu.memory_space<vmem>> -> memref<128xi32, #tpu.memory_space<vmem>>
        %dma_wait3A_308 = arith.constant 0 : i32
        %dma_wait3A_309 = arith.constant 0 : i32
        %dma_wait3A_310 = tpu.memref_slice %arg10[%dma_wait3A_308, %dma_wait3A_309] : memref<10112x128xf32, #tpu.memory_space<vmem_shared>> -> memref<10112x128xf32, #tpu.memory_space<vmem_shared>>
        tpu.wait_indirect_dma semaphore(%run_scoped3A_290 : memref<!tpu.dma_semaphore, #tpu.memory_space<semaphore_mem>>) src(%dma_wait3A_304 : memref<128x128xf32, #tpu.memory_space<vmem>>) dst(%dma_wait3A_310 : memref<10112x128xf32, #tpu.memory_space<vmem_shared>>)
        tpu.yield
      }) : () -> ()
      %dma_wait3A_200 = arith.constant 5 : i32
      %dma_wait3A_201 = arith.constant 1 : i32
      %dma_wait3A_202 = arith.constant 0 : i32
      %dma_wait3A_203 = arith.constant 0 : i32
      %dma_wait3A_204 = tpu.memref_slice %arg9[%dma_wait3A_201, %dma_wait3A_202, %dma_wait3A_203] : memref<2x128x128xf32, #tpu.memory_space<vmem>> -> memref<1x128x128xf32, #tpu.memory_space<vmem>>
      %dma_wait3A_205 = tpu.memref_squeeze %dma_wait3A_204 : memref<1x128x128xf32, #tpu.memory_space<vmem>> -> memref<128x128xf32, #tpu.memory_space<vmem>>
      %dma_wait3A_206 = arith.constant 0 : i32
      %dma_wait3A_207 = tpu.memref_slice %arg7[%rem3A_27, %dma_wait3A_200, %dma_wait3A_206] : memref<2x8x128xi32, #tpu.memory_space<vmem>> -> memref<1x1x128xi32, #tpu.memory_space<vmem>>
      %dma_wait3A_208 = tpu.memref_squeeze %dma_wait3A_207 : memref<1x1x128xi32, #tpu.memory_space<vmem>> -> memref<128xi32, #tpu.memory_space<vmem>>
      %dma_wait3A_209 = arith.constant 0 : i32
      %dma_wait3A_210 = arith.constant 0 : i32
      %dma_wait3A_211 = tpu.memref_slice %arg2[%dma_wait3A_209, %dma_wait3A_210] : memref<10112x128xf32, #tpu.memory_space<hbm>> -> memref<10112x128xf32, #tpu.memory_space<hbm>>
      tpu.wait_indirect_dma semaphore(%arg12 : memref<!tpu.dma_semaphore, #tpu.memory_space<semaphore_mem>>) src(%dma_wait3A_211 : memref<10112x128xf32, #tpu.memory_space<hbm>>) dst(%dma_wait3A_205 : memref<128x128xf32, #tpu.memory_space<vmem>>)
      %run_scoped3A_212 = arith.constant 1 : i32
      %run_scoped3A_213 = arith.constant 5 : i32
      "tpu.region"() ({
        %run_scoped3A_290 = tpu.sem_alloc : memref<!tpu.dma_semaphore, #tpu.memory_space<semaphore_mem>>
        %dma_start3A_291 = arith.constant 0 : i32
        %dma_start3A_292 = arith.constant 0 : i32
        %dma_start3A_293 = tpu.memref_slice %arg9[%run_scoped3A_212, %dma_start3A_291, %dma_start3A_292] : memref<2x128x128xf32, #tpu.memory_space<vmem>> -> memref<1x128x128xf32, #tpu.memory_space<vmem>>
        %dma_start3A_294 = tpu.memref_squeeze %dma_start3A_293 : memref<1x128x128xf32, #tpu.memory_space<vmem>> -> memref<128x128xf32, #tpu.memory_space<vmem>>
        %dma_start3A_295 = arith.constant 0 : i32
        %dma_start3A_296 = tpu.memref_slice %arg8[%rem3A_27, %run_scoped3A_213, %dma_start3A_295] : memref<2x8x128xi32, #tpu.memory_space<vmem>> -> memref<1x1x128xi32, #tpu.memory_space<vmem>>
        %dma_start3A_297 = tpu.memref_squeeze %dma_start3A_296 : memref<1x1x128xi32, #tpu.memory_space<vmem>> -> memref<128xi32, #tpu.memory_space<vmem>>
        %dma_start3A_298 = arith.constant 0 : i32
        %dma_start3A_299 = arith.constant 0 : i32
        %dma_start3A_300 = tpu.memref_slice %arg10[%dma_start3A_298, %dma_start3A_299] : memref<10112x128xf32, #tpu.memory_space<vmem_shared>> -> memref<10112x128xf32, #tpu.memory_space<vmem_shared>>
        tpu.enqueue_indirect_dma source(%dma_start3A_294 : memref<128x128xf32, #tpu.memory_space<vmem>>) target(%dma_start3A_300 : memref<10112x128xf32, #tpu.memory_space<vmem_shared>>) offsets(%dma_start3A_297 : memref<128xi32, #tpu.memory_space<vmem>>) semaphore(%run_scoped3A_290 : memref<!tpu.dma_semaphore, #tpu.memory_space<semaphore_mem>>) {add = true}
        %dma_wait3A_301 = arith.constant 0 : i32
        %dma_wait3A_302 = arith.constant 0 : i32
        %dma_wait3A_303 = tpu.memref_slice %arg9[%run_scoped3A_212, %dma_wait3A_301, %dma_wait3A_302] : memref<2x128x128xf32, #tpu.memory_space<vmem>> -> memref<1x128x128xf32, #tpu.memory_space<vmem>>
        %dma_wait3A_304 = tpu.memref_squeeze %dma_wait3A_303 : memref<1x128x128xf32, #tpu.memory_space<vmem>> -> memref<128x128xf32, #tpu.memory_space<vmem>>
        %dma_wait3A_305 = arith.constant 0 : i32
        %dma_wait3A_306 = tpu.memref_slice %arg8[%rem3A_27, %run_scoped3A_213, %dma_wait3A_305] : memref<2x8x128xi32, #tpu.memory_space<vmem>> -> memref<1x1x128xi32, #tpu.memory_space<vmem>>
        %dma_wait3A_307 = tpu.memref_squeeze %dma_wait3A_306 : memref<1x1x128xi32, #tpu.memory_space<vmem>> -> memref<128xi32, #tpu.memory_space<vmem>>
        %dma_wait3A_308 = arith.constant 0 : i32
        %dma_wait3A_309 = arith.constant 0 : i32
        %dma_wait3A_310 = tpu.memref_slice %arg10[%dma_wait3A_308, %dma_wait3A_309] : memref<10112x128xf32, #tpu.memory_space<vmem_shared>> -> memref<10112x128xf32, #tpu.memory_space<vmem_shared>>
        tpu.wait_indirect_dma semaphore(%run_scoped3A_290 : memref<!tpu.dma_semaphore, #tpu.memory_space<semaphore_mem>>) src(%dma_wait3A_304 : memref<128x128xf32, #tpu.memory_space<vmem>>) dst(%dma_wait3A_310 : memref<10112x128xf32, #tpu.memory_space<vmem_shared>>)
        tpu.yield
      }) : () -> ()
      %dma_start3A_214 = arith.constant 6 : i32
      %dma_start3A_215 = arith.constant 0 : i32
      %dma_start3A_216 = arith.constant 0 : i32
      %dma_start3A_217 = arith.constant 0 : i32
      %dma_start3A_218 = tpu.memref_slice %arg9[%dma_start3A_215, %dma_start3A_216, %dma_start3A_217] : memref<2x128x128xf32, #tpu.memory_space<vmem>> -> memref<1x128x128xf32, #tpu.memory_space<vmem>>
      %dma_start3A_219 = tpu.memref_squeeze %dma_start3A_218 : memref<1x128x128xf32, #tpu.memory_space<vmem>> -> memref<128x128xf32, #tpu.memory_space<vmem>>
      %dma_start3A_220 = arith.constant 0 : i32
      %dma_start3A_221 = tpu.memref_slice %arg7[%rem3A_27, %dma_start3A_214, %dma_start3A_220] : memref<2x8x128xi32, #tpu.memory_space<vmem>> -> memref<1x1x128xi32, #tpu.memory_space<vmem>>
      %dma_start3A_222 = tpu.memref_squeeze %dma_start3A_221 : memref<1x1x128xi32, #tpu.memory_space<vmem>> -> memref<128xi32, #tpu.memory_space<vmem>>
      %dma_start3A_223 = arith.constant 0 : i32
      %dma_start3A_224 = arith.constant 0 : i32
      %dma_start3A_225 = tpu.memref_slice %arg2[%dma_start3A_223, %dma_start3A_224] : memref<10112x128xf32, #tpu.memory_space<hbm>> -> memref<10112x128xf32, #tpu.memory_space<hbm>>
      tpu.enqueue_indirect_dma source(%dma_start3A_225 : memref<10112x128xf32, #tpu.memory_space<hbm>>) target(%dma_start3A_219 : memref<128x128xf32, #tpu.memory_space<vmem>>) offsets(%dma_start3A_222 : memref<128xi32, #tpu.memory_space<vmem>>) semaphore(%arg11 : memref<!tpu.dma_semaphore, #tpu.memory_space<semaphore_mem>>)
      %dma_start3A_226 = arith.constant 7 : i32
      %dma_start3A_227 = arith.constant 1 : i32
      %dma_start3A_228 = arith.constant 0 : i32
      %dma_start3A_229 = arith.constant 0 : i32
      %dma_start3A_230 = tpu.memref_slice %arg9[%dma_start3A_227, %dma_start3A_228, %dma_start3A_229] : memref<2x128x128xf32, #tpu.memory_space<vmem>> -> memref<1x128x128xf32, #tpu.memory_space<vmem>>
      %dma_start3A_231 = tpu.memref_squeeze %dma_start3A_230 : memref<1x128x128xf32, #tpu.memory_space<vmem>> -> memref<128x128xf32, #tpu.memory_space<vmem>>
      %dma_start3A_232 = arith.constant 0 : i32
      %dma_start3A_233 = tpu.memref_slice %arg7[%rem3A_27, %dma_start3A_226, %dma_start3A_232] : memref<2x8x128xi32, #tpu.memory_space<vmem>> -> memref<1x1x128xi32, #tpu.memory_space<vmem>>
      %dma_start3A_234 = tpu.memref_squeeze %dma_start3A_233 : memref<1x1x128xi32, #tpu.memory_space<vmem>> -> memref<128xi32, #tpu.memory_space<vmem>>
      %dma_start3A_235 = arith.constant 0 : i32
      %dma_start3A_236 = arith.constant 0 : i32
      %dma_start3A_237 = tpu.memref_slice %arg2[%dma_start3A_235, %dma_start3A_236] : memref<10112x128xf32, #tpu.memory_space<hbm>> -> memref<10112x128xf32, #tpu.memory_space<hbm>>
      tpu.enqueue_indirect_dma source(%dma_start3A_237 : memref<10112x128xf32, #tpu.memory_space<hbm>>) target(%dma_start3A_231 : memref<128x128xf32, #tpu.memory_space<vmem>>) offsets(%dma_start3A_234 : memref<128xi32, #tpu.memory_space<vmem>>) semaphore(%arg12 : memref<!tpu.dma_semaphore, #tpu.memory_space<semaphore_mem>>)
      %dma_wait3A_238 = arith.constant 6 : i32
      %dma_wait3A_239 = arith.constant 0 : i32
      %dma_wait3A_240 = arith.constant 0 : i32
      %dma_wait3A_241 = arith.constant 0 : i32
      %dma_wait3A_242 = tpu.memref_slice %arg9[%dma_wait3A_239, %dma_wait3A_240, %dma_wait3A_241] : memref<2x128x128xf32, #tpu.memory_space<vmem>> -> memref<1x128x128xf32, #tpu.memory_space<vmem>>
      %dma_wait3A_243 = tpu.memref_squeeze %dma_wait3A_242 : memref<1x128x128xf32, #tpu.memory_space<vmem>> -> memref<128x128xf32, #tpu.memory_space<vmem>>
      %dma_wait3A_244 = arith.constant 0 : i32
      %dma_wait3A_245 = tpu.memref_slice %arg7[%rem3A_27, %dma_wait3A_238, %dma_wait3A_244] : memref<2x8x128xi32, #tpu.memory_space<vmem>> -> memref<1x1x128xi32, #tpu.memory_space<vmem>>
      %dma_wait3A_246 = tpu.memref_squeeze %dma_wait3A_245 : memref<1x1x128xi32, #tpu.memory_space<vmem>> -> memref<128xi32, #tpu.memory_space<vmem>>
      %dma_wait3A_247 = arith.constant 0 : i32
      %dma_wait3A_248 = arith.constant 0 : i32
      %dma_wait3A_249 = tpu.memref_slice %arg2[%dma_wait3A_247, %dma_wait3A_248] : memref<10112x128xf32, #tpu.memory_space<hbm>> -> memref<10112x128xf32, #tpu.memory_space<hbm>>
      tpu.wait_indirect_dma semaphore(%arg11 : memref<!tpu.dma_semaphore, #tpu.memory_space<semaphore_mem>>) src(%dma_wait3A_249 : memref<10112x128xf32, #tpu.memory_space<hbm>>) dst(%dma_wait3A_243 : memref<128x128xf32, #tpu.memory_space<vmem>>)
      %run_scoped3A_250 = arith.constant 0 : i32
      %run_scoped3A_251 = arith.constant 6 : i32
      "tpu.region"() ({
        %run_scoped3A_290 = tpu.sem_alloc : memref<!tpu.dma_semaphore, #tpu.memory_space<semaphore_mem>>
        %dma_start3A_291 = arith.constant 0 : i32
        %dma_start3A_292 = arith.constant 0 : i32
        %dma_start3A_293 = tpu.memref_slice %arg9[%run_scoped3A_250, %dma_start3A_291, %dma_start3A_292] : memref<2x128x128xf32, #tpu.memory_space<vmem>> -> memref<1x128x128xf32, #tpu.memory_space<vmem>>
        %dma_start3A_294 = tpu.memref_squeeze %dma_start3A_293 : memref<1x128x128xf32, #tpu.memory_space<vmem>> -> memref<128x128xf32, #tpu.memory_space<vmem>>
        %dma_start3A_295 = arith.constant 0 : i32
        %dma_start3A_296 = tpu.memref_slice %arg8[%rem3A_27, %run_scoped3A_251, %dma_start3A_295] : memref<2x8x128xi32, #tpu.memory_space<vmem>> -> memref<1x1x128xi32, #tpu.memory_space<vmem>>
        %dma_start3A_297 = tpu.memref_squeeze %dma_start3A_296 : memref<1x1x128xi32, #tpu.memory_space<vmem>> -> memref<128xi32, #tpu.memory_space<vmem>>
        %dma_start3A_298 = arith.constant 0 : i32
        %dma_start3A_299 = arith.constant 0 : i32
        %dma_start3A_300 = tpu.memref_slice %arg10[%dma_start3A_298, %dma_start3A_299] : memref<10112x128xf32, #tpu.memory_space<vmem_shared>> -> memref<10112x128xf32, #tpu.memory_space<vmem_shared>>
        tpu.enqueue_indirect_dma source(%dma_start3A_294 : memref<128x128xf32, #tpu.memory_space<vmem>>) target(%dma_start3A_300 : memref<10112x128xf32, #tpu.memory_space<vmem_shared>>) offsets(%dma_start3A_297 : memref<128xi32, #tpu.memory_space<vmem>>) semaphore(%run_scoped3A_290 : memref<!tpu.dma_semaphore, #tpu.memory_space<semaphore_mem>>) {add = true}
        %dma_wait3A_301 = arith.constant 0 : i32
        %dma_wait3A_302 = arith.constant 0 : i32
        %dma_wait3A_303 = tpu.memref_slice %arg9[%run_scoped3A_250, %dma_wait3A_301, %dma_wait3A_302] : memref<2x128x128xf32, #tpu.memory_space<vmem>> -> memref<1x128x128xf32, #tpu.memory_space<vmem>>
        %dma_wait3A_304 = tpu.memref_squeeze %dma_wait3A_303 : memref<1x128x128xf32, #tpu.memory_space<vmem>> -> memref<128x128xf32, #tpu.memory_space<vmem>>
        %dma_wait3A_305 = arith.constant 0 : i32
        %dma_wait3A_306 = tpu.memref_slice %arg8[%rem3A_27, %run_scoped3A_251, %dma_wait3A_305] : memref<2x8x128xi32, #tpu.memory_space<vmem>> -> memref<1x1x128xi32, #tpu.memory_space<vmem>>
        %dma_wait3A_307 = tpu.memref_squeeze %dma_wait3A_306 : memref<1x1x128xi32, #tpu.memory_space<vmem>> -> memref<128xi32, #tpu.memory_space<vmem>>
        %dma_wait3A_308 = arith.constant 0 : i32
        %dma_wait3A_309 = arith.constant 0 : i32
        %dma_wait3A_310 = tpu.memref_slice %arg10[%dma_wait3A_308, %dma_wait3A_309] : memref<10112x128xf32, #tpu.memory_space<vmem_shared>> -> memref<10112x128xf32, #tpu.memory_space<vmem_shared>>
        tpu.wait_indirect_dma semaphore(%run_scoped3A_290 : memref<!tpu.dma_semaphore, #tpu.memory_space<semaphore_mem>>) src(%dma_wait3A_304 : memref<128x128xf32, #tpu.memory_space<vmem>>) dst(%dma_wait3A_310 : memref<10112x128xf32, #tpu.memory_space<vmem_shared>>)
        tpu.yield
      }) : () -> ()
      %dma_wait3A_252 = arith.constant 7 : i32
      %dma_wait3A_253 = arith.constant 1 : i32
      %dma_wait3A_254 = arith.constant 0 : i32
      %dma_wait3A_255 = arith.constant 0 : i32
      %dma_wait3A_256 = tpu.memref_slice %arg9[%dma_wait3A_253, %dma_wait3A_254, %dma_wait3A_255] : memref<2x128x128xf32, #tpu.memory_space<vmem>> -> memref<1x128x128xf32, #tpu.memory_space<vmem>>
      %dma_wait3A_257 = tpu.memref_squeeze %dma_wait3A_256 : memref<1x128x128xf32, #tpu.memory_space<vmem>> -> memref<128x128xf32, #tpu.memory_space<vmem>>
      %dma_wait3A_258 = arith.constant 0 : i32
      %dma_wait3A_259 = tpu.memref_slice %arg7[%rem3A_27, %dma_wait3A_252, %dma_wait3A_258] : memref<2x8x128xi32, #tpu.memory_space<vmem>> -> memref<1x1x128xi32, #tpu.memory_space<vmem>>
      %dma_wait3A_260 = tpu.memref_squeeze %dma_wait3A_259 : memref<1x1x128xi32, #tpu.memory_space<vmem>> -> memref<128xi32, #tpu.memory_space<vmem>>
      %dma_wait3A_261 = arith.constant 0 : i32
      %dma_wait3A_262 = arith.constant 0 : i32
      %dma_wait3A_263 = tpu.memref_slice %arg2[%dma_wait3A_261, %dma_wait3A_262] : memref<10112x128xf32, #tpu.memory_space<hbm>> -> memref<10112x128xf32, #tpu.memory_space<hbm>>
      tpu.wait_indirect_dma semaphore(%arg12 : memref<!tpu.dma_semaphore, #tpu.memory_space<semaphore_mem>>) src(%dma_wait3A_263 : memref<10112x128xf32, #tpu.memory_space<hbm>>) dst(%dma_wait3A_257 : memref<128x128xf32, #tpu.memory_space<vmem>>)
      %run_scoped3A_264 = arith.constant 1 : i32
      %run_scoped3A_265 = arith.constant 7 : i32
      "tpu.region"() ({
        %run_scoped3A_290 = tpu.sem_alloc : memref<!tpu.dma_semaphore, #tpu.memory_space<semaphore_mem>>
        %dma_start3A_291 = arith.constant 0 : i32
        %dma_start3A_292 = arith.constant 0 : i32
        %dma_start3A_293 = tpu.memref_slice %arg9[%run_scoped3A_264, %dma_start3A_291, %dma_start3A_292] : memref<2x128x128xf32, #tpu.memory_space<vmem>> -> memref<1x128x128xf32, #tpu.memory_space<vmem>>
        %dma_start3A_294 = tpu.memref_squeeze %dma_start3A_293 : memref<1x128x128xf32, #tpu.memory_space<vmem>> -> memref<128x128xf32, #tpu.memory_space<vmem>>
        %dma_start3A_295 = arith.constant 0 : i32
        %dma_start3A_296 = tpu.memref_slice %arg8[%rem3A_27, %run_scoped3A_265, %dma_start3A_295] : memref<2x8x128xi32, #tpu.memory_space<vmem>> -> memref<1x1x128xi32, #tpu.memory_space<vmem>>
        %dma_start3A_297 = tpu.memref_squeeze %dma_start3A_296 : memref<1x1x128xi32, #tpu.memory_space<vmem>> -> memref<128xi32, #tpu.memory_space<vmem>>
        %dma_start3A_298 = arith.constant 0 : i32
        %dma_start3A_299 = arith.constant 0 : i32
        %dma_start3A_300 = tpu.memref_slice %arg10[%dma_start3A_298, %dma_start3A_299] : memref<10112x128xf32, #tpu.memory_space<vmem_shared>> -> memref<10112x128xf32, #tpu.memory_space<vmem_shared>>
        tpu.enqueue_indirect_dma source(%dma_start3A_294 : memref<128x128xf32, #tpu.memory_space<vmem>>) target(%dma_start3A_300 : memref<10112x128xf32, #tpu.memory_space<vmem_shared>>) offsets(%dma_start3A_297 : memref<128xi32, #tpu.memory_space<vmem>>) semaphore(%run_scoped3A_290 : memref<!tpu.dma_semaphore, #tpu.memory_space<semaphore_mem>>) {add = true}
        %dma_wait3A_301 = arith.constant 0 : i32
        %dma_wait3A_302 = arith.constant 0 : i32
        %dma_wait3A_303 = tpu.memref_slice %arg9[%run_scoped3A_264, %dma_wait3A_301, %dma_wait3A_302] : memref<2x128x128xf32, #tpu.memory_space<vmem>> -> memref<1x128x128xf32, #tpu.memory_space<vmem>>
        %dma_wait3A_304 = tpu.memref_squeeze %dma_wait3A_303 : memref<1x128x128xf32, #tpu.memory_space<vmem>> -> memref<128x128xf32, #tpu.memory_space<vmem>>
        %dma_wait3A_305 = arith.constant 0 : i32
        %dma_wait3A_306 = tpu.memref_slice %arg8[%rem3A_27, %run_scoped3A_265, %dma_wait3A_305] : memref<2x8x128xi32, #tpu.memory_space<vmem>> -> memref<1x1x128xi32, #tpu.memory_space<vmem>>
        %dma_wait3A_307 = tpu.memref_squeeze %dma_wait3A_306 : memref<1x1x128xi32, #tpu.memory_space<vmem>> -> memref<128xi32, #tpu.memory_space<vmem>>
        %dma_wait3A_308 = arith.constant 0 : i32
        %dma_wait3A_309 = arith.constant 0 : i32
        %dma_wait3A_310 = tpu.memref_slice %arg10[%dma_wait3A_308, %dma_wait3A_309] : memref<10112x128xf32, #tpu.memory_space<vmem_shared>> -> memref<10112x128xf32, #tpu.memory_space<vmem_shared>>
        tpu.wait_indirect_dma semaphore(%run_scoped3A_290 : memref<!tpu.dma_semaphore, #tpu.memory_space<semaphore_mem>>) src(%dma_wait3A_304 : memref<128x128xf32, #tpu.memory_space<vmem>>) dst(%dma_wait3A_310 : memref<10112x128xf32, #tpu.memory_space<vmem_shared>>)
        tpu.yield
      }) : () -> ()
      %dma_wait3A_266 = arith.constant 0 : i32
      %dma_wait3A_267 = arith.constant 0 : i32
      %dma_wait3A_268 = tpu.memref_slice %arg7[%sub3A_28, %dma_wait3A_266, %dma_wait3A_267] : memref<2x8x128xi32, #tpu.memory_space<vmem>> -> memref<1x8x128xi32, #tpu.memory_space<vmem>>
      %dma_wait3A_269 = tpu.memref_squeeze %dma_wait3A_268 : memref<1x8x128xi32, #tpu.memory_space<vmem>> -> memref<8x128xi32, #tpu.memory_space<vmem>>
      %dma_wait3A_270 = arith.constant 0 : i32
      %dma_wait3A_271 = tpu.memref_slice %arg3[%add3A_35, %dma_wait3A_270] : memref<2560x128xi32, #tpu.memory_space<hbm>> -> memref<8x128xi32, #tpu.memory_space<hbm>>
      %dma_wait3A_272 = arith.constant 0 : i32
      %dma_wait3A_273 = arith.constant 0 : i32
      %dma_wait3A_274 = tpu.memref_slice %arg7[%sub3A_28, %dma_wait3A_272, %dma_wait3A_273] : memref<2x8x128xi32, #tpu.memory_space<vmem>> -> memref<1x8x128xi32, #tpu.memory_space<vmem>>
      %dma_wait3A_275 = tpu.memref_squeeze %dma_wait3A_274 : memref<1x8x128xi32, #tpu.memory_space<vmem>> -> memref<8x128xi32, #tpu.memory_space<vmem>>
      %dma_wait3A_276 = arith.constant 0 : i32
      %dma_wait3A_277 = tpu.memref_slice %arg3[%add3A_35, %dma_wait3A_276] : memref<2560x128xi32, #tpu.memory_space<hbm>> -> memref<8x128xi32, #tpu.memory_space<hbm>>
      tpu.wait_dma2 semaphore(%arg13 : memref<!tpu.dma_semaphore, #tpu.memory_space<semaphore_mem>>) src(%dma_wait3A_277 : memref<8x128xi32, #tpu.memory_space<hbm>>) dst(%dma_wait3A_275 : memref<8x128xi32, #tpu.memory_space<vmem>>)
      %dma_wait3A_278 = arith.constant 0 : i32
      %dma_wait3A_279 = arith.constant 0 : i32
      %dma_wait3A_280 = tpu.memref_slice %arg8[%sub3A_28, %dma_wait3A_278, %dma_wait3A_279] : memref<2x8x128xi32, #tpu.memory_space<vmem>> -> memref<1x8x128xi32, #tpu.memory_space<vmem>>
      %dma_wait3A_281 = tpu.memref_squeeze %dma_wait3A_280 : memref<1x8x128xi32, #tpu.memory_space<vmem>> -> memref<8x128xi32, #tpu.memory_space<vmem>>
      %dma_wait3A_282 = arith.constant 0 : i32
      %dma_wait3A_283 = tpu.memref_slice %arg4[%add3A_35, %dma_wait3A_282] : memref<2560x128xi32, #tpu.memory_space<hbm>> -> memref<8x128xi32, #tpu.memory_space<hbm>>
      %dma_wait3A_284 = arith.constant 0 : i32
      %dma_wait3A_285 = arith.constant 0 : i32
      %dma_wait3A_286 = tpu.memref_slice %arg8[%sub3A_28, %dma_wait3A_284, %dma_wait3A_285] : memref<2x8x128xi32, #tpu.memory_space<vmem>> -> memref<1x8x128xi32, #tpu.memory_space<vmem>>
      %dma_wait3A_287 = tpu.memref_squeeze %dma_wait3A_286 : memref<1x8x128xi32, #tpu.memory_space<vmem>> -> memref<8x128xi32, #tpu.memory_space<vmem>>
      %dma_wait3A_288 = arith.constant 0 : i32
      %dma_wait3A_289 = tpu.memref_slice %arg4[%add3A_35, %dma_wait3A_288] : memref<2560x128xi32, #tpu.memory_space<hbm>> -> memref<8x128xi32, #tpu.memory_space<hbm>>
      tpu.wait_dma2 semaphore(%arg14 : memref<!tpu.dma_semaphore, #tpu.memory_space<semaphore_mem>>) src(%dma_wait3A_289 : memref<8x128xi32, #tpu.memory_space<hbm>>) dst(%dma_wait3A_287 : memref<8x128xi32, #tpu.memory_space<vmem>>)
    }
    %barrier3A_21 = arith.constant 0 : index
    tpu.barrier barrier_id(%barrier3A_21)
    %mul3A_22 = arith.constant 632 : i32
    %mul3A_23 = arith.muli %arg1, %mul3A_22 : i32
    %mul3A_24 = arith.constant 632 : i32
    %mul3A_25 = arith.muli %arg1, %mul3A_24 : i32
    "tpu.region"() ({
      %run_scoped3A_26 = tpu.sem_alloc : memref<!tpu.dma_semaphore, #tpu.memory_space<semaphore_mem>>
      %dma_start3A = arith.constant 0 : i32
      %dma_start3A_27 = tpu.memref_slice %arg6[%arg0, %mul3A_25, %dma_start3A] : memref<2x10112x128xf32, #tpu.memory_space<hbm>> -> memref<1x632x128xf32, #tpu.memory_space<hbm>>
      %dma_start3A_28 = tpu.memref_squeeze %dma_start3A_27 : memref<1x632x128xf32, #tpu.memory_space<hbm>> -> memref<632x128xf32, #tpu.memory_space<hbm>>
      %dma_start3A_29 = arith.constant 0 : i32
      %dma_start3A_30 = tpu.memref_slice %arg10[%mul3A_23, %dma_start3A_29] : memref<10112x128xf32, #tpu.memory_space<vmem_shared>> -> memref<632x128xf32, #tpu.memory_space<vmem_shared>>
      tpu.enqueue_dma source(%dma_start3A_30 : memref<632x128xf32, #tpu.memory_space<vmem_shared>>) target(%dma_start3A_28 : memref<632x128xf32, #tpu.memory_space<hbm>>) target_semaphore(%run_scoped3A_26 : memref<!tpu.dma_semaphore, #tpu.memory_space<semaphore_mem>>)
      %dma_wait3A = arith.constant 0 : i32
      %dma_wait3A_31 = tpu.memref_slice %arg6[%arg0, %mul3A_25, %dma_wait3A] : memref<2x10112x128xf32, #tpu.memory_space<hbm>> -> memref<1x632x128xf32, #tpu.memory_space<hbm>>
      %dma_wait3A_32 = tpu.memref_squeeze %dma_wait3A_31 : memref<1x632x128xf32, #tpu.memory_space<hbm>> -> memref<632x128xf32, #tpu.memory_space<hbm>>
      %dma_wait3A_33 = arith.constant 0 : i32
      %dma_wait3A_34 = tpu.memref_slice %arg10[%mul3A_23, %dma_wait3A_33] : memref<10112x128xf32, #tpu.memory_space<vmem_shared>> -> memref<632x128xf32, #tpu.memory_space<vmem_shared>>
      tpu.wait_dma2 semaphore(%run_scoped3A_26 : memref<!tpu.dma_semaphore, #tpu.memory_space<semaphore_mem>>) src(%dma_wait3A_34 : memref<632x128xf32, #tpu.memory_space<vmem_shared>>) dst(%dma_wait3A_32 : memref<632x128xf32, #tpu.memory_space<hbm>>)
      tpu.yield
    }) : () -> ()
    return
  }
}

#map = affine_map<(d0, d1) -> (0, 0)>
#map1 = affine_map<(d0, d1) -> (0, 0, 0)>
module attributes {stable_mosaic.version = 14 : i64} {
  func.func @_deg_sc(%arg0: i32, %arg1: i32, %arg2: memref<2560x128xi32, #tpu.memory_space<hbm>>, %arg3: memref<128x128xf32, #tpu.memory_space<hbm>>, %arg4: memref<632x128xf32, #tpu.memory_space<hbm>>, %arg5: memref<2x10112x128xf32, #tpu.memory_space<hbm>>, %arg6: memref<80x128xi32, #tpu.memory_space<vmem>>, %arg7: memref<128x128xf32, #tpu.memory_space<vmem>>, %arg8: memref<10112x128xf32, #tpu.memory_space<vmem_shared>>) attributes {dimension_semantics = [#tpu.dimension_semantics<core_parallel>, #tpu.dimension_semantics<subcore_parallel>], iteration_bounds = array<i64: 2, 16>, scalar_prefetch = 0 : i64, scratch_operands = 3 : i64, tpu.core_type = #tpu.core_type<sc_vector_subcore>, window_params = [{transform_indices = #map}, {transform_indices = #map}, {transform_indices = #map}, {transform_indices = #map1}]} {
    %mul3A = arith.constant 2 : i32
    %mul3A_0 = arith.muli %arg1, %mul3A : i32
    %add3A = arith.addi %mul3A_0, %arg0 : i32
    %mul3A_1 = arith.constant 80 : i32
    %mul3A_2 = arith.muli %add3A, %mul3A_1 : i32
    "tpu.region"() ({
      %run_scoped3A = tpu.sem_alloc : memref<!tpu.dma_semaphore, #tpu.memory_space<semaphore_mem>>
      %dma_start3A = arith.constant 0 : i32
      %dma_start3A_15 = tpu.memref_slice %arg2[%mul3A_2, %dma_start3A] : memref<2560x128xi32, #tpu.memory_space<hbm>> -> memref<80x128xi32, #tpu.memory_space<hbm>>
      %dma_start3A_16 = arith.constant 0 : i32
      %dma_start3A_17 = tpu.memref_slice %arg2[%mul3A_2, %dma_start3A_16] : memref<2560x128xi32, #tpu.memory_space<hbm>> -> memref<80x128xi32, #tpu.memory_space<hbm>>
      tpu.enqueue_dma source(%dma_start3A_17 : memref<80x128xi32, #tpu.memory_space<hbm>>) target(%arg6 : memref<80x128xi32, #tpu.memory_space<vmem>>) target_semaphore(%run_scoped3A : memref<!tpu.dma_semaphore, #tpu.memory_space<semaphore_mem>>)
      %dma_wait3A = arith.constant 0 : i32
      %dma_wait3A_18 = tpu.memref_slice %arg2[%mul3A_2, %dma_wait3A] : memref<2560x128xi32, #tpu.memory_space<hbm>> -> memref<80x128xi32, #tpu.memory_space<hbm>>
      %dma_wait3A_19 = arith.constant 0 : i32
      %dma_wait3A_20 = tpu.memref_slice %arg2[%mul3A_2, %dma_wait3A_19] : memref<2560x128xi32, #tpu.memory_space<hbm>> -> memref<80x128xi32, #tpu.memory_space<hbm>>
      tpu.wait_dma2 semaphore(%run_scoped3A : memref<!tpu.dma_semaphore, #tpu.memory_space<semaphore_mem>>) src(%dma_wait3A_20 : memref<80x128xi32, #tpu.memory_space<hbm>>) dst(%arg6 : memref<80x128xi32, #tpu.memory_space<vmem>>)
      tpu.yield
    }) : () -> ()
    "tpu.region"() ({
      %run_scoped3A = tpu.sem_alloc : memref<!tpu.dma_semaphore, #tpu.memory_space<semaphore_mem>>
      tpu.enqueue_dma source(%arg3 : memref<128x128xf32, #tpu.memory_space<hbm>>) target(%arg7 : memref<128x128xf32, #tpu.memory_space<vmem>>) target_semaphore(%run_scoped3A : memref<!tpu.dma_semaphore, #tpu.memory_space<semaphore_mem>>)
      tpu.wait_dma2 semaphore(%run_scoped3A : memref<!tpu.dma_semaphore, #tpu.memory_space<semaphore_mem>>) src(%arg3 : memref<128x128xf32, #tpu.memory_space<hbm>>) dst(%arg7 : memref<128x128xf32, #tpu.memory_space<vmem>>)
      tpu.yield
    }) : () -> ()
    %mul3A_3 = arith.constant 632 : i32
    %mul3A_4 = arith.muli %arg1, %mul3A_3 : i32
    "tpu.region"() ({
      %run_scoped3A = tpu.sem_alloc : memref<!tpu.dma_semaphore, #tpu.memory_space<semaphore_mem>>
      %dma_start3A = arith.constant 0 : i32
      %dma_start3A_15 = tpu.memref_slice %arg8[%mul3A_4, %dma_start3A] : memref<10112x128xf32, #tpu.memory_space<vmem_shared>> -> memref<632x128xf32, #tpu.memory_space<vmem_shared>>
      tpu.enqueue_dma source(%arg4 : memref<632x128xf32, #tpu.memory_space<hbm>>) target(%dma_start3A_15 : memref<632x128xf32, #tpu.memory_space<vmem_shared>>) target_semaphore(%run_scoped3A : memref<!tpu.dma_semaphore, #tpu.memory_space<semaphore_mem>>)
      %dma_wait3A = arith.constant 0 : i32
      %dma_wait3A_16 = tpu.memref_slice %arg8[%mul3A_4, %dma_wait3A] : memref<10112x128xf32, #tpu.memory_space<vmem_shared>> -> memref<632x128xf32, #tpu.memory_space<vmem_shared>>
      tpu.wait_dma2 semaphore(%run_scoped3A : memref<!tpu.dma_semaphore, #tpu.memory_space<semaphore_mem>>) src(%arg4 : memref<632x128xf32, #tpu.memory_space<hbm>>) dst(%dma_wait3A_16 : memref<632x128xf32, #tpu.memory_space<vmem_shared>>)
      tpu.yield
    }) : () -> ()
    %barrier3A = arith.constant 0 : index
    tpu.barrier barrier_id(%barrier3A)
    %scan3A = arith.constant 0 : i32
    %scan3A_5 = arith.constant 0 : i32
    %scan3A_6 = arith.constant 80 : i32
    %scan3A_7 = arith.addi %scan3A_5, %scan3A_6 : i32
    %scan3A_8 = arith.constant 1 : i32
    scf.for %scan3A_15 = %scan3A_5 to %scan3A_7 step %scan3A_8  : i32 {
      "tpu.region"() ({
        %run_scoped3A = tpu.sem_alloc : memref<!tpu.dma_semaphore, #tpu.memory_space<semaphore_mem>>
        %dma_start3A = arith.constant 0 : i32
        %dma_start3A_16 = tpu.memref_slice %arg6[%scan3A_15, %dma_start3A] : memref<80x128xi32, #tpu.memory_space<vmem>> -> memref<1x128xi32, #tpu.memory_space<vmem>>
        %dma_start3A_17 = tpu.memref_squeeze %dma_start3A_16 : memref<1x128xi32, #tpu.memory_space<vmem>> -> memref<128xi32, #tpu.memory_space<vmem>>
        %dma_start3A_18 = arith.constant 0 : i32
        %dma_start3A_19 = arith.constant 0 : i32
        %dma_start3A_20 = tpu.memref_slice %arg8[%dma_start3A_18, %dma_start3A_19] : memref<10112x128xf32, #tpu.memory_space<vmem_shared>> -> memref<10112x128xf32, #tpu.memory_space<vmem_shared>>
        tpu.enqueue_indirect_dma source(%arg7 : memref<128x128xf32, #tpu.memory_space<vmem>>) target(%dma_start3A_20 : memref<10112x128xf32, #tpu.memory_space<vmem_shared>>) offsets(%dma_start3A_17 : memref<128xi32, #tpu.memory_space<vmem>>) semaphore(%run_scoped3A : memref<!tpu.dma_semaphore, #tpu.memory_space<semaphore_mem>>) {add = true}
        %dma_wait3A = arith.constant 0 : i32
        %dma_wait3A_21 = tpu.memref_slice %arg6[%scan3A_15, %dma_wait3A] : memref<80x128xi32, #tpu.memory_space<vmem>> -> memref<1x128xi32, #tpu.memory_space<vmem>>
        %dma_wait3A_22 = tpu.memref_squeeze %dma_wait3A_21 : memref<1x128xi32, #tpu.memory_space<vmem>> -> memref<128xi32, #tpu.memory_space<vmem>>
        %dma_wait3A_23 = arith.constant 0 : i32
        %dma_wait3A_24 = arith.constant 0 : i32
        %dma_wait3A_25 = tpu.memref_slice %arg8[%dma_wait3A_23, %dma_wait3A_24] : memref<10112x128xf32, #tpu.memory_space<vmem_shared>> -> memref<10112x128xf32, #tpu.memory_space<vmem_shared>>
        tpu.wait_indirect_dma semaphore(%run_scoped3A : memref<!tpu.dma_semaphore, #tpu.memory_space<semaphore_mem>>) src(%arg7 : memref<128x128xf32, #tpu.memory_space<vmem>>) dst(%dma_wait3A_25 : memref<10112x128xf32, #tpu.memory_space<vmem_shared>>)
        tpu.yield
      }) : () -> ()
    }
    %scan3A_9 = arith.constant 80 : i32
    %barrier3A_10 = arith.constant 0 : index
    tpu.barrier barrier_id(%barrier3A_10)
    %mul3A_11 = arith.constant 632 : i32
    %mul3A_12 = arith.muli %arg1, %mul3A_11 : i32
    %mul3A_13 = arith.constant 632 : i32
    %mul3A_14 = arith.muli %arg1, %mul3A_13 : i32
    "tpu.region"() ({
      %run_scoped3A = tpu.sem_alloc : memref<!tpu.dma_semaphore, #tpu.memory_space<semaphore_mem>>
      %dma_start3A = arith.constant 0 : i32
      %dma_start3A_15 = tpu.memref_slice %arg5[%arg0, %mul3A_14, %dma_start3A] : memref<2x10112x128xf32, #tpu.memory_space<hbm>> -> memref<1x632x128xf32, #tpu.memory_space<hbm>>
      %dma_start3A_16 = tpu.memref_squeeze %dma_start3A_15 : memref<1x632x128xf32, #tpu.memory_space<hbm>> -> memref<632x128xf32, #tpu.memory_space<hbm>>
      %dma_start3A_17 = arith.constant 0 : i32
      %dma_start3A_18 = tpu.memref_slice %arg8[%mul3A_12, %dma_start3A_17] : memref<10112x128xf32, #tpu.memory_space<vmem_shared>> -> memref<632x128xf32, #tpu.memory_space<vmem_shared>>
      tpu.enqueue_dma source(%dma_start3A_18 : memref<632x128xf32, #tpu.memory_space<vmem_shared>>) target(%dma_start3A_16 : memref<632x128xf32, #tpu.memory_space<hbm>>) target_semaphore(%run_scoped3A : memref<!tpu.dma_semaphore, #tpu.memory_space<semaphore_mem>>)
      %dma_wait3A = arith.constant 0 : i32
      %dma_wait3A_19 = tpu.memref_slice %arg5[%arg0, %mul3A_14, %dma_wait3A] : memref<2x10112x128xf32, #tpu.memory_space<hbm>> -> memref<1x632x128xf32, #tpu.memory_space<hbm>>
      %dma_wait3A_20 = tpu.memref_squeeze %dma_wait3A_19 : memref<1x632x128xf32, #tpu.memory_space<hbm>> -> memref<632x128xf32, #tpu.memory_space<hbm>>
      %dma_wait3A_21 = arith.constant 0 : i32
      %dma_wait3A_22 = tpu.memref_slice %arg8[%mul3A_12, %dma_wait3A_21] : memref<10112x128xf32, #tpu.memory_space<vmem_shared>> -> memref<632x128xf32, #tpu.memory_space<vmem_shared>>
      tpu.wait_dma2 semaphore(%run_scoped3A : memref<!tpu.dma_semaphore, #tpu.memory_space<semaphore_mem>>) src(%dma_wait3A_22 : memref<632x128xf32, #tpu.memory_space<vmem_shared>>) dst(%dma_wait3A_20 : memref<632x128xf32, #tpu.memory_space<hbm>>)
      tpu.yield
    }) : () -> ()
    return
  }
}

#map = affine_map<(d0, d1) -> (0, 0)>
#map1 = affine_map<(d0, d1) -> (0, 0, 0)>
module attributes {stable_mosaic.version = 14 : i64} {
  func.func @_agg_sc(%arg0: i32, %arg1: i32, %arg2: memref<10112x128xf32, #tpu.memory_space<hbm>>, %arg3: memref<2560x128xi32, #tpu.memory_space<hbm>>, %arg4: memref<2560x128xi32, #tpu.memory_space<hbm>>, %arg5: memref<632x128xf32, #tpu.memory_space<hbm>>, %arg6: memref<2x10112x128xf32, #tpu.memory_space<hbm>>, %arg7: memref<2x8x128xi32, #tpu.memory_space<vmem>>, %arg8: memref<2x8x128xi32, #tpu.memory_space<vmem>>, %arg9: memref<2x128x128xf32, #tpu.memory_space<vmem>>, %arg10: memref<10112x128xf32, #tpu.memory_space<vmem_shared>>, %arg11: memref<!tpu.dma_semaphore, #tpu.memory_space<semaphore_mem>>, %arg12: memref<!tpu.dma_semaphore, #tpu.memory_space<semaphore_mem>>, %arg13: memref<!tpu.dma_semaphore, #tpu.memory_space<semaphore_mem>>, %arg14: memref<!tpu.dma_semaphore, #tpu.memory_space<semaphore_mem>>) attributes {dimension_semantics = [#tpu.dimension_semantics<core_parallel>, #tpu.dimension_semantics<subcore_parallel>], iteration_bounds = array<i64: 2, 16>, scalar_prefetch = 0 : i64, scratch_operands = 8 : i64, tpu.core_type = #tpu.core_type<sc_vector_subcore>, window_params = [{transform_indices = #map}, {transform_indices = #map}, {transform_indices = #map}, {transform_indices = #map}, {transform_indices = #map1}]} {
    %eq3A = arith.constant 0 : i32
    %eq3A_0 = arith.cmpi eq, %arg0, %eq3A : i32
    %mul3A = arith.constant 152 : i32
    %mul3A_1 = arith.muli %arg1, %mul3A : i32
    %mul3A_2 = arith.constant 8 : i32
    %mul3A_3 = arith.muli %arg1, %mul3A_2 : i32
    %add3A = arith.constant 2432 : i32
    %add3A_4 = arith.addi %add3A, %mul3A_3 : i32
    %select_n3A = arith.select %eq3A_0, %mul3A_1, %add3A_4 : i32
    %eq3A_5 = arith.constant 0 : i32
    %eq3A_6 = arith.cmpi eq, %arg0, %eq3A_5 : i32
    %jit3A = arith.constant 19 : i32
    %jit3A_7 = arith.constant 1 : i32
    %select_n3A_8 = arith.select %eq3A_6, %jit3A, %jit3A_7 : i32
    %mul3A_9 = arith.constant 632 : i32
    %mul3A_10 = arith.muli %arg1, %mul3A_9 : i32
    "tpu.region"() ({
      %run_scoped3A_26 = tpu.sem_alloc : memref<!tpu.dma_semaphore, #tpu.memory_space<semaphore_mem>>
      %dma_start3A = arith.constant 0 : i32
      %dma_start3A_27 = tpu.memref_slice %arg10[%mul3A_10, %dma_start3A] : memref<10112x128xf32, #tpu.memory_space<vmem_shared>> -> memref<632x128xf32, #tpu.memory_space<vmem_shared>>
      tpu.enqueue_dma source(%arg5 : memref<632x128xf32, #tpu.memory_space<hbm>>) target(%dma_start3A_27 : memref<632x128xf32, #tpu.memory_space<vmem_shared>>) target_semaphore(%run_scoped3A_26 : memref<!tpu.dma_semaphore, #tpu.memory_space<semaphore_mem>>)
      %dma_wait3A = arith.constant 0 : i32
      %dma_wait3A_28 = tpu.memref_slice %arg10[%mul3A_10, %dma_wait3A] : memref<10112x128xf32, #tpu.memory_space<vmem_shared>> -> memref<632x128xf32, #tpu.memory_space<vmem_shared>>
      tpu.wait_dma2 semaphore(%run_scoped3A_26 : memref<!tpu.dma_semaphore, #tpu.memory_space<semaphore_mem>>) src(%arg5 : memref<632x128xf32, #tpu.memory_space<hbm>>) dst(%dma_wait3A_28 : memref<632x128xf32, #tpu.memory_space<vmem_shared>>)
      tpu.yield
    }) : () -> ()
    %run_scoped3A = arith.constant 0 : i32
    "tpu.region"() ({
      %run_scoped3A_26 = tpu.sem_alloc : memref<!tpu.dma_semaphore, #tpu.memory_space<semaphore_mem>>
      %dma_start3A = arith.constant 0 : i32
      %dma_start3A_27 = arith.constant 0 : i32
      %dma_start3A_28 = tpu.memref_slice %arg7[%run_scoped3A, %dma_start3A, %dma_start3A_27] : memref<2x8x128xi32, #tpu.memory_space<vmem>> -> memref<1x8x128xi32, #tpu.memory_space<vmem>>
      %dma_start3A_29 = tpu.memref_squeeze %dma_start3A_28 : memref<1x8x128xi32, #tpu.memory_space<vmem>> -> memref<8x128xi32, #tpu.memory_space<vmem>>
      %dma_start3A_30 = arith.constant 0 : i32
      %dma_start3A_31 = tpu.memref_slice %arg3[%select_n3A, %dma_start3A_30] : memref<2560x128xi32, #tpu.memory_space<hbm>> -> memref<8x128xi32, #tpu.memory_space<hbm>>
      %dma_start3A_32 = arith.constant 0 : i32
      %dma_start3A_33 = arith.constant 0 : i32
      %dma_start3A_34 = tpu.memref_slice %arg7[%run_scoped3A, %dma_start3A_32, %dma_start3A_33] : memref<2x8x128xi32, #tpu.memory_space<vmem>> -> memref<1x8x128xi32, #tpu.memory_space<vmem>>
      %dma_start3A_35 = tpu.memref_squeeze %dma_start3A_34 : memref<1x8x128xi32, #tpu.memory_space<vmem>> -> memref<8x128xi32, #tpu.memory_space<vmem>>
      %dma_start3A_36 = arith.constant 0 : i32
      %dma_start3A_37 = tpu.memref_slice %arg3[%select_n3A, %dma_start3A_36] : memref<2560x128xi32, #tpu.memory_space<hbm>> -> memref<8x128xi32, #tpu.memory_space<hbm>>
      tpu.enqueue_dma source(%dma_start3A_37 : memref<8x128xi32, #tpu.memory_space<hbm>>) target(%dma_start3A_35 : memref<8x128xi32, #tpu.memory_space<vmem>>) target_semaphore(%run_scoped3A_26 : memref<!tpu.dma_semaphore, #tpu.memory_space<semaphore_mem>>)
      %dma_wait3A = arith.constant 0 : i32
      %dma_wait3A_38 = arith.constant 0 : i32
      %dma_wait3A_39 = tpu.memref_slice %arg7[%run_scoped3A, %dma_wait3A, %dma_wait3A_38] : memref<2x8x128xi32, #tpu.memory_space<vmem>> -> memref<1x8x128xi32, #tpu.memory_space<vmem>>
      %dma_wait3A_40 = tpu.memref_squeeze %dma_wait3A_39 : memref<1x8x128xi32, #tpu.memory_space<vmem>> -> memref<8x128xi32, #tpu.memory_space<vmem>>
      %dma_wait3A_41 = arith.constant 0 : i32
      %dma_wait3A_42 = tpu.memref_slice %arg3[%select_n3A, %dma_wait3A_41] : memref<2560x128xi32, #tpu.memory_space<hbm>> -> memref<8x128xi32, #tpu.memory_space<hbm>>
      %dma_wait3A_43 = arith.constant 0 : i32
      %dma_wait3A_44 = arith.constant 0 : i32
      %dma_wait3A_45 = tpu.memref_slice %arg7[%run_scoped3A, %dma_wait3A_43, %dma_wait3A_44] : memref<2x8x128xi32, #tpu.memory_space<vmem>> -> memref<1x8x128xi32, #tpu.memory_space<vmem>>
      %dma_wait3A_46 = tpu.memref_squeeze %dma_wait3A_45 : memref<1x8x128xi32, #tpu.memory_space<vmem>> -> memref<8x128xi32, #tpu.memory_space<vmem>>
      %dma_wait3A_47 = arith.constant 0 : i32
      %dma_wait3A_48 = tpu.memref_slice %arg3[%select_n3A, %dma_wait3A_47] : memref<2560x128xi32, #tpu.memory_space<hbm>> -> memref<8x128xi32, #tpu.memory_space<hbm>>
      tpu.wait_dma2 semaphore(%run_scoped3A_26 : memref<!tpu.dma_semaphore, #tpu.memory_space<semaphore_mem>>) src(%dma_wait3A_48 : memref<8x128xi32, #tpu.memory_space<hbm>>) dst(%dma_wait3A_46 : memref<8x128xi32, #tpu.memory_space<vmem>>)
      tpu.yield
    }) : () -> ()
    %run_scoped3A_11 = arith.constant 0 : i32
    "tpu.region"() ({
      %run_scoped3A_26 = tpu.sem_alloc : memref<!tpu.dma_semaphore, #tpu.memory_space<semaphore_mem>>
      %dma_start3A = arith.constant 0 : i32
      %dma_start3A_27 = arith.constant 0 : i32
      %dma_start3A_28 = tpu.memref_slice %arg8[%run_scoped3A_11, %dma_start3A, %dma_start3A_27] : memref<2x8x128xi32, #tpu.memory_space<vmem>> -> memref<1x8x128xi32, #tpu.memory_space<vmem>>
      %dma_start3A_29 = tpu.memref_squeeze %dma_start3A_28 : memref<1x8x128xi32, #tpu.memory_space<vmem>> -> memref<8x128xi32, #tpu.memory_space<vmem>>
      %dma_start3A_30 = arith.constant 0 : i32
      %dma_start3A_31 = tpu.memref_slice %arg4[%select_n3A, %dma_start3A_30] : memref<2560x128xi32, #tpu.memory_space<hbm>> -> memref<8x128xi32, #tpu.memory_space<hbm>>
      %dma_start3A_32 = arith.constant 0 : i32
      %dma_start3A_33 = arith.constant 0 : i32
      %dma_start3A_34 = tpu.memref_slice %arg8[%run_scoped3A_11, %dma_start3A_32, %dma_start3A_33] : memref<2x8x128xi32, #tpu.memory_space<vmem>> -> memref<1x8x128xi32, #tpu.memory_space<vmem>>
      %dma_start3A_35 = tpu.memref_squeeze %dma_start3A_34 : memref<1x8x128xi32, #tpu.memory_space<vmem>> -> memref<8x128xi32, #tpu.memory_space<vmem>>
      %dma_start3A_36 = arith.constant 0 : i32
      %dma_start3A_37 = tpu.memref_slice %arg4[%select_n3A, %dma_start3A_36] : memref<2560x128xi32, #tpu.memory_space<hbm>> -> memref<8x128xi32, #tpu.memory_space<hbm>>
      tpu.enqueue_dma source(%dma_start3A_37 : memref<8x128xi32, #tpu.memory_space<hbm>>) target(%dma_start3A_35 : memref<8x128xi32, #tpu.memory_space<vmem>>) target_semaphore(%run_scoped3A_26 : memref<!tpu.dma_semaphore, #tpu.memory_space<semaphore_mem>>)
      %dma_wait3A = arith.constant 0 : i32
      %dma_wait3A_38 = arith.constant 0 : i32
      %dma_wait3A_39 = tpu.memref_slice %arg8[%run_scoped3A_11, %dma_wait3A, %dma_wait3A_38] : memref<2x8x128xi32, #tpu.memory_space<vmem>> -> memref<1x8x128xi32, #tpu.memory_space<vmem>>
      %dma_wait3A_40 = tpu.memref_squeeze %dma_wait3A_39 : memref<1x8x128xi32, #tpu.memory_space<vmem>> -> memref<8x128xi32, #tpu.memory_space<vmem>>
      %dma_wait3A_41 = arith.constant 0 : i32
      %dma_wait3A_42 = tpu.memref_slice %arg4[%select_n3A, %dma_wait3A_41] : memref<2560x128xi32, #tpu.memory_space<hbm>> -> memref<8x128xi32, #tpu.memory_space<hbm>>
      %dma_wait3A_43 = arith.constant 0 : i32
      %dma_wait3A_44 = arith.constant 0 : i32
      %dma_wait3A_45 = tpu.memref_slice %arg8[%run_scoped3A_11, %dma_wait3A_43, %dma_wait3A_44] : memref<2x8x128xi32, #tpu.memory_space<vmem>> -> memref<1x8x128xi32, #tpu.memory_space<vmem>>
      %dma_wait3A_46 = tpu.memref_squeeze %dma_wait3A_45 : memref<1x8x128xi32, #tpu.memory_space<vmem>> -> memref<8x128xi32, #tpu.memory_space<vmem>>
      %dma_wait3A_47 = arith.constant 0 : i32
      %dma_wait3A_48 = tpu.memref_slice %arg4[%select_n3A, %dma_wait3A_47] : memref<2560x128xi32, #tpu.memory_space<hbm>> -> memref<8x128xi32, #tpu.memory_space<hbm>>
      tpu.wait_dma2 semaphore(%run_scoped3A_26 : memref<!tpu.dma_semaphore, #tpu.memory_space<semaphore_mem>>) src(%dma_wait3A_48 : memref<8x128xi32, #tpu.memory_space<hbm>>) dst(%dma_wait3A_46 : memref<8x128xi32, #tpu.memory_space<vmem>>)
      tpu.yield
    }) : () -> ()
    %barrier3A = arith.constant 0 : index
    tpu.barrier barrier_id(%barrier3A)
    %while3A = arith.constant 0 : i32
    %while3A_12 = arith.constant 0 : i32
    %while3A_13 = arith.subi %select_n3A_8, %while3A_12 : i32
    %while3A_14 = arith.addi %while3A_12, %while3A_13 : i32
    %while3A_15 = arith.constant 1 : i32
    %while3A_16 = arith.divsi %while3A_13, %while3A_15 : i32
    %while3A_17 = arith.muli %while3A_16, %while3A_15 : i32
    %while3A_18 = arith.addi %while3A_12, %while3A_17 : i32
    %while3A_19 = arith.constant 1 : i32
    scf.for %while3A_26 = %while3A_12 to %while3A_18 step %while3A_19  : i32 {
      %rem3A = arith.constant 2 : i32
      %rem3A_27 = arith.remsi %while3A_26, %rem3A : i32
      %sub3A = arith.constant 1 : i32
      %sub3A_28 = arith.subi %sub3A, %rem3A_27 : i32
      %add3A_29 = arith.constant 1 : i32
      %add3A_30 = arith.addi %while3A_26, %add3A_29 : i32
      %sub3A_31 = arith.constant 1 : i32
      %sub3A_32 = arith.subi %select_n3A_8, %sub3A_31 : i32
      %min3A = arith.minsi %add3A_30, %sub3A_32 : i32
      %mul3A_33 = arith.constant 8 : i32
      %mul3A_34 = arith.muli %min3A, %mul3A_33 : i32
      %add3A_35 = arith.addi %select_n3A, %mul3A_34 : i32
      %dma_start3A = arith.constant 0 : i32
      %dma_start3A_36 = arith.constant 0 : i32
      %dma_start3A_37 = tpu.memref_slice %arg7[%sub3A_28, %dma_start3A, %dma_start3A_36] : memref<2x8x128xi32, #tpu.memory_space<vmem>> -> memref<1x8x128xi32, #tpu.memory_space<vmem>>
      %dma_start3A_38 = tpu.memref_squeeze %dma_start3A_37 : memref<1x8x128xi32, #tpu.memory_space<vmem>> -> memref<8x128xi32, #tpu.memory_space<vmem>>
      %dma_start3A_39 = arith.constant 0 : i32
      %dma_start3A_40 = tpu.memref_slice %arg3[%add3A_35, %dma_start3A_39] : memref<2560x128xi32, #tpu.memory_space<hbm>> -> memref<8x128xi32, #tpu.memory_space<hbm>>
      %dma_start3A_41 = arith.constant 0 : i32
      %dma_start3A_42 = arith.constant 0 : i32
      %dma_start3A_43 = tpu.memref_slice %arg7[%sub3A_28, %dma_start3A_41, %dma_start3A_42] : memref<2x8x128xi32, #tpu.memory_space<vmem>> -> memref<1x8x128xi32, #tpu.memory_space<vmem>>
      %dma_start3A_44 = tpu.memref_squeeze %dma_start3A_43 : memref<1x8x128xi32, #tpu.memory_space<vmem>> -> memref<8x128xi32, #tpu.memory_space<vmem>>
      %dma_start3A_45 = arith.constant 0 : i32
      %dma_start3A_46 = tpu.memref_slice %arg3[%add3A_35, %dma_start3A_45] : memref<2560x128xi32, #tpu.memory_space<hbm>> -> memref<8x128xi32, #tpu.memory_space<hbm>>
      tpu.enqueue_dma source(%dma_start3A_46 : memref<8x128xi32, #tpu.memory_space<hbm>>) target(%dma_start3A_44 : memref<8x128xi32, #tpu.memory_space<vmem>>) target_semaphore(%arg13 : memref<!tpu.dma_semaphore, #tpu.memory_space<semaphore_mem>>)
      %dma_start3A_47 = arith.constant 0 : i32
      %dma_start3A_48 = arith.constant 0 : i32
      %dma_start3A_49 = tpu.memref_slice %arg8[%sub3A_28, %dma_start3A_47, %dma_start3A_48] : memref<2x8x128xi32, #tpu.memory_space<vmem>> -> memref<1x8x128xi32, #tpu.memory_space<vmem>>
      %dma_start3A_50 = tpu.memref_squeeze %dma_start3A_49 : memref<1x8x128xi32, #tpu.memory_space<vmem>> -> memref<8x128xi32, #tpu.memory_space<vmem>>
      %dma_start3A_51 = arith.constant 0 : i32
      %dma_start3A_52 = tpu.memref_slice %arg4[%add3A_35, %dma_start3A_51] : memref<2560x128xi32, #tpu.memory_space<hbm>> -> memref<8x128xi32, #tpu.memory_space<hbm>>
      %dma_start3A_53 = arith.constant 0 : i32
      %dma_start3A_54 = arith.constant 0 : i32
      %dma_start3A_55 = tpu.memref_slice %arg8[%sub3A_28, %dma_start3A_53, %dma_start3A_54] : memref<2x8x128xi32, #tpu.memory_space<vmem>> -> memref<1x8x128xi32, #tpu.memory_space<vmem>>
      %dma_start3A_56 = tpu.memref_squeeze %dma_start3A_55 : memref<1x8x128xi32, #tpu.memory_space<vmem>> -> memref<8x128xi32, #tpu.memory_space<vmem>>
      %dma_start3A_57 = arith.constant 0 : i32
      %dma_start3A_58 = tpu.memref_slice %arg4[%add3A_35, %dma_start3A_57] : memref<2560x128xi32, #tpu.memory_space<hbm>> -> memref<8x128xi32, #tpu.memory_space<hbm>>
      tpu.enqueue_dma source(%dma_start3A_58 : memref<8x128xi32, #tpu.memory_space<hbm>>) target(%dma_start3A_56 : memref<8x128xi32, #tpu.memory_space<vmem>>) target_semaphore(%arg14 : memref<!tpu.dma_semaphore, #tpu.memory_space<semaphore_mem>>)
      %dma_start3A_59 = arith.constant 0 : i32
      %dma_start3A_60 = arith.constant 0 : i32
      %dma_start3A_61 = arith.constant 0 : i32
      %dma_start3A_62 = arith.constant 0 : i32
      %dma_start3A_63 = tpu.memref_slice %arg9[%dma_start3A_60, %dma_start3A_61, %dma_start3A_62] : memref<2x128x128xf32, #tpu.memory_space<vmem>> -> memref<1x128x128xf32, #tpu.memory_space<vmem>>
      %dma_start3A_64 = tpu.memref_squeeze %dma_start3A_63 : memref<1x128x128xf32, #tpu.memory_space<vmem>> -> memref<128x128xf32, #tpu.memory_space<vmem>>
      %dma_start3A_65 = arith.constant 0 : i32
      %dma_start3A_66 = tpu.memref_slice %arg7[%rem3A_27, %dma_start3A_59, %dma_start3A_65] : memref<2x8x128xi32, #tpu.memory_space<vmem>> -> memref<1x1x128xi32, #tpu.memory_space<vmem>>
      %dma_start3A_67 = tpu.memref_squeeze %dma_start3A_66 : memref<1x1x128xi32, #tpu.memory_space<vmem>> -> memref<128xi32, #tpu.memory_space<vmem>>
      %dma_start3A_68 = arith.constant 0 : i32
      %dma_start3A_69 = arith.constant 0 : i32
      %dma_start3A_70 = tpu.memref_slice %arg2[%dma_start3A_68, %dma_start3A_69] : memref<10112x128xf32, #tpu.memory_space<hbm>> -> memref<10112x128xf32, #tpu.memory_space<hbm>>
      tpu.enqueue_indirect_dma source(%dma_start3A_70 : memref<10112x128xf32, #tpu.memory_space<hbm>>) target(%dma_start3A_64 : memref<128x128xf32, #tpu.memory_space<vmem>>) offsets(%dma_start3A_67 : memref<128xi32, #tpu.memory_space<vmem>>) semaphore(%arg11 : memref<!tpu.dma_semaphore, #tpu.memory_space<semaphore_mem>>)
      %dma_start3A_71 = arith.constant 1 : i32
      %dma_start3A_72 = arith.constant 1 : i32
      %dma_start3A_73 = arith.constant 0 : i32
      %dma_start3A_74 = arith.constant 0 : i32
      %dma_start3A_75 = tpu.memref_slice %arg9[%dma_start3A_72, %dma_start3A_73, %dma_start3A_74] : memref<2x128x128xf32, #tpu.memory_space<vmem>> -> memref<1x128x128xf32, #tpu.memory_space<vmem>>
      %dma_start3A_76 = tpu.memref_squeeze %dma_start3A_75 : memref<1x128x128xf32, #tpu.memory_space<vmem>> -> memref<128x128xf32, #tpu.memory_space<vmem>>
      %dma_start3A_77 = arith.constant 0 : i32
      %dma_start3A_78 = tpu.memref_slice %arg7[%rem3A_27, %dma_start3A_71, %dma_start3A_77] : memref<2x8x128xi32, #tpu.memory_space<vmem>> -> memref<1x1x128xi32, #tpu.memory_space<vmem>>
      %dma_start3A_79 = tpu.memref_squeeze %dma_start3A_78 : memref<1x1x128xi32, #tpu.memory_space<vmem>> -> memref<128xi32, #tpu.memory_space<vmem>>
      %dma_start3A_80 = arith.constant 0 : i32
      %dma_start3A_81 = arith.constant 0 : i32
      %dma_start3A_82 = tpu.memref_slice %arg2[%dma_start3A_80, %dma_start3A_81] : memref<10112x128xf32, #tpu.memory_space<hbm>> -> memref<10112x128xf32, #tpu.memory_space<hbm>>
      tpu.enqueue_indirect_dma source(%dma_start3A_82 : memref<10112x128xf32, #tpu.memory_space<hbm>>) target(%dma_start3A_76 : memref<128x128xf32, #tpu.memory_space<vmem>>) offsets(%dma_start3A_79 : memref<128xi32, #tpu.memory_space<vmem>>) semaphore(%arg12 : memref<!tpu.dma_semaphore, #tpu.memory_space<semaphore_mem>>)
      %dma_wait3A = arith.constant 0 : i32
      %dma_wait3A_83 = arith.constant 0 : i32
      %dma_wait3A_84 = arith.constant 0 : i32
      %dma_wait3A_85 = arith.constant 0 : i32
      %dma_wait3A_86 = tpu.memref_slice %arg9[%dma_wait3A_83, %dma_wait3A_84, %dma_wait3A_85] : memref<2x128x128xf32, #tpu.memory_space<vmem>> -> memref<1x128x128xf32, #tpu.memory_space<vmem>>
      %dma_wait3A_87 = tpu.memref_squeeze %dma_wait3A_86 : memref<1x128x128xf32, #tpu.memory_space<vmem>> -> memref<128x128xf32, #tpu.memory_space<vmem>>
      %dma_wait3A_88 = arith.constant 0 : i32
      %dma_wait3A_89 = tpu.memref_slice %arg7[%rem3A_27, %dma_wait3A, %dma_wait3A_88] : memref<2x8x128xi32, #tpu.memory_space<vmem>> -> memref<1x1x128xi32, #tpu.memory_space<vmem>>
      %dma_wait3A_90 = tpu.memref_squeeze %dma_wait3A_89 : memref<1x1x128xi32, #tpu.memory_space<vmem>> -> memref<128xi32, #tpu.memory_space<vmem>>
      %dma_wait3A_91 = arith.constant 0 : i32
      %dma_wait3A_92 = arith.constant 0 : i32
      %dma_wait3A_93 = tpu.memref_slice %arg2[%dma_wait3A_91, %dma_wait3A_92] : memref<10112x128xf32, #tpu.memory_space<hbm>> -> memref<10112x128xf32, #tpu.memory_space<hbm>>
      tpu.wait_indirect_dma semaphore(%arg11 : memref<!tpu.dma_semaphore, #tpu.memory_space<semaphore_mem>>) src(%dma_wait3A_93 : memref<10112x128xf32, #tpu.memory_space<hbm>>) dst(%dma_wait3A_87 : memref<128x128xf32, #tpu.memory_space<vmem>>)
      %run_scoped3A_94 = arith.constant 0 : i32
      %run_scoped3A_95 = arith.constant 0 : i32
      "tpu.region"() ({
        %run_scoped3A_290 = tpu.sem_alloc : memref<!tpu.dma_semaphore, #tpu.memory_space<semaphore_mem>>
        %dma_start3A_291 = arith.constant 0 : i32
        %dma_start3A_292 = arith.constant 0 : i32
        %dma_start3A_293 = tpu.memref_slice %arg9[%run_scoped3A_94, %dma_start3A_291, %dma_start3A_292] : memref<2x128x128xf32, #tpu.memory_space<vmem>> -> memref<1x128x128xf32, #tpu.memory_space<vmem>>
        %dma_start3A_294 = tpu.memref_squeeze %dma_start3A_293 : memref<1x128x128xf32, #tpu.memory_space<vmem>> -> memref<128x128xf32, #tpu.memory_space<vmem>>
        %dma_start3A_295 = arith.constant 0 : i32
        %dma_start3A_296 = tpu.memref_slice %arg8[%rem3A_27, %run_scoped3A_95, %dma_start3A_295] : memref<2x8x128xi32, #tpu.memory_space<vmem>> -> memref<1x1x128xi32, #tpu.memory_space<vmem>>
        %dma_start3A_297 = tpu.memref_squeeze %dma_start3A_296 : memref<1x1x128xi32, #tpu.memory_space<vmem>> -> memref<128xi32, #tpu.memory_space<vmem>>
        %dma_start3A_298 = arith.constant 0 : i32
        %dma_start3A_299 = arith.constant 0 : i32
        %dma_start3A_300 = tpu.memref_slice %arg10[%dma_start3A_298, %dma_start3A_299] : memref<10112x128xf32, #tpu.memory_space<vmem_shared>> -> memref<10112x128xf32, #tpu.memory_space<vmem_shared>>
        tpu.enqueue_indirect_dma source(%dma_start3A_294 : memref<128x128xf32, #tpu.memory_space<vmem>>) target(%dma_start3A_300 : memref<10112x128xf32, #tpu.memory_space<vmem_shared>>) offsets(%dma_start3A_297 : memref<128xi32, #tpu.memory_space<vmem>>) semaphore(%run_scoped3A_290 : memref<!tpu.dma_semaphore, #tpu.memory_space<semaphore_mem>>) {add = true}
        %dma_wait3A_301 = arith.constant 0 : i32
        %dma_wait3A_302 = arith.constant 0 : i32
        %dma_wait3A_303 = tpu.memref_slice %arg9[%run_scoped3A_94, %dma_wait3A_301, %dma_wait3A_302] : memref<2x128x128xf32, #tpu.memory_space<vmem>> -> memref<1x128x128xf32, #tpu.memory_space<vmem>>
        %dma_wait3A_304 = tpu.memref_squeeze %dma_wait3A_303 : memref<1x128x128xf32, #tpu.memory_space<vmem>> -> memref<128x128xf32, #tpu.memory_space<vmem>>
        %dma_wait3A_305 = arith.constant 0 : i32
        %dma_wait3A_306 = tpu.memref_slice %arg8[%rem3A_27, %run_scoped3A_95, %dma_wait3A_305] : memref<2x8x128xi32, #tpu.memory_space<vmem>> -> memref<1x1x128xi32, #tpu.memory_space<vmem>>
        %dma_wait3A_307 = tpu.memref_squeeze %dma_wait3A_306 : memref<1x1x128xi32, #tpu.memory_space<vmem>> -> memref<128xi32, #tpu.memory_space<vmem>>
        %dma_wait3A_308 = arith.constant 0 : i32
        %dma_wait3A_309 = arith.constant 0 : i32
        %dma_wait3A_310 = tpu.memref_slice %arg10[%dma_wait3A_308, %dma_wait3A_309] : memref<10112x128xf32, #tpu.memory_space<vmem_shared>> -> memref<10112x128xf32, #tpu.memory_space<vmem_shared>>
        tpu.wait_indirect_dma semaphore(%run_scoped3A_290 : memref<!tpu.dma_semaphore, #tpu.memory_space<semaphore_mem>>) src(%dma_wait3A_304 : memref<128x128xf32, #tpu.memory_space<vmem>>) dst(%dma_wait3A_310 : memref<10112x128xf32, #tpu.memory_space<vmem_shared>>)
        tpu.yield
      }) : () -> ()
      %dma_wait3A_96 = arith.constant 1 : i32
      %dma_wait3A_97 = arith.constant 1 : i32
      %dma_wait3A_98 = arith.constant 0 : i32
      %dma_wait3A_99 = arith.constant 0 : i32
      %dma_wait3A_100 = tpu.memref_slice %arg9[%dma_wait3A_97, %dma_wait3A_98, %dma_wait3A_99] : memref<2x128x128xf32, #tpu.memory_space<vmem>> -> memref<1x128x128xf32, #tpu.memory_space<vmem>>
      %dma_wait3A_101 = tpu.memref_squeeze %dma_wait3A_100 : memref<1x128x128xf32, #tpu.memory_space<vmem>> -> memref<128x128xf32, #tpu.memory_space<vmem>>
      %dma_wait3A_102 = arith.constant 0 : i32
      %dma_wait3A_103 = tpu.memref_slice %arg7[%rem3A_27, %dma_wait3A_96, %dma_wait3A_102] : memref<2x8x128xi32, #tpu.memory_space<vmem>> -> memref<1x1x128xi32, #tpu.memory_space<vmem>>
      %dma_wait3A_104 = tpu.memref_squeeze %dma_wait3A_103 : memref<1x1x128xi32, #tpu.memory_space<vmem>> -> memref<128xi32, #tpu.memory_space<vmem>>
      %dma_wait3A_105 = arith.constant 0 : i32
      %dma_wait3A_106 = arith.constant 0 : i32
      %dma_wait3A_107 = tpu.memref_slice %arg2[%dma_wait3A_105, %dma_wait3A_106] : memref<10112x128xf32, #tpu.memory_space<hbm>> -> memref<10112x128xf32, #tpu.memory_space<hbm>>
      tpu.wait_indirect_dma semaphore(%arg12 : memref<!tpu.dma_semaphore, #tpu.memory_space<semaphore_mem>>) src(%dma_wait3A_107 : memref<10112x128xf32, #tpu.memory_space<hbm>>) dst(%dma_wait3A_101 : memref<128x128xf32, #tpu.memory_space<vmem>>)
      %run_scoped3A_108 = arith.constant 1 : i32
      %run_scoped3A_109 = arith.constant 1 : i32
      "tpu.region"() ({
        %run_scoped3A_290 = tpu.sem_alloc : memref<!tpu.dma_semaphore, #tpu.memory_space<semaphore_mem>>
        %dma_start3A_291 = arith.constant 0 : i32
        %dma_start3A_292 = arith.constant 0 : i32
        %dma_start3A_293 = tpu.memref_slice %arg9[%run_scoped3A_108, %dma_start3A_291, %dma_start3A_292] : memref<2x128x128xf32, #tpu.memory_space<vmem>> -> memref<1x128x128xf32, #tpu.memory_space<vmem>>
        %dma_start3A_294 = tpu.memref_squeeze %dma_start3A_293 : memref<1x128x128xf32, #tpu.memory_space<vmem>> -> memref<128x128xf32, #tpu.memory_space<vmem>>
        %dma_start3A_295 = arith.constant 0 : i32
        %dma_start3A_296 = tpu.memref_slice %arg8[%rem3A_27, %run_scoped3A_109, %dma_start3A_295] : memref<2x8x128xi32, #tpu.memory_space<vmem>> -> memref<1x1x128xi32, #tpu.memory_space<vmem>>
        %dma_start3A_297 = tpu.memref_squeeze %dma_start3A_296 : memref<1x1x128xi32, #tpu.memory_space<vmem>> -> memref<128xi32, #tpu.memory_space<vmem>>
        %dma_start3A_298 = arith.constant 0 : i32
        %dma_start3A_299 = arith.constant 0 : i32
        %dma_start3A_300 = tpu.memref_slice %arg10[%dma_start3A_298, %dma_start3A_299] : memref<10112x128xf32, #tpu.memory_space<vmem_shared>> -> memref<10112x128xf32, #tpu.memory_space<vmem_shared>>
        tpu.enqueue_indirect_dma source(%dma_start3A_294 : memref<128x128xf32, #tpu.memory_space<vmem>>) target(%dma_start3A_300 : memref<10112x128xf32, #tpu.memory_space<vmem_shared>>) offsets(%dma_start3A_297 : memref<128xi32, #tpu.memory_space<vmem>>) semaphore(%run_scoped3A_290 : memref<!tpu.dma_semaphore, #tpu.memory_space<semaphore_mem>>) {add = true}
        %dma_wait3A_301 = arith.constant 0 : i32
        %dma_wait3A_302 = arith.constant 0 : i32
        %dma_wait3A_303 = tpu.memref_slice %arg9[%run_scoped3A_108, %dma_wait3A_301, %dma_wait3A_302] : memref<2x128x128xf32, #tpu.memory_space<vmem>> -> memref<1x128x128xf32, #tpu.memory_space<vmem>>
        %dma_wait3A_304 = tpu.memref_squeeze %dma_wait3A_303 : memref<1x128x128xf32, #tpu.memory_space<vmem>> -> memref<128x128xf32, #tpu.memory_space<vmem>>
        %dma_wait3A_305 = arith.constant 0 : i32
        %dma_wait3A_306 = tpu.memref_slice %arg8[%rem3A_27, %run_scoped3A_109, %dma_wait3A_305] : memref<2x8x128xi32, #tpu.memory_space<vmem>> -> memref<1x1x128xi32, #tpu.memory_space<vmem>>
        %dma_wait3A_307 = tpu.memref_squeeze %dma_wait3A_306 : memref<1x1x128xi32, #tpu.memory_space<vmem>> -> memref<128xi32, #tpu.memory_space<vmem>>
        %dma_wait3A_308 = arith.constant 0 : i32
        %dma_wait3A_309 = arith.constant 0 : i32
        %dma_wait3A_310 = tpu.memref_slice %arg10[%dma_wait3A_308, %dma_wait3A_309] : memref<10112x128xf32, #tpu.memory_space<vmem_shared>> -> memref<10112x128xf32, #tpu.memory_space<vmem_shared>>
        tpu.wait_indirect_dma semaphore(%run_scoped3A_290 : memref<!tpu.dma_semaphore, #tpu.memory_space<semaphore_mem>>) src(%dma_wait3A_304 : memref<128x128xf32, #tpu.memory_space<vmem>>) dst(%dma_wait3A_310 : memref<10112x128xf32, #tpu.memory_space<vmem_shared>>)
        tpu.yield
      }) : () -> ()
      %dma_start3A_110 = arith.constant 2 : i32
      %dma_start3A_111 = arith.constant 0 : i32
      %dma_start3A_112 = arith.constant 0 : i32
      %dma_start3A_113 = arith.constant 0 : i32
      %dma_start3A_114 = tpu.memref_slice %arg9[%dma_start3A_111, %dma_start3A_112, %dma_start3A_113] : memref<2x128x128xf32, #tpu.memory_space<vmem>> -> memref<1x128x128xf32, #tpu.memory_space<vmem>>
      %dma_start3A_115 = tpu.memref_squeeze %dma_start3A_114 : memref<1x128x128xf32, #tpu.memory_space<vmem>> -> memref<128x128xf32, #tpu.memory_space<vmem>>
      %dma_start3A_116 = arith.constant 0 : i32
      %dma_start3A_117 = tpu.memref_slice %arg7[%rem3A_27, %dma_start3A_110, %dma_start3A_116] : memref<2x8x128xi32, #tpu.memory_space<vmem>> -> memref<1x1x128xi32, #tpu.memory_space<vmem>>
      %dma_start3A_118 = tpu.memref_squeeze %dma_start3A_117 : memref<1x1x128xi32, #tpu.memory_space<vmem>> -> memref<128xi32, #tpu.memory_space<vmem>>
      %dma_start3A_119 = arith.constant 0 : i32
      %dma_start3A_120 = arith.constant 0 : i32
      %dma_start3A_121 = tpu.memref_slice %arg2[%dma_start3A_119, %dma_start3A_120] : memref<10112x128xf32, #tpu.memory_space<hbm>> -> memref<10112x128xf32, #tpu.memory_space<hbm>>
      tpu.enqueue_indirect_dma source(%dma_start3A_121 : memref<10112x128xf32, #tpu.memory_space<hbm>>) target(%dma_start3A_115 : memref<128x128xf32, #tpu.memory_space<vmem>>) offsets(%dma_start3A_118 : memref<128xi32, #tpu.memory_space<vmem>>) semaphore(%arg11 : memref<!tpu.dma_semaphore, #tpu.memory_space<semaphore_mem>>)
      %dma_start3A_122 = arith.constant 3 : i32
      %dma_start3A_123 = arith.constant 1 : i32
      %dma_start3A_124 = arith.constant 0 : i32
      %dma_start3A_125 = arith.constant 0 : i32
      %dma_start3A_126 = tpu.memref_slice %arg9[%dma_start3A_123, %dma_start3A_124, %dma_start3A_125] : memref<2x128x128xf32, #tpu.memory_space<vmem>> -> memref<1x128x128xf32, #tpu.memory_space<vmem>>
      %dma_start3A_127 = tpu.memref_squeeze %dma_start3A_126 : memref<1x128x128xf32, #tpu.memory_space<vmem>> -> memref<128x128xf32, #tpu.memory_space<vmem>>
      %dma_start3A_128 = arith.constant 0 : i32
      %dma_start3A_129 = tpu.memref_slice %arg7[%rem3A_27, %dma_start3A_122, %dma_start3A_128] : memref<2x8x128xi32, #tpu.memory_space<vmem>> -> memref<1x1x128xi32, #tpu.memory_space<vmem>>
      %dma_start3A_130 = tpu.memref_squeeze %dma_start3A_129 : memref<1x1x128xi32, #tpu.memory_space<vmem>> -> memref<128xi32, #tpu.memory_space<vmem>>
      %dma_start3A_131 = arith.constant 0 : i32
      %dma_start3A_132 = arith.constant 0 : i32
      %dma_start3A_133 = tpu.memref_slice %arg2[%dma_start3A_131, %dma_start3A_132] : memref<10112x128xf32, #tpu.memory_space<hbm>> -> memref<10112x128xf32, #tpu.memory_space<hbm>>
      tpu.enqueue_indirect_dma source(%dma_start3A_133 : memref<10112x128xf32, #tpu.memory_space<hbm>>) target(%dma_start3A_127 : memref<128x128xf32, #tpu.memory_space<vmem>>) offsets(%dma_start3A_130 : memref<128xi32, #tpu.memory_space<vmem>>) semaphore(%arg12 : memref<!tpu.dma_semaphore, #tpu.memory_space<semaphore_mem>>)
      %dma_wait3A_134 = arith.constant 2 : i32
      %dma_wait3A_135 = arith.constant 0 : i32
      %dma_wait3A_136 = arith.constant 0 : i32
      %dma_wait3A_137 = arith.constant 0 : i32
      %dma_wait3A_138 = tpu.memref_slice %arg9[%dma_wait3A_135, %dma_wait3A_136, %dma_wait3A_137] : memref<2x128x128xf32, #tpu.memory_space<vmem>> -> memref<1x128x128xf32, #tpu.memory_space<vmem>>
      %dma_wait3A_139 = tpu.memref_squeeze %dma_wait3A_138 : memref<1x128x128xf32, #tpu.memory_space<vmem>> -> memref<128x128xf32, #tpu.memory_space<vmem>>
      %dma_wait3A_140 = arith.constant 0 : i32
      %dma_wait3A_141 = tpu.memref_slice %arg7[%rem3A_27, %dma_wait3A_134, %dma_wait3A_140] : memref<2x8x128xi32, #tpu.memory_space<vmem>> -> memref<1x1x128xi32, #tpu.memory_space<vmem>>
      %dma_wait3A_142 = tpu.memref_squeeze %dma_wait3A_141 : memref<1x1x128xi32, #tpu.memory_space<vmem>> -> memref<128xi32, #tpu.memory_space<vmem>>
      %dma_wait3A_143 = arith.constant 0 : i32
      %dma_wait3A_144 = arith.constant 0 : i32
      %dma_wait3A_145 = tpu.memref_slice %arg2[%dma_wait3A_143, %dma_wait3A_144] : memref<10112x128xf32, #tpu.memory_space<hbm>> -> memref<10112x128xf32, #tpu.memory_space<hbm>>
      tpu.wait_indirect_dma semaphore(%arg11 : memref<!tpu.dma_semaphore, #tpu.memory_space<semaphore_mem>>) src(%dma_wait3A_145 : memref<10112x128xf32, #tpu.memory_space<hbm>>) dst(%dma_wait3A_139 : memref<128x128xf32, #tpu.memory_space<vmem>>)
      %run_scoped3A_146 = arith.constant 0 : i32
      %run_scoped3A_147 = arith.constant 2 : i32
      "tpu.region"() ({
        %run_scoped3A_290 = tpu.sem_alloc : memref<!tpu.dma_semaphore, #tpu.memory_space<semaphore_mem>>
        %dma_start3A_291 = arith.constant 0 : i32
        %dma_start3A_292 = arith.constant 0 : i32
        %dma_start3A_293 = tpu.memref_slice %arg9[%run_scoped3A_146, %dma_start3A_291, %dma_start3A_292] : memref<2x128x128xf32, #tpu.memory_space<vmem>> -> memref<1x128x128xf32, #tpu.memory_space<vmem>>
        %dma_start3A_294 = tpu.memref_squeeze %dma_start3A_293 : memref<1x128x128xf32, #tpu.memory_space<vmem>> -> memref<128x128xf32, #tpu.memory_space<vmem>>
        %dma_start3A_295 = arith.constant 0 : i32
        %dma_start3A_296 = tpu.memref_slice %arg8[%rem3A_27, %run_scoped3A_147, %dma_start3A_295] : memref<2x8x128xi32, #tpu.memory_space<vmem>> -> memref<1x1x128xi32, #tpu.memory_space<vmem>>
        %dma_start3A_297 = tpu.memref_squeeze %dma_start3A_296 : memref<1x1x128xi32, #tpu.memory_space<vmem>> -> memref<128xi32, #tpu.memory_space<vmem>>
        %dma_start3A_298 = arith.constant 0 : i32
        %dma_start3A_299 = arith.constant 0 : i32
        %dma_start3A_300 = tpu.memref_slice %arg10[%dma_start3A_298, %dma_start3A_299] : memref<10112x128xf32, #tpu.memory_space<vmem_shared>> -> memref<10112x128xf32, #tpu.memory_space<vmem_shared>>
        tpu.enqueue_indirect_dma source(%dma_start3A_294 : memref<128x128xf32, #tpu.memory_space<vmem>>) target(%dma_start3A_300 : memref<10112x128xf32, #tpu.memory_space<vmem_shared>>) offsets(%dma_start3A_297 : memref<128xi32, #tpu.memory_space<vmem>>) semaphore(%run_scoped3A_290 : memref<!tpu.dma_semaphore, #tpu.memory_space<semaphore_mem>>) {add = true}
        %dma_wait3A_301 = arith.constant 0 : i32
        %dma_wait3A_302 = arith.constant 0 : i32
        %dma_wait3A_303 = tpu.memref_slice %arg9[%run_scoped3A_146, %dma_wait3A_301, %dma_wait3A_302] : memref<2x128x128xf32, #tpu.memory_space<vmem>> -> memref<1x128x128xf32, #tpu.memory_space<vmem>>
        %dma_wait3A_304 = tpu.memref_squeeze %dma_wait3A_303 : memref<1x128x128xf32, #tpu.memory_space<vmem>> -> memref<128x128xf32, #tpu.memory_space<vmem>>
        %dma_wait3A_305 = arith.constant 0 : i32
        %dma_wait3A_306 = tpu.memref_slice %arg8[%rem3A_27, %run_scoped3A_147, %dma_wait3A_305] : memref<2x8x128xi32, #tpu.memory_space<vmem>> -> memref<1x1x128xi32, #tpu.memory_space<vmem>>
        %dma_wait3A_307 = tpu.memref_squeeze %dma_wait3A_306 : memref<1x1x128xi32, #tpu.memory_space<vmem>> -> memref<128xi32, #tpu.memory_space<vmem>>
        %dma_wait3A_308 = arith.constant 0 : i32
        %dma_wait3A_309 = arith.constant 0 : i32
        %dma_wait3A_310 = tpu.memref_slice %arg10[%dma_wait3A_308, %dma_wait3A_309] : memref<10112x128xf32, #tpu.memory_space<vmem_shared>> -> memref<10112x128xf32, #tpu.memory_space<vmem_shared>>
        tpu.wait_indirect_dma semaphore(%run_scoped3A_290 : memref<!tpu.dma_semaphore, #tpu.memory_space<semaphore_mem>>) src(%dma_wait3A_304 : memref<128x128xf32, #tpu.memory_space<vmem>>) dst(%dma_wait3A_310 : memref<10112x128xf32, #tpu.memory_space<vmem_shared>>)
        tpu.yield
      }) : () -> ()
      %dma_wait3A_148 = arith.constant 3 : i32
      %dma_wait3A_149 = arith.constant 1 : i32
      %dma_wait3A_150 = arith.constant 0 : i32
      %dma_wait3A_151 = arith.constant 0 : i32
      %dma_wait3A_152 = tpu.memref_slice %arg9[%dma_wait3A_149, %dma_wait3A_150, %dma_wait3A_151] : memref<2x128x128xf32, #tpu.memory_space<vmem>> -> memref<1x128x128xf32, #tpu.memory_space<vmem>>
      %dma_wait3A_153 = tpu.memref_squeeze %dma_wait3A_152 : memref<1x128x128xf32, #tpu.memory_space<vmem>> -> memref<128x128xf32, #tpu.memory_space<vmem>>
      %dma_wait3A_154 = arith.constant 0 : i32
      %dma_wait3A_155 = tpu.memref_slice %arg7[%rem3A_27, %dma_wait3A_148, %dma_wait3A_154] : memref<2x8x128xi32, #tpu.memory_space<vmem>> -> memref<1x1x128xi32, #tpu.memory_space<vmem>>
      %dma_wait3A_156 = tpu.memref_squeeze %dma_wait3A_155 : memref<1x1x128xi32, #tpu.memory_space<vmem>> -> memref<128xi32, #tpu.memory_space<vmem>>
      %dma_wait3A_157 = arith.constant 0 : i32
      %dma_wait3A_158 = arith.constant 0 : i32
      %dma_wait3A_159 = tpu.memref_slice %arg2[%dma_wait3A_157, %dma_wait3A_158] : memref<10112x128xf32, #tpu.memory_space<hbm>> -> memref<10112x128xf32, #tpu.memory_space<hbm>>
      tpu.wait_indirect_dma semaphore(%arg12 : memref<!tpu.dma_semaphore, #tpu.memory_space<semaphore_mem>>) src(%dma_wait3A_159 : memref<10112x128xf32, #tpu.memory_space<hbm>>) dst(%dma_wait3A_153 : memref<128x128xf32, #tpu.memory_space<vmem>>)
      %run_scoped3A_160 = arith.constant 1 : i32
      %run_scoped3A_161 = arith.constant 3 : i32
      "tpu.region"() ({
        %run_scoped3A_290 = tpu.sem_alloc : memref<!tpu.dma_semaphore, #tpu.memory_space<semaphore_mem>>
        %dma_start3A_291 = arith.constant 0 : i32
        %dma_start3A_292 = arith.constant 0 : i32
        %dma_start3A_293 = tpu.memref_slice %arg9[%run_scoped3A_160, %dma_start3A_291, %dma_start3A_292] : memref<2x128x128xf32, #tpu.memory_space<vmem>> -> memref<1x128x128xf32, #tpu.memory_space<vmem>>
        %dma_start3A_294 = tpu.memref_squeeze %dma_start3A_293 : memref<1x128x128xf32, #tpu.memory_space<vmem>> -> memref<128x128xf32, #tpu.memory_space<vmem>>
        %dma_start3A_295 = arith.constant 0 : i32
        %dma_start3A_296 = tpu.memref_slice %arg8[%rem3A_27, %run_scoped3A_161, %dma_start3A_295] : memref<2x8x128xi32, #tpu.memory_space<vmem>> -> memref<1x1x128xi32, #tpu.memory_space<vmem>>
        %dma_start3A_297 = tpu.memref_squeeze %dma_start3A_296 : memref<1x1x128xi32, #tpu.memory_space<vmem>> -> memref<128xi32, #tpu.memory_space<vmem>>
        %dma_start3A_298 = arith.constant 0 : i32
        %dma_start3A_299 = arith.constant 0 : i32
        %dma_start3A_300 = tpu.memref_slice %arg10[%dma_start3A_298, %dma_start3A_299] : memref<10112x128xf32, #tpu.memory_space<vmem_shared>> -> memref<10112x128xf32, #tpu.memory_space<vmem_shared>>
        tpu.enqueue_indirect_dma source(%dma_start3A_294 : memref<128x128xf32, #tpu.memory_space<vmem>>) target(%dma_start3A_300 : memref<10112x128xf32, #tpu.memory_space<vmem_shared>>) offsets(%dma_start3A_297 : memref<128xi32, #tpu.memory_space<vmem>>) semaphore(%run_scoped3A_290 : memref<!tpu.dma_semaphore, #tpu.memory_space<semaphore_mem>>) {add = true}
        %dma_wait3A_301 = arith.constant 0 : i32
        %dma_wait3A_302 = arith.constant 0 : i32
        %dma_wait3A_303 = tpu.memref_slice %arg9[%run_scoped3A_160, %dma_wait3A_301, %dma_wait3A_302] : memref<2x128x128xf32, #tpu.memory_space<vmem>> -> memref<1x128x128xf32, #tpu.memory_space<vmem>>
        %dma_wait3A_304 = tpu.memref_squeeze %dma_wait3A_303 : memref<1x128x128xf32, #tpu.memory_space<vmem>> -> memref<128x128xf32, #tpu.memory_space<vmem>>
        %dma_wait3A_305 = arith.constant 0 : i32
        %dma_wait3A_306 = tpu.memref_slice %arg8[%rem3A_27, %run_scoped3A_161, %dma_wait3A_305] : memref<2x8x128xi32, #tpu.memory_space<vmem>> -> memref<1x1x128xi32, #tpu.memory_space<vmem>>
        %dma_wait3A_307 = tpu.memref_squeeze %dma_wait3A_306 : memref<1x1x128xi32, #tpu.memory_space<vmem>> -> memref<128xi32, #tpu.memory_space<vmem>>
        %dma_wait3A_308 = arith.constant 0 : i32
        %dma_wait3A_309 = arith.constant 0 : i32
        %dma_wait3A_310 = tpu.memref_slice %arg10[%dma_wait3A_308, %dma_wait3A_309] : memref<10112x128xf32, #tpu.memory_space<vmem_shared>> -> memref<10112x128xf32, #tpu.memory_space<vmem_shared>>
        tpu.wait_indirect_dma semaphore(%run_scoped3A_290 : memref<!tpu.dma_semaphore, #tpu.memory_space<semaphore_mem>>) src(%dma_wait3A_304 : memref<128x128xf32, #tpu.memory_space<vmem>>) dst(%dma_wait3A_310 : memref<10112x128xf32, #tpu.memory_space<vmem_shared>>)
        tpu.yield
      }) : () -> ()
      %dma_start3A_162 = arith.constant 4 : i32
      %dma_start3A_163 = arith.constant 0 : i32
      %dma_start3A_164 = arith.constant 0 : i32
      %dma_start3A_165 = arith.constant 0 : i32
      %dma_start3A_166 = tpu.memref_slice %arg9[%dma_start3A_163, %dma_start3A_164, %dma_start3A_165] : memref<2x128x128xf32, #tpu.memory_space<vmem>> -> memref<1x128x128xf32, #tpu.memory_space<vmem>>
      %dma_start3A_167 = tpu.memref_squeeze %dma_start3A_166 : memref<1x128x128xf32, #tpu.memory_space<vmem>> -> memref<128x128xf32, #tpu.memory_space<vmem>>
      %dma_start3A_168 = arith.constant 0 : i32
      %dma_start3A_169 = tpu.memref_slice %arg7[%rem3A_27, %dma_start3A_162, %dma_start3A_168] : memref<2x8x128xi32, #tpu.memory_space<vmem>> -> memref<1x1x128xi32, #tpu.memory_space<vmem>>
      %dma_start3A_170 = tpu.memref_squeeze %dma_start3A_169 : memref<1x1x128xi32, #tpu.memory_space<vmem>> -> memref<128xi32, #tpu.memory_space<vmem>>
      %dma_start3A_171 = arith.constant 0 : i32
      %dma_start3A_172 = arith.constant 0 : i32
      %dma_start3A_173 = tpu.memref_slice %arg2[%dma_start3A_171, %dma_start3A_172] : memref<10112x128xf32, #tpu.memory_space<hbm>> -> memref<10112x128xf32, #tpu.memory_space<hbm>>
      tpu.enqueue_indirect_dma source(%dma_start3A_173 : memref<10112x128xf32, #tpu.memory_space<hbm>>) target(%dma_start3A_167 : memref<128x128xf32, #tpu.memory_space<vmem>>) offsets(%dma_start3A_170 : memref<128xi32, #tpu.memory_space<vmem>>) semaphore(%arg11 : memref<!tpu.dma_semaphore, #tpu.memory_space<semaphore_mem>>)
      %dma_start3A_174 = arith.constant 5 : i32
      %dma_start3A_175 = arith.constant 1 : i32
      %dma_start3A_176 = arith.constant 0 : i32
      %dma_start3A_177 = arith.constant 0 : i32
      %dma_start3A_178 = tpu.memref_slice %arg9[%dma_start3A_175, %dma_start3A_176, %dma_start3A_177] : memref<2x128x128xf32, #tpu.memory_space<vmem>> -> memref<1x128x128xf32, #tpu.memory_space<vmem>>
      %dma_start3A_179 = tpu.memref_squeeze %dma_start3A_178 : memref<1x128x128xf32, #tpu.memory_space<vmem>> -> memref<128x128xf32, #tpu.memory_space<vmem>>
      %dma_start3A_180 = arith.constant 0 : i32
      %dma_start3A_181 = tpu.memref_slice %arg7[%rem3A_27, %dma_start3A_174, %dma_start3A_180] : memref<2x8x128xi32, #tpu.memory_space<vmem>> -> memref<1x1x128xi32, #tpu.memory_space<vmem>>
      %dma_start3A_182 = tpu.memref_squeeze %dma_start3A_181 : memref<1x1x128xi32, #tpu.memory_space<vmem>> -> memref<128xi32, #tpu.memory_space<vmem>>
      %dma_start3A_183 = arith.constant 0 : i32
      %dma_start3A_184 = arith.constant 0 : i32
      %dma_start3A_185 = tpu.memref_slice %arg2[%dma_start3A_183, %dma_start3A_184] : memref<10112x128xf32, #tpu.memory_space<hbm>> -> memref<10112x128xf32, #tpu.memory_space<hbm>>
      tpu.enqueue_indirect_dma source(%dma_start3A_185 : memref<10112x128xf32, #tpu.memory_space<hbm>>) target(%dma_start3A_179 : memref<128x128xf32, #tpu.memory_space<vmem>>) offsets(%dma_start3A_182 : memref<128xi32, #tpu.memory_space<vmem>>) semaphore(%arg12 : memref<!tpu.dma_semaphore, #tpu.memory_space<semaphore_mem>>)
      %dma_wait3A_186 = arith.constant 4 : i32
      %dma_wait3A_187 = arith.constant 0 : i32
      %dma_wait3A_188 = arith.constant 0 : i32
      %dma_wait3A_189 = arith.constant 0 : i32
      %dma_wait3A_190 = tpu.memref_slice %arg9[%dma_wait3A_187, %dma_wait3A_188, %dma_wait3A_189] : memref<2x128x128xf32, #tpu.memory_space<vmem>> -> memref<1x128x128xf32, #tpu.memory_space<vmem>>
      %dma_wait3A_191 = tpu.memref_squeeze %dma_wait3A_190 : memref<1x128x128xf32, #tpu.memory_space<vmem>> -> memref<128x128xf32, #tpu.memory_space<vmem>>
      %dma_wait3A_192 = arith.constant 0 : i32
      %dma_wait3A_193 = tpu.memref_slice %arg7[%rem3A_27, %dma_wait3A_186, %dma_wait3A_192] : memref<2x8x128xi32, #tpu.memory_space<vmem>> -> memref<1x1x128xi32, #tpu.memory_space<vmem>>
      %dma_wait3A_194 = tpu.memref_squeeze %dma_wait3A_193 : memref<1x1x128xi32, #tpu.memory_space<vmem>> -> memref<128xi32, #tpu.memory_space<vmem>>
      %dma_wait3A_195 = arith.constant 0 : i32
      %dma_wait3A_196 = arith.constant 0 : i32
      %dma_wait3A_197 = tpu.memref_slice %arg2[%dma_wait3A_195, %dma_wait3A_196] : memref<10112x128xf32, #tpu.memory_space<hbm>> -> memref<10112x128xf32, #tpu.memory_space<hbm>>
      tpu.wait_indirect_dma semaphore(%arg11 : memref<!tpu.dma_semaphore, #tpu.memory_space<semaphore_mem>>) src(%dma_wait3A_197 : memref<10112x128xf32, #tpu.memory_space<hbm>>) dst(%dma_wait3A_191 : memref<128x128xf32, #tpu.memory_space<vmem>>)
      %run_scoped3A_198 = arith.constant 0 : i32
      %run_scoped3A_199 = arith.constant 4 : i32
      "tpu.region"() ({
        %run_scoped3A_290 = tpu.sem_alloc : memref<!tpu.dma_semaphore, #tpu.memory_space<semaphore_mem>>
        %dma_start3A_291 = arith.constant 0 : i32
        %dma_start3A_292 = arith.constant 0 : i32
        %dma_start3A_293 = tpu.memref_slice %arg9[%run_scoped3A_198, %dma_start3A_291, %dma_start3A_292] : memref<2x128x128xf32, #tpu.memory_space<vmem>> -> memref<1x128x128xf32, #tpu.memory_space<vmem>>
        %dma_start3A_294 = tpu.memref_squeeze %dma_start3A_293 : memref<1x128x128xf32, #tpu.memory_space<vmem>> -> memref<128x128xf32, #tpu.memory_space<vmem>>
        %dma_start3A_295 = arith.constant 0 : i32
        %dma_start3A_296 = tpu.memref_slice %arg8[%rem3A_27, %run_scoped3A_199, %dma_start3A_295] : memref<2x8x128xi32, #tpu.memory_space<vmem>> -> memref<1x1x128xi32, #tpu.memory_space<vmem>>
        %dma_start3A_297 = tpu.memref_squeeze %dma_start3A_296 : memref<1x1x128xi32, #tpu.memory_space<vmem>> -> memref<128xi32, #tpu.memory_space<vmem>>
        %dma_start3A_298 = arith.constant 0 : i32
        %dma_start3A_299 = arith.constant 0 : i32
        %dma_start3A_300 = tpu.memref_slice %arg10[%dma_start3A_298, %dma_start3A_299] : memref<10112x128xf32, #tpu.memory_space<vmem_shared>> -> memref<10112x128xf32, #tpu.memory_space<vmem_shared>>
        tpu.enqueue_indirect_dma source(%dma_start3A_294 : memref<128x128xf32, #tpu.memory_space<vmem>>) target(%dma_start3A_300 : memref<10112x128xf32, #tpu.memory_space<vmem_shared>>) offsets(%dma_start3A_297 : memref<128xi32, #tpu.memory_space<vmem>>) semaphore(%run_scoped3A_290 : memref<!tpu.dma_semaphore, #tpu.memory_space<semaphore_mem>>) {add = true}
        %dma_wait3A_301 = arith.constant 0 : i32
        %dma_wait3A_302 = arith.constant 0 : i32
        %dma_wait3A_303 = tpu.memref_slice %arg9[%run_scoped3A_198, %dma_wait3A_301, %dma_wait3A_302] : memref<2x128x128xf32, #tpu.memory_space<vmem>> -> memref<1x128x128xf32, #tpu.memory_space<vmem>>
        %dma_wait3A_304 = tpu.memref_squeeze %dma_wait3A_303 : memref<1x128x128xf32, #tpu.memory_space<vmem>> -> memref<128x128xf32, #tpu.memory_space<vmem>>
        %dma_wait3A_305 = arith.constant 0 : i32
        %dma_wait3A_306 = tpu.memref_slice %arg8[%rem3A_27, %run_scoped3A_199, %dma_wait3A_305] : memref<2x8x128xi32, #tpu.memory_space<vmem>> -> memref<1x1x128xi32, #tpu.memory_space<vmem>>
        %dma_wait3A_307 = tpu.memref_squeeze %dma_wait3A_306 : memref<1x1x128xi32, #tpu.memory_space<vmem>> -> memref<128xi32, #tpu.memory_space<vmem>>
        %dma_wait3A_308 = arith.constant 0 : i32
        %dma_wait3A_309 = arith.constant 0 : i32
        %dma_wait3A_310 = tpu.memref_slice %arg10[%dma_wait3A_308, %dma_wait3A_309] : memref<10112x128xf32, #tpu.memory_space<vmem_shared>> -> memref<10112x128xf32, #tpu.memory_space<vmem_shared>>
        tpu.wait_indirect_dma semaphore(%run_scoped3A_290 : memref<!tpu.dma_semaphore, #tpu.memory_space<semaphore_mem>>) src(%dma_wait3A_304 : memref<128x128xf32, #tpu.memory_space<vmem>>) dst(%dma_wait3A_310 : memref<10112x128xf32, #tpu.memory_space<vmem_shared>>)
        tpu.yield
      }) : () -> ()
      %dma_wait3A_200 = arith.constant 5 : i32
      %dma_wait3A_201 = arith.constant 1 : i32
      %dma_wait3A_202 = arith.constant 0 : i32
      %dma_wait3A_203 = arith.constant 0 : i32
      %dma_wait3A_204 = tpu.memref_slice %arg9[%dma_wait3A_201, %dma_wait3A_202, %dma_wait3A_203] : memref<2x128x128xf32, #tpu.memory_space<vmem>> -> memref<1x128x128xf32, #tpu.memory_space<vmem>>
      %dma_wait3A_205 = tpu.memref_squeeze %dma_wait3A_204 : memref<1x128x128xf32, #tpu.memory_space<vmem>> -> memref<128x128xf32, #tpu.memory_space<vmem>>
      %dma_wait3A_206 = arith.constant 0 : i32
      %dma_wait3A_207 = tpu.memref_slice %arg7[%rem3A_27, %dma_wait3A_200, %dma_wait3A_206] : memref<2x8x128xi32, #tpu.memory_space<vmem>> -> memref<1x1x128xi32, #tpu.memory_space<vmem>>
      %dma_wait3A_208 = tpu.memref_squeeze %dma_wait3A_207 : memref<1x1x128xi32, #tpu.memory_space<vmem>> -> memref<128xi32, #tpu.memory_space<vmem>>
      %dma_wait3A_209 = arith.constant 0 : i32
      %dma_wait3A_210 = arith.constant 0 : i32
      %dma_wait3A_211 = tpu.memref_slice %arg2[%dma_wait3A_209, %dma_wait3A_210] : memref<10112x128xf32, #tpu.memory_space<hbm>> -> memref<10112x128xf32, #tpu.memory_space<hbm>>
      tpu.wait_indirect_dma semaphore(%arg12 : memref<!tpu.dma_semaphore, #tpu.memory_space<semaphore_mem>>) src(%dma_wait3A_211 : memref<10112x128xf32, #tpu.memory_space<hbm>>) dst(%dma_wait3A_205 : memref<128x128xf32, #tpu.memory_space<vmem>>)
      %run_scoped3A_212 = arith.constant 1 : i32
      %run_scoped3A_213 = arith.constant 5 : i32
      "tpu.region"() ({
        %run_scoped3A_290 = tpu.sem_alloc : memref<!tpu.dma_semaphore, #tpu.memory_space<semaphore_mem>>
        %dma_start3A_291 = arith.constant 0 : i32
        %dma_start3A_292 = arith.constant 0 : i32
        %dma_start3A_293 = tpu.memref_slice %arg9[%run_scoped3A_212, %dma_start3A_291, %dma_start3A_292] : memref<2x128x128xf32, #tpu.memory_space<vmem>> -> memref<1x128x128xf32, #tpu.memory_space<vmem>>
        %dma_start3A_294 = tpu.memref_squeeze %dma_start3A_293 : memref<1x128x128xf32, #tpu.memory_space<vmem>> -> memref<128x128xf32, #tpu.memory_space<vmem>>
        %dma_start3A_295 = arith.constant 0 : i32
        %dma_start3A_296 = tpu.memref_slice %arg8[%rem3A_27, %run_scoped3A_213, %dma_start3A_295] : memref<2x8x128xi32, #tpu.memory_space<vmem>> -> memref<1x1x128xi32, #tpu.memory_space<vmem>>
        %dma_start3A_297 = tpu.memref_squeeze %dma_start3A_296 : memref<1x1x128xi32, #tpu.memory_space<vmem>> -> memref<128xi32, #tpu.memory_space<vmem>>
        %dma_start3A_298 = arith.constant 0 : i32
        %dma_start3A_299 = arith.constant 0 : i32
        %dma_start3A_300 = tpu.memref_slice %arg10[%dma_start3A_298, %dma_start3A_299] : memref<10112x128xf32, #tpu.memory_space<vmem_shared>> -> memref<10112x128xf32, #tpu.memory_space<vmem_shared>>
        tpu.enqueue_indirect_dma source(%dma_start3A_294 : memref<128x128xf32, #tpu.memory_space<vmem>>) target(%dma_start3A_300 : memref<10112x128xf32, #tpu.memory_space<vmem_shared>>) offsets(%dma_start3A_297 : memref<128xi32, #tpu.memory_space<vmem>>) semaphore(%run_scoped3A_290 : memref<!tpu.dma_semaphore, #tpu.memory_space<semaphore_mem>>) {add = true}
        %dma_wait3A_301 = arith.constant 0 : i32
        %dma_wait3A_302 = arith.constant 0 : i32
        %dma_wait3A_303 = tpu.memref_slice %arg9[%run_scoped3A_212, %dma_wait3A_301, %dma_wait3A_302] : memref<2x128x128xf32, #tpu.memory_space<vmem>> -> memref<1x128x128xf32, #tpu.memory_space<vmem>>
        %dma_wait3A_304 = tpu.memref_squeeze %dma_wait3A_303 : memref<1x128x128xf32, #tpu.memory_space<vmem>> -> memref<128x128xf32, #tpu.memory_space<vmem>>
        %dma_wait3A_305 = arith.constant 0 : i32
        %dma_wait3A_306 = tpu.memref_slice %arg8[%rem3A_27, %run_scoped3A_213, %dma_wait3A_305] : memref<2x8x128xi32, #tpu.memory_space<vmem>> -> memref<1x1x128xi32, #tpu.memory_space<vmem>>
        %dma_wait3A_307 = tpu.memref_squeeze %dma_wait3A_306 : memref<1x1x128xi32, #tpu.memory_space<vmem>> -> memref<128xi32, #tpu.memory_space<vmem>>
        %dma_wait3A_308 = arith.constant 0 : i32
        %dma_wait3A_309 = arith.constant 0 : i32
        %dma_wait3A_310 = tpu.memref_slice %arg10[%dma_wait3A_308, %dma_wait3A_309] : memref<10112x128xf32, #tpu.memory_space<vmem_shared>> -> memref<10112x128xf32, #tpu.memory_space<vmem_shared>>
        tpu.wait_indirect_dma semaphore(%run_scoped3A_290 : memref<!tpu.dma_semaphore, #tpu.memory_space<semaphore_mem>>) src(%dma_wait3A_304 : memref<128x128xf32, #tpu.memory_space<vmem>>) dst(%dma_wait3A_310 : memref<10112x128xf32, #tpu.memory_space<vmem_shared>>)
        tpu.yield
      }) : () -> ()
      %dma_start3A_214 = arith.constant 6 : i32
      %dma_start3A_215 = arith.constant 0 : i32
      %dma_start3A_216 = arith.constant 0 : i32
      %dma_start3A_217 = arith.constant 0 : i32
      %dma_start3A_218 = tpu.memref_slice %arg9[%dma_start3A_215, %dma_start3A_216, %dma_start3A_217] : memref<2x128x128xf32, #tpu.memory_space<vmem>> -> memref<1x128x128xf32, #tpu.memory_space<vmem>>
      %dma_start3A_219 = tpu.memref_squeeze %dma_start3A_218 : memref<1x128x128xf32, #tpu.memory_space<vmem>> -> memref<128x128xf32, #tpu.memory_space<vmem>>
      %dma_start3A_220 = arith.constant 0 : i32
      %dma_start3A_221 = tpu.memref_slice %arg7[%rem3A_27, %dma_start3A_214, %dma_start3A_220] : memref<2x8x128xi32, #tpu.memory_space<vmem>> -> memref<1x1x128xi32, #tpu.memory_space<vmem>>
      %dma_start3A_222 = tpu.memref_squeeze %dma_start3A_221 : memref<1x1x128xi32, #tpu.memory_space<vmem>> -> memref<128xi32, #tpu.memory_space<vmem>>
      %dma_start3A_223 = arith.constant 0 : i32
      %dma_start3A_224 = arith.constant 0 : i32
      %dma_start3A_225 = tpu.memref_slice %arg2[%dma_start3A_223, %dma_start3A_224] : memref<10112x128xf32, #tpu.memory_space<hbm>> -> memref<10112x128xf32, #tpu.memory_space<hbm>>
      tpu.enqueue_indirect_dma source(%dma_start3A_225 : memref<10112x128xf32, #tpu.memory_space<hbm>>) target(%dma_start3A_219 : memref<128x128xf32, #tpu.memory_space<vmem>>) offsets(%dma_start3A_222 : memref<128xi32, #tpu.memory_space<vmem>>) semaphore(%arg11 : memref<!tpu.dma_semaphore, #tpu.memory_space<semaphore_mem>>)
      %dma_start3A_226 = arith.constant 7 : i32
      %dma_start3A_227 = arith.constant 1 : i32
      %dma_start3A_228 = arith.constant 0 : i32
      %dma_start3A_229 = arith.constant 0 : i32
      %dma_start3A_230 = tpu.memref_slice %arg9[%dma_start3A_227, %dma_start3A_228, %dma_start3A_229] : memref<2x128x128xf32, #tpu.memory_space<vmem>> -> memref<1x128x128xf32, #tpu.memory_space<vmem>>
      %dma_start3A_231 = tpu.memref_squeeze %dma_start3A_230 : memref<1x128x128xf32, #tpu.memory_space<vmem>> -> memref<128x128xf32, #tpu.memory_space<vmem>>
      %dma_start3A_232 = arith.constant 0 : i32
      %dma_start3A_233 = tpu.memref_slice %arg7[%rem3A_27, %dma_start3A_226, %dma_start3A_232] : memref<2x8x128xi32, #tpu.memory_space<vmem>> -> memref<1x1x128xi32, #tpu.memory_space<vmem>>
      %dma_start3A_234 = tpu.memref_squeeze %dma_start3A_233 : memref<1x1x128xi32, #tpu.memory_space<vmem>> -> memref<128xi32, #tpu.memory_space<vmem>>
      %dma_start3A_235 = arith.constant 0 : i32
      %dma_start3A_236 = arith.constant 0 : i32
      %dma_start3A_237 = tpu.memref_slice %arg2[%dma_start3A_235, %dma_start3A_236] : memref<10112x128xf32, #tpu.memory_space<hbm>> -> memref<10112x128xf32, #tpu.memory_space<hbm>>
      tpu.enqueue_indirect_dma source(%dma_start3A_237 : memref<10112x128xf32, #tpu.memory_space<hbm>>) target(%dma_start3A_231 : memref<128x128xf32, #tpu.memory_space<vmem>>) offsets(%dma_start3A_234 : memref<128xi32, #tpu.memory_space<vmem>>) semaphore(%arg12 : memref<!tpu.dma_semaphore, #tpu.memory_space<semaphore_mem>>)
      %dma_wait3A_238 = arith.constant 6 : i32
      %dma_wait3A_239 = arith.constant 0 : i32
      %dma_wait3A_240 = arith.constant 0 : i32
      %dma_wait3A_241 = arith.constant 0 : i32
      %dma_wait3A_242 = tpu.memref_slice %arg9[%dma_wait3A_239, %dma_wait3A_240, %dma_wait3A_241] : memref<2x128x128xf32, #tpu.memory_space<vmem>> -> memref<1x128x128xf32, #tpu.memory_space<vmem>>
      %dma_wait3A_243 = tpu.memref_squeeze %dma_wait3A_242 : memref<1x128x128xf32, #tpu.memory_space<vmem>> -> memref<128x128xf32, #tpu.memory_space<vmem>>
      %dma_wait3A_244 = arith.constant 0 : i32
      %dma_wait3A_245 = tpu.memref_slice %arg7[%rem3A_27, %dma_wait3A_238, %dma_wait3A_244] : memref<2x8x128xi32, #tpu.memory_space<vmem>> -> memref<1x1x128xi32, #tpu.memory_space<vmem>>
      %dma_wait3A_246 = tpu.memref_squeeze %dma_wait3A_245 : memref<1x1x128xi32, #tpu.memory_space<vmem>> -> memref<128xi32, #tpu.memory_space<vmem>>
      %dma_wait3A_247 = arith.constant 0 : i32
      %dma_wait3A_248 = arith.constant 0 : i32
      %dma_wait3A_249 = tpu.memref_slice %arg2[%dma_wait3A_247, %dma_wait3A_248] : memref<10112x128xf32, #tpu.memory_space<hbm>> -> memref<10112x128xf32, #tpu.memory_space<hbm>>
      tpu.wait_indirect_dma semaphore(%arg11 : memref<!tpu.dma_semaphore, #tpu.memory_space<semaphore_mem>>) src(%dma_wait3A_249 : memref<10112x128xf32, #tpu.memory_space<hbm>>) dst(%dma_wait3A_243 : memref<128x128xf32, #tpu.memory_space<vmem>>)
      %run_scoped3A_250 = arith.constant 0 : i32
      %run_scoped3A_251 = arith.constant 6 : i32
      "tpu.region"() ({
        %run_scoped3A_290 = tpu.sem_alloc : memref<!tpu.dma_semaphore, #tpu.memory_space<semaphore_mem>>
        %dma_start3A_291 = arith.constant 0 : i32
        %dma_start3A_292 = arith.constant 0 : i32
        %dma_start3A_293 = tpu.memref_slice %arg9[%run_scoped3A_250, %dma_start3A_291, %dma_start3A_292] : memref<2x128x128xf32, #tpu.memory_space<vmem>> -> memref<1x128x128xf32, #tpu.memory_space<vmem>>
        %dma_start3A_294 = tpu.memref_squeeze %dma_start3A_293 : memref<1x128x128xf32, #tpu.memory_space<vmem>> -> memref<128x128xf32, #tpu.memory_space<vmem>>
        %dma_start3A_295 = arith.constant 0 : i32
        %dma_start3A_296 = tpu.memref_slice %arg8[%rem3A_27, %run_scoped3A_251, %dma_start3A_295] : memref<2x8x128xi32, #tpu.memory_space<vmem>> -> memref<1x1x128xi32, #tpu.memory_space<vmem>>
        %dma_start3A_297 = tpu.memref_squeeze %dma_start3A_296 : memref<1x1x128xi32, #tpu.memory_space<vmem>> -> memref<128xi32, #tpu.memory_space<vmem>>
        %dma_start3A_298 = arith.constant 0 : i32
        %dma_start3A_299 = arith.constant 0 : i32
        %dma_start3A_300 = tpu.memref_slice %arg10[%dma_start3A_298, %dma_start3A_299] : memref<10112x128xf32, #tpu.memory_space<vmem_shared>> -> memref<10112x128xf32, #tpu.memory_space<vmem_shared>>
        tpu.enqueue_indirect_dma source(%dma_start3A_294 : memref<128x128xf32, #tpu.memory_space<vmem>>) target(%dma_start3A_300 : memref<10112x128xf32, #tpu.memory_space<vmem_shared>>) offsets(%dma_start3A_297 : memref<128xi32, #tpu.memory_space<vmem>>) semaphore(%run_scoped3A_290 : memref<!tpu.dma_semaphore, #tpu.memory_space<semaphore_mem>>) {add = true}
        %dma_wait3A_301 = arith.constant 0 : i32
        %dma_wait3A_302 = arith.constant 0 : i32
        %dma_wait3A_303 = tpu.memref_slice %arg9[%run_scoped3A_250, %dma_wait3A_301, %dma_wait3A_302] : memref<2x128x128xf32, #tpu.memory_space<vmem>> -> memref<1x128x128xf32, #tpu.memory_space<vmem>>
        %dma_wait3A_304 = tpu.memref_squeeze %dma_wait3A_303 : memref<1x128x128xf32, #tpu.memory_space<vmem>> -> memref<128x128xf32, #tpu.memory_space<vmem>>
        %dma_wait3A_305 = arith.constant 0 : i32
        %dma_wait3A_306 = tpu.memref_slice %arg8[%rem3A_27, %run_scoped3A_251, %dma_wait3A_305] : memref<2x8x128xi32, #tpu.memory_space<vmem>> -> memref<1x1x128xi32, #tpu.memory_space<vmem>>
        %dma_wait3A_307 = tpu.memref_squeeze %dma_wait3A_306 : memref<1x1x128xi32, #tpu.memory_space<vmem>> -> memref<128xi32, #tpu.memory_space<vmem>>
        %dma_wait3A_308 = arith.constant 0 : i32
        %dma_wait3A_309 = arith.constant 0 : i32
        %dma_wait3A_310 = tpu.memref_slice %arg10[%dma_wait3A_308, %dma_wait3A_309] : memref<10112x128xf32, #tpu.memory_space<vmem_shared>> -> memref<10112x128xf32, #tpu.memory_space<vmem_shared>>
        tpu.wait_indirect_dma semaphore(%run_scoped3A_290 : memref<!tpu.dma_semaphore, #tpu.memory_space<semaphore_mem>>) src(%dma_wait3A_304 : memref<128x128xf32, #tpu.memory_space<vmem>>) dst(%dma_wait3A_310 : memref<10112x128xf32, #tpu.memory_space<vmem_shared>>)
        tpu.yield
      }) : () -> ()
      %dma_wait3A_252 = arith.constant 7 : i32
      %dma_wait3A_253 = arith.constant 1 : i32
      %dma_wait3A_254 = arith.constant 0 : i32
      %dma_wait3A_255 = arith.constant 0 : i32
      %dma_wait3A_256 = tpu.memref_slice %arg9[%dma_wait3A_253, %dma_wait3A_254, %dma_wait3A_255] : memref<2x128x128xf32, #tpu.memory_space<vmem>> -> memref<1x128x128xf32, #tpu.memory_space<vmem>>
      %dma_wait3A_257 = tpu.memref_squeeze %dma_wait3A_256 : memref<1x128x128xf32, #tpu.memory_space<vmem>> -> memref<128x128xf32, #tpu.memory_space<vmem>>
      %dma_wait3A_258 = arith.constant 0 : i32
      %dma_wait3A_259 = tpu.memref_slice %arg7[%rem3A_27, %dma_wait3A_252, %dma_wait3A_258] : memref<2x8x128xi32, #tpu.memory_space<vmem>> -> memref<1x1x128xi32, #tpu.memory_space<vmem>>
      %dma_wait3A_260 = tpu.memref_squeeze %dma_wait3A_259 : memref<1x1x128xi32, #tpu.memory_space<vmem>> -> memref<128xi32, #tpu.memory_space<vmem>>
      %dma_wait3A_261 = arith.constant 0 : i32
      %dma_wait3A_262 = arith.constant 0 : i32
      %dma_wait3A_263 = tpu.memref_slice %arg2[%dma_wait3A_261, %dma_wait3A_262] : memref<10112x128xf32, #tpu.memory_space<hbm>> -> memref<10112x128xf32, #tpu.memory_space<hbm>>
      tpu.wait_indirect_dma semaphore(%arg12 : memref<!tpu.dma_semaphore, #tpu.memory_space<semaphore_mem>>) src(%dma_wait3A_263 : memref<10112x128xf32, #tpu.memory_space<hbm>>) dst(%dma_wait3A_257 : memref<128x128xf32, #tpu.memory_space<vmem>>)
      %run_scoped3A_264 = arith.constant 1 : i32
      %run_scoped3A_265 = arith.constant 7 : i32
      "tpu.region"() ({
        %run_scoped3A_290 = tpu.sem_alloc : memref<!tpu.dma_semaphore, #tpu.memory_space<semaphore_mem>>
        %dma_start3A_291 = arith.constant 0 : i32
        %dma_start3A_292 = arith.constant 0 : i32
        %dma_start3A_293 = tpu.memref_slice %arg9[%run_scoped3A_264, %dma_start3A_291, %dma_start3A_292] : memref<2x128x128xf32, #tpu.memory_space<vmem>> -> memref<1x128x128xf32, #tpu.memory_space<vmem>>
        %dma_start3A_294 = tpu.memref_squeeze %dma_start3A_293 : memref<1x128x128xf32, #tpu.memory_space<vmem>> -> memref<128x128xf32, #tpu.memory_space<vmem>>
        %dma_start3A_295 = arith.constant 0 : i32
        %dma_start3A_296 = tpu.memref_slice %arg8[%rem3A_27, %run_scoped3A_265, %dma_start3A_295] : memref<2x8x128xi32, #tpu.memory_space<vmem>> -> memref<1x1x128xi32, #tpu.memory_space<vmem>>
        %dma_start3A_297 = tpu.memref_squeeze %dma_start3A_296 : memref<1x1x128xi32, #tpu.memory_space<vmem>> -> memref<128xi32, #tpu.memory_space<vmem>>
        %dma_start3A_298 = arith.constant 0 : i32
        %dma_start3A_299 = arith.constant 0 : i32
        %dma_start3A_300 = tpu.memref_slice %arg10[%dma_start3A_298, %dma_start3A_299] : memref<10112x128xf32, #tpu.memory_space<vmem_shared>> -> memref<10112x128xf32, #tpu.memory_space<vmem_shared>>
        tpu.enqueue_indirect_dma source(%dma_start3A_294 : memref<128x128xf32, #tpu.memory_space<vmem>>) target(%dma_start3A_300 : memref<10112x128xf32, #tpu.memory_space<vmem_shared>>) offsets(%dma_start3A_297 : memref<128xi32, #tpu.memory_space<vmem>>) semaphore(%run_scoped3A_290 : memref<!tpu.dma_semaphore, #tpu.memory_space<semaphore_mem>>) {add = true}
        %dma_wait3A_301 = arith.constant 0 : i32
        %dma_wait3A_302 = arith.constant 0 : i32
        %dma_wait3A_303 = tpu.memref_slice %arg9[%run_scoped3A_264, %dma_wait3A_301, %dma_wait3A_302] : memref<2x128x128xf32, #tpu.memory_space<vmem>> -> memref<1x128x128xf32, #tpu.memory_space<vmem>>
        %dma_wait3A_304 = tpu.memref_squeeze %dma_wait3A_303 : memref<1x128x128xf32, #tpu.memory_space<vmem>> -> memref<128x128xf32, #tpu.memory_space<vmem>>
        %dma_wait3A_305 = arith.constant 0 : i32
        %dma_wait3A_306 = tpu.memref_slice %arg8[%rem3A_27, %run_scoped3A_265, %dma_wait3A_305] : memref<2x8x128xi32, #tpu.memory_space<vmem>> -> memref<1x1x128xi32, #tpu.memory_space<vmem>>
        %dma_wait3A_307 = tpu.memref_squeeze %dma_wait3A_306 : memref<1x1x128xi32, #tpu.memory_space<vmem>> -> memref<128xi32, #tpu.memory_space<vmem>>
        %dma_wait3A_308 = arith.constant 0 : i32
        %dma_wait3A_309 = arith.constant 0 : i32
        %dma_wait3A_310 = tpu.memref_slice %arg10[%dma_wait3A_308, %dma_wait3A_309] : memref<10112x128xf32, #tpu.memory_space<vmem_shared>> -> memref<10112x128xf32, #tpu.memory_space<vmem_shared>>
        tpu.wait_indirect_dma semaphore(%run_scoped3A_290 : memref<!tpu.dma_semaphore, #tpu.memory_space<semaphore_mem>>) src(%dma_wait3A_304 : memref<128x128xf32, #tpu.memory_space<vmem>>) dst(%dma_wait3A_310 : memref<10112x128xf32, #tpu.memory_space<vmem_shared>>)
        tpu.yield
      }) : () -> ()
      %dma_wait3A_266 = arith.constant 0 : i32
      %dma_wait3A_267 = arith.constant 0 : i32
      %dma_wait3A_268 = tpu.memref_slice %arg7[%sub3A_28, %dma_wait3A_266, %dma_wait3A_267] : memref<2x8x128xi32, #tpu.memory_space<vmem>> -> memref<1x8x128xi32, #tpu.memory_space<vmem>>
      %dma_wait3A_269 = tpu.memref_squeeze %dma_wait3A_268 : memref<1x8x128xi32, #tpu.memory_space<vmem>> -> memref<8x128xi32, #tpu.memory_space<vmem>>
      %dma_wait3A_270 = arith.constant 0 : i32
      %dma_wait3A_271 = tpu.memref_slice %arg3[%add3A_35, %dma_wait3A_270] : memref<2560x128xi32, #tpu.memory_space<hbm>> -> memref<8x128xi32, #tpu.memory_space<hbm>>
      %dma_wait3A_272 = arith.constant 0 : i32
      %dma_wait3A_273 = arith.constant 0 : i32
      %dma_wait3A_274 = tpu.memref_slice %arg7[%sub3A_28, %dma_wait3A_272, %dma_wait3A_273] : memref<2x8x128xi32, #tpu.memory_space<vmem>> -> memref<1x8x128xi32, #tpu.memory_space<vmem>>
      %dma_wait3A_275 = tpu.memref_squeeze %dma_wait3A_274 : memref<1x8x128xi32, #tpu.memory_space<vmem>> -> memref<8x128xi32, #tpu.memory_space<vmem>>
      %dma_wait3A_276 = arith.constant 0 : i32
      %dma_wait3A_277 = tpu.memref_slice %arg3[%add3A_35, %dma_wait3A_276] : memref<2560x128xi32, #tpu.memory_space<hbm>> -> memref<8x128xi32, #tpu.memory_space<hbm>>
      tpu.wait_dma2 semaphore(%arg13 : memref<!tpu.dma_semaphore, #tpu.memory_space<semaphore_mem>>) src(%dma_wait3A_277 : memref<8x128xi32, #tpu.memory_space<hbm>>) dst(%dma_wait3A_275 : memref<8x128xi32, #tpu.memory_space<vmem>>)
      %dma_wait3A_278 = arith.constant 0 : i32
      %dma_wait3A_279 = arith.constant 0 : i32
      %dma_wait3A_280 = tpu.memref_slice %arg8[%sub3A_28, %dma_wait3A_278, %dma_wait3A_279] : memref<2x8x128xi32, #tpu.memory_space<vmem>> -> memref<1x8x128xi32, #tpu.memory_space<vmem>>
      %dma_wait3A_281 = tpu.memref_squeeze %dma_wait3A_280 : memref<1x8x128xi32, #tpu.memory_space<vmem>> -> memref<8x128xi32, #tpu.memory_space<vmem>>
      %dma_wait3A_282 = arith.constant 0 : i32
      %dma_wait3A_283 = tpu.memref_slice %arg4[%add3A_35, %dma_wait3A_282] : memref<2560x128xi32, #tpu.memory_space<hbm>> -> memref<8x128xi32, #tpu.memory_space<hbm>>
      %dma_wait3A_284 = arith.constant 0 : i32
      %dma_wait3A_285 = arith.constant 0 : i32
      %dma_wait3A_286 = tpu.memref_slice %arg8[%sub3A_28, %dma_wait3A_284, %dma_wait3A_285] : memref<2x8x128xi32, #tpu.memory_space<vmem>> -> memref<1x8x128xi32, #tpu.memory_space<vmem>>
      %dma_wait3A_287 = tpu.memref_squeeze %dma_wait3A_286 : memref<1x8x128xi32, #tpu.memory_space<vmem>> -> memref<8x128xi32, #tpu.memory_space<vmem>>
      %dma_wait3A_288 = arith.constant 0 : i32
      %dma_wait3A_289 = tpu.memref_slice %arg4[%add3A_35, %dma_wait3A_288] : memref<2560x128xi32, #tpu.memory_space<hbm>> -> memref<8x128xi32, #tpu.memory_space<hbm>>
      tpu.wait_dma2 semaphore(%arg14 : memref<!tpu.dma_semaphore, #tpu.memory_space<semaphore_mem>>) src(%dma_wait3A_289 : memref<8x128xi32, #tpu.memory_space<hbm>>) dst(%dma_wait3A_287 : memref<8x128xi32, #tpu.memory_space<vmem>>)
    }
    %while3A_20 = arith.constant 1 : i32
    scf.for %while3A_26 = %while3A_18 to %while3A_14 step %while3A_20  : i32 {
      %rem3A = arith.constant 2 : i32
      %rem3A_27 = arith.remsi %while3A_26, %rem3A : i32
      %sub3A = arith.constant 1 : i32
      %sub3A_28 = arith.subi %sub3A, %rem3A_27 : i32
      %add3A_29 = arith.constant 1 : i32
      %add3A_30 = arith.addi %while3A_26, %add3A_29 : i32
      %sub3A_31 = arith.constant 1 : i32
      %sub3A_32 = arith.subi %select_n3A_8, %sub3A_31 : i32
      %min3A = arith.minsi %add3A_30, %sub3A_32 : i32
      %mul3A_33 = arith.constant 8 : i32
      %mul3A_34 = arith.muli %min3A, %mul3A_33 : i32
      %add3A_35 = arith.addi %select_n3A, %mul3A_34 : i32
      %dma_start3A = arith.constant 0 : i32
      %dma_start3A_36 = arith.constant 0 : i32
      %dma_start3A_37 = tpu.memref_slice %arg7[%sub3A_28, %dma_start3A, %dma_start3A_36] : memref<2x8x128xi32, #tpu.memory_space<vmem>> -> memref<1x8x128xi32, #tpu.memory_space<vmem>>
      %dma_start3A_38 = tpu.memref_squeeze %dma_start3A_37 : memref<1x8x128xi32, #tpu.memory_space<vmem>> -> memref<8x128xi32, #tpu.memory_space<vmem>>
      %dma_start3A_39 = arith.constant 0 : i32
      %dma_start3A_40 = tpu.memref_slice %arg3[%add3A_35, %dma_start3A_39] : memref<2560x128xi32, #tpu.memory_space<hbm>> -> memref<8x128xi32, #tpu.memory_space<hbm>>
      %dma_start3A_41 = arith.constant 0 : i32
      %dma_start3A_42 = arith.constant 0 : i32
      %dma_start3A_43 = tpu.memref_slice %arg7[%sub3A_28, %dma_start3A_41, %dma_start3A_42] : memref<2x8x128xi32, #tpu.memory_space<vmem>> -> memref<1x8x128xi32, #tpu.memory_space<vmem>>
      %dma_start3A_44 = tpu.memref_squeeze %dma_start3A_43 : memref<1x8x128xi32, #tpu.memory_space<vmem>> -> memref<8x128xi32, #tpu.memory_space<vmem>>
      %dma_start3A_45 = arith.constant 0 : i32
      %dma_start3A_46 = tpu.memref_slice %arg3[%add3A_35, %dma_start3A_45] : memref<2560x128xi32, #tpu.memory_space<hbm>> -> memref<8x128xi32, #tpu.memory_space<hbm>>
      tpu.enqueue_dma source(%dma_start3A_46 : memref<8x128xi32, #tpu.memory_space<hbm>>) target(%dma_start3A_44 : memref<8x128xi32, #tpu.memory_space<vmem>>) target_semaphore(%arg13 : memref<!tpu.dma_semaphore, #tpu.memory_space<semaphore_mem>>)
      %dma_start3A_47 = arith.constant 0 : i32
      %dma_start3A_48 = arith.constant 0 : i32
      %dma_start3A_49 = tpu.memref_slice %arg8[%sub3A_28, %dma_start3A_47, %dma_start3A_48] : memref<2x8x128xi32, #tpu.memory_space<vmem>> -> memref<1x8x128xi32, #tpu.memory_space<vmem>>
      %dma_start3A_50 = tpu.memref_squeeze %dma_start3A_49 : memref<1x8x128xi32, #tpu.memory_space<vmem>> -> memref<8x128xi32, #tpu.memory_space<vmem>>
      %dma_start3A_51 = arith.constant 0 : i32
      %dma_start3A_52 = tpu.memref_slice %arg4[%add3A_35, %dma_start3A_51] : memref<2560x128xi32, #tpu.memory_space<hbm>> -> memref<8x128xi32, #tpu.memory_space<hbm>>
      %dma_start3A_53 = arith.constant 0 : i32
      %dma_start3A_54 = arith.constant 0 : i32
      %dma_start3A_55 = tpu.memref_slice %arg8[%sub3A_28, %dma_start3A_53, %dma_start3A_54] : memref<2x8x128xi32, #tpu.memory_space<vmem>> -> memref<1x8x128xi32, #tpu.memory_space<vmem>>
      %dma_start3A_56 = tpu.memref_squeeze %dma_start3A_55 : memref<1x8x128xi32, #tpu.memory_space<vmem>> -> memref<8x128xi32, #tpu.memory_space<vmem>>
      %dma_start3A_57 = arith.constant 0 : i32
      %dma_start3A_58 = tpu.memref_slice %arg4[%add3A_35, %dma_start3A_57] : memref<2560x128xi32, #tpu.memory_space<hbm>> -> memref<8x128xi32, #tpu.memory_space<hbm>>
      tpu.enqueue_dma source(%dma_start3A_58 : memref<8x128xi32, #tpu.memory_space<hbm>>) target(%dma_start3A_56 : memref<8x128xi32, #tpu.memory_space<vmem>>) target_semaphore(%arg14 : memref<!tpu.dma_semaphore, #tpu.memory_space<semaphore_mem>>)
      %dma_start3A_59 = arith.constant 0 : i32
      %dma_start3A_60 = arith.constant 0 : i32
      %dma_start3A_61 = arith.constant 0 : i32
      %dma_start3A_62 = arith.constant 0 : i32
      %dma_start3A_63 = tpu.memref_slice %arg9[%dma_start3A_60, %dma_start3A_61, %dma_start3A_62] : memref<2x128x128xf32, #tpu.memory_space<vmem>> -> memref<1x128x128xf32, #tpu.memory_space<vmem>>
      %dma_start3A_64 = tpu.memref_squeeze %dma_start3A_63 : memref<1x128x128xf32, #tpu.memory_space<vmem>> -> memref<128x128xf32, #tpu.memory_space<vmem>>
      %dma_start3A_65 = arith.constant 0 : i32
      %dma_start3A_66 = tpu.memref_slice %arg7[%rem3A_27, %dma_start3A_59, %dma_start3A_65] : memref<2x8x128xi32, #tpu.memory_space<vmem>> -> memref<1x1x128xi32, #tpu.memory_space<vmem>>
      %dma_start3A_67 = tpu.memref_squeeze %dma_start3A_66 : memref<1x1x128xi32, #tpu.memory_space<vmem>> -> memref<128xi32, #tpu.memory_space<vmem>>
      %dma_start3A_68 = arith.constant 0 : i32
      %dma_start3A_69 = arith.constant 0 : i32
      %dma_start3A_70 = tpu.memref_slice %arg2[%dma_start3A_68, %dma_start3A_69] : memref<10112x128xf32, #tpu.memory_space<hbm>> -> memref<10112x128xf32, #tpu.memory_space<hbm>>
      tpu.enqueue_indirect_dma source(%dma_start3A_70 : memref<10112x128xf32, #tpu.memory_space<hbm>>) target(%dma_start3A_64 : memref<128x128xf32, #tpu.memory_space<vmem>>) offsets(%dma_start3A_67 : memref<128xi32, #tpu.memory_space<vmem>>) semaphore(%arg11 : memref<!tpu.dma_semaphore, #tpu.memory_space<semaphore_mem>>)
      %dma_start3A_71 = arith.constant 1 : i32
      %dma_start3A_72 = arith.constant 1 : i32
      %dma_start3A_73 = arith.constant 0 : i32
      %dma_start3A_74 = arith.constant 0 : i32
      %dma_start3A_75 = tpu.memref_slice %arg9[%dma_start3A_72, %dma_start3A_73, %dma_start3A_74] : memref<2x128x128xf32, #tpu.memory_space<vmem>> -> memref<1x128x128xf32, #tpu.memory_space<vmem>>
      %dma_start3A_76 = tpu.memref_squeeze %dma_start3A_75 : memref<1x128x128xf32, #tpu.memory_space<vmem>> -> memref<128x128xf32, #tpu.memory_space<vmem>>
      %dma_start3A_77 = arith.constant 0 : i32
      %dma_start3A_78 = tpu.memref_slice %arg7[%rem3A_27, %dma_start3A_71, %dma_start3A_77] : memref<2x8x128xi32, #tpu.memory_space<vmem>> -> memref<1x1x128xi32, #tpu.memory_space<vmem>>
      %dma_start3A_79 = tpu.memref_squeeze %dma_start3A_78 : memref<1x1x128xi32, #tpu.memory_space<vmem>> -> memref<128xi32, #tpu.memory_space<vmem>>
      %dma_start3A_80 = arith.constant 0 : i32
      %dma_start3A_81 = arith.constant 0 : i32
      %dma_start3A_82 = tpu.memref_slice %arg2[%dma_start3A_80, %dma_start3A_81] : memref<10112x128xf32, #tpu.memory_space<hbm>> -> memref<10112x128xf32, #tpu.memory_space<hbm>>
      tpu.enqueue_indirect_dma source(%dma_start3A_82 : memref<10112x128xf32, #tpu.memory_space<hbm>>) target(%dma_start3A_76 : memref<128x128xf32, #tpu.memory_space<vmem>>) offsets(%dma_start3A_79 : memref<128xi32, #tpu.memory_space<vmem>>) semaphore(%arg12 : memref<!tpu.dma_semaphore, #tpu.memory_space<semaphore_mem>>)
      %dma_wait3A = arith.constant 0 : i32
      %dma_wait3A_83 = arith.constant 0 : i32
      %dma_wait3A_84 = arith.constant 0 : i32
      %dma_wait3A_85 = arith.constant 0 : i32
      %dma_wait3A_86 = tpu.memref_slice %arg9[%dma_wait3A_83, %dma_wait3A_84, %dma_wait3A_85] : memref<2x128x128xf32, #tpu.memory_space<vmem>> -> memref<1x128x128xf32, #tpu.memory_space<vmem>>
      %dma_wait3A_87 = tpu.memref_squeeze %dma_wait3A_86 : memref<1x128x128xf32, #tpu.memory_space<vmem>> -> memref<128x128xf32, #tpu.memory_space<vmem>>
      %dma_wait3A_88 = arith.constant 0 : i32
      %dma_wait3A_89 = tpu.memref_slice %arg7[%rem3A_27, %dma_wait3A, %dma_wait3A_88] : memref<2x8x128xi32, #tpu.memory_space<vmem>> -> memref<1x1x128xi32, #tpu.memory_space<vmem>>
      %dma_wait3A_90 = tpu.memref_squeeze %dma_wait3A_89 : memref<1x1x128xi32, #tpu.memory_space<vmem>> -> memref<128xi32, #tpu.memory_space<vmem>>
      %dma_wait3A_91 = arith.constant 0 : i32
      %dma_wait3A_92 = arith.constant 0 : i32
      %dma_wait3A_93 = tpu.memref_slice %arg2[%dma_wait3A_91, %dma_wait3A_92] : memref<10112x128xf32, #tpu.memory_space<hbm>> -> memref<10112x128xf32, #tpu.memory_space<hbm>>
      tpu.wait_indirect_dma semaphore(%arg11 : memref<!tpu.dma_semaphore, #tpu.memory_space<semaphore_mem>>) src(%dma_wait3A_93 : memref<10112x128xf32, #tpu.memory_space<hbm>>) dst(%dma_wait3A_87 : memref<128x128xf32, #tpu.memory_space<vmem>>)
      %run_scoped3A_94 = arith.constant 0 : i32
      %run_scoped3A_95 = arith.constant 0 : i32
      "tpu.region"() ({
        %run_scoped3A_290 = tpu.sem_alloc : memref<!tpu.dma_semaphore, #tpu.memory_space<semaphore_mem>>
        %dma_start3A_291 = arith.constant 0 : i32
        %dma_start3A_292 = arith.constant 0 : i32
        %dma_start3A_293 = tpu.memref_slice %arg9[%run_scoped3A_94, %dma_start3A_291, %dma_start3A_292] : memref<2x128x128xf32, #tpu.memory_space<vmem>> -> memref<1x128x128xf32, #tpu.memory_space<vmem>>
        %dma_start3A_294 = tpu.memref_squeeze %dma_start3A_293 : memref<1x128x128xf32, #tpu.memory_space<vmem>> -> memref<128x128xf32, #tpu.memory_space<vmem>>
        %dma_start3A_295 = arith.constant 0 : i32
        %dma_start3A_296 = tpu.memref_slice %arg8[%rem3A_27, %run_scoped3A_95, %dma_start3A_295] : memref<2x8x128xi32, #tpu.memory_space<vmem>> -> memref<1x1x128xi32, #tpu.memory_space<vmem>>
        %dma_start3A_297 = tpu.memref_squeeze %dma_start3A_296 : memref<1x1x128xi32, #tpu.memory_space<vmem>> -> memref<128xi32, #tpu.memory_space<vmem>>
        %dma_start3A_298 = arith.constant 0 : i32
        %dma_start3A_299 = arith.constant 0 : i32
        %dma_start3A_300 = tpu.memref_slice %arg10[%dma_start3A_298, %dma_start3A_299] : memref<10112x128xf32, #tpu.memory_space<vmem_shared>> -> memref<10112x128xf32, #tpu.memory_space<vmem_shared>>
        tpu.enqueue_indirect_dma source(%dma_start3A_294 : memref<128x128xf32, #tpu.memory_space<vmem>>) target(%dma_start3A_300 : memref<10112x128xf32, #tpu.memory_space<vmem_shared>>) offsets(%dma_start3A_297 : memref<128xi32, #tpu.memory_space<vmem>>) semaphore(%run_scoped3A_290 : memref<!tpu.dma_semaphore, #tpu.memory_space<semaphore_mem>>) {add = true}
        %dma_wait3A_301 = arith.constant 0 : i32
        %dma_wait3A_302 = arith.constant 0 : i32
        %dma_wait3A_303 = tpu.memref_slice %arg9[%run_scoped3A_94, %dma_wait3A_301, %dma_wait3A_302] : memref<2x128x128xf32, #tpu.memory_space<vmem>> -> memref<1x128x128xf32, #tpu.memory_space<vmem>>
        %dma_wait3A_304 = tpu.memref_squeeze %dma_wait3A_303 : memref<1x128x128xf32, #tpu.memory_space<vmem>> -> memref<128x128xf32, #tpu.memory_space<vmem>>
        %dma_wait3A_305 = arith.constant 0 : i32
        %dma_wait3A_306 = tpu.memref_slice %arg8[%rem3A_27, %run_scoped3A_95, %dma_wait3A_305] : memref<2x8x128xi32, #tpu.memory_space<vmem>> -> memref<1x1x128xi32, #tpu.memory_space<vmem>>
        %dma_wait3A_307 = tpu.memref_squeeze %dma_wait3A_306 : memref<1x1x128xi32, #tpu.memory_space<vmem>> -> memref<128xi32, #tpu.memory_space<vmem>>
        %dma_wait3A_308 = arith.constant 0 : i32
        %dma_wait3A_309 = arith.constant 0 : i32
        %dma_wait3A_310 = tpu.memref_slice %arg10[%dma_wait3A_308, %dma_wait3A_309] : memref<10112x128xf32, #tpu.memory_space<vmem_shared>> -> memref<10112x128xf32, #tpu.memory_space<vmem_shared>>
        tpu.wait_indirect_dma semaphore(%run_scoped3A_290 : memref<!tpu.dma_semaphore, #tpu.memory_space<semaphore_mem>>) src(%dma_wait3A_304 : memref<128x128xf32, #tpu.memory_space<vmem>>) dst(%dma_wait3A_310 : memref<10112x128xf32, #tpu.memory_space<vmem_shared>>)
        tpu.yield
      }) : () -> ()
      %dma_wait3A_96 = arith.constant 1 : i32
      %dma_wait3A_97 = arith.constant 1 : i32
      %dma_wait3A_98 = arith.constant 0 : i32
      %dma_wait3A_99 = arith.constant 0 : i32
      %dma_wait3A_100 = tpu.memref_slice %arg9[%dma_wait3A_97, %dma_wait3A_98, %dma_wait3A_99] : memref<2x128x128xf32, #tpu.memory_space<vmem>> -> memref<1x128x128xf32, #tpu.memory_space<vmem>>
      %dma_wait3A_101 = tpu.memref_squeeze %dma_wait3A_100 : memref<1x128x128xf32, #tpu.memory_space<vmem>> -> memref<128x128xf32, #tpu.memory_space<vmem>>
      %dma_wait3A_102 = arith.constant 0 : i32
      %dma_wait3A_103 = tpu.memref_slice %arg7[%rem3A_27, %dma_wait3A_96, %dma_wait3A_102] : memref<2x8x128xi32, #tpu.memory_space<vmem>> -> memref<1x1x128xi32, #tpu.memory_space<vmem>>
      %dma_wait3A_104 = tpu.memref_squeeze %dma_wait3A_103 : memref<1x1x128xi32, #tpu.memory_space<vmem>> -> memref<128xi32, #tpu.memory_space<vmem>>
      %dma_wait3A_105 = arith.constant 0 : i32
      %dma_wait3A_106 = arith.constant 0 : i32
      %dma_wait3A_107 = tpu.memref_slice %arg2[%dma_wait3A_105, %dma_wait3A_106] : memref<10112x128xf32, #tpu.memory_space<hbm>> -> memref<10112x128xf32, #tpu.memory_space<hbm>>
      tpu.wait_indirect_dma semaphore(%arg12 : memref<!tpu.dma_semaphore, #tpu.memory_space<semaphore_mem>>) src(%dma_wait3A_107 : memref<10112x128xf32, #tpu.memory_space<hbm>>) dst(%dma_wait3A_101 : memref<128x128xf32, #tpu.memory_space<vmem>>)
      %run_scoped3A_108 = arith.constant 1 : i32
      %run_scoped3A_109 = arith.constant 1 : i32
      "tpu.region"() ({
        %run_scoped3A_290 = tpu.sem_alloc : memref<!tpu.dma_semaphore, #tpu.memory_space<semaphore_mem>>
        %dma_start3A_291 = arith.constant 0 : i32
        %dma_start3A_292 = arith.constant 0 : i32
        %dma_start3A_293 = tpu.memref_slice %arg9[%run_scoped3A_108, %dma_start3A_291, %dma_start3A_292] : memref<2x128x128xf32, #tpu.memory_space<vmem>> -> memref<1x128x128xf32, #tpu.memory_space<vmem>>
        %dma_start3A_294 = tpu.memref_squeeze %dma_start3A_293 : memref<1x128x128xf32, #tpu.memory_space<vmem>> -> memref<128x128xf32, #tpu.memory_space<vmem>>
        %dma_start3A_295 = arith.constant 0 : i32
        %dma_start3A_296 = tpu.memref_slice %arg8[%rem3A_27, %run_scoped3A_109, %dma_start3A_295] : memref<2x8x128xi32, #tpu.memory_space<vmem>> -> memref<1x1x128xi32, #tpu.memory_space<vmem>>
        %dma_start3A_297 = tpu.memref_squeeze %dma_start3A_296 : memref<1x1x128xi32, #tpu.memory_space<vmem>> -> memref<128xi32, #tpu.memory_space<vmem>>
        %dma_start3A_298 = arith.constant 0 : i32
        %dma_start3A_299 = arith.constant 0 : i32
        %dma_start3A_300 = tpu.memref_slice %arg10[%dma_start3A_298, %dma_start3A_299] : memref<10112x128xf32, #tpu.memory_space<vmem_shared>> -> memref<10112x128xf32, #tpu.memory_space<vmem_shared>>
        tpu.enqueue_indirect_dma source(%dma_start3A_294 : memref<128x128xf32, #tpu.memory_space<vmem>>) target(%dma_start3A_300 : memref<10112x128xf32, #tpu.memory_space<vmem_shared>>) offsets(%dma_start3A_297 : memref<128xi32, #tpu.memory_space<vmem>>) semaphore(%run_scoped3A_290 : memref<!tpu.dma_semaphore, #tpu.memory_space<semaphore_mem>>) {add = true}
        %dma_wait3A_301 = arith.constant 0 : i32
        %dma_wait3A_302 = arith.constant 0 : i32
        %dma_wait3A_303 = tpu.memref_slice %arg9[%run_scoped3A_108, %dma_wait3A_301, %dma_wait3A_302] : memref<2x128x128xf32, #tpu.memory_space<vmem>> -> memref<1x128x128xf32, #tpu.memory_space<vmem>>
        %dma_wait3A_304 = tpu.memref_squeeze %dma_wait3A_303 : memref<1x128x128xf32, #tpu.memory_space<vmem>> -> memref<128x128xf32, #tpu.memory_space<vmem>>
        %dma_wait3A_305 = arith.constant 0 : i32
        %dma_wait3A_306 = tpu.memref_slice %arg8[%rem3A_27, %run_scoped3A_109, %dma_wait3A_305] : memref<2x8x128xi32, #tpu.memory_space<vmem>> -> memref<1x1x128xi32, #tpu.memory_space<vmem>>
        %dma_wait3A_307 = tpu.memref_squeeze %dma_wait3A_306 : memref<1x1x128xi32, #tpu.memory_space<vmem>> -> memref<128xi32, #tpu.memory_space<vmem>>
        %dma_wait3A_308 = arith.constant 0 : i32
        %dma_wait3A_309 = arith.constant 0 : i32
        %dma_wait3A_310 = tpu.memref_slice %arg10[%dma_wait3A_308, %dma_wait3A_309] : memref<10112x128xf32, #tpu.memory_space<vmem_shared>> -> memref<10112x128xf32, #tpu.memory_space<vmem_shared>>
        tpu.wait_indirect_dma semaphore(%run_scoped3A_290 : memref<!tpu.dma_semaphore, #tpu.memory_space<semaphore_mem>>) src(%dma_wait3A_304 : memref<128x128xf32, #tpu.memory_space<vmem>>) dst(%dma_wait3A_310 : memref<10112x128xf32, #tpu.memory_space<vmem_shared>>)
        tpu.yield
      }) : () -> ()
      %dma_start3A_110 = arith.constant 2 : i32
      %dma_start3A_111 = arith.constant 0 : i32
      %dma_start3A_112 = arith.constant 0 : i32
      %dma_start3A_113 = arith.constant 0 : i32
      %dma_start3A_114 = tpu.memref_slice %arg9[%dma_start3A_111, %dma_start3A_112, %dma_start3A_113] : memref<2x128x128xf32, #tpu.memory_space<vmem>> -> memref<1x128x128xf32, #tpu.memory_space<vmem>>
      %dma_start3A_115 = tpu.memref_squeeze %dma_start3A_114 : memref<1x128x128xf32, #tpu.memory_space<vmem>> -> memref<128x128xf32, #tpu.memory_space<vmem>>
      %dma_start3A_116 = arith.constant 0 : i32
      %dma_start3A_117 = tpu.memref_slice %arg7[%rem3A_27, %dma_start3A_110, %dma_start3A_116] : memref<2x8x128xi32, #tpu.memory_space<vmem>> -> memref<1x1x128xi32, #tpu.memory_space<vmem>>
      %dma_start3A_118 = tpu.memref_squeeze %dma_start3A_117 : memref<1x1x128xi32, #tpu.memory_space<vmem>> -> memref<128xi32, #tpu.memory_space<vmem>>
      %dma_start3A_119 = arith.constant 0 : i32
      %dma_start3A_120 = arith.constant 0 : i32
      %dma_start3A_121 = tpu.memref_slice %arg2[%dma_start3A_119, %dma_start3A_120] : memref<10112x128xf32, #tpu.memory_space<hbm>> -> memref<10112x128xf32, #tpu.memory_space<hbm>>
      tpu.enqueue_indirect_dma source(%dma_start3A_121 : memref<10112x128xf32, #tpu.memory_space<hbm>>) target(%dma_start3A_115 : memref<128x128xf32, #tpu.memory_space<vmem>>) offsets(%dma_start3A_118 : memref<128xi32, #tpu.memory_space<vmem>>) semaphore(%arg11 : memref<!tpu.dma_semaphore, #tpu.memory_space<semaphore_mem>>)
      %dma_start3A_122 = arith.constant 3 : i32
      %dma_start3A_123 = arith.constant 1 : i32
      %dma_start3A_124 = arith.constant 0 : i32
      %dma_start3A_125 = arith.constant 0 : i32
      %dma_start3A_126 = tpu.memref_slice %arg9[%dma_start3A_123, %dma_start3A_124, %dma_start3A_125] : memref<2x128x128xf32, #tpu.memory_space<vmem>> -> memref<1x128x128xf32, #tpu.memory_space<vmem>>
      %dma_start3A_127 = tpu.memref_squeeze %dma_start3A_126 : memref<1x128x128xf32, #tpu.memory_space<vmem>> -> memref<128x128xf32, #tpu.memory_space<vmem>>
      %dma_start3A_128 = arith.constant 0 : i32
      %dma_start3A_129 = tpu.memref_slice %arg7[%rem3A_27, %dma_start3A_122, %dma_start3A_128] : memref<2x8x128xi32, #tpu.memory_space<vmem>> -> memref<1x1x128xi32, #tpu.memory_space<vmem>>
      %dma_start3A_130 = tpu.memref_squeeze %dma_start3A_129 : memref<1x1x128xi32, #tpu.memory_space<vmem>> -> memref<128xi32, #tpu.memory_space<vmem>>
      %dma_start3A_131 = arith.constant 0 : i32
      %dma_start3A_132 = arith.constant 0 : i32
      %dma_start3A_133 = tpu.memref_slice %arg2[%dma_start3A_131, %dma_start3A_132] : memref<10112x128xf32, #tpu.memory_space<hbm>> -> memref<10112x128xf32, #tpu.memory_space<hbm>>
      tpu.enqueue_indirect_dma source(%dma_start3A_133 : memref<10112x128xf32, #tpu.memory_space<hbm>>) target(%dma_start3A_127 : memref<128x128xf32, #tpu.memory_space<vmem>>) offsets(%dma_start3A_130 : memref<128xi32, #tpu.memory_space<vmem>>) semaphore(%arg12 : memref<!tpu.dma_semaphore, #tpu.memory_space<semaphore_mem>>)
      %dma_wait3A_134 = arith.constant 2 : i32
      %dma_wait3A_135 = arith.constant 0 : i32
      %dma_wait3A_136 = arith.constant 0 : i32
      %dma_wait3A_137 = arith.constant 0 : i32
      %dma_wait3A_138 = tpu.memref_slice %arg9[%dma_wait3A_135, %dma_wait3A_136, %dma_wait3A_137] : memref<2x128x128xf32, #tpu.memory_space<vmem>> -> memref<1x128x128xf32, #tpu.memory_space<vmem>>
      %dma_wait3A_139 = tpu.memref_squeeze %dma_wait3A_138 : memref<1x128x128xf32, #tpu.memory_space<vmem>> -> memref<128x128xf32, #tpu.memory_space<vmem>>
      %dma_wait3A_140 = arith.constant 0 : i32
      %dma_wait3A_141 = tpu.memref_slice %arg7[%rem3A_27, %dma_wait3A_134, %dma_wait3A_140] : memref<2x8x128xi32, #tpu.memory_space<vmem>> -> memref<1x1x128xi32, #tpu.memory_space<vmem>>
      %dma_wait3A_142 = tpu.memref_squeeze %dma_wait3A_141 : memref<1x1x128xi32, #tpu.memory_space<vmem>> -> memref<128xi32, #tpu.memory_space<vmem>>
      %dma_wait3A_143 = arith.constant 0 : i32
      %dma_wait3A_144 = arith.constant 0 : i32
      %dma_wait3A_145 = tpu.memref_slice %arg2[%dma_wait3A_143, %dma_wait3A_144] : memref<10112x128xf32, #tpu.memory_space<hbm>> -> memref<10112x128xf32, #tpu.memory_space<hbm>>
      tpu.wait_indirect_dma semaphore(%arg11 : memref<!tpu.dma_semaphore, #tpu.memory_space<semaphore_mem>>) src(%dma_wait3A_145 : memref<10112x128xf32, #tpu.memory_space<hbm>>) dst(%dma_wait3A_139 : memref<128x128xf32, #tpu.memory_space<vmem>>)
      %run_scoped3A_146 = arith.constant 0 : i32
      %run_scoped3A_147 = arith.constant 2 : i32
      "tpu.region"() ({
        %run_scoped3A_290 = tpu.sem_alloc : memref<!tpu.dma_semaphore, #tpu.memory_space<semaphore_mem>>
        %dma_start3A_291 = arith.constant 0 : i32
        %dma_start3A_292 = arith.constant 0 : i32
        %dma_start3A_293 = tpu.memref_slice %arg9[%run_scoped3A_146, %dma_start3A_291, %dma_start3A_292] : memref<2x128x128xf32, #tpu.memory_space<vmem>> -> memref<1x128x128xf32, #tpu.memory_space<vmem>>
        %dma_start3A_294 = tpu.memref_squeeze %dma_start3A_293 : memref<1x128x128xf32, #tpu.memory_space<vmem>> -> memref<128x128xf32, #tpu.memory_space<vmem>>
        %dma_start3A_295 = arith.constant 0 : i32
        %dma_start3A_296 = tpu.memref_slice %arg8[%rem3A_27, %run_scoped3A_147, %dma_start3A_295] : memref<2x8x128xi32, #tpu.memory_space<vmem>> -> memref<1x1x128xi32, #tpu.memory_space<vmem>>
        %dma_start3A_297 = tpu.memref_squeeze %dma_start3A_296 : memref<1x1x128xi32, #tpu.memory_space<vmem>> -> memref<128xi32, #tpu.memory_space<vmem>>
        %dma_start3A_298 = arith.constant 0 : i32
        %dma_start3A_299 = arith.constant 0 : i32
        %dma_start3A_300 = tpu.memref_slice %arg10[%dma_start3A_298, %dma_start3A_299] : memref<10112x128xf32, #tpu.memory_space<vmem_shared>> -> memref<10112x128xf32, #tpu.memory_space<vmem_shared>>
        tpu.enqueue_indirect_dma source(%dma_start3A_294 : memref<128x128xf32, #tpu.memory_space<vmem>>) target(%dma_start3A_300 : memref<10112x128xf32, #tpu.memory_space<vmem_shared>>) offsets(%dma_start3A_297 : memref<128xi32, #tpu.memory_space<vmem>>) semaphore(%run_scoped3A_290 : memref<!tpu.dma_semaphore, #tpu.memory_space<semaphore_mem>>) {add = true}
        %dma_wait3A_301 = arith.constant 0 : i32
        %dma_wait3A_302 = arith.constant 0 : i32
        %dma_wait3A_303 = tpu.memref_slice %arg9[%run_scoped3A_146, %dma_wait3A_301, %dma_wait3A_302] : memref<2x128x128xf32, #tpu.memory_space<vmem>> -> memref<1x128x128xf32, #tpu.memory_space<vmem>>
        %dma_wait3A_304 = tpu.memref_squeeze %dma_wait3A_303 : memref<1x128x128xf32, #tpu.memory_space<vmem>> -> memref<128x128xf32, #tpu.memory_space<vmem>>
        %dma_wait3A_305 = arith.constant 0 : i32
        %dma_wait3A_306 = tpu.memref_slice %arg8[%rem3A_27, %run_scoped3A_147, %dma_wait3A_305] : memref<2x8x128xi32, #tpu.memory_space<vmem>> -> memref<1x1x128xi32, #tpu.memory_space<vmem>>
        %dma_wait3A_307 = tpu.memref_squeeze %dma_wait3A_306 : memref<1x1x128xi32, #tpu.memory_space<vmem>> -> memref<128xi32, #tpu.memory_space<vmem>>
        %dma_wait3A_308 = arith.constant 0 : i32
        %dma_wait3A_309 = arith.constant 0 : i32
        %dma_wait3A_310 = tpu.memref_slice %arg10[%dma_wait3A_308, %dma_wait3A_309] : memref<10112x128xf32, #tpu.memory_space<vmem_shared>> -> memref<10112x128xf32, #tpu.memory_space<vmem_shared>>
        tpu.wait_indirect_dma semaphore(%run_scoped3A_290 : memref<!tpu.dma_semaphore, #tpu.memory_space<semaphore_mem>>) src(%dma_wait3A_304 : memref<128x128xf32, #tpu.memory_space<vmem>>) dst(%dma_wait3A_310 : memref<10112x128xf32, #tpu.memory_space<vmem_shared>>)
        tpu.yield
      }) : () -> ()
      %dma_wait3A_148 = arith.constant 3 : i32
      %dma_wait3A_149 = arith.constant 1 : i32
      %dma_wait3A_150 = arith.constant 0 : i32
      %dma_wait3A_151 = arith.constant 0 : i32
      %dma_wait3A_152 = tpu.memref_slice %arg9[%dma_wait3A_149, %dma_wait3A_150, %dma_wait3A_151] : memref<2x128x128xf32, #tpu.memory_space<vmem>> -> memref<1x128x128xf32, #tpu.memory_space<vmem>>
      %dma_wait3A_153 = tpu.memref_squeeze %dma_wait3A_152 : memref<1x128x128xf32, #tpu.memory_space<vmem>> -> memref<128x128xf32, #tpu.memory_space<vmem>>
      %dma_wait3A_154 = arith.constant 0 : i32
      %dma_wait3A_155 = tpu.memref_slice %arg7[%rem3A_27, %dma_wait3A_148, %dma_wait3A_154] : memref<2x8x128xi32, #tpu.memory_space<vmem>> -> memref<1x1x128xi32, #tpu.memory_space<vmem>>
      %dma_wait3A_156 = tpu.memref_squeeze %dma_wait3A_155 : memref<1x1x128xi32, #tpu.memory_space<vmem>> -> memref<128xi32, #tpu.memory_space<vmem>>
      %dma_wait3A_157 = arith.constant 0 : i32
      %dma_wait3A_158 = arith.constant 0 : i32
      %dma_wait3A_159 = tpu.memref_slice %arg2[%dma_wait3A_157, %dma_wait3A_158] : memref<10112x128xf32, #tpu.memory_space<hbm>> -> memref<10112x128xf32, #tpu.memory_space<hbm>>
      tpu.wait_indirect_dma semaphore(%arg12 : memref<!tpu.dma_semaphore, #tpu.memory_space<semaphore_mem>>) src(%dma_wait3A_159 : memref<10112x128xf32, #tpu.memory_space<hbm>>) dst(%dma_wait3A_153 : memref<128x128xf32, #tpu.memory_space<vmem>>)
      %run_scoped3A_160 = arith.constant 1 : i32
      %run_scoped3A_161 = arith.constant 3 : i32
      "tpu.region"() ({
        %run_scoped3A_290 = tpu.sem_alloc : memref<!tpu.dma_semaphore, #tpu.memory_space<semaphore_mem>>
        %dma_start3A_291 = arith.constant 0 : i32
        %dma_start3A_292 = arith.constant 0 : i32
        %dma_start3A_293 = tpu.memref_slice %arg9[%run_scoped3A_160, %dma_start3A_291, %dma_start3A_292] : memref<2x128x128xf32, #tpu.memory_space<vmem>> -> memref<1x128x128xf32, #tpu.memory_space<vmem>>
        %dma_start3A_294 = tpu.memref_squeeze %dma_start3A_293 : memref<1x128x128xf32, #tpu.memory_space<vmem>> -> memref<128x128xf32, #tpu.memory_space<vmem>>
        %dma_start3A_295 = arith.constant 0 : i32
        %dma_start3A_296 = tpu.memref_slice %arg8[%rem3A_27, %run_scoped3A_161, %dma_start3A_295] : memref<2x8x128xi32, #tpu.memory_space<vmem>> -> memref<1x1x128xi32, #tpu.memory_space<vmem>>
        %dma_start3A_297 = tpu.memref_squeeze %dma_start3A_296 : memref<1x1x128xi32, #tpu.memory_space<vmem>> -> memref<128xi32, #tpu.memory_space<vmem>>
        %dma_start3A_298 = arith.constant 0 : i32
        %dma_start3A_299 = arith.constant 0 : i32
        %dma_start3A_300 = tpu.memref_slice %arg10[%dma_start3A_298, %dma_start3A_299] : memref<10112x128xf32, #tpu.memory_space<vmem_shared>> -> memref<10112x128xf32, #tpu.memory_space<vmem_shared>>
        tpu.enqueue_indirect_dma source(%dma_start3A_294 : memref<128x128xf32, #tpu.memory_space<vmem>>) target(%dma_start3A_300 : memref<10112x128xf32, #tpu.memory_space<vmem_shared>>) offsets(%dma_start3A_297 : memref<128xi32, #tpu.memory_space<vmem>>) semaphore(%run_scoped3A_290 : memref<!tpu.dma_semaphore, #tpu.memory_space<semaphore_mem>>) {add = true}
        %dma_wait3A_301 = arith.constant 0 : i32
        %dma_wait3A_302 = arith.constant 0 : i32
        %dma_wait3A_303 = tpu.memref_slice %arg9[%run_scoped3A_160, %dma_wait3A_301, %dma_wait3A_302] : memref<2x128x128xf32, #tpu.memory_space<vmem>> -> memref<1x128x128xf32, #tpu.memory_space<vmem>>
        %dma_wait3A_304 = tpu.memref_squeeze %dma_wait3A_303 : memref<1x128x128xf32, #tpu.memory_space<vmem>> -> memref<128x128xf32, #tpu.memory_space<vmem>>
        %dma_wait3A_305 = arith.constant 0 : i32
        %dma_wait3A_306 = tpu.memref_slice %arg8[%rem3A_27, %run_scoped3A_161, %dma_wait3A_305] : memref<2x8x128xi32, #tpu.memory_space<vmem>> -> memref<1x1x128xi32, #tpu.memory_space<vmem>>
        %dma_wait3A_307 = tpu.memref_squeeze %dma_wait3A_306 : memref<1x1x128xi32, #tpu.memory_space<vmem>> -> memref<128xi32, #tpu.memory_space<vmem>>
        %dma_wait3A_308 = arith.constant 0 : i32
        %dma_wait3A_309 = arith.constant 0 : i32
        %dma_wait3A_310 = tpu.memref_slice %arg10[%dma_wait3A_308, %dma_wait3A_309] : memref<10112x128xf32, #tpu.memory_space<vmem_shared>> -> memref<10112x128xf32, #tpu.memory_space<vmem_shared>>
        tpu.wait_indirect_dma semaphore(%run_scoped3A_290 : memref<!tpu.dma_semaphore, #tpu.memory_space<semaphore_mem>>) src(%dma_wait3A_304 : memref<128x128xf32, #tpu.memory_space<vmem>>) dst(%dma_wait3A_310 : memref<10112x128xf32, #tpu.memory_space<vmem_shared>>)
        tpu.yield
      }) : () -> ()
      %dma_start3A_162 = arith.constant 4 : i32
      %dma_start3A_163 = arith.constant 0 : i32
      %dma_start3A_164 = arith.constant 0 : i32
      %dma_start3A_165 = arith.constant 0 : i32
      %dma_start3A_166 = tpu.memref_slice %arg9[%dma_start3A_163, %dma_start3A_164, %dma_start3A_165] : memref<2x128x128xf32, #tpu.memory_space<vmem>> -> memref<1x128x128xf32, #tpu.memory_space<vmem>>
      %dma_start3A_167 = tpu.memref_squeeze %dma_start3A_166 : memref<1x128x128xf32, #tpu.memory_space<vmem>> -> memref<128x128xf32, #tpu.memory_space<vmem>>
      %dma_start3A_168 = arith.constant 0 : i32
      %dma_start3A_169 = tpu.memref_slice %arg7[%rem3A_27, %dma_start3A_162, %dma_start3A_168] : memref<2x8x128xi32, #tpu.memory_space<vmem>> -> memref<1x1x128xi32, #tpu.memory_space<vmem>>
      %dma_start3A_170 = tpu.memref_squeeze %dma_start3A_169 : memref<1x1x128xi32, #tpu.memory_space<vmem>> -> memref<128xi32, #tpu.memory_space<vmem>>
      %dma_start3A_171 = arith.constant 0 : i32
      %dma_start3A_172 = arith.constant 0 : i32
      %dma_start3A_173 = tpu.memref_slice %arg2[%dma_start3A_171, %dma_start3A_172] : memref<10112x128xf32, #tpu.memory_space<hbm>> -> memref<10112x128xf32, #tpu.memory_space<hbm>>
      tpu.enqueue_indirect_dma source(%dma_start3A_173 : memref<10112x128xf32, #tpu.memory_space<hbm>>) target(%dma_start3A_167 : memref<128x128xf32, #tpu.memory_space<vmem>>) offsets(%dma_start3A_170 : memref<128xi32, #tpu.memory_space<vmem>>) semaphore(%arg11 : memref<!tpu.dma_semaphore, #tpu.memory_space<semaphore_mem>>)
      %dma_start3A_174 = arith.constant 5 : i32
      %dma_start3A_175 = arith.constant 1 : i32
      %dma_start3A_176 = arith.constant 0 : i32
      %dma_start3A_177 = arith.constant 0 : i32
      %dma_start3A_178 = tpu.memref_slice %arg9[%dma_start3A_175, %dma_start3A_176, %dma_start3A_177] : memref<2x128x128xf32, #tpu.memory_space<vmem>> -> memref<1x128x128xf32, #tpu.memory_space<vmem>>
      %dma_start3A_179 = tpu.memref_squeeze %dma_start3A_178 : memref<1x128x128xf32, #tpu.memory_space<vmem>> -> memref<128x128xf32, #tpu.memory_space<vmem>>
      %dma_start3A_180 = arith.constant 0 : i32
      %dma_start3A_181 = tpu.memref_slice %arg7[%rem3A_27, %dma_start3A_174, %dma_start3A_180] : memref<2x8x128xi32, #tpu.memory_space<vmem>> -> memref<1x1x128xi32, #tpu.memory_space<vmem>>
      %dma_start3A_182 = tpu.memref_squeeze %dma_start3A_181 : memref<1x1x128xi32, #tpu.memory_space<vmem>> -> memref<128xi32, #tpu.memory_space<vmem>>
      %dma_start3A_183 = arith.constant 0 : i32
      %dma_start3A_184 = arith.constant 0 : i32
      %dma_start3A_185 = tpu.memref_slice %arg2[%dma_start3A_183, %dma_start3A_184] : memref<10112x128xf32, #tpu.memory_space<hbm>> -> memref<10112x128xf32, #tpu.memory_space<hbm>>
      tpu.enqueue_indirect_dma source(%dma_start3A_185 : memref<10112x128xf32, #tpu.memory_space<hbm>>) target(%dma_start3A_179 : memref<128x128xf32, #tpu.memory_space<vmem>>) offsets(%dma_start3A_182 : memref<128xi32, #tpu.memory_space<vmem>>) semaphore(%arg12 : memref<!tpu.dma_semaphore, #tpu.memory_space<semaphore_mem>>)
      %dma_wait3A_186 = arith.constant 4 : i32
      %dma_wait3A_187 = arith.constant 0 : i32
      %dma_wait3A_188 = arith.constant 0 : i32
      %dma_wait3A_189 = arith.constant 0 : i32
      %dma_wait3A_190 = tpu.memref_slice %arg9[%dma_wait3A_187, %dma_wait3A_188, %dma_wait3A_189] : memref<2x128x128xf32, #tpu.memory_space<vmem>> -> memref<1x128x128xf32, #tpu.memory_space<vmem>>
      %dma_wait3A_191 = tpu.memref_squeeze %dma_wait3A_190 : memref<1x128x128xf32, #tpu.memory_space<vmem>> -> memref<128x128xf32, #tpu.memory_space<vmem>>
      %dma_wait3A_192 = arith.constant 0 : i32
      %dma_wait3A_193 = tpu.memref_slice %arg7[%rem3A_27, %dma_wait3A_186, %dma_wait3A_192] : memref<2x8x128xi32, #tpu.memory_space<vmem>> -> memref<1x1x128xi32, #tpu.memory_space<vmem>>
      %dma_wait3A_194 = tpu.memref_squeeze %dma_wait3A_193 : memref<1x1x128xi32, #tpu.memory_space<vmem>> -> memref<128xi32, #tpu.memory_space<vmem>>
      %dma_wait3A_195 = arith.constant 0 : i32
      %dma_wait3A_196 = arith.constant 0 : i32
      %dma_wait3A_197 = tpu.memref_slice %arg2[%dma_wait3A_195, %dma_wait3A_196] : memref<10112x128xf32, #tpu.memory_space<hbm>> -> memref<10112x128xf32, #tpu.memory_space<hbm>>
      tpu.wait_indirect_dma semaphore(%arg11 : memref<!tpu.dma_semaphore, #tpu.memory_space<semaphore_mem>>) src(%dma_wait3A_197 : memref<10112x128xf32, #tpu.memory_space<hbm>>) dst(%dma_wait3A_191 : memref<128x128xf32, #tpu.memory_space<vmem>>)
      %run_scoped3A_198 = arith.constant 0 : i32
      %run_scoped3A_199 = arith.constant 4 : i32
      "tpu.region"() ({
        %run_scoped3A_290 = tpu.sem_alloc : memref<!tpu.dma_semaphore, #tpu.memory_space<semaphore_mem>>
        %dma_start3A_291 = arith.constant 0 : i32
        %dma_start3A_292 = arith.constant 0 : i32
        %dma_start3A_293 = tpu.memref_slice %arg9[%run_scoped3A_198, %dma_start3A_291, %dma_start3A_292] : memref<2x128x128xf32, #tpu.memory_space<vmem>> -> memref<1x128x128xf32, #tpu.memory_space<vmem>>
        %dma_start3A_294 = tpu.memref_squeeze %dma_start3A_293 : memref<1x128x128xf32, #tpu.memory_space<vmem>> -> memref<128x128xf32, #tpu.memory_space<vmem>>
        %dma_start3A_295 = arith.constant 0 : i32
        %dma_start3A_296 = tpu.memref_slice %arg8[%rem3A_27, %run_scoped3A_199, %dma_start3A_295] : memref<2x8x128xi32, #tpu.memory_space<vmem>> -> memref<1x1x128xi32, #tpu.memory_space<vmem>>
        %dma_start3A_297 = tpu.memref_squeeze %dma_start3A_296 : memref<1x1x128xi32, #tpu.memory_space<vmem>> -> memref<128xi32, #tpu.memory_space<vmem>>
        %dma_start3A_298 = arith.constant 0 : i32
        %dma_start3A_299 = arith.constant 0 : i32
        %dma_start3A_300 = tpu.memref_slice %arg10[%dma_start3A_298, %dma_start3A_299] : memref<10112x128xf32, #tpu.memory_space<vmem_shared>> -> memref<10112x128xf32, #tpu.memory_space<vmem_shared>>
        tpu.enqueue_indirect_dma source(%dma_start3A_294 : memref<128x128xf32, #tpu.memory_space<vmem>>) target(%dma_start3A_300 : memref<10112x128xf32, #tpu.memory_space<vmem_shared>>) offsets(%dma_start3A_297 : memref<128xi32, #tpu.memory_space<vmem>>) semaphore(%run_scoped3A_290 : memref<!tpu.dma_semaphore, #tpu.memory_space<semaphore_mem>>) {add = true}
        %dma_wait3A_301 = arith.constant 0 : i32
        %dma_wait3A_302 = arith.constant 0 : i32
        %dma_wait3A_303 = tpu.memref_slice %arg9[%run_scoped3A_198, %dma_wait3A_301, %dma_wait3A_302] : memref<2x128x128xf32, #tpu.memory_space<vmem>> -> memref<1x128x128xf32, #tpu.memory_space<vmem>>
        %dma_wait3A_304 = tpu.memref_squeeze %dma_wait3A_303 : memref<1x128x128xf32, #tpu.memory_space<vmem>> -> memref<128x128xf32, #tpu.memory_space<vmem>>
        %dma_wait3A_305 = arith.constant 0 : i32
        %dma_wait3A_306 = tpu.memref_slice %arg8[%rem3A_27, %run_scoped3A_199, %dma_wait3A_305] : memref<2x8x128xi32, #tpu.memory_space<vmem>> -> memref<1x1x128xi32, #tpu.memory_space<vmem>>
        %dma_wait3A_307 = tpu.memref_squeeze %dma_wait3A_306 : memref<1x1x128xi32, #tpu.memory_space<vmem>> -> memref<128xi32, #tpu.memory_space<vmem>>
        %dma_wait3A_308 = arith.constant 0 : i32
        %dma_wait3A_309 = arith.constant 0 : i32
        %dma_wait3A_310 = tpu.memref_slice %arg10[%dma_wait3A_308, %dma_wait3A_309] : memref<10112x128xf32, #tpu.memory_space<vmem_shared>> -> memref<10112x128xf32, #tpu.memory_space<vmem_shared>>
        tpu.wait_indirect_dma semaphore(%run_scoped3A_290 : memref<!tpu.dma_semaphore, #tpu.memory_space<semaphore_mem>>) src(%dma_wait3A_304 : memref<128x128xf32, #tpu.memory_space<vmem>>) dst(%dma_wait3A_310 : memref<10112x128xf32, #tpu.memory_space<vmem_shared>>)
        tpu.yield
      }) : () -> ()
      %dma_wait3A_200 = arith.constant 5 : i32
      %dma_wait3A_201 = arith.constant 1 : i32
      %dma_wait3A_202 = arith.constant 0 : i32
      %dma_wait3A_203 = arith.constant 0 : i32
      %dma_wait3A_204 = tpu.memref_slice %arg9[%dma_wait3A_201, %dma_wait3A_202, %dma_wait3A_203] : memref<2x128x128xf32, #tpu.memory_space<vmem>> -> memref<1x128x128xf32, #tpu.memory_space<vmem>>
      %dma_wait3A_205 = tpu.memref_squeeze %dma_wait3A_204 : memref<1x128x128xf32, #tpu.memory_space<vmem>> -> memref<128x128xf32, #tpu.memory_space<vmem>>
      %dma_wait3A_206 = arith.constant 0 : i32
      %dma_wait3A_207 = tpu.memref_slice %arg7[%rem3A_27, %dma_wait3A_200, %dma_wait3A_206] : memref<2x8x128xi32, #tpu.memory_space<vmem>> -> memref<1x1x128xi32, #tpu.memory_space<vmem>>
      %dma_wait3A_208 = tpu.memref_squeeze %dma_wait3A_207 : memref<1x1x128xi32, #tpu.memory_space<vmem>> -> memref<128xi32, #tpu.memory_space<vmem>>
      %dma_wait3A_209 = arith.constant 0 : i32
      %dma_wait3A_210 = arith.constant 0 : i32
      %dma_wait3A_211 = tpu.memref_slice %arg2[%dma_wait3A_209, %dma_wait3A_210] : memref<10112x128xf32, #tpu.memory_space<hbm>> -> memref<10112x128xf32, #tpu.memory_space<hbm>>
      tpu.wait_indirect_dma semaphore(%arg12 : memref<!tpu.dma_semaphore, #tpu.memory_space<semaphore_mem>>) src(%dma_wait3A_211 : memref<10112x128xf32, #tpu.memory_space<hbm>>) dst(%dma_wait3A_205 : memref<128x128xf32, #tpu.memory_space<vmem>>)
      %run_scoped3A_212 = arith.constant 1 : i32
      %run_scoped3A_213 = arith.constant 5 : i32
      "tpu.region"() ({
        %run_scoped3A_290 = tpu.sem_alloc : memref<!tpu.dma_semaphore, #tpu.memory_space<semaphore_mem>>
        %dma_start3A_291 = arith.constant 0 : i32
        %dma_start3A_292 = arith.constant 0 : i32
        %dma_start3A_293 = tpu.memref_slice %arg9[%run_scoped3A_212, %dma_start3A_291, %dma_start3A_292] : memref<2x128x128xf32, #tpu.memory_space<vmem>> -> memref<1x128x128xf32, #tpu.memory_space<vmem>>
        %dma_start3A_294 = tpu.memref_squeeze %dma_start3A_293 : memref<1x128x128xf32, #tpu.memory_space<vmem>> -> memref<128x128xf32, #tpu.memory_space<vmem>>
        %dma_start3A_295 = arith.constant 0 : i32
        %dma_start3A_296 = tpu.memref_slice %arg8[%rem3A_27, %run_scoped3A_213, %dma_start3A_295] : memref<2x8x128xi32, #tpu.memory_space<vmem>> -> memref<1x1x128xi32, #tpu.memory_space<vmem>>
        %dma_start3A_297 = tpu.memref_squeeze %dma_start3A_296 : memref<1x1x128xi32, #tpu.memory_space<vmem>> -> memref<128xi32, #tpu.memory_space<vmem>>
        %dma_start3A_298 = arith.constant 0 : i32
        %dma_start3A_299 = arith.constant 0 : i32
        %dma_start3A_300 = tpu.memref_slice %arg10[%dma_start3A_298, %dma_start3A_299] : memref<10112x128xf32, #tpu.memory_space<vmem_shared>> -> memref<10112x128xf32, #tpu.memory_space<vmem_shared>>
        tpu.enqueue_indirect_dma source(%dma_start3A_294 : memref<128x128xf32, #tpu.memory_space<vmem>>) target(%dma_start3A_300 : memref<10112x128xf32, #tpu.memory_space<vmem_shared>>) offsets(%dma_start3A_297 : memref<128xi32, #tpu.memory_space<vmem>>) semaphore(%run_scoped3A_290 : memref<!tpu.dma_semaphore, #tpu.memory_space<semaphore_mem>>) {add = true}
        %dma_wait3A_301 = arith.constant 0 : i32
        %dma_wait3A_302 = arith.constant 0 : i32
        %dma_wait3A_303 = tpu.memref_slice %arg9[%run_scoped3A_212, %dma_wait3A_301, %dma_wait3A_302] : memref<2x128x128xf32, #tpu.memory_space<vmem>> -> memref<1x128x128xf32, #tpu.memory_space<vmem>>
        %dma_wait3A_304 = tpu.memref_squeeze %dma_wait3A_303 : memref<1x128x128xf32, #tpu.memory_space<vmem>> -> memref<128x128xf32, #tpu.memory_space<vmem>>
        %dma_wait3A_305 = arith.constant 0 : i32
        %dma_wait3A_306 = tpu.memref_slice %arg8[%rem3A_27, %run_scoped3A_213, %dma_wait3A_305] : memref<2x8x128xi32, #tpu.memory_space<vmem>> -> memref<1x1x128xi32, #tpu.memory_space<vmem>>
        %dma_wait3A_307 = tpu.memref_squeeze %dma_wait3A_306 : memref<1x1x128xi32, #tpu.memory_space<vmem>> -> memref<128xi32, #tpu.memory_space<vmem>>
        %dma_wait3A_308 = arith.constant 0 : i32
        %dma_wait3A_309 = arith.constant 0 : i32
        %dma_wait3A_310 = tpu.memref_slice %arg10[%dma_wait3A_308, %dma_wait3A_309] : memref<10112x128xf32, #tpu.memory_space<vmem_shared>> -> memref<10112x128xf32, #tpu.memory_space<vmem_shared>>
        tpu.wait_indirect_dma semaphore(%run_scoped3A_290 : memref<!tpu.dma_semaphore, #tpu.memory_space<semaphore_mem>>) src(%dma_wait3A_304 : memref<128x128xf32, #tpu.memory_space<vmem>>) dst(%dma_wait3A_310 : memref<10112x128xf32, #tpu.memory_space<vmem_shared>>)
        tpu.yield
      }) : () -> ()
      %dma_start3A_214 = arith.constant 6 : i32
      %dma_start3A_215 = arith.constant 0 : i32
      %dma_start3A_216 = arith.constant 0 : i32
      %dma_start3A_217 = arith.constant 0 : i32
      %dma_start3A_218 = tpu.memref_slice %arg9[%dma_start3A_215, %dma_start3A_216, %dma_start3A_217] : memref<2x128x128xf32, #tpu.memory_space<vmem>> -> memref<1x128x128xf32, #tpu.memory_space<vmem>>
      %dma_start3A_219 = tpu.memref_squeeze %dma_start3A_218 : memref<1x128x128xf32, #tpu.memory_space<vmem>> -> memref<128x128xf32, #tpu.memory_space<vmem>>
      %dma_start3A_220 = arith.constant 0 : i32
      %dma_start3A_221 = tpu.memref_slice %arg7[%rem3A_27, %dma_start3A_214, %dma_start3A_220] : memref<2x8x128xi32, #tpu.memory_space<vmem>> -> memref<1x1x128xi32, #tpu.memory_space<vmem>>
      %dma_start3A_222 = tpu.memref_squeeze %dma_start3A_221 : memref<1x1x128xi32, #tpu.memory_space<vmem>> -> memref<128xi32, #tpu.memory_space<vmem>>
      %dma_start3A_223 = arith.constant 0 : i32
      %dma_start3A_224 = arith.constant 0 : i32
      %dma_start3A_225 = tpu.memref_slice %arg2[%dma_start3A_223, %dma_start3A_224] : memref<10112x128xf32, #tpu.memory_space<hbm>> -> memref<10112x128xf32, #tpu.memory_space<hbm>>
      tpu.enqueue_indirect_dma source(%dma_start3A_225 : memref<10112x128xf32, #tpu.memory_space<hbm>>) target(%dma_start3A_219 : memref<128x128xf32, #tpu.memory_space<vmem>>) offsets(%dma_start3A_222 : memref<128xi32, #tpu.memory_space<vmem>>) semaphore(%arg11 : memref<!tpu.dma_semaphore, #tpu.memory_space<semaphore_mem>>)
      %dma_start3A_226 = arith.constant 7 : i32
      %dma_start3A_227 = arith.constant 1 : i32
      %dma_start3A_228 = arith.constant 0 : i32
      %dma_start3A_229 = arith.constant 0 : i32
      %dma_start3A_230 = tpu.memref_slice %arg9[%dma_start3A_227, %dma_start3A_228, %dma_start3A_229] : memref<2x128x128xf32, #tpu.memory_space<vmem>> -> memref<1x128x128xf32, #tpu.memory_space<vmem>>
      %dma_start3A_231 = tpu.memref_squeeze %dma_start3A_230 : memref<1x128x128xf32, #tpu.memory_space<vmem>> -> memref<128x128xf32, #tpu.memory_space<vmem>>
      %dma_start3A_232 = arith.constant 0 : i32
      %dma_start3A_233 = tpu.memref_slice %arg7[%rem3A_27, %dma_start3A_226, %dma_start3A_232] : memref<2x8x128xi32, #tpu.memory_space<vmem>> -> memref<1x1x128xi32, #tpu.memory_space<vmem>>
      %dma_start3A_234 = tpu.memref_squeeze %dma_start3A_233 : memref<1x1x128xi32, #tpu.memory_space<vmem>> -> memref<128xi32, #tpu.memory_space<vmem>>
      %dma_start3A_235 = arith.constant 0 : i32
      %dma_start3A_236 = arith.constant 0 : i32
      %dma_start3A_237 = tpu.memref_slice %arg2[%dma_start3A_235, %dma_start3A_236] : memref<10112x128xf32, #tpu.memory_space<hbm>> -> memref<10112x128xf32, #tpu.memory_space<hbm>>
      tpu.enqueue_indirect_dma source(%dma_start3A_237 : memref<10112x128xf32, #tpu.memory_space<hbm>>) target(%dma_start3A_231 : memref<128x128xf32, #tpu.memory_space<vmem>>) offsets(%dma_start3A_234 : memref<128xi32, #tpu.memory_space<vmem>>) semaphore(%arg12 : memref<!tpu.dma_semaphore, #tpu.memory_space<semaphore_mem>>)
      %dma_wait3A_238 = arith.constant 6 : i32
      %dma_wait3A_239 = arith.constant 0 : i32
      %dma_wait3A_240 = arith.constant 0 : i32
      %dma_wait3A_241 = arith.constant 0 : i32
      %dma_wait3A_242 = tpu.memref_slice %arg9[%dma_wait3A_239, %dma_wait3A_240, %dma_wait3A_241] : memref<2x128x128xf32, #tpu.memory_space<vmem>> -> memref<1x128x128xf32, #tpu.memory_space<vmem>>
      %dma_wait3A_243 = tpu.memref_squeeze %dma_wait3A_242 : memref<1x128x128xf32, #tpu.memory_space<vmem>> -> memref<128x128xf32, #tpu.memory_space<vmem>>
      %dma_wait3A_244 = arith.constant 0 : i32
      %dma_wait3A_245 = tpu.memref_slice %arg7[%rem3A_27, %dma_wait3A_238, %dma_wait3A_244] : memref<2x8x128xi32, #tpu.memory_space<vmem>> -> memref<1x1x128xi32, #tpu.memory_space<vmem>>
      %dma_wait3A_246 = tpu.memref_squeeze %dma_wait3A_245 : memref<1x1x128xi32, #tpu.memory_space<vmem>> -> memref<128xi32, #tpu.memory_space<vmem>>
      %dma_wait3A_247 = arith.constant 0 : i32
      %dma_wait3A_248 = arith.constant 0 : i32
      %dma_wait3A_249 = tpu.memref_slice %arg2[%dma_wait3A_247, %dma_wait3A_248] : memref<10112x128xf32, #tpu.memory_space<hbm>> -> memref<10112x128xf32, #tpu.memory_space<hbm>>
      tpu.wait_indirect_dma semaphore(%arg11 : memref<!tpu.dma_semaphore, #tpu.memory_space<semaphore_mem>>) src(%dma_wait3A_249 : memref<10112x128xf32, #tpu.memory_space<hbm>>) dst(%dma_wait3A_243 : memref<128x128xf32, #tpu.memory_space<vmem>>)
      %run_scoped3A_250 = arith.constant 0 : i32
      %run_scoped3A_251 = arith.constant 6 : i32
      "tpu.region"() ({
        %run_scoped3A_290 = tpu.sem_alloc : memref<!tpu.dma_semaphore, #tpu.memory_space<semaphore_mem>>
        %dma_start3A_291 = arith.constant 0 : i32
        %dma_start3A_292 = arith.constant 0 : i32
        %dma_start3A_293 = tpu.memref_slice %arg9[%run_scoped3A_250, %dma_start3A_291, %dma_start3A_292] : memref<2x128x128xf32, #tpu.memory_space<vmem>> -> memref<1x128x128xf32, #tpu.memory_space<vmem>>
        %dma_start3A_294 = tpu.memref_squeeze %dma_start3A_293 : memref<1x128x128xf32, #tpu.memory_space<vmem>> -> memref<128x128xf32, #tpu.memory_space<vmem>>
        %dma_start3A_295 = arith.constant 0 : i32
        %dma_start3A_296 = tpu.memref_slice %arg8[%rem3A_27, %run_scoped3A_251, %dma_start3A_295] : memref<2x8x128xi32, #tpu.memory_space<vmem>> -> memref<1x1x128xi32, #tpu.memory_space<vmem>>
        %dma_start3A_297 = tpu.memref_squeeze %dma_start3A_296 : memref<1x1x128xi32, #tpu.memory_space<vmem>> -> memref<128xi32, #tpu.memory_space<vmem>>
        %dma_start3A_298 = arith.constant 0 : i32
        %dma_start3A_299 = arith.constant 0 : i32
        %dma_start3A_300 = tpu.memref_slice %arg10[%dma_start3A_298, %dma_start3A_299] : memref<10112x128xf32, #tpu.memory_space<vmem_shared>> -> memref<10112x128xf32, #tpu.memory_space<vmem_shared>>
        tpu.enqueue_indirect_dma source(%dma_start3A_294 : memref<128x128xf32, #tpu.memory_space<vmem>>) target(%dma_start3A_300 : memref<10112x128xf32, #tpu.memory_space<vmem_shared>>) offsets(%dma_start3A_297 : memref<128xi32, #tpu.memory_space<vmem>>) semaphore(%run_scoped3A_290 : memref<!tpu.dma_semaphore, #tpu.memory_space<semaphore_mem>>) {add = true}
        %dma_wait3A_301 = arith.constant 0 : i32
        %dma_wait3A_302 = arith.constant 0 : i32
        %dma_wait3A_303 = tpu.memref_slice %arg9[%run_scoped3A_250, %dma_wait3A_301, %dma_wait3A_302] : memref<2x128x128xf32, #tpu.memory_space<vmem>> -> memref<1x128x128xf32, #tpu.memory_space<vmem>>
        %dma_wait3A_304 = tpu.memref_squeeze %dma_wait3A_303 : memref<1x128x128xf32, #tpu.memory_space<vmem>> -> memref<128x128xf32, #tpu.memory_space<vmem>>
        %dma_wait3A_305 = arith.constant 0 : i32
        %dma_wait3A_306 = tpu.memref_slice %arg8[%rem3A_27, %run_scoped3A_251, %dma_wait3A_305] : memref<2x8x128xi32, #tpu.memory_space<vmem>> -> memref<1x1x128xi32, #tpu.memory_space<vmem>>
        %dma_wait3A_307 = tpu.memref_squeeze %dma_wait3A_306 : memref<1x1x128xi32, #tpu.memory_space<vmem>> -> memref<128xi32, #tpu.memory_space<vmem>>
        %dma_wait3A_308 = arith.constant 0 : i32
        %dma_wait3A_309 = arith.constant 0 : i32
        %dma_wait3A_310 = tpu.memref_slice %arg10[%dma_wait3A_308, %dma_wait3A_309] : memref<10112x128xf32, #tpu.memory_space<vmem_shared>> -> memref<10112x128xf32, #tpu.memory_space<vmem_shared>>
        tpu.wait_indirect_dma semaphore(%run_scoped3A_290 : memref<!tpu.dma_semaphore, #tpu.memory_space<semaphore_mem>>) src(%dma_wait3A_304 : memref<128x128xf32, #tpu.memory_space<vmem>>) dst(%dma_wait3A_310 : memref<10112x128xf32, #tpu.memory_space<vmem_shared>>)
        tpu.yield
      }) : () -> ()
      %dma_wait3A_252 = arith.constant 7 : i32
      %dma_wait3A_253 = arith.constant 1 : i32
      %dma_wait3A_254 = arith.constant 0 : i32
      %dma_wait3A_255 = arith.constant 0 : i32
      %dma_wait3A_256 = tpu.memref_slice %arg9[%dma_wait3A_253, %dma_wait3A_254, %dma_wait3A_255] : memref<2x128x128xf32, #tpu.memory_space<vmem>> -> memref<1x128x128xf32, #tpu.memory_space<vmem>>
      %dma_wait3A_257 = tpu.memref_squeeze %dma_wait3A_256 : memref<1x128x128xf32, #tpu.memory_space<vmem>> -> memref<128x128xf32, #tpu.memory_space<vmem>>
      %dma_wait3A_258 = arith.constant 0 : i32
      %dma_wait3A_259 = tpu.memref_slice %arg7[%rem3A_27, %dma_wait3A_252, %dma_wait3A_258] : memref<2x8x128xi32, #tpu.memory_space<vmem>> -> memref<1x1x128xi32, #tpu.memory_space<vmem>>
      %dma_wait3A_260 = tpu.memref_squeeze %dma_wait3A_259 : memref<1x1x128xi32, #tpu.memory_space<vmem>> -> memref<128xi32, #tpu.memory_space<vmem>>
      %dma_wait3A_261 = arith.constant 0 : i32
      %dma_wait3A_262 = arith.constant 0 : i32
      %dma_wait3A_263 = tpu.memref_slice %arg2[%dma_wait3A_261, %dma_wait3A_262] : memref<10112x128xf32, #tpu.memory_space<hbm>> -> memref<10112x128xf32, #tpu.memory_space<hbm>>
      tpu.wait_indirect_dma semaphore(%arg12 : memref<!tpu.dma_semaphore, #tpu.memory_space<semaphore_mem>>) src(%dma_wait3A_263 : memref<10112x128xf32, #tpu.memory_space<hbm>>) dst(%dma_wait3A_257 : memref<128x128xf32, #tpu.memory_space<vmem>>)
      %run_scoped3A_264 = arith.constant 1 : i32
      %run_scoped3A_265 = arith.constant 7 : i32
      "tpu.region"() ({
        %run_scoped3A_290 = tpu.sem_alloc : memref<!tpu.dma_semaphore, #tpu.memory_space<semaphore_mem>>
        %dma_start3A_291 = arith.constant 0 : i32
        %dma_start3A_292 = arith.constant 0 : i32
        %dma_start3A_293 = tpu.memref_slice %arg9[%run_scoped3A_264, %dma_start3A_291, %dma_start3A_292] : memref<2x128x128xf32, #tpu.memory_space<vmem>> -> memref<1x128x128xf32, #tpu.memory_space<vmem>>
        %dma_start3A_294 = tpu.memref_squeeze %dma_start3A_293 : memref<1x128x128xf32, #tpu.memory_space<vmem>> -> memref<128x128xf32, #tpu.memory_space<vmem>>
        %dma_start3A_295 = arith.constant 0 : i32
        %dma_start3A_296 = tpu.memref_slice %arg8[%rem3A_27, %run_scoped3A_265, %dma_start3A_295] : memref<2x8x128xi32, #tpu.memory_space<vmem>> -> memref<1x1x128xi32, #tpu.memory_space<vmem>>
        %dma_start3A_297 = tpu.memref_squeeze %dma_start3A_296 : memref<1x1x128xi32, #tpu.memory_space<vmem>> -> memref<128xi32, #tpu.memory_space<vmem>>
        %dma_start3A_298 = arith.constant 0 : i32
        %dma_start3A_299 = arith.constant 0 : i32
        %dma_start3A_300 = tpu.memref_slice %arg10[%dma_start3A_298, %dma_start3A_299] : memref<10112x128xf32, #tpu.memory_space<vmem_shared>> -> memref<10112x128xf32, #tpu.memory_space<vmem_shared>>
        tpu.enqueue_indirect_dma source(%dma_start3A_294 : memref<128x128xf32, #tpu.memory_space<vmem>>) target(%dma_start3A_300 : memref<10112x128xf32, #tpu.memory_space<vmem_shared>>) offsets(%dma_start3A_297 : memref<128xi32, #tpu.memory_space<vmem>>) semaphore(%run_scoped3A_290 : memref<!tpu.dma_semaphore, #tpu.memory_space<semaphore_mem>>) {add = true}
        %dma_wait3A_301 = arith.constant 0 : i32
        %dma_wait3A_302 = arith.constant 0 : i32
        %dma_wait3A_303 = tpu.memref_slice %arg9[%run_scoped3A_264, %dma_wait3A_301, %dma_wait3A_302] : memref<2x128x128xf32, #tpu.memory_space<vmem>> -> memref<1x128x128xf32, #tpu.memory_space<vmem>>
        %dma_wait3A_304 = tpu.memref_squeeze %dma_wait3A_303 : memref<1x128x128xf32, #tpu.memory_space<vmem>> -> memref<128x128xf32, #tpu.memory_space<vmem>>
        %dma_wait3A_305 = arith.constant 0 : i32
        %dma_wait3A_306 = tpu.memref_slice %arg8[%rem3A_27, %run_scoped3A_265, %dma_wait3A_305] : memref<2x8x128xi32, #tpu.memory_space<vmem>> -> memref<1x1x128xi32, #tpu.memory_space<vmem>>
        %dma_wait3A_307 = tpu.memref_squeeze %dma_wait3A_306 : memref<1x1x128xi32, #tpu.memory_space<vmem>> -> memref<128xi32, #tpu.memory_space<vmem>>
        %dma_wait3A_308 = arith.constant 0 : i32
        %dma_wait3A_309 = arith.constant 0 : i32
        %dma_wait3A_310 = tpu.memref_slice %arg10[%dma_wait3A_308, %dma_wait3A_309] : memref<10112x128xf32, #tpu.memory_space<vmem_shared>> -> memref<10112x128xf32, #tpu.memory_space<vmem_shared>>
        tpu.wait_indirect_dma semaphore(%run_scoped3A_290 : memref<!tpu.dma_semaphore, #tpu.memory_space<semaphore_mem>>) src(%dma_wait3A_304 : memref<128x128xf32, #tpu.memory_space<vmem>>) dst(%dma_wait3A_310 : memref<10112x128xf32, #tpu.memory_space<vmem_shared>>)
        tpu.yield
      }) : () -> ()
      %dma_wait3A_266 = arith.constant 0 : i32
      %dma_wait3A_267 = arith.constant 0 : i32
      %dma_wait3A_268 = tpu.memref_slice %arg7[%sub3A_28, %dma_wait3A_266, %dma_wait3A_267] : memref<2x8x128xi32, #tpu.memory_space<vmem>> -> memref<1x8x128xi32, #tpu.memory_space<vmem>>
      %dma_wait3A_269 = tpu.memref_squeeze %dma_wait3A_268 : memref<1x8x128xi32, #tpu.memory_space<vmem>> -> memref<8x128xi32, #tpu.memory_space<vmem>>
      %dma_wait3A_270 = arith.constant 0 : i32
      %dma_wait3A_271 = tpu.memref_slice %arg3[%add3A_35, %dma_wait3A_270] : memref<2560x128xi32, #tpu.memory_space<hbm>> -> memref<8x128xi32, #tpu.memory_space<hbm>>
      %dma_wait3A_272 = arith.constant 0 : i32
      %dma_wait3A_273 = arith.constant 0 : i32
      %dma_wait3A_274 = tpu.memref_slice %arg7[%sub3A_28, %dma_wait3A_272, %dma_wait3A_273] : memref<2x8x128xi32, #tpu.memory_space<vmem>> -> memref<1x8x128xi32, #tpu.memory_space<vmem>>
      %dma_wait3A_275 = tpu.memref_squeeze %dma_wait3A_274 : memref<1x8x128xi32, #tpu.memory_space<vmem>> -> memref<8x128xi32, #tpu.memory_space<vmem>>
      %dma_wait3A_276 = arith.constant 0 : i32
      %dma_wait3A_277 = tpu.memref_slice %arg3[%add3A_35, %dma_wait3A_276] : memref<2560x128xi32, #tpu.memory_space<hbm>> -> memref<8x128xi32, #tpu.memory_space<hbm>>
      tpu.wait_dma2 semaphore(%arg13 : memref<!tpu.dma_semaphore, #tpu.memory_space<semaphore_mem>>) src(%dma_wait3A_277 : memref<8x128xi32, #tpu.memory_space<hbm>>) dst(%dma_wait3A_275 : memref<8x128xi32, #tpu.memory_space<vmem>>)
      %dma_wait3A_278 = arith.constant 0 : i32
      %dma_wait3A_279 = arith.constant 0 : i32
      %dma_wait3A_280 = tpu.memref_slice %arg8[%sub3A_28, %dma_wait3A_278, %dma_wait3A_279] : memref<2x8x128xi32, #tpu.memory_space<vmem>> -> memref<1x8x128xi32, #tpu.memory_space<vmem>>
      %dma_wait3A_281 = tpu.memref_squeeze %dma_wait3A_280 : memref<1x8x128xi32, #tpu.memory_space<vmem>> -> memref<8x128xi32, #tpu.memory_space<vmem>>
      %dma_wait3A_282 = arith.constant 0 : i32
      %dma_wait3A_283 = tpu.memref_slice %arg4[%add3A_35, %dma_wait3A_282] : memref<2560x128xi32, #tpu.memory_space<hbm>> -> memref<8x128xi32, #tpu.memory_space<hbm>>
      %dma_wait3A_284 = arith.constant 0 : i32
      %dma_wait3A_285 = arith.constant 0 : i32
      %dma_wait3A_286 = tpu.memref_slice %arg8[%sub3A_28, %dma_wait3A_284, %dma_wait3A_285] : memref<2x8x128xi32, #tpu.memory_space<vmem>> -> memref<1x8x128xi32, #tpu.memory_space<vmem>>
      %dma_wait3A_287 = tpu.memref_squeeze %dma_wait3A_286 : memref<1x8x128xi32, #tpu.memory_space<vmem>> -> memref<8x128xi32, #tpu.memory_space<vmem>>
      %dma_wait3A_288 = arith.constant 0 : i32
      %dma_wait3A_289 = tpu.memref_slice %arg4[%add3A_35, %dma_wait3A_288] : memref<2560x128xi32, #tpu.memory_space<hbm>> -> memref<8x128xi32, #tpu.memory_space<hbm>>
      tpu.wait_dma2 semaphore(%arg14 : memref<!tpu.dma_semaphore, #tpu.memory_space<semaphore_mem>>) src(%dma_wait3A_289 : memref<8x128xi32, #tpu.memory_space<hbm>>) dst(%dma_wait3A_287 : memref<8x128xi32, #tpu.memory_space<vmem>>)
    }
    %barrier3A_21 = arith.constant 0 : index
    tpu.barrier barrier_id(%barrier3A_21)
    %mul3A_22 = arith.constant 632 : i32
    %mul3A_23 = arith.muli %arg1, %mul3A_22 : i32
    %mul3A_24 = arith.constant 632 : i32
    %mul3A_25 = arith.muli %arg1, %mul3A_24 : i32
    "tpu.region"() ({
      %run_scoped3A_26 = tpu.sem_alloc : memref<!tpu.dma_semaphore, #tpu.memory_space<semaphore_mem>>
      %dma_start3A = arith.constant 0 : i32
      %dma_start3A_27 = tpu.memref_slice %arg6[%arg0, %mul3A_25, %dma_start3A] : memref<2x10112x128xf32, #tpu.memory_space<hbm>> -> memref<1x632x128xf32, #tpu.memory_space<hbm>>
      %dma_start3A_28 = tpu.memref_squeeze %dma_start3A_27 : memref<1x632x128xf32, #tpu.memory_space<hbm>> -> memref<632x128xf32, #tpu.memory_space<hbm>>
      %dma_start3A_29 = arith.constant 0 : i32
      %dma_start3A_30 = tpu.memref_slice %arg10[%mul3A_23, %dma_start3A_29] : memref<10112x128xf32, #tpu.memory_space<vmem_shared>> -> memref<632x128xf32, #tpu.memory_space<vmem_shared>>
      tpu.enqueue_dma source(%dma_start3A_30 : memref<632x128xf32, #tpu.memory_space<vmem_shared>>) target(%dma_start3A_28 : memref<632x128xf32, #tpu.memory_space<hbm>>) target_semaphore(%run_scoped3A_26 : memref<!tpu.dma_semaphore, #tpu.memory_space<semaphore_mem>>)
      %dma_wait3A = arith.constant 0 : i32
      %dma_wait3A_31 = tpu.memref_slice %arg6[%arg0, %mul3A_25, %dma_wait3A] : memref<2x10112x128xf32, #tpu.memory_space<hbm>> -> memref<1x632x128xf32, #tpu.memory_space<hbm>>
      %dma_wait3A_32 = tpu.memref_squeeze %dma_wait3A_31 : memref<1x632x128xf32, #tpu.memory_space<hbm>> -> memref<632x128xf32, #tpu.memory_space<hbm>>
      %dma_wait3A_33 = arith.constant 0 : i32
      %dma_wait3A_34 = tpu.memref_slice %arg10[%mul3A_23, %dma_wait3A_33] : memref<10112x128xf32, #tpu.memory_space<vmem_shared>> -> memref<632x128xf32, #tpu.memory_space<vmem_shared>>
      tpu.wait_dma2 semaphore(%run_scoped3A_26 : memref<!tpu.dma_semaphore, #tpu.memory_space<semaphore_mem>>) src(%dma_wait3A_34 : memref<632x128xf32, #tpu.memory_space<vmem_shared>>) dst(%dma_wait3A_32 : memref<632x128xf32, #tpu.memory_space<hbm>>)
      tpu.yield
    }) : () -> ()
    return
  }
}

module attributes {stable_mosaic.version = 14 : i64} {
  func.func @_l1_body(%arg0: i32, %arg1: memref<2x1000x128xf32, #tpu.memory_space<vmem>>, %arg2: memref<1000x128xf32, #tpu.memory_space<vmem>>, %arg3: memref<2x1000x128xf32, #tpu.memory_space<vmem>>, %arg4: memref<128x128xf32, #tpu.memory_space<vmem>>, %arg5: memref<1x128xf32, #tpu.memory_space<vmem>>, %arg6: memref<1000x128xf32, #tpu.memory_space<vmem>>) attributes {dimension_semantics = [#tpu.dimension_semantics<arbitrary>], iteration_bounds = array<i64: 10>, scalar_prefetch = 0 : i64, scratch_operands = 0 : i64, tpu.core_type = #tpu.core_type<tc>, window_params = [{transform_indices = @transform_0, window_bounds = array<i64: 2, 1000, 128>}, {transform_indices = @transform_1, window_bounds = array<i64: 1000, 128>}, {transform_indices = @transform_2, window_bounds = array<i64: 2, 1000, 128>}, {pipeline_mode = #tpu.pipeline_mode<synchronous>, transform_indices = @transform_3, window_bounds = array<i64: 128, 128>}, {pipeline_mode = #tpu.pipeline_mode<synchronous>, transform_indices = @transform_4, window_bounds = array<i64: 1, 128>}, {transform_indices = @transform_5, window_bounds = array<i64: 1000, 128>}]} {
    %get3A = arith.constant 0 : index
    %get3A_0 = arith.constant 0 : index
    %get3A_1 = arith.constant 0 : index
    %get3A_2 = vector.load %arg3[%get3A, %get3A_0, %get3A_1] : memref<2x1000x128xf32, #tpu.memory_space<vmem>>, vector<1x1000x1xf32>
    %get3A_3 = vector.shape_cast %get3A_2 : vector<1x1000x1xf32> to vector<1000x1xf32>
    %get3A_4 = arith.constant 1 : index
    %get3A_5 = arith.constant 0 : index
    %get3A_6 = arith.constant 0 : index
    %get3A_7 = vector.load %arg3[%get3A_4, %get3A_5, %get3A_6] : memref<2x1000x128xf32, #tpu.memory_space<vmem>>, vector<1x1000x1xf32>
    %get3A_8 = vector.shape_cast %get3A_7 : vector<1x1000x1xf32> to vector<1000x1xf32>
    %add3A = arith.addf %get3A_3, %get3A_8 : vector<1000x1xf32>
    %add3A_9 = arith.constant 1.000000e+00 : f32
    %add3A_10 = vector.broadcast %add3A_9 : f32 to vector<1000x1xf32>
    %add3A_11 = arith.addf %add3A, %add3A_10 : vector<1000x1xf32>
    %rsqrt3A = math.rsqrt %add3A_11 : vector<1000x1xf32>
    %get3A_12 = arith.constant 0 : index
    %get3A_13 = arith.constant 0 : index
    %get3A_14 = arith.constant 0 : index
    %get3A_15 = vector.load %arg1[%get3A_12, %get3A_13, %get3A_14] : memref<2x1000x128xf32, #tpu.memory_space<vmem>>, vector<1x1000x128xf32>
    %get3A_16 = vector.shape_cast %get3A_15 : vector<1x1000x128xf32> to vector<1000x128xf32>
    %get3A_17 = arith.constant 1 : index
    %get3A_18 = arith.constant 0 : index
    %get3A_19 = arith.constant 0 : index
    %get3A_20 = vector.load %arg1[%get3A_17, %get3A_18, %get3A_19] : memref<2x1000x128xf32, #tpu.memory_space<vmem>>, vector<1x1000x128xf32>
    %get3A_21 = vector.shape_cast %get3A_20 : vector<1x1000x128xf32> to vector<1000x128xf32>
    %add3A_22 = arith.addf %get3A_16, %get3A_21 : vector<1000x128xf32>
    %get3A_23 = arith.constant 0 : index
    %get3A_24 = arith.constant 0 : index
    %get3A_25 = vector.load %arg2[%get3A_23, %get3A_24] : memref<1000x128xf32, #tpu.memory_space<vmem>>, vector<1000x128xf32>
    %add3A_26 = arith.addf %add3A_22, %get3A_25 : vector<1000x128xf32>
    %mul3A = vector.broadcast %rsqrt3A : vector<1000x1xf32> to vector<1000x128xf32>
    %mul3A_27 = arith.mulf %add3A_26, %mul3A : vector<1000x128xf32>
    %get3A_28 = arith.constant 0 : index
    %get3A_29 = arith.constant 0 : index
    %get3A_30 = vector.load %arg4[%get3A_28, %get3A_29] : memref<128x128xf32, #tpu.memory_space<vmem>>, vector<128x128xf32>
    %dot_general3A = arith.constant dense<0.000000e+00> : vector<1000x128xf32>
    %dot_general3A_31 = tpu.matmul %mul3A_27, %get3A_30, %dot_general3A {dimension_numbers = #tpu.dot_dimension_numbers<[1], [0], [0], [1], [0, 0, 1, 1], [], []>, precision = #tpu.contract_precision<fp32>, transpose_lhs_hint = false} : vector<1000x128xf32>, vector<128x128xf32>, vector<1000x128xf32> -> vector<1000x128xf32>
    %get3A_32 = arith.constant 0 : index
    %get3A_33 = arith.constant 0 : index
    %get3A_34 = vector.load %arg5[%get3A_32, %get3A_33] : memref<1x128xf32, #tpu.memory_space<vmem>>, vector<1x128xf32>
    %add3A_35 = vector.broadcast %get3A_34 : vector<1x128xf32> to vector<1000x128xf32>
    %add3A_36 = arith.addf %dot_general3A_31, %add3A_35 : vector<1000x128xf32>
    %max3A = arith.constant 0.000000e+00 : f32
    %max3A_37 = vector.broadcast %max3A : f32 to vector<1000x128xf32>
    %max3A_38 = arith.maximumf %add3A_36, %max3A_37 : vector<1000x128xf32>
    %mul3A_39 = vector.broadcast %rsqrt3A : vector<1000x1xf32> to vector<1000x128xf32>
    %mul3A_40 = arith.mulf %max3A_38, %mul3A_39 : vector<1000x128xf32>
    %swap3A = arith.constant 0 : index
    %swap3A_41 = arith.constant 0 : index
    %swap3A_42 = vector.load %arg6[%swap3A, %swap3A_41] : memref<1000x128xf32, #tpu.memory_space<vmem>>, vector<1000x128xf32>
    tpu.vector_store %arg6[%swap3A, %swap3A_41], %mul3A_40 {strides = array<i32>} : memref<1000x128xf32, #tpu.memory_space<vmem>>, vector<1000x128xf32>,
    return
  }
  func.func @transform_0(%arg0: i32) -> (i32, i32, i32) {
    %c0_i32 = arith.constant 0 : i32
    %c0_i32_0 = arith.constant 0 : i32
    %c0_i32_1 = arith.constant 0 : i32
    return %c0_i32, %arg0, %c0_i32_0 : i32, i32, i32
  }
  func.func @transform_1(%arg0: i32) -> (i32, i32) {
    %c0_i32 = arith.constant 0 : i32
    %c0_i32_0 = arith.constant 0 : i32
    return %arg0, %c0_i32 : i32, i32
  }
  func.func @transform_2(%arg0: i32) -> (i32, i32, i32) {
    %c0_i32 = arith.constant 0 : i32
    %c0_i32_0 = arith.constant 0 : i32
    %c0_i32_1 = arith.constant 0 : i32
    return %c0_i32, %arg0, %c0_i32_0 : i32, i32, i32
  }
  func.func @transform_3(%arg0: i32) -> (i32, i32) {
    %c0_i32 = arith.constant 0 : i32
    %c0_i32_0 = arith.constant 0 : i32
    %c0_i32_1 = arith.constant 0 : i32
    return %c0_i32, %c0_i32_0 : i32, i32
  }
  func.func @transform_4(%arg0: i32) -> (i32, i32) {
    %c0_i32 = arith.constant 0 : i32
    %c0_i32_0 = arith.constant 0 : i32
    %c0_i32_1 = arith.constant 0 : i32
    return %c0_i32, %c0_i32_0 : i32, i32
  }
  func.func @transform_5(%arg0: i32) -> (i32, i32) {
    %c0_i32 = arith.constant 0 : i32
    %c0_i32_0 = arith.constant 0 : i32
    return %arg0, %c0_i32 : i32, i32
  }
}

module attributes {stable_mosaic.version = 14 : i64} {
  func.func @_xs_body(%arg0: i32, %arg1: memref<1000x128xf32, #tpu.memory_space<vmem>>, %arg2: memref<2x1000x128xf32, #tpu.memory_space<vmem>>, %arg3: memref<1000x128xf32, #tpu.memory_space<vmem>>) attributes {dimension_semantics = [#tpu.dimension_semantics<arbitrary>], iteration_bounds = array<i64: 10>, scalar_prefetch = 0 : i64, scratch_operands = 0 : i64, tpu.core_type = #tpu.core_type<tc>, window_params = [{transform_indices = @transform_0, window_bounds = array<i64: 1000, 128>}, {transform_indices = @transform_1, window_bounds = array<i64: 2, 1000, 128>}, {transform_indices = @transform_2, window_bounds = array<i64: 1000, 128>}]} {
    %get3A = arith.constant 0 : index
    %get3A_0 = arith.constant 0 : index
    %get3A_1 = arith.constant 0 : index
    %get3A_2 = vector.load %arg2[%get3A, %get3A_0, %get3A_1] : memref<2x1000x128xf32, #tpu.memory_space<vmem>>, vector<1x1000x1xf32>
    %get3A_3 = vector.shape_cast %get3A_2 : vector<1x1000x1xf32> to vector<1000x1xf32>
    %get3A_4 = arith.constant 1 : index
    %get3A_5 = arith.constant 0 : index
    %get3A_6 = arith.constant 0 : index
    %get3A_7 = vector.load %arg2[%get3A_4, %get3A_5, %get3A_6] : memref<2x1000x128xf32, #tpu.memory_space<vmem>>, vector<1x1000x1xf32>
    %get3A_8 = vector.shape_cast %get3A_7 : vector<1x1000x1xf32> to vector<1000x1xf32>
    %add3A = arith.addf %get3A_3, %get3A_8 : vector<1000x1xf32>
    %add3A_9 = arith.constant 1.000000e+00 : f32
    %add3A_10 = vector.broadcast %add3A_9 : f32 to vector<1000x1xf32>
    %add3A_11 = arith.addf %add3A, %add3A_10 : vector<1000x1xf32>
    %rsqrt3A = math.rsqrt %add3A_11 : vector<1000x1xf32>
    %get3A_12 = arith.constant 0 : index
    %get3A_13 = arith.constant 0 : index
    %get3A_14 = vector.load %arg1[%get3A_12, %get3A_13] : memref<1000x128xf32, #tpu.memory_space<vmem>>, vector<1000x128xf32>
    %mul3A = vector.broadcast %rsqrt3A : vector<1000x1xf32> to vector<1000x128xf32>
    %mul3A_15 = arith.mulf %get3A_14, %mul3A : vector<1000x128xf32>
    %swap3A = arith.constant 0 : index
    %swap3A_16 = arith.constant 0 : index
    %swap3A_17 = vector.load %arg3[%swap3A, %swap3A_16] : memref<1000x128xf32, #tpu.memory_space<vmem>>, vector<1000x128xf32>
    tpu.vector_store %arg3[%swap3A, %swap3A_16], %mul3A_15 {strides = array<i32>} : memref<1000x128xf32, #tpu.memory_space<vmem>>, vector<1000x128xf32>,
    return
  }
  func.func @transform_0(%arg0: i32) -> (i32, i32) {
    %c0_i32 = arith.constant 0 : i32
    %c0_i32_0 = arith.constant 0 : i32
    return %arg0, %c0_i32 : i32, i32
  }
  func.func @transform_1(%arg0: i32) -> (i32, i32, i32) {
    %c0_i32 = arith.constant 0 : i32
    %c0_i32_0 = arith.constant 0 : i32
    %c0_i32_1 = arith.constant 0 : i32
    return %c0_i32, %arg0, %c0_i32_0 : i32, i32, i32
  }
  func.func @transform_2(%arg0: i32) -> (i32, i32) {
    %c0_i32 = arith.constant 0 : i32
    %c0_i32_0 = arith.constant 0 : i32
    return %arg0, %c0_i32 : i32, i32
  }
}

module attributes {stable_mosaic.version = 14 : i64} {
  func.func @_l2_body(%arg0: i32, %arg1: memref<2x1000x128xf32, #tpu.memory_space<vmem>>, %arg2: memref<1000x128xf32, #tpu.memory_space<vmem>>, %arg3: memref<2x1000x128xf32, #tpu.memory_space<vmem>>, %arg4: memref<128x128xf32, #tpu.memory_space<vmem>>, %arg5: memref<1x128xf32, #tpu.memory_space<vmem>>, %arg6: memref<1000x128xf32, #tpu.memory_space<vmem>>) attributes {dimension_semantics = [#tpu.dimension_semantics<arbitrary>], iteration_bounds = array<i64: 10>, scalar_prefetch = 0 : i64, scratch_operands = 0 : i64, tpu.core_type = #tpu.core_type<tc>, window_params = [{transform_indices = @transform_0, window_bounds = array<i64: 2, 1000, 128>}, {transform_indices = @transform_1, window_bounds = array<i64: 1000, 128>}, {transform_indices = @transform_2, window_bounds = array<i64: 2, 1000, 128>}, {pipeline_mode = #tpu.pipeline_mode<synchronous>, transform_indices = @transform_3, window_bounds = array<i64: 128, 128>}, {pipeline_mode = #tpu.pipeline_mode<synchronous>, transform_indices = @transform_4, window_bounds = array<i64: 1, 128>}, {transform_indices = @transform_5, window_bounds = array<i64: 1000, 128>}]} {
    %get3A = arith.constant 0 : index
    %get3A_0 = arith.constant 0 : index
    %get3A_1 = arith.constant 0 : index
    %get3A_2 = vector.load %arg3[%get3A, %get3A_0, %get3A_1] : memref<2x1000x128xf32, #tpu.memory_space<vmem>>, vector<1x1000x1xf32>
    %get3A_3 = vector.shape_cast %get3A_2 : vector<1x1000x1xf32> to vector<1000x1xf32>
    %get3A_4 = arith.constant 1 : index
    %get3A_5 = arith.constant 0 : index
    %get3A_6 = arith.constant 0 : index
    %get3A_7 = vector.load %arg3[%get3A_4, %get3A_5, %get3A_6] : memref<2x1000x128xf32, #tpu.memory_space<vmem>>, vector<1x1000x1xf32>
    %get3A_8 = vector.shape_cast %get3A_7 : vector<1x1000x1xf32> to vector<1000x1xf32>
    %add3A = arith.addf %get3A_3, %get3A_8 : vector<1000x1xf32>
    %add3A_9 = arith.constant 1.000000e+00 : f32
    %add3A_10 = vector.broadcast %add3A_9 : f32 to vector<1000x1xf32>
    %add3A_11 = arith.addf %add3A, %add3A_10 : vector<1000x1xf32>
    %rsqrt3A = math.rsqrt %add3A_11 : vector<1000x1xf32>
    %get3A_12 = arith.constant 0 : index
    %get3A_13 = arith.constant 0 : index
    %get3A_14 = arith.constant 0 : index
    %get3A_15 = vector.load %arg1[%get3A_12, %get3A_13, %get3A_14] : memref<2x1000x128xf32, #tpu.memory_space<vmem>>, vector<1x1000x128xf32>
    %get3A_16 = vector.shape_cast %get3A_15 : vector<1x1000x128xf32> to vector<1000x128xf32>
    %get3A_17 = arith.constant 1 : index
    %get3A_18 = arith.constant 0 : index
    %get3A_19 = arith.constant 0 : index
    %get3A_20 = vector.load %arg1[%get3A_17, %get3A_18, %get3A_19] : memref<2x1000x128xf32, #tpu.memory_space<vmem>>, vector<1x1000x128xf32>
    %get3A_21 = vector.shape_cast %get3A_20 : vector<1x1000x128xf32> to vector<1000x128xf32>
    %add3A_22 = arith.addf %get3A_16, %get3A_21 : vector<1000x128xf32>
    %get3A_23 = arith.constant 0 : index
    %get3A_24 = arith.constant 0 : index
    %get3A_25 = vector.load %arg2[%get3A_23, %get3A_24] : memref<1000x128xf32, #tpu.memory_space<vmem>>, vector<1000x128xf32>
    %add3A_26 = arith.addf %add3A_22, %get3A_25 : vector<1000x128xf32>
    %mul3A = vector.broadcast %rsqrt3A : vector<1000x1xf32> to vector<1000x128xf32>
    %mul3A_27 = arith.mulf %add3A_26, %mul3A : vector<1000x128xf32>
    %get3A_28 = arith.constant 0 : index
    %get3A_29 = arith.constant 0 : index
    %get3A_30 = vector.load %arg4[%get3A_28, %get3A_29] : memref<128x128xf32, #tpu.memory_space<vmem>>, vector<128x128xf32>
    %dot_general3A = arith.constant dense<0.000000e+00> : vector<1000x128xf32>
    %dot_general3A_31 = tpu.matmul %mul3A_27, %get3A_30, %dot_general3A {dimension_numbers = #tpu.dot_dimension_numbers<[1], [0], [0], [1], [0, 0, 1, 1], [], []>, precision = #tpu.contract_precision<fp32>, transpose_lhs_hint = false} : vector<1000x128xf32>, vector<128x128xf32>, vector<1000x128xf32> -> vector<1000x128xf32>
    %get3A_32 = arith.constant 0 : index
    %get3A_33 = arith.constant 0 : index
    %get3A_34 = vector.load %arg5[%get3A_32, %get3A_33] : memref<1x128xf32, #tpu.memory_space<vmem>>, vector<1x128xf32>
    %add3A_35 = vector.broadcast %get3A_34 : vector<1x128xf32> to vector<1000x128xf32>
    %add3A_36 = arith.addf %dot_general3A_31, %add3A_35 : vector<1000x128xf32>
    %swap3A = arith.constant 0 : index
    %swap3A_37 = arith.constant 0 : index
    %swap3A_38 = vector.load %arg6[%swap3A, %swap3A_37] : memref<1000x128xf32, #tpu.memory_space<vmem>>, vector<1000x128xf32>
    tpu.vector_store %arg6[%swap3A, %swap3A_37], %add3A_36 {strides = array<i32>} : memref<1000x128xf32, #tpu.memory_space<vmem>>, vector<1000x128xf32>,
    return
  }
  func.func @transform_0(%arg0: i32) -> (i32, i32, i32) {
    %c0_i32 = arith.constant 0 : i32
    %c0_i32_0 = arith.constant 0 : i32
    %c0_i32_1 = arith.constant 0 : i32
    return %c0_i32, %arg0, %c0_i32_0 : i32, i32, i32
  }
  func.func @transform_1(%arg0: i32) -> (i32, i32) {
    %c0_i32 = arith.constant 0 : i32
    %c0_i32_0 = arith.constant 0 : i32
    return %arg0, %c0_i32 : i32, i32
  }
  func.func @transform_2(%arg0: i32) -> (i32, i32, i32) {
    %c0_i32 = arith.constant 0 : i32
    %c0_i32_0 = arith.constant 0 : i32
    %c0_i32_1 = arith.constant 0 : i32
    return %c0_i32, %arg0, %c0_i32_0 : i32, i32, i32
  }
  func.func @transform_3(%arg0: i32) -> (i32, i32) {
    %c0_i32 = arith.constant 0 : i32
    %c0_i32_0 = arith.constant 0 : i32
    %c0_i32_1 = arith.constant 0 : i32
    return %c0_i32, %c0_i32_0 : i32, i32
  }
  func.func @transform_4(%arg0: i32) -> (i32, i32) {
    %c0_i32 = arith.constant 0 : i32
    %c0_i32_0 = arith.constant 0 : i32
    %c0_i32_1 = arith.constant 0 : i32
    return %c0_i32, %c0_i32_0 : i32, i32
  }
  func.func @transform_5(%arg0: i32) -> (i32, i32) {
    %c0_i32 = arith.constant 0 : i32
    %c0_i32_0 = arith.constant 0 : i32
    return %arg0, %c0_i32 : i32, i32
  }
}

</mosaic_0001>

<sc_bundles>
// kernel: kernel.11.cloned.1.call-start
scs
__scs_entry_jumppad:
0x0: {  	(pc) =	sbr.rel $0x88, $3  }
0x1: {  	(tag) =	ssettag $0x0;
	lr =	simm.s32 $0x1  }
0x2: {  	[smem:$0x3F99] =	sst lr;
	_ =	strace $0xD0000000  }
0x3: {  	_ = 	snop  }
0x4: {  	_ = 	snop  }
0x5: {  	_ = 	snop  }
0x6: {  	_ = 	snop  }
0x7: {  	_ = 	snop  }
__scs_overlays_trampoline_lowered:
0x8: {  	[smem:$0x3FA8] =	sst s0  }
0x9: {  	[smem:$0x3FA9] =	sst s1  }
0xa: {  	[smem:$0x3FAA] =	sst s2  }
0xb: {  	[smem:$0x3FAB] =	sst s3  }
0xc: {  	[smem:$0x3FAC] =	sst s4  }
0xd: {  	[smem:$0x3FAD] =	sst s5  }
0xe: {  	[smem:$0x3FAE] =	sst s6  }
0xf: {  	[smem:$0x3FAF] =	sst s7  }
0x10: {  	[smem:$0x3FB0] =	sst s8  }
0x11: {  	[smem:$0x3FB1] =	sst s9;
	s0 =	simm.s32 @!p0 $0x0  }
0x12: {  	s1 =	sld [smem:$0x3F97];
	s0 =	simm.s32 @p0 $0x1  }
0x13: {  	[smem:$0x3FB2] =	sst s0;
	s0 =	simm.s32 @!p1 $0x0  }
0x14: {  	s2 =	sld [smem:$0x3F96];
	s0 =	simm.s32 @p1 $0x1  }
0x15: {  	[smem:$0x3FB3] =	sst s0;
	s0 =	simm.s32 @!p2 $0x0  }
0x16: {  	s3 =	sld [smem:$0x3FDB];
	s0 =	simm.s32 @p2 $0x1  }
0x17: {  	s4 =	simm.s32 $0x1BF5;
	[smem:$0x3FB5] =	sst s0  }
0x18: {  	s0 =	sld [smem:$0x3F98];
	_ =	swait.ge [sflag:s4], $0x0  }
0x19: {  	s7 =	sld [smem:$0x3F99]  }
0x1a: {  	s8 =	sadd.s32 $0xFFFFE003, lr  }
0x1b: {  	s9 =	sadd.s32 $0xFFFFFEF7, lr;
	s5 =	simm.s32 $0xFFFFFFFF;
	p2 =	slt.u32 s8, $0xFFFFF086  }
0x1c: {  	p1 =	slt.u32 s9, $0xF7A;
	s5 =	simm.s32 @!p2 $0x0  }
0x1d: {  	s5 =	simm.s32 @p1 $0x1;
	p0 =	seq.s32 s7, s2  }
0x1e: {  	s7 =	smul.u32 @!p0 $0xF7A, s2;
	p2 =	seq.s32 @!p0 s5, $0x0  }
0x1f: {  	s9 =	smul.u32 $0xF7A, s1;
	s8 =	simm.s32 @!p0 $0x1BF5;
	p2 =	por !p2, p0  }
0x20: {  	[sflag:s8] =	ssyncset.s32 @!p0 $0xFFFFF086;
	s6 =	sadd.s32 @!p0 s3, s7;
	s7 =	simm.s32 @!p0 $0x108  }
0x21: {  	s3 =	sadd.s32 s3, s9;
	s6 =	sadd.s32 @!p0 $0x88, s6;
	s7 =	simm.s32 @p2 $0x1082  }
0x22: {  	[simem:s7], [sflag:s8] =	dma.local @!p0 [hbm:s6], $0xF7A  }
0x23: {  	s9 =	sor.u32 $0xD0000000, s2;
	s6 =	simm.s32 $0x108;
	_ =	swait.ge @!p0 [sflag:s8], $0x0  }
0x24: {  	s3 =	sadd.s32 $0x88, s3;
	s6 =	simm.s32 @!p1 $0x1082;
	[sflag:s4] =	ssyncset.s32 $0xFFFFF086  }
0x25: {  	[simem:s6], [sflag:s4] =	dma.local [hbm:s3], $0xF7A  }
0x26: {  	[smem:$0x3F99] =	sst s1;
	(tag) =	ssettag s2;
	_ =	strace s9  }
0x27: {  	s1 =	sld [smem:$0x3FA9]  }
0x28: {  	s2 =	sld [smem:$0x3FAA]  }
0x29: {  	s4 =	sld [smem:$0x3FAC]  }
0x2a: {  	p0 =	seq.s32 s5, $0x0;
	s5 =	sld [smem:$0x3FAD]  }
0x2b: {  	s6 =	sld [smem:$0x3FAE]  }
0x2c: {  	s7 =	sld [smem:$0x3FAF]  }
0x2d: {  	s3 =	simm.s32 $0x108;
	s8 =	sld [smem:$0x3FB0]  }
0x2e: {  	s3 =	simm.s32 @!p0 $0x1082;
	s9 =	sld [smem:$0x3FB1]  }
0x2f: {  	lr =	sadd.s32 s0, s3;
	s0 =	sld [smem:$0x3FA8]  }
0x30: {  	s3 =	sld [smem:$0x3FAB]  }
0x31: {  	[smem:$0x3FB4] =	sst s10  }
0x32: {  	s10 =	sld [smem:$0x3FB2];
	_ =	sdelay $0x3  }
0x33: {  	p0 =	seq.s32 s10, $0x1;
	s10 =	sld [smem:$0x3FB4];
	_ =	sdelay $0x3  }
0x34: {  	[smem:$0x3FB4] =	sst s10  }
0x35: {  	s10 =	sld [smem:$0x3FB3];
	_ =	sdelay $0x3  }
0x36: {  	p1 =	seq.s32 s10, $0x1;
	s10 =	sld [smem:$0x3FB4];
	_ =	sdelay $0x3  }
0x37: {  	[smem:$0x3FB4] =	sst s10  }
0x38: {  	s10 =	sld [smem:$0x3FB5]  }
0x39: {  	_ = 	snop;
	(pc) =	sbr.ind lr, $3  }
0x3a: {  	_ = 	snop  }
0x3b: {  	_ = 	snop  }
0x3c: {  	p2 =	seq.s32 s10, $0x1;
	s10 =	sld [smem:$0x3FB4]  }
0x3d: {  	_ =	shalt  }
0x3e: {  	_ =	shalt  }
0x3f: {  	_ =	shalt  }
0x40: {  	_ =	shalt  }
0x41: {  	_ =	shalt  }
0x42: {  	_ =	shalt  }
0x43: {  	_ =	shalt  }
0x44: {  	_ =	shalt  }
0x45: {  	_ =	shalt  }
0x46: {  	_ =	shalt  }
0x47: {  	_ =	shalt  }
0x48: {  	_ =	shalt  }
0x49: {  	_ =	shalt  }
0x4a: {  	_ =	shalt  }
0x4b: {  	_ =	shalt  }
0x4c: {  	_ =	shalt  }
0x4d: {  	_ =	shalt  }
0x4e: {  	_ =	shalt  }
0x4f: {  	_ =	shalt  }
0x50: {  	_ =	shalt  }
0x51: {  	_ =	shalt  }
0x52: {  	_ =	shalt  }
0x53: {  	_ =	shalt  }
0x54: {  	_ =	shalt  }
0x55: {  	_ =	shalt  }
0x56: {  	_ =	shalt  }
0x57: {  	_ =	shalt  }
0x58: {  	_ =	shalt  }
0x59: {  	_ =	shalt  }
0x5a: {  	_ =	shalt  }
0x5b: {  	_ =	shalt  }
0x5c: {  	_ =	shalt  }
0x5d: {  	_ =	shalt  }
0x5e: {  	_ =	shalt  }
0x5f: {  	_ =	shalt  }
0x60: {  	_ =	shalt  }
0x61: {  	_ =	shalt  }
0x62: {  	_ =	shalt  }
0x63: {  	_ =	shalt  }
0x64: {  	_ =	shalt  }
0x65: {  	_ =	shalt  }
0x66: {  	_ =	shalt  }
0x67: {  	_ =	shalt  }
0x68: {  	_ =	shalt  }
0x69: {  	_ =	shalt  }
0x6a: {  	_ =	shalt  }
0x6b: {  	_ =	shalt  }
0x6c: {  	_ =	shalt  }
0x6d: {  	_ =	shalt  }
0x6e: {  	_ =	shalt  }
0x6f: {  	_ =	shalt  }
0x70: {  	_ =	shalt  }
0x71: {  	_ =	shalt  }
0x72: {  	_ =	shalt  }
0x73: {  	_ =	shalt  }
0x74: {  	_ =	shalt  }
0x75: {  	_ =	shalt  }
0x76: {  	_ =	shalt  }
0x77: {  	_ =	shalt  }
0x78: {  	_ =	shalt  }
0x79: {  	_ =	shalt  }
0x7a: {  	_ =	shalt  }
0x7b: {  	_ =	shalt  }
0x7c: {  	_ =	shalt  }
0x7d: {  	_ =	shalt  }
0x7e: {  	_ =	shalt  }
0x7f: {  	_ =	shalt  }
0x80: {  	_ =	shalt  }
0x81: {  	_ =	shalt  }
0x82: {  	_ =	shalt  }
0x83: {  	_ =	shalt  }
0x84: {  	_ =	shalt  }
0x85: {  	_ =	shalt  }
0x86: {  	_ =	shalt  }
0x87: {  	_ =	shalt  }
.Lfunc_end0:
.L_simem_size_0:
called_computation.1_lowered:
.L_overlay_start_0:
0x88: {  	s2 =	sld [smem:$0x3FD9]  }
0x89: {  	s3 =	sld [smem:$0x3FFE];
	_ =	sdelay $0x1  }
0x8a: {  	s1 =	srdreg.scid  }
0x8b: {  	s0 =	sand.u32 $0x1, s1  }
0x8c: {  	s14 =	sshll.u32 s0, $0xA;
	s2 =	sadd.s32 s3, s2  }
0x8d: {  	s2 =	sadd.s32 s2, s14  }
0x8e: {  	[smem:$0x3FC0] =	sst s2  }
0x8f: {  	_ = 	snop  }
0x90: {  	s2 =	sld [smem:$0x3FD0];
	_ =	sdelay $0x2  }
0x91: {  	s15 =	simm.s32 $0xA;
	s4 =	simm.s32 $0x10  }
0x92: {  	[smem:s4], [sflag:s15] =	dma.local [hbm:s2], $0x1  }
0x93: {  	_ =	swait.eq [sflag:s15], $0x1  }
0x94: {  	[sflag:s15] =	ssyncset.done $0x0  }
0x95: {  	s16 =	sld [smem:$0x10];
	[sflag:s15] =	ssyncadd.s32 $0xFFFFFFFF  }
0x96: {  	s17 =	sld [smem:$0x11];
	(tm) =	ssettm $0x1  }
0x97: {  	s18 =	sld [smem:$0x3FFB];
	_ =	sdelay $0x3  }
0x98: {  	_ =	strace s18  }
0x99: {  	s4 =	sld [smem:$0x3FFC];
	_ =	sdelay $0x3  }
0x9a: {  	_ =	strace s4  }
0x9b: {  	s4 =	sld [smem:$0x3FFD];
	_ =	sdelay $0x3  }
0x9c: {  	_ =	strace s4  }
0x9d: {  	_ =	strace $0x8FFFFFFF  }
0x9e: {  	s19 =	sld [smem:$0x3FDB];
	_ =	sdelay $0x1  }
0x9f: {  	s5 =	simm.s32 $_scs_section_size  }
0xa0: {  	s6 =	simm.s32 $_size__tile_overlayer_lowered;
	s7 =	simm.s32 $_tile_overlayer_lowered  }
0xa1: {  	s22 =	simm.s32 $0x1BFF;
	s21 =	sshll.u32 s7, $0x1;
	s4 =	sadd.s32 s5, s19  }
0xa2: {  	s8 =	simm.s32 $0x0;
	s20 =	sshll.u32 s6, $0x1;
	s6 =	sadd.s32 s21, s4  }
0xa3: {  	[timem:s8], [sflag:s22] =	dma.local [hbm:s6], s20  }
0xa4: {  	_ =	swait.ge [sflag:s22], s20  }
0xa5: {  	s5 =	ssub.s32 $0x0, s20;
	[sflag:s22] =	ssyncset.done $0x0  }
0xa6: {  	[sflag:s22] =	ssyncadd.s32 s5;
	_ =	sdelay $0x1  }
0xa7: {  	s23 =	simm.s32 $0x1B8B  }
0xa8: {  	_ =	swait.ge [sflag:s23], $0x1  }
0xa9: {  	[sflag:s23] =	ssyncset.done $0x0  }
0xaa: {  	s25 =	simm.s32 $0x1B8E;
	s24 =	sld [smem:$0x3FFE];
	[sflag:s23] =	ssyncadd.s32 $0xFFFFFFFF  }
0xab: {  	s26 =	simm.s32 $execute0_lowered;
	[smem:$0x3FD2] =	sst s25  }
0xac: {  	s6 =	sshll.u32 s26, $0x1;
	_ =	strace $0x80000049;
	[dreg:$0x1] =	wrdreg $0xFFFFFFFF  }
0xad: {  	s28 =	simm.s32 $_size_execute0_lowered;
	s4 =	sadd.s32 s4, s6;
	[dreg:$0x0] =	wrdreg $0x0  }
0xae: {  	s6 =	sshll.u32 s28, $0x1;
	[dreg:$0x2] =	wrdreg s4  }
0xaf: {  	[dreg:$0x3] =	wrdreg s6  }
0xb0: {  	[dreg:$0x4] =	wrdreg $0xC0  }
0xb1: {  	_ =	task [dreg:s8], $0x5FFFF  }
0xb2: {  	[dreg:$0x1] =	wrdreg $0xFFFFFFFF  }
0xb3: {  	[dreg:$0x0] =	wrdreg $0x60  }
0xb4: {  	[dreg:$0x2] =	wrdreg s24  }
0xb5: {  	[dreg:$0x3] =	wrdreg s17  }
0xb6: {  	[dreg:$0x4] =	wrdreg s16  }
0xb7: {  	[dreg:$0x5] =	wrdreg $0x90000  }
0xb8: {  	[dreg:$0x6] =	wrdreg $0x9  }
0xb9: {  	_ =	task.clear_ibuf [dreg:s8], $0x7FFFF;
	_ =	strace $0x90000049  }
0xba: {  	s29 =	simm.s32 $0x9;
	_ =	strace $0x8000004B  }
0xbb: {  	_ =	swait.ge [sflag:s29], $0x1  }
0xbc: {  	[sflag:s29] =	ssyncadd.s32 $0xFFFFFFFF  }
0xbd: {  	_ =	strace $0x9000004B  }
0xbe: {  	_ =	sfence  }
0xbf: {  	s30 =	sld [smem:$0x0];
	_ =	sdelay $0x2  }
0xc0: {  	s31 =	sshll.u32 s1, $0xD;
	s1 =	sshrl.u32 s1, $0x2  }
0xc1: {  	s3 =	sand.u32 $0x4000, s31;
	s1 =	sadd.s32 s1, s30  }
0xc2: {  	s0 =	sor.u32 s3, s0;
	s1 =	sshll.u32 s1, $0x11  }
0xc3: {  	s0 =	sor.u32 s1, s0  }
0xc4: {  	s0 =	sadd.s32 $0x8F2B, s0  }
0xc5: {  	[sflag:s0] =	ssyncadd.remote.s32 $0x1  }
0xc6: {  	_ =	sfence.sel $0xFFFF  }
0xc7: {  	[dreg:$0x0] =	wrdreg $0xFFFFFFFF;
	(pc) =	sbr.abs _section_cstart, $3  }
0xc8: {  	[dreg:$0x1] =	wrdreg $0xFFFFFFFF  }
0xc9: {  	_ =	task.clear_ibuf [dreg:s8], $0x2FFFF;
	_ =	strace $0x9FFFFFFF  }
0xca: {  	(tm) =	ssettm $0x7FFFFFFF  }
0xcb: {  	_ =	shalt  }
tec
execute0_lowered:
.L_overlay_start_1:
0x0: {  	(tag) =	ssettag $0x1  }
0x1: {  	s8 =	rddreg [dreg:$0x0]  }
0x2: {  	s0 =	rddreg [dreg:$0x1]  }
0x3: {  	s3 =	rddreg [dreg:$0x2];
	s1 =	srdreg.scid  }
0x4: {  	s4 =	rddreg [dreg:$0x3];
	s2 =	stileid.u32  }
0x5: {  	s5 =	simm.s32 $0x0;
	s15 =	simm.s32 $0x13;
	s17 =	simm.s32 $0x80  }
0x6: {  	s18 =	simm.s32 $0x1000;
	s19 =	simm.s32 $0x5000;
	s20 =	simm.s32 $0x1  }
0x7: {  	s21 =	simm.s32 $0x2;
	s22 =	simm.s32 $0x3;
	s23 =	simm.s32 $0x4  }
0x8: {  	s9 =	sand.u32 $0x1, s1;
	s1 =	rddreg [dreg:$0x4];
	s10 =	smul.u32 $0x13C00, s2  }
0x9: {  	[smem:$0x7FF] =	sst s5;
	s6 =	sadd.s32 $0x55000, s8;
	s26 =	smul.u32 $0x4F000, s2  }
0xa: {  	s25 =	sshll.u32 s2, $0x3;
	s29 =	sshll.u32 s2, $0x6;
	s7 =	smul.u32 $0x13C000, s9  }
0xb: {  	_ =	strace $0x8000004A;
	s11 =	ssub.s32 $0x2, s9;
	p0 =	seq.s32 s9, $0x0  }
0xc: {  	s14 =	sor.u32 $0x980, s25;
	s24 =	sshrl.u32 s11, $0x1;
	s15 =	simm.s32 @!p0 $0x1  }
0xd: {  	s28 =	sshrl.u32 s26, $0x2;
	s10 =	sadd.s32 s10, s7;
	s7 =	sadd.s32 $0x3000, s8  }
0xe: {  	s13 =	ssub.s32 s11, s24;
	s16 =	sadd.s32 s28, s4;
	s10 =	sshrl.u32 s10, $0x3  }
0xf: {  	s11 =	sadd.s32 $0xFFFFFFFF, s15;
	s12 =	sadd.s32 s10, s8;
	s10 =	smul.u32 $0x98, s2  }
0x10: {  	s31 =	sshll.u32 s15, $0xA;
	s15 =	simm.s32 $0x5;
	s24 =	simm.s32 $0x0  }
0x11: {  	s13 =	smax.u32 s13, $0x1;
	[dreg:$0x6] =	wrdreg s31;
	s14 =	smov.u32 @p0 s10  }
0x12: {  	s8 =	sor.u32 $0x1C05, s29;
	s12 =	sadd.s32 $0x7C800, s12;
	s10 =	sshll.u32 s14, $0x4  }
0x13: {  	s30 =	sshrl.u32 s14, $0x3;
	s14 =	sshrl.u32 s16, $0x3;
	s16 =	simm.s32 $0x800  }
0x14: {  	s9 =	sadd.s32 s0, s10;
	s10 =	sadd.s32 s3, s10;
	[dreg:$0x5] =	wrdreg s30  }
.LBB2_1:
0x15: {  	[spmem:s14], [sflag:s8] =	dma.local [hbm:s7], $0x2780  }
0x16: {  	_ =	swait.ge [sflag:s15], $0x2780  }
0x17: {  	[sflag:s15] =	ssyncset.done $0x0  }
0x18: {  	[sflag:s15] =	ssyncadd.s32 $0xFFFFD880  }
0x19: {  	[tilespmem:s5], [sflag:$0x5] =	stream.linear.gather [hbm4b:s9+s5], $0x400, $0x38;
	[tilespmem:$0x1CC00] =	vst v63  }
0x1a: {  	_ =	swait.ge [sflag:s15], $0x400  }
0x1b: {  	[sflag:s15] =	ssyncset.done $0x0  }
0x1c: {  	[sflag:s15] =	ssyncadd.s32 $0xFFFFFC00  }
0x1d: {  	[tilespmem:s16], [sflag:$0x5] =	stream.linear.gather [hbm4b:s10+s5], $0x400, $0x38;
	[tilespmem:$0x1CC00] =	vst v63  }
0x1e: {  	_ =	swait.ge [sflag:s15], $0x400  }
0x1f: {  	[sflag:s15] =	ssyncset.done $0x0  }
0x20: {  	[sflag:s15] =	ssyncadd.s32 $0xFFFFFC00  }
0x21: {  	s25 =	simm.s32 $0x1;
	s26 =	simm.s32 $0x0;
	[bflag:$0x0] =	sbarrier.arrive $0xFFFF  }
.LBB2_2:
0x22: {  	p0 =	slt.s32 s25, s11;
	s29 =	smov.u32 s11  }
0x23: {  	s28 =	rddreg [dreg:$0x5];
	s29 =	smov.u32 @p0 s25  }
0x24: {  	s28 =	sadd.s32 s28, s29  }
0x25: {  	s29 =	sshll.u32 s28, $0x7  }
0x26: {  	s28 =	sand.u32 $0x400, s26;
	s29 =	sand.u32 $0x1FFFFF80, s29  }
0x27: {  	s30 =	sxor.u32 $0x400, s28;
	s31 =	sadd.s32 s0, s29  }
0x28: {  	[tilespmem:s30], [sflag:$0x3] =	stream.linear.gather [hbm4b:s31+s5], $0x400, $0x38;
	[tilespmem:$0x1CC00] =	vst v63  }
0x29: {  	s29 =	sadd.s32 s3, s29;
	s31 =	sxor.u32 $0xC00, s28  }
0x2a: {  	[tilespmem:s31], [sflag:$0x4] =	stream.linear.gather [hbm4b:s29+s5], $0x400, $0x38;
	[tilespmem:$0x1CC00] =	vst v63  }
0x2b: {  	_ = 	snop  }
0x2c: {  	[tilespmem:s18], [sflag:$0x1] =	stream.indirect.gather [hbm4b:s6+s17], $0x80, s28, s17, $0xb8;
	[tilespmem:$0x1CC00] =	vst v63  }
0x2d: {  	s31 =	sor.u32 $0x80, s28  }
0x2e: {  	[tilespmem:s19], [sflag:$0x2] =	stream.indirect.gather [hbm4b:s6+s17], $0x80, s31, s17, $0xb8;
	[tilespmem:$0x1CC00] =	vst v63  }
0x2f: {  	_ =	swait.ge [sflag:s20], $0x4000  }
0x30: {  	[sflag:s20] =	ssyncset.done $0x0  }
0x31: {  	s30 =	sor.u32 $0x800, s28;
	[sflag:s20] =	ssyncadd.s32 $0xFFFFC000  }
0x32: {  	[spmem:s4] =	stream.indirect.scatter.add.f32 [tilespmem:s18], [sflag:$0x5], $0x80, s30, s17, $0xb8;
	[tilespmem:$0x1CC00] =	vst v63  }
0x33: {  	_ =	swait.ge [sflag:s15], $0x4000  }
0x34: {  	[sflag:s15] =	ssyncset.done $0x0  }
0x35: {  	[sflag:s15] =	ssyncadd.s32 $0xFFFFC000  }
0x36: {  	_ =	swait.ge [sflag:s21], $0x4000  }
0x37: {  	[sflag:s21] =	ssyncset.done $0x0  }
0x38: {  	s31 =	sor.u32 $0x880, s28;
	[sflag:s21] =	ssyncadd.s32 $0xFFFFC000  }
0x39: {  	[spmem:s4] =	stream.indirect.scatter.add.f32 [tilespmem:s19], [sflag:$0x5], $0x80, s31, s17, $0xb8;
	[tilespmem:$0x1CC00] =	vst v63  }
0x3a: {  	_ =	swait.ge [sflag:s15], $0x4000  }
0x3b: {  	[sflag:s15] =	ssyncset.done $0x0  }
0x3c: {  	s30 =	sor.u32 $0x100, s28;
	[sflag:s15] =	ssyncadd.s32 $0xFFFFC000  }
0x3d: {  	[tilespmem:s18], [sflag:$0x1] =	stream.indirect.gather [hbm4b:s6+s17], $0x80, s30, s17, $0xb8;
	[tilespmem:$0x1CC00] =	vst v63  }
0x3e: {  	s31 =	sor.u32 $0x180, s28  }
0x3f: {  	[tilespmem:s19], [sflag:$0x2] =	stream.indirect.gather [hbm4b:s6+s17], $0x80, s31, s17, $0xb8;
	[tilespmem:$0x1CC00] =	vst v63  }
0x40: {  	_ =	swait.ge [sflag:s20], $0x4000  }
0x41: {  	[sflag:s20] =	ssyncset.done $0x0  }
0x42: {  	s30 =	sor.u32 $0x900, s28;
	[sflag:s20] =	ssyncadd.s32 $0xFFFFC000  }
0x43: {  	[spmem:s4] =	stream.indirect.scatter.add.f32 [tilespmem:s18], [sflag:$0x5], $0x80, s30, s17, $0xb8;
	[tilespmem:$0x1CC00] =	vst v63  }
0x44: {  	_ =	swait.ge [sflag:s15], $0x4000  }
0x45: {  	[sflag:s15] =	ssyncset.done $0x0  }
0x46: {  	[sflag:s15] =	ssyncadd.s32 $0xFFFFC000  }
0x47: {  	_ =	swait.ge [sflag:s21], $0x4000  }
0x48: {  	[sflag:s21] =	ssyncset.done $0x0  }
0x49: {  	s31 =	sor.u32 $0x980, s28;
	[sflag:s21] =	ssyncadd.s32 $0xFFFFC000  }
0x4a: {  	[spmem:s4] =	stream.indirect.scatter.add.f32 [tilespmem:s19], [sflag:$0x5], $0x80, s31, s17, $0xb8;
	[tilespmem:$0x1CC00] =	vst v63  }
0x4b: {  	_ =	swait.ge [sflag:s15], $0x4000  }
0x4c: {  	[sflag:s15] =	ssyncset.done $0x0  }
0x4d: {  	s30 =	sor.u32 $0x200, s28;
	[sflag:s15] =	ssyncadd.s32 $0xFFFFC000  }
0x4e: {  	[tilespmem:s18], [sflag:$0x1] =	stream.indirect.gather [hbm4b:s6+s17], $0x80, s30, s17, $0xb8;
	[tilespmem:$0x1CC00] =	vst v63  }
0x4f: {  	s31 =	sor.u32 $0x280, s28  }
0x50: {  	[tilespmem:s19], [sflag:$0x2] =	stream.indirect.gather [hbm4b:s6+s17], $0x80, s31, s17, $0xb8;
	[tilespmem:$0x1CC00] =	vst v63  }
0x51: {  	_ =	swait.ge [sflag:s20], $0x4000  }
0x52: {  	[sflag:s20] =	ssyncset.done $0x0  }
0x53: {  	s30 =	sor.u32 $0xA00, s28;
	[sflag:s20] =	ssyncadd.s32 $0xFFFFC000  }
0x54: {  	[spmem:s4] =	stream.indirect.scatter.add.f32 [tilespmem:s18], [sflag:$0x5], $0x80, s30, s17, $0xb8;
	[tilespmem:$0x1CC00] =	vst v63  }
0x55: {  	_ =	swait.ge [sflag:s15], $0x4000  }
0x56: {  	[sflag:s15] =	ssyncset.done $0x0  }
0x57: {  	[sflag:s15] =	ssyncadd.s32 $0xFFFFC000  }
0x58: {  	_ =	swait.ge [sflag:s21], $0x4000  }
0x59: {  	[sflag:s21] =	ssyncset.done $0x0  }
0x5a: {  	s31 =	sor.u32 $0xA80, s28;
	[sflag:s21] =	ssyncadd.s32 $0xFFFFC000  }
0x5b: {  	[spmem:s4] =	stream.indirect.scatter.add.f32 [tilespmem:s19], [sflag:$0x5], $0x80, s31, s17, $0xb8;
	[tilespmem:$0x1CC00] =	vst v63  }
0x5c: {  	_ =	swait.ge [sflag:s15], $0x4000  }
0x5d: {  	[sflag:s15] =	ssyncset.done $0x0  }
0x5e: {  	s30 =	sor.u32 $0x300, s28;
	[sflag:s15] =	ssyncadd.s32 $0xFFFFC000  }
0x5f: {  	[tilespmem:s18], [sflag:$0x1] =	stream.indirect.gather [hbm4b:s6+s17], $0x80, s30, s17, $0xb8;
	[tilespmem:$0x1CC00] =	vst v63  }
0x60: {  	s31 =	sor.u32 $0x380, s28  }
0x61: {  	[tilespmem:s19], [sflag:$0x2] =	stream.indirect.gather [hbm4b:s6+s17], $0x80, s31, s17, $0xb8;
	[tilespmem:$0x1CC00] =	vst v63  }
0x62: {  	_ =	swait.ge [sflag:s20], $0x4000  }
0x63: {  	[sflag:s20] =	ssyncset.done $0x0  }
0x64: {  	s30 =	sor.u32 $0xB00, s28;
	[sflag:s20] =	ssyncadd.s32 $0xFFFFC000  }
0x65: {  	[spmem:s4] =	stream.indirect.scatter.add.f32 [tilespmem:s18], [sflag:$0x5], $0x80, s30, s17, $0xb8;
	[tilespmem:$0x1CC00] =	vst v63  }
0x66: {  	_ =	swait.ge [sflag:s15], $0x4000  }
0x67: {  	[sflag:s15] =	ssyncset.done $0x0  }
0x68: {  	[sflag:s15] =	ssyncadd.s32 $0xFFFFC000  }
0x69: {  	_ =	swait.ge [sflag:s21], $0x4000  }
0x6a: {  	[sflag:s21] =	ssyncset.done $0x0  }
0x6b: {  	s28 =	sor.u32 $0xB80, s28;
	[sflag:s21] =	ssyncadd.s32 $0xFFFFC000  }
0x6c: {  	[spmem:s4] =	stream.indirect.scatter.add.f32 [tilespmem:s19], [sflag:$0x5], $0x80, s28, s17, $0xb8;
	[tilespmem:$0x1CC00] =	vst v63  }
0x6d: {  	_ =	swait.ge [sflag:s15], $0x4000  }
0x6e: {  	[sflag:s15] =	ssyncset.done $0x0  }
0x6f: {  	[sflag:s15] =	ssyncadd.s32 $0xFFFFC000  }
0x70: {  	_ =	swait.ge [sflag:s22], $0x400  }
0x71: {  	[sflag:s22] =	ssyncset.done $0x0  }
0x72: {  	[sflag:s22] =	ssyncadd.s32 $0xFFFFFC00  }
0x73: {  	_ =	swait.ge [sflag:s23], $0x400  }
0x74: {  	s26 =	sadd.s32 $0x400, s26;
	s31 =	rddreg [dreg:$0x6]  }
0x75: {  	p0 =	sne.s32 s31, s26  }
.Ltmp0:
0x76: {  	_ = 	snop;
	(pc) =	sbr.rel @p0 .LBB2_2-.Ltmp0, $3  }
0x77: {  	_ =	sdelay $0x1  }
0x78: {  	[sflag:s23] =	ssyncset.done $0x0  }
0x79: {  	s25 =	sadd.s32 $0x1, s25;
	[sflag:s23] =	ssyncadd.s32 $0xFFFFFC00  }
0x7a: {  	s24 =	sadd.s32 $0x1, s24  }
0x7b: {  	p0 =	sne.s32 s24, s13  }
.Ltmp1:
0x7c: {  	[bflag:$0x0] =	sbarrier.arrive $0xFFFF;
	(pc) =	sbr.rel @p0 .LBB2_1-.Ltmp1, $4  }
0x7d: {  	[hbm:s12], [sflag:s8] =	dma.local [spmem:s14], $0x2780  }
0x7e: {  	_ =	swait.ge [sflag:s15], $0x2780  }
0x7f: {  	[sflag:s15] =	ssyncset.done $0x0  }
0x80: {  	[sflag:s15] =	ssyncadd.s32 $0xFFFFD880  }
0x81: {  	_ =	sfence.sel $0x180000  }
0x82: {  	[bflag:$0x0] =	sbarrier.arrive $0xFFFF  }
0x83: {  	p0 =	sne.s32 s2, $0x0;
	_ =	strace $0x9000004A  }
0x84: {  	s0 =	sadd.s32 @!p0 $0x100000, s1;
	[bflag:$0x2] =	sbarrier.arrive $0xFFFF  }
0x85: {  	[sflag:s0] =	ssyncadd.tile.s32 @!p0 $0x1;
	_ =	shalt  }
.Lfunc_end2:
_tile_overlayer_lowered:
.L_overlay_start_2:
0x86: {  	(tag) =	ssettag $0x2  }
0x87: {  	s0 =	rddreg [dreg:$0x0];
	s2 =	stileid.u32  }
0x88: {  	s1 =	rddreg [dreg:$0x1];
	p0 =	sne.s32 s2, $0x0  }
0x89: {  	s3 =	rddreg [dreg:$0x2];
	[bflag:$0x3] =	sbarrier.arrive $0xFFFF;
	s2 =	simm.s32 @!p0 $0x1C05  }
0x8a: {  	[timem:s3], [sflag:s2] =	dma.local @!p0 [hbm:s0], s1  }
0x8b: {  	s0 =	simm.s32 @!p0 $0x5  }
0x8c: {  	_ =	swait.ge @!p0 [sflag:s0], s1  }
0x8d: {  	s1 =	ssub.s32 @!p0 $0x0, s1;
	[sflag:s0] =	ssyncset.done @!p0 $0x0  }
0x8e: {  	[sflag:s0] =	ssyncadd.s32 @!p0 s1  }
0x8f: {  	[bflag:$0x3] =	sbarrier.arrive $0xFFFF  }
0x90: {  	_ =	shalt  }

// kernel: kernel.14.cloned.1.call-start
scs
__scs_entry_jumppad:
0x0: {  	(pc) =	sbr.rel $0x88, $3  }
0x1: {  	(tag) =	ssettag $0x0;
	lr =	simm.s32 $0x1  }
0x2: {  	[smem:$0x3F99] =	sst lr;
	_ =	strace $0xD0000000  }
0x3: {  	_ = 	snop  }
0x4: {  	_ = 	snop  }
0x5: {  	_ = 	snop  }
0x6: {  	_ = 	snop  }
0x7: {  	_ = 	snop  }
__scs_overlays_trampoline_lowered:
0x8: {  	[smem:$0x3FA8] =	sst s0  }
0x9: {  	[smem:$0x3FA9] =	sst s1  }
0xa: {  	[smem:$0x3FAA] =	sst s2  }
0xb: {  	[smem:$0x3FAB] =	sst s3  }
0xc: {  	[smem:$0x3FAC] =	sst s4  }
0xd: {  	[smem:$0x3FAD] =	sst s5  }
0xe: {  	[smem:$0x3FAE] =	sst s6  }
0xf: {  	[smem:$0x3FAF] =	sst s7  }
0x10: {  	[smem:$0x3FB0] =	sst s8  }
0x11: {  	[smem:$0x3FB1] =	sst s9;
	s0 =	simm.s32 @!p0 $0x0  }
0x12: {  	s1 =	sld [smem:$0x3F97];
	s0 =	simm.s32 @p0 $0x1  }
0x13: {  	[smem:$0x3FB2] =	sst s0;
	s0 =	simm.s32 @!p1 $0x0  }
0x14: {  	s2 =	sld [smem:$0x3F96];
	s0 =	simm.s32 @p1 $0x1  }
0x15: {  	[smem:$0x3FB3] =	sst s0;
	s0 =	simm.s32 @!p2 $0x0  }
0x16: {  	s3 =	sld [smem:$0x3FDB];
	s0 =	simm.s32 @p2 $0x1  }
0x17: {  	s4 =	simm.s32 $0x1BF5;
	[smem:$0x3FB5] =	sst s0  }
0x18: {  	s0 =	sld [smem:$0x3F98];
	_ =	swait.ge [sflag:s4], $0x0  }
0x19: {  	s7 =	sld [smem:$0x3F99]  }
0x1a: {  	s8 =	sadd.s32 $0xFFFFE003, lr  }
0x1b: {  	s9 =	sadd.s32 $0xFFFFFEF7, lr;
	s5 =	simm.s32 $0xFFFFFFFF;
	p2 =	slt.u32 s8, $0xFFFFF086  }
0x1c: {  	p1 =	slt.u32 s9, $0xF7A;
	s5 =	simm.s32 @!p2 $0x0  }
0x1d: {  	s5 =	simm.s32 @p1 $0x1;
	p0 =	seq.s32 s7, s2  }
0x1e: {  	s7 =	smul.u32 @!p0 $0xF7A, s2;
	p2 =	seq.s32 @!p0 s5, $0x0  }
0x1f: {  	s9 =	smul.u32 $0xF7A, s1;
	s8 =	simm.s32 @!p0 $0x1BF5;
	p2 =	por !p2, p0  }
0x20: {  	[sflag:s8] =	ssyncset.s32 @!p0 $0xFFFFF086;
	s6 =	sadd.s32 @!p0 s3, s7;
	s7 =	simm.s32 @!p0 $0x108  }
0x21: {  	s3 =	sadd.s32 s3, s9;
	s6 =	sadd.s32 @!p0 $0x88, s6;
	s7 =	simm.s32 @p2 $0x1082  }
0x22: {  	[simem:s7], [sflag:s8] =	dma.local @!p0 [hbm:s6], $0xF7A  }
0x23: {  	s9 =	sor.u32 $0xD0000000, s2;
	s6 =	simm.s32 $0x108;
	_ =	swait.ge @!p0 [sflag:s8], $0x0  }
0x24: {  	s3 =	sadd.s32 $0x88, s3;
	s6 =	simm.s32 @!p1 $0x1082;
	[sflag:s4] =	ssyncset.s32 $0xFFFFF086  }
0x25: {  	[simem:s6], [sflag:s4] =	dma.local [hbm:s3], $0xF7A  }
0x26: {  	[smem:$0x3F99] =	sst s1;
	(tag) =	ssettag s2;
	_ =	strace s9  }
0x27: {  	s1 =	sld [smem:$0x3FA9]  }
0x28: {  	s2 =	sld [smem:$0x3FAA]  }
0x29: {  	s4 =	sld [smem:$0x3FAC]  }
0x2a: {  	p0 =	seq.s32 s5, $0x0;
	s5 =	sld [smem:$0x3FAD]  }
0x2b: {  	s6 =	sld [smem:$0x3FAE]  }
0x2c: {  	s7 =	sld [smem:$0x3FAF]  }
0x2d: {  	s3 =	simm.s32 $0x108;
	s8 =	sld [smem:$0x3FB0]  }
0x2e: {  	s3 =	simm.s32 @!p0 $0x1082;
	s9 =	sld [smem:$0x3FB1]  }
0x2f: {  	lr =	sadd.s32 s0, s3;
	s0 =	sld [smem:$0x3FA8]  }
0x30: {  	s3 =	sld [smem:$0x3FAB]  }
0x31: {  	[smem:$0x3FB4] =	sst s10  }
0x32: {  	s10 =	sld [smem:$0x3FB2];
	_ =	sdelay $0x3  }
0x33: {  	p0 =	seq.s32 s10, $0x1;
	s10 =	sld [smem:$0x3FB4];
	_ =	sdelay $0x3  }
0x34: {  	[smem:$0x3FB4] =	sst s10  }
0x35: {  	s10 =	sld [smem:$0x3FB3];
	_ =	sdelay $0x3  }
0x36: {  	p1 =	seq.s32 s10, $0x1;
	s10 =	sld [smem:$0x3FB4];
	_ =	sdelay $0x3  }
0x37: {  	[smem:$0x3FB4] =	sst s10  }
0x38: {  	s10 =	sld [smem:$0x3FB5]  }
0x39: {  	_ = 	snop;
	(pc) =	sbr.ind lr, $3  }
0x3a: {  	_ = 	snop  }
0x3b: {  	_ = 	snop  }
0x3c: {  	p2 =	seq.s32 s10, $0x1;
	s10 =	sld [smem:$0x3FB4]  }
0x3d: {  	_ =	shalt  }
0x3e: {  	_ =	shalt  }
0x3f: {  	_ =	shalt  }
0x40: {  	_ =	shalt  }
0x41: {  	_ =	shalt  }
0x42: {  	_ =	shalt  }
0x43: {  	_ =	shalt  }
0x44: {  	_ =	shalt  }
0x45: {  	_ =	shalt  }
0x46: {  	_ =	shalt  }
0x47: {  	_ =	shalt  }
0x48: {  	_ =	shalt  }
0x49: {  	_ =	shalt  }
0x4a: {  	_ =	shalt  }
0x4b: {  	_ =	shalt  }
0x4c: {  	_ =	shalt  }
0x4d: {  	_ =	shalt  }
0x4e: {  	_ =	shalt  }
0x4f: {  	_ =	shalt  }
0x50: {  	_ =	shalt  }
0x51: {  	_ =	shalt  }
0x52: {  	_ =	shalt  }
0x53: {  	_ =	shalt  }
0x54: {  	_ =	shalt  }
0x55: {  	_ =	shalt  }
0x56: {  	_ =	shalt  }
0x57: {  	_ =	shalt  }
0x58: {  	_ =	shalt  }
0x59: {  	_ =	shalt  }
0x5a: {  	_ =	shalt  }
0x5b: {  	_ =	shalt  }
0x5c: {  	_ =	shalt  }
0x5d: {  	_ =	shalt  }
0x5e: {  	_ =	shalt  }
0x5f: {  	_ =	shalt  }
0x60: {  	_ =	shalt  }
0x61: {  	_ =	shalt  }
0x62: {  	_ =	shalt  }
0x63: {  	_ =	shalt  }
0x64: {  	_ =	shalt  }
0x65: {  	_ =	shalt  }
0x66: {  	_ =	shalt  }
0x67: {  	_ =	shalt  }
0x68: {  	_ =	shalt  }
0x69: {  	_ =	shalt  }
0x6a: {  	_ =	shalt  }
0x6b: {  	_ =	shalt  }
0x6c: {  	_ =	shalt  }
0x6d: {  	_ =	shalt  }
0x6e: {  	_ =	shalt  }
0x6f: {  	_ =	shalt  }
0x70: {  	_ =	shalt  }
0x71: {  	_ =	shalt  }
0x72: {  	_ =	shalt  }
0x73: {  	_ =	shalt  }
0x74: {  	_ =	shalt  }
0x75: {  	_ =	shalt  }
0x76: {  	_ =	shalt  }
0x77: {  	_ =	shalt  }
0x78: {  	_ =	shalt  }
0x79: {  	_ =	shalt  }
0x7a: {  	_ =	shalt  }
0x7b: {  	_ =	shalt  }
0x7c: {  	_ =	shalt  }
0x7d: {  	_ =	shalt  }
0x7e: {  	_ =	shalt  }
0x7f: {  	_ =	shalt  }
0x80: {  	_ =	shalt  }
0x81: {  	_ =	shalt  }
0x82: {  	_ =	shalt  }
0x83: {  	_ =	shalt  }
0x84: {  	_ =	shalt  }
0x85: {  	_ =	shalt  }
0x86: {  	_ =	shalt  }
0x87: {  	_ =	shalt  }
.Lfunc_end0:
.L_simem_size_0:
called_computation.2_lowered:
.L_overlay_start_0:
0x88: {  	s2 =	sld [smem:$0x3FD9]  }
0x89: {  	s3 =	sld [smem:$0x3FFE];
	_ =	sdelay $0x1  }
0x8a: {  	s1 =	srdreg.scid  }
0x8b: {  	s0 =	sand.u32 $0x1, s1  }
0x8c: {  	s14 =	sshll.u32 s0, $0xA;
	s2 =	sadd.s32 s3, s2  }
0x8d: {  	s2 =	sadd.s32 s2, s14  }
0x8e: {  	[smem:$0x3FC0] =	sst s2  }
0x8f: {  	_ = 	snop  }
0x90: {  	s2 =	sld [smem:$0x3FD0];
	_ =	sdelay $0x2  }
0x91: {  	s15 =	simm.s32 $0xA;
	s4 =	simm.s32 $0x10  }
0x92: {  	[smem:s4], [sflag:s15] =	dma.local [hbm:s2], $0x1  }
0x93: {  	_ =	swait.eq [sflag:s15], $0x1  }
0x94: {  	[sflag:s15] =	ssyncset.done $0x0  }
0x95: {  	s16 =	sld [smem:$0x10];
	[sflag:s15] =	ssyncadd.s32 $0xFFFFFFFF  }
0x96: {  	s17 =	sld [smem:$0x11];
	(tm) =	ssettm $0x1  }
0x97: {  	s18 =	sld [smem:$0x3FFB];
	_ =	sdelay $0x3  }
0x98: {  	_ =	strace s18  }
0x99: {  	s4 =	sld [smem:$0x3FFC];
	_ =	sdelay $0x3  }
0x9a: {  	_ =	strace s4  }
0x9b: {  	s4 =	sld [smem:$0x3FFD];
	_ =	sdelay $0x3  }
0x9c: {  	_ =	strace s4  }
0x9d: {  	_ =	strace $0x8FFFFFFF  }
0x9e: {  	s19 =	sld [smem:$0x3FDB];
	_ =	sdelay $0x1  }
0x9f: {  	s5 =	simm.s32 $_scs_section_size  }
0xa0: {  	s6 =	simm.s32 $_size__tile_overlayer_lowered;
	s7 =	simm.s32 $_tile_overlayer_lowered  }
0xa1: {  	s22 =	simm.s32 $0x1BFF;
	s21 =	sshll.u32 s7, $0x1;
	s4 =	sadd.s32 s5, s19  }
0xa2: {  	s8 =	simm.s32 $0x0;
	s20 =	sshll.u32 s6, $0x1;
	s6 =	sadd.s32 s21, s4  }
0xa3: {  	[timem:s8], [sflag:s22] =	dma.local [hbm:s6], s20  }
0xa4: {  	_ =	swait.ge [sflag:s22], s20  }
0xa5: {  	s5 =	ssub.s32 $0x0, s20;
	[sflag:s22] =	ssyncset.done $0x0  }
0xa6: {  	[sflag:s22] =	ssyncadd.s32 s5;
	_ =	sdelay $0x1  }
0xa7: {  	s23 =	simm.s32 $0x1B8B  }
0xa8: {  	_ =	swait.ge [sflag:s23], $0x1  }
0xa9: {  	[sflag:s23] =	ssyncset.done $0x0  }
0xaa: {  	s25 =	simm.s32 $0x1B8E;
	s24 =	sld [smem:$0x3FFE];
	[sflag:s23] =	ssyncadd.s32 $0xFFFFFFFF  }
0xab: {  	s26 =	simm.s32 $execute0_lowered;
	[smem:$0x3FD2] =	sst s25  }
0xac: {  	s6 =	sshll.u32 s26, $0x1;
	_ =	strace $0x8000004C;
	[dreg:$0x1] =	wrdreg $0xFFFFFFFF  }
0xad: {  	s28 =	simm.s32 $_size_execute0_lowered;
	s4 =	sadd.s32 s4, s6;
	[dreg:$0x0] =	wrdreg $0x0  }
0xae: {  	s6 =	sshll.u32 s28, $0x1;
	[dreg:$0x2] =	wrdreg s4  }
0xaf: {  	[dreg:$0x3] =	wrdreg s6  }
0xb0: {  	[dreg:$0x4] =	wrdreg $0xC0  }
0xb1: {  	_ =	task [dreg:s8], $0x5FFFF  }
0xb2: {  	[dreg:$0x1] =	wrdreg $0xFFFFFFFF  }
0xb3: {  	[dreg:$0x0] =	wrdreg $0x60  }
0xb4: {  	[dreg:$0x2] =	wrdreg s24  }
0xb5: {  	[dreg:$0x3] =	wrdreg s17  }
0xb6: {  	[dreg:$0x4] =	wrdreg s16  }
0xb7: {  	[dreg:$0x5] =	wrdreg $0x90000  }
0xb8: {  	[dreg:$0x6] =	wrdreg $0x9  }
0xb9: {  	_ =	task.clear_ibuf [dreg:s8], $0x7FFFF;
	_ =	strace $0x9000004C  }
0xba: {  	s29 =	simm.s32 $0x9;
	_ =	strace $0x8000004E  }
0xbb: {  	_ =	swait.ge [sflag:s29], $0x1  }
0xbc: {  	[sflag:s29] =	ssyncadd.s32 $0xFFFFFFFF  }
0xbd: {  	_ =	strace $0x9000004E  }
0xbe: {  	_ =	sfence  }
0xbf: {  	s30 =	sld [smem:$0x0];
	_ =	sdelay $0x2  }
0xc0: {  	s31 =	sshll.u32 s1, $0xD;
	s1 =	sshrl.u32 s1, $0x2  }
0xc1: {  	s3 =	sand.u32 $0x4000, s31;
	s1 =	sadd.s32 s1, s30  }
0xc2: {  	s0 =	sor.u32 s3, s0;
	s1 =	sshll.u32 s1, $0x11  }
0xc3: {  	s0 =	sor.u32 s1, s0  }
0xc4: {  	s0 =	sadd.s32 $0x8F2B, s0  }
0xc5: {  	[sflag:s0] =	ssyncadd.remote.s32 $0x1  }
0xc6: {  	_ =	sfence.sel $0xFFFF  }
0xc7: {  	[dreg:$0x0] =	wrdreg $0xFFFFFFFF;
	(pc) =	sbr.abs _section_cstart, $3  }
0xc8: {  	[dreg:$0x1] =	wrdreg $0xFFFFFFFF  }
0xc9: {  	_ =	task.clear_ibuf [dreg:s8], $0x2FFFF;
	_ =	strace $0x9FFFFFFF  }
0xca: {  	(tm) =	ssettm $0x7FFFFFFF  }
0xcb: {  	_ =	shalt  }
tec
execute0_lowered:
.L_overlay_start_1:
0x0: {  	(tag) =	ssettag $0x1  }
0x1: {  	s8 =	rddreg [dreg:$0x0]  }
0x2: {  	s0 =	rddreg [dreg:$0x1]  }
0x3: {  	s3 =	rddreg [dreg:$0x2];
	s1 =	srdreg.scid  }
0x4: {  	s4 =	rddreg [dreg:$0x3];
	s2 =	stileid.u32  }
0x5: {  	s5 =	simm.s32 $0x0;
	s15 =	simm.s32 $0x13;
	s17 =	simm.s32 $0x80  }
0x6: {  	s18 =	simm.s32 $0x1000;
	s19 =	simm.s32 $0x5000;
	s20 =	simm.s32 $0x1  }
0x7: {  	s21 =	simm.s32 $0x2;
	s22 =	simm.s32 $0x3;
	s23 =	simm.s32 $0x4  }
0x8: {  	s9 =	sand.u32 $0x1, s1;
	s1 =	rddreg [dreg:$0x4];
	s10 =	smul.u32 $0x13C00, s2  }
0x9: {  	[smem:$0x7FF] =	sst s5;
	s6 =	sadd.s32 $0x55000, s8;
	s26 =	smul.u32 $0x4F000, s2  }
0xa: {  	s25 =	sshll.u32 s2, $0x3;
	s29 =	sshll.u32 s2, $0x6;
	s7 =	smul.u32 $0x13C000, s9  }
0xb: {  	_ =	strace $0x8000004D;
	s11 =	ssub.s32 $0x2, s9;
	p0 =	seq.s32 s9, $0x0  }
0xc: {  	s14 =	sor.u32 $0x980, s25;
	s24 =	sshrl.u32 s11, $0x1;
	s15 =	simm.s32 @!p0 $0x1  }
0xd: {  	s28 =	sshrl.u32 s26, $0x2;
	s10 =	sadd.s32 s10, s7;
	s7 =	sadd.s32 $0x3000, s8  }
0xe: {  	s13 =	ssub.s32 s11, s24;
	s16 =	sadd.s32 s28, s4;
	s10 =	sshrl.u32 s10, $0x3  }
0xf: {  	s11 =	sadd.s32 $0xFFFFFFFF, s15;
	s12 =	sadd.s32 s10, s8;
	s10 =	smul.u32 $0x98, s2  }
0x10: {  	s31 =	sshll.u32 s15, $0xA;
	s15 =	simm.s32 $0x5;
	s24 =	simm.s32 $0x0  }
0x11: {  	s13 =	smax.u32 s13, $0x1;
	[dreg:$0x6] =	wrdreg s31;
	s14 =	smov.u32 @p0 s10  }
0x12: {  	s8 =	sor.u32 $0x1C05, s29;
	s12 =	sadd.s32 $0x7C800, s12;
	s10 =	sshll.u32 s14, $0x4  }
0x13: {  	s30 =	sshrl.u32 s14, $0x3;
	s14 =	sshrl.u32 s16, $0x3;
	s16 =	simm.s32 $0x800  }
0x14: {  	s9 =	sadd.s32 s0, s10;
	s10 =	sadd.s32 s3, s10;
	[dreg:$0x5] =	wrdreg s30  }
.LBB2_1:
0x15: {  	[spmem:s14], [sflag:s8] =	dma.local [hbm:s7], $0x2780  }
0x16: {  	_ =	swait.ge [sflag:s15], $0x2780  }
0x17: {  	[sflag:s15] =	ssyncset.done $0x0  }
0x18: {  	[sflag:s15] =	ssyncadd.s32 $0xFFFFD880  }
0x19: {  	[tilespmem:s5], [sflag:$0x5] =	stream.linear.gather [hbm4b:s9+s5], $0x400, $0x38;
	[tilespmem:$0x1CC00] =	vst v63  }
0x1a: {  	_ =	swait.ge [sflag:s15], $0x400  }
0x1b: {  	[sflag:s15] =	ssyncset.done $0x0  }
0x1c: {  	[sflag:s15] =	ssyncadd.s32 $0xFFFFFC00  }
0x1d: {  	[tilespmem:s16], [sflag:$0x5] =	stream.linear.gather [hbm4b:s10+s5], $0x400, $0x38;
	[tilespmem:$0x1CC00] =	vst v63  }
0x1e: {  	_ =	swait.ge [sflag:s15], $0x400  }
0x1f: {  	[sflag:s15] =	ssyncset.done $0x0  }
0x20: {  	[sflag:s15] =	ssyncadd.s32 $0xFFFFFC00  }
0x21: {  	s25 =	simm.s32 $0x1;
	s26 =	simm.s32 $0x0;
	[bflag:$0x0] =	sbarrier.arrive $0xFFFF  }
.LBB2_2:
0x22: {  	p0 =	slt.s32 s25, s11;
	s29 =	smov.u32 s11  }
0x23: {  	s28 =	rddreg [dreg:$0x5];
	s29 =	smov.u32 @p0 s25  }
0x24: {  	s28 =	sadd.s32 s28, s29  }
0x25: {  	s29 =	sshll.u32 s28, $0x7  }
0x26: {  	s28 =	sand.u32 $0x400, s26;
	s29 =	sand.u32 $0x1FFFFF80, s29  }
0x27: {  	s30 =	sxor.u32 $0x400, s28;
	s31 =	sadd.s32 s0, s29  }
0x28: {  	[tilespmem:s30], [sflag:$0x3] =	stream.linear.gather [hbm4b:s31+s5], $0x400, $0x38;
	[tilespmem:$0x1CC00] =	vst v63  }
0x29: {  	s29 =	sadd.s32 s3, s29;
	s31 =	sxor.u32 $0xC00, s28  }
0x2a: {  	[tilespmem:s31], [sflag:$0x4] =	stream.linear.gather [hbm4b:s29+s5], $0x400, $0x38;
	[tilespmem:$0x1CC00] =	vst v63  }
0x2b: {  	_ = 	snop  }
0x2c: {  	[tilespmem:s18], [sflag:$0x1] =	stream.indirect.gather [hbm4b:s6+s17], $0x80, s28, s17, $0xb8;
	[tilespmem:$0x1CC00] =	vst v63  }
0x2d: {  	s31 =	sor.u32 $0x80, s28  }
0x2e: {  	[tilespmem:s19], [sflag:$0x2] =	stream.indirect.gather [hbm4b:s6+s17], $0x80, s31, s17, $0xb8;
	[tilespmem:$0x1CC00] =	vst v63  }
0x2f: {  	_ =	swait.ge [sflag:s20], $0x4000  }
0x30: {  	[sflag:s20] =	ssyncset.done $0x0  }
0x31: {  	s30 =	sor.u32 $0x800, s28;
	[sflag:s20] =	ssyncadd.s32 $0xFFFFC000  }
0x32: {  	[spmem:s4] =	stream.indirect.scatter.add.f32 [tilespmem:s18], [sflag:$0x5], $0x80, s30, s17, $0xb8;
	[tilespmem:$0x1CC00] =	vst v63  }
0x33: {  	_ =	swait.ge [sflag:s15], $0x4000  }
0x34: {  	[sflag:s15] =	ssyncset.done $0x0  }
0x35: {  	[sflag:s15] =	ssyncadd.s32 $0xFFFFC000  }
0x36: {  	_ =	swait.ge [sflag:s21], $0x4000  }
0x37: {  	[sflag:s21] =	ssyncset.done $0x0  }
0x38: {  	s31 =	sor.u32 $0x880, s28;
	[sflag:s21] =	ssyncadd.s32 $0xFFFFC000  }
0x39: {  	[spmem:s4] =	stream.indirect.scatter.add.f32 [tilespmem:s19], [sflag:$0x5], $0x80, s31, s17, $0xb8;
	[tilespmem:$0x1CC00] =	vst v63  }
0x3a: {  	_ =	swait.ge [sflag:s15], $0x4000  }
0x3b: {  	[sflag:s15] =	ssyncset.done $0x0  }
0x3c: {  	s30 =	sor.u32 $0x100, s28;
	[sflag:s15] =	ssyncadd.s32 $0xFFFFC000  }
0x3d: {  	[tilespmem:s18], [sflag:$0x1] =	stream.indirect.gather [hbm4b:s6+s17], $0x80, s30, s17, $0xb8;
	[tilespmem:$0x1CC00] =	vst v63  }
0x3e: {  	s31 =	sor.u32 $0x180, s28  }
0x3f: {  	[tilespmem:s19], [sflag:$0x2] =	stream.indirect.gather [hbm4b:s6+s17], $0x80, s31, s17, $0xb8;
	[tilespmem:$0x1CC00] =	vst v63  }
0x40: {  	_ =	swait.ge [sflag:s20], $0x4000  }
0x41: {  	[sflag:s20] =	ssyncset.done $0x0  }
0x42: {  	s30 =	sor.u32 $0x900, s28;
	[sflag:s20] =	ssyncadd.s32 $0xFFFFC000  }
0x43: {  	[spmem:s4] =	stream.indirect.scatter.add.f32 [tilespmem:s18], [sflag:$0x5], $0x80, s30, s17, $0xb8;
	[tilespmem:$0x1CC00] =	vst v63  }
0x44: {  	_ =	swait.ge [sflag:s15], $0x4000  }
0x45: {  	[sflag:s15] =	ssyncset.done $0x0  }
0x46: {  	[sflag:s15] =	ssyncadd.s32 $0xFFFFC000  }
0x47: {  	_ =	swait.ge [sflag:s21], $0x4000  }
0x48: {  	[sflag:s21] =	ssyncset.done $0x0  }
0x49: {  	s31 =	sor.u32 $0x980, s28;
	[sflag:s21] =	ssyncadd.s32 $0xFFFFC000  }
0x4a: {  	[spmem:s4] =	stream.indirect.scatter.add.f32 [tilespmem:s19], [sflag:$0x5], $0x80, s31, s17, $0xb8;
	[tilespmem:$0x1CC00] =	vst v63  }
0x4b: {  	_ =	swait.ge [sflag:s15], $0x4000  }
0x4c: {  	[sflag:s15] =	ssyncset.done $0x0  }
0x4d: {  	s30 =	sor.u32 $0x200, s28;
	[sflag:s15] =	ssyncadd.s32 $0xFFFFC000  }
0x4e: {  	[tilespmem:s18], [sflag:$0x1] =	stream.indirect.gather [hbm4b:s6+s17], $0x80, s30, s17, $0xb8;
	[tilespmem:$0x1CC00] =	vst v63  }
0x4f: {  	s31 =	sor.u32 $0x280, s28  }
0x50: {  	[tilespmem:s19], [sflag:$0x2] =	stream.indirect.gather [hbm4b:s6+s17], $0x80, s31, s17, $0xb8;
	[tilespmem:$0x1CC00] =	vst v63  }
0x51: {  	_ =	swait.ge [sflag:s20], $0x4000  }
0x52: {  	[sflag:s20] =	ssyncset.done $0x0  }
0x53: {  	s30 =	sor.u32 $0xA00, s28;
	[sflag:s20] =	ssyncadd.s32 $0xFFFFC000  }
0x54: {  	[spmem:s4] =	stream.indirect.scatter.add.f32 [tilespmem:s18], [sflag:$0x5], $0x80, s30, s17, $0xb8;
	[tilespmem:$0x1CC00] =	vst v63  }
0x55: {  	_ =	swait.ge [sflag:s15], $0x4000  }
0x56: {  	[sflag:s15] =	ssyncset.done $0x0  }
0x57: {  	[sflag:s15] =	ssyncadd.s32 $0xFFFFC000  }
0x58: {  	_ =	swait.ge [sflag:s21], $0x4000  }
0x59: {  	[sflag:s21] =	ssyncset.done $0x0  }
0x5a: {  	s31 =	sor.u32 $0xA80, s28;
	[sflag:s21] =	ssyncadd.s32 $0xFFFFC000  }
0x5b: {  	[spmem:s4] =	stream.indirect.scatter.add.f32 [tilespmem:s19], [sflag:$0x5], $0x80, s31, s17, $0xb8;
	[tilespmem:$0x1CC00] =	vst v63  }
0x5c: {  	_ =	swait.ge [sflag:s15], $0x4000  }
0x5d: {  	[sflag:s15] =	ssyncset.done $0x0  }
0x5e: {  	s30 =	sor.u32 $0x300, s28;
	[sflag:s15] =	ssyncadd.s32 $0xFFFFC000  }
0x5f: {  	[tilespmem:s18], [sflag:$0x1] =	stream.indirect.gather [hbm4b:s6+s17], $0x80, s30, s17, $0xb8;
	[tilespmem:$0x1CC00] =	vst v63  }
0x60: {  	s31 =	sor.u32 $0x380, s28  }
0x61: {  	[tilespmem:s19], [sflag:$0x2] =	stream.indirect.gather [hbm4b:s6+s17], $0x80, s31, s17, $0xb8;
	[tilespmem:$0x1CC00] =	vst v63  }
0x62: {  	_ =	swait.ge [sflag:s20], $0x4000  }
0x63: {  	[sflag:s20] =	ssyncset.done $0x0  }
0x64: {  	s30 =	sor.u32 $0xB00, s28;
	[sflag:s20] =	ssyncadd.s32 $0xFFFFC000  }
0x65: {  	[spmem:s4] =	stream.indirect.scatter.add.f32 [tilespmem:s18], [sflag:$0x5], $0x80, s30, s17, $0xb8;
	[tilespmem:$0x1CC00] =	vst v63  }
0x66: {  	_ =	swait.ge [sflag:s15], $0x4000  }
0x67: {  	[sflag:s15] =	ssyncset.done $0x0  }
0x68: {  	[sflag:s15] =	ssyncadd.s32 $0xFFFFC000  }
0x69: {  	_ =	swait.ge [sflag:s21], $0x4000  }
0x6a: {  	[sflag:s21] =	ssyncset.done $0x0  }
0x6b: {  	s28 =	sor.u32 $0xB80, s28;
	[sflag:s21] =	ssyncadd.s32 $0xFFFFC000  }
0x6c: {  	[spmem:s4] =	stream.indirect.scatter.add.f32 [tilespmem:s19], [sflag:$0x5], $0x80, s28, s17, $0xb8;
	[tilespmem:$0x1CC00] =	vst v63  }
0x6d: {  	_ =	swait.ge [sflag:s15], $0x4000  }
0x6e: {  	[sflag:s15] =	ssyncset.done $0x0  }
0x6f: {  	[sflag:s15] =	ssyncadd.s32 $0xFFFFC000  }
0x70: {  	_ =	swait.ge [sflag:s22], $0x400  }
0x71: {  	[sflag:s22] =	ssyncset.done $0x0  }
0x72: {  	[sflag:s22] =	ssyncadd.s32 $0xFFFFFC00  }
0x73: {  	_ =	swait.ge [sflag:s23], $0x400  }
0x74: {  	s26 =	sadd.s32 $0x400, s26;
	s31 =	rddreg [dreg:$0x6]  }
0x75: {  	p0 =	sne.s32 s31, s26  }
.Ltmp0:
0x76: {  	_ = 	snop;
	(pc) =	sbr.rel @p0 .LBB2_2-.Ltmp0, $3  }
0x77: {  	_ =	sdelay $0x1  }
0x78: {  	[sflag:s23] =	ssyncset.done $0x0  }
0x79: {  	s25 =	sadd.s32 $0x1, s25;
	[sflag:s23] =	ssyncadd.s32 $0xFFFFFC00  }
0x7a: {  	s24 =	sadd.s32 $0x1, s24  }
0x7b: {  	p0 =	sne.s32 s24, s13  }
.Ltmp1:
0x7c: {  	[bflag:$0x0] =	sbarrier.arrive $0xFFFF;
	(pc) =	sbr.rel @p0 .LBB2_1-.Ltmp1, $4  }
0x7d: {  	[hbm:s12], [sflag:s8] =	dma.local [spmem:s14], $0x2780  }
0x7e: {  	_ =	swait.ge [sflag:s15], $0x2780  }
0x7f: {  	[sflag:s15] =	ssyncset.done $0x0  }
0x80: {  	[sflag:s15] =	ssyncadd.s32 $0xFFFFD880  }
0x81: {  	_ =	sfence.sel $0x180000  }
0x82: {  	[bflag:$0x0] =	sbarrier.arrive $0xFFFF  }
0x83: {  	p0 =	sne.s32 s2, $0x0;
	_ =	strace $0x9000004D  }
0x84: {  	s0 =	sadd.s32 @!p0 $0x100000, s1;
	[bflag:$0x2] =	sbarrier.arrive $0xFFFF  }
0x85: {  	[sflag:s0] =	ssyncadd.tile.s32 @!p0 $0x1;
	_ =	shalt  }
.Lfunc_end2:
_tile_overlayer_lowered:
.L_overlay_start_2:
0x86: {  	(tag) =	ssettag $0x2  }
0x87: {  	s0 =	rddreg [dreg:$0x0];
	s2 =	stileid.u32  }
0x88: {  	s1 =	rddreg [dreg:$0x1];
	p0 =	sne.s32 s2, $0x0  }
0x89: {  	s3 =	rddreg [dreg:$0x2];
	[bflag:$0x3] =	sbarrier.arrive $0xFFFF;
	s2 =	simm.s32 @!p0 $0x1C05  }
0x8a: {  	[timem:s3], [sflag:s2] =	dma.local @!p0 [hbm:s0], s1  }
0x8b: {  	s0 =	simm.s32 @!p0 $0x5  }
0x8c: {  	_ =	swait.ge @!p0 [sflag:s0], s1  }
0x8d: {  	s1 =	ssub.s32 @!p0 $0x0, s1;
	[sflag:s0] =	ssyncset.done @!p0 $0x0  }
0x8e: {  	[sflag:s0] =	ssyncadd.s32 @!p0 s1  }
0x8f: {  	[bflag:$0x3] =	sbarrier.arrive $0xFFFF  }
0x90: {  	_ =	shalt  }

// kernel: kernel.8.cloned.1.call-start
scs
__scs_entry_jumppad:
0x0: {  	(pc) =	sbr.rel $0x88, $3  }
0x1: {  	(tag) =	ssettag $0x0;
	lr =	simm.s32 $0x1  }
0x2: {  	[smem:$0x3F99] =	sst lr;
	_ =	strace $0xD0000000  }
0x3: {  	_ = 	snop  }
0x4: {  	_ = 	snop  }
0x5: {  	_ = 	snop  }
0x6: {  	_ = 	snop  }
0x7: {  	_ = 	snop  }
__scs_overlays_trampoline_lowered:
0x8: {  	[smem:$0x3FA8] =	sst s0  }
0x9: {  	[smem:$0x3FA9] =	sst s1  }
0xa: {  	[smem:$0x3FAA] =	sst s2  }
0xb: {  	[smem:$0x3FAB] =	sst s3  }
0xc: {  	[smem:$0x3FAC] =	sst s4  }
0xd: {  	[smem:$0x3FAD] =	sst s5  }
0xe: {  	[smem:$0x3FAE] =	sst s6  }
0xf: {  	[smem:$0x3FAF] =	sst s7  }
0x10: {  	[smem:$0x3FB0] =	sst s8  }
0x11: {  	[smem:$0x3FB1] =	sst s9;
	s0 =	simm.s32 @!p0 $0x0  }
0x12: {  	s1 =	sld [smem:$0x3F97];
	s0 =	simm.s32 @p0 $0x1  }
0x13: {  	[smem:$0x3FB2] =	sst s0;
	s0 =	simm.s32 @!p1 $0x0  }
0x14: {  	s2 =	sld [smem:$0x3F96];
	s0 =	simm.s32 @p1 $0x1  }
0x15: {  	[smem:$0x3FB3] =	sst s0;
	s0 =	simm.s32 @!p2 $0x0  }
0x16: {  	s3 =	sld [smem:$0x3FDB];
	s0 =	simm.s32 @p2 $0x1  }
0x17: {  	s4 =	simm.s32 $0x1BF5;
	[smem:$0x3FB5] =	sst s0  }
0x18: {  	s0 =	sld [smem:$0x3F98];
	_ =	swait.ge [sflag:s4], $0x0  }
0x19: {  	s7 =	sld [smem:$0x3F99]  }
0x1a: {  	s8 =	sadd.s32 $0xFFFFE003, lr  }
0x1b: {  	s9 =	sadd.s32 $0xFFFFFEF7, lr;
	s5 =	simm.s32 $0xFFFFFFFF;
	p2 =	slt.u32 s8, $0xFFFFF086  }
0x1c: {  	p1 =	slt.u32 s9, $0xF7A;
	s5 =	simm.s32 @!p2 $0x0  }
0x1d: {  	s5 =	simm.s32 @p1 $0x1;
	p0 =	seq.s32 s7, s2  }
0x1e: {  	s7 =	smul.u32 @!p0 $0xF7A, s2;
	p2 =	seq.s32 @!p0 s5, $0x0  }
0x1f: {  	s9 =	smul.u32 $0xF7A, s1;
	s8 =	simm.s32 @!p0 $0x1BF5;
	p2 =	por !p2, p0  }
0x20: {  	[sflag:s8] =	ssyncset.s32 @!p0 $0xFFFFF086;
	s6 =	sadd.s32 @!p0 s3, s7;
	s7 =	simm.s32 @!p0 $0x108  }
0x21: {  	s3 =	sadd.s32 s3, s9;
	s6 =	sadd.s32 @!p0 $0x88, s6;
	s7 =	simm.s32 @p2 $0x1082  }
0x22: {  	[simem:s7], [sflag:s8] =	dma.local @!p0 [hbm:s6], $0xF7A  }
0x23: {  	s9 =	sor.u32 $0xD0000000, s2;
	s6 =	simm.s32 $0x108;
	_ =	swait.ge @!p0 [sflag:s8], $0x0  }
0x24: {  	s3 =	sadd.s32 $0x88, s3;
	s6 =	simm.s32 @!p1 $0x1082;
	[sflag:s4] =	ssyncset.s32 $0xFFFFF086  }
0x25: {  	[simem:s6], [sflag:s4] =	dma.local [hbm:s3], $0xF7A  }
0x26: {  	[smem:$0x3F99] =	sst s1;
	(tag) =	ssettag s2;
	_ =	strace s9  }
0x27: {  	s1 =	sld [smem:$0x3FA9]  }
0x28: {  	s2 =	sld [smem:$0x3FAA]  }
0x29: {  	s4 =	sld [smem:$0x3FAC]  }
0x2a: {  	p0 =	seq.s32 s5, $0x0;
	s5 =	sld [smem:$0x3FAD]  }
0x2b: {  	s6 =	sld [smem:$0x3FAE]  }
0x2c: {  	s7 =	sld [smem:$0x3FAF]  }
0x2d: {  	s3 =	simm.s32 $0x108;
	s8 =	sld [smem:$0x3FB0]  }
0x2e: {  	s3 =	simm.s32 @!p0 $0x1082;
	s9 =	sld [smem:$0x3FB1]  }
0x2f: {  	lr =	sadd.s32 s0, s3;
	s0 =	sld [smem:$0x3FA8]  }
0x30: {  	s3 =	sld [smem:$0x3FAB]  }
0x31: {  	[smem:$0x3FB4] =	sst s10  }
0x32: {  	s10 =	sld [smem:$0x3FB2];
	_ =	sdelay $0x3  }
0x33: {  	p0 =	seq.s32 s10, $0x1;
	s10 =	sld [smem:$0x3FB4];
	_ =	sdelay $0x3  }
0x34: {  	[smem:$0x3FB4] =	sst s10  }
0x35: {  	s10 =	sld [smem:$0x3FB3];
	_ =	sdelay $0x3  }
0x36: {  	p1 =	seq.s32 s10, $0x1;
	s10 =	sld [smem:$0x3FB4];
	_ =	sdelay $0x3  }
0x37: {  	[smem:$0x3FB4] =	sst s10  }
0x38: {  	s10 =	sld [smem:$0x3FB5]  }
0x39: {  	_ = 	snop;
	(pc) =	sbr.ind lr, $3  }
0x3a: {  	_ = 	snop  }
0x3b: {  	_ = 	snop  }
0x3c: {  	p2 =	seq.s32 s10, $0x1;
	s10 =	sld [smem:$0x3FB4]  }
0x3d: {  	_ =	shalt  }
0x3e: {  	_ =	shalt  }
0x3f: {  	_ =	shalt  }
0x40: {  	_ =	shalt  }
0x41: {  	_ =	shalt  }
0x42: {  	_ =	shalt  }
0x43: {  	_ =	shalt  }
0x44: {  	_ =	shalt  }
0x45: {  	_ =	shalt  }
0x46: {  	_ =	shalt  }
0x47: {  	_ =	shalt  }
0x48: {  	_ =	shalt  }
0x49: {  	_ =	shalt  }
0x4a: {  	_ =	shalt  }
0x4b: {  	_ =	shalt  }
0x4c: {  	_ =	shalt  }
0x4d: {  	_ =	shalt  }
0x4e: {  	_ =	shalt  }
0x4f: {  	_ =	shalt  }
0x50: {  	_ =	shalt  }
0x51: {  	_ =	shalt  }
0x52: {  	_ =	shalt  }
0x53: {  	_ =	shalt  }
0x54: {  	_ =	shalt  }
0x55: {  	_ =	shalt  }
0x56: {  	_ =	shalt  }
0x57: {  	_ =	shalt  }
0x58: {  	_ =	shalt  }
0x59: {  	_ =	shalt  }
0x5a: {  	_ =	shalt  }
0x5b: {  	_ =	shalt  }
0x5c: {  	_ =	shalt  }
0x5d: {  	_ =	shalt  }
0x5e: {  	_ =	shalt  }
0x5f: {  	_ =	shalt  }
0x60: {  	_ =	shalt  }
0x61: {  	_ =	shalt  }
0x62: {  	_ =	shalt  }
0x63: {  	_ =	shalt  }
0x64: {  	_ =	shalt  }
0x65: {  	_ =	shalt  }
0x66: {  	_ =	shalt  }
0x67: {  	_ =	shalt  }
0x68: {  	_ =	shalt  }
0x69: {  	_ =	shalt  }
0x6a: {  	_ =	shalt  }
0x6b: {  	_ =	shalt  }
0x6c: {  	_ =	shalt  }
0x6d: {  	_ =	shalt  }
0x6e: {  	_ =	shalt  }
0x6f: {  	_ =	shalt  }
0x70: {  	_ =	shalt  }
0x71: {  	_ =	shalt  }
0x72: {  	_ =	shalt  }
0x73: {  	_ =	shalt  }
0x74: {  	_ =	shalt  }
0x75: {  	_ =	shalt  }
0x76: {  	_ =	shalt  }
0x77: {  	_ =	shalt  }
0x78: {  	_ =	shalt  }
0x79: {  	_ =	shalt  }
0x7a: {  	_ =	shalt  }
0x7b: {  	_ =	shalt  }
0x7c: {  	_ =	shalt  }
0x7d: {  	_ =	shalt  }
0x7e: {  	_ =	shalt  }
0x7f: {  	_ =	shalt  }
0x80: {  	_ =	shalt  }
0x81: {  	_ =	shalt  }
0x82: {  	_ =	shalt  }
0x83: {  	_ =	shalt  }
0x84: {  	_ =	shalt  }
0x85: {  	_ =	shalt  }
0x86: {  	_ =	shalt  }
0x87: {  	_ =	shalt  }
.Lfunc_end0:
.L_simem_size_0:
called_computation_lowered:
.L_overlay_start_0:
0x88: {  	s2 =	sld [smem:$0x3FD9]  }
0x89: {  	s3 =	sld [smem:$0x3FFE];
	_ =	sdelay $0x1  }
0x8a: {  	s1 =	srdreg.scid  }
0x8b: {  	s0 =	sand.u32 $0x1, s1  }
0x8c: {  	s14 =	sshll.u32 s0, $0xA;
	s2 =	sadd.s32 s3, s2  }
0x8d: {  	s2 =	sadd.s32 s2, s14  }
0x8e: {  	[smem:$0x3FC0] =	sst s2  }
0x8f: {  	_ = 	snop  }
0x90: {  	s2 =	sld [smem:$0x3FD0];
	_ =	sdelay $0x2  }
0x91: {  	s15 =	simm.s32 $0xA;
	s4 =	simm.s32 $0x10  }
0x92: {  	[smem:s4], [sflag:s15] =	dma.local [hbm:s2], $0x1  }
0x93: {  	_ =	swait.eq [sflag:s15], $0x1  }
0x94: {  	[sflag:s15] =	ssyncset.done $0x0  }
0x95: {  	[sflag:s15] =	ssyncadd.s32 $0xFFFFFFFF  }
0x96: {  	s16 =	sld [smem:$0x10];
	(tm) =	ssettm $0x1  }
0x97: {  	s17 =	sld [smem:$0x3FFB];
	_ =	sdelay $0x3  }
0x98: {  	_ =	strace s17  }
0x99: {  	s3 =	sld [smem:$0x3FFC];
	_ =	sdelay $0x3  }
0x9a: {  	_ =	strace s3  }
0x9b: {  	s3 =	sld [smem:$0x3FFD];
	_ =	sdelay $0x3  }
0x9c: {  	_ =	strace s3  }
0x9d: {  	_ =	strace $0x8FFFFFFF  }
0x9e: {  	s18 =	sld [smem:$0x3FDB];
	_ =	sdelay $0x1  }
0x9f: {  	s19 =	simm.s32 $_scs_section_size  }
0xa0: {  	s5 =	simm.s32 $_size__tile_overlayer_lowered;
	s6 =	simm.s32 $_tile_overlayer_lowered  }
0xa1: {  	s22 =	simm.s32 $0x1BFF;
	s21 =	sshll.u32 s6, $0x1;
	s3 =	sadd.s32 s19, s18  }
0xa2: {  	s7 =	simm.s32 $0x0;
	s20 =	sshll.u32 s5, $0x1;
	s5 =	sadd.s32 s21, s3  }
0xa3: {  	[timem:s7], [sflag:s22] =	dma.local [hbm:s5], s20  }
0xa4: {  	_ =	swait.ge [sflag:s22], s20  }
0xa5: {  	s4 =	ssub.s32 $0x0, s20;
	[sflag:s22] =	ssyncset.done $0x0  }
0xa6: {  	[sflag:s22] =	ssyncadd.s32 s4;
	_ =	sdelay $0x1  }
0xa7: {  	s23 =	simm.s32 $0x1B8B  }
0xa8: {  	_ =	swait.ge [sflag:s23], $0x1  }
0xa9: {  	[sflag:s23] =	ssyncset.done $0x0  }
0xaa: {  	s25 =	simm.s32 $0x1B8E;
	s24 =	sld [smem:$0x3FFE];
	[sflag:s23] =	ssyncadd.s32 $0xFFFFFFFF  }
0xab: {  	s26 =	simm.s32 $execute0_lowered;
	[smem:$0x3FD2] =	sst s25  }
0xac: {  	s5 =	sshll.u32 s26, $0x1;
	_ =	strace $0x80000046;
	[dreg:$0x1] =	wrdreg $0xFFFFFFFF  }
0xad: {  	s28 =	simm.s32 $_size_execute0_lowered;
	s3 =	sadd.s32 s3, s5;
	[dreg:$0x0] =	wrdreg $0x0  }
0xae: {  	s5 =	sshll.u32 s28, $0x1;
	[dreg:$0x2] =	wrdreg s3  }
0xaf: {  	[dreg:$0x3] =	wrdreg s5  }
0xb0: {  	[dreg:$0x4] =	wrdreg $0xC0  }
0xb1: {  	_ =	task [dreg:s7], $0x5FFFF  }
0xb2: {  	[dreg:$0x1] =	wrdreg $0xFFFFFFFF  }
0xb3: {  	[dreg:$0x0] =	wrdreg $0x60  }
0xb4: {  	[dreg:$0x2] =	wrdreg s16  }
0xb5: {  	[dreg:$0x3] =	wrdreg s24  }
0xb6: {  	[dreg:$0x4] =	wrdreg $0x68000  }
0xb7: {  	[dreg:$0x5] =	wrdreg $0x9  }
0xb8: {  	_ =	task.clear_ibuf [dreg:s7], $0x6FFFF;
	_ =	strace $0x90000046  }
0xb9: {  	s29 =	simm.s32 $0x9;
	_ =	strace $0x80000048  }
0xba: {  	_ =	swait.ge [sflag:s29], $0x1  }
0xbb: {  	[sflag:s29] =	ssyncadd.s32 $0xFFFFFFFF  }
0xbc: {  	_ =	strace $0x90000048  }
0xbd: {  	_ =	sfence  }
0xbe: {  	s30 =	sld [smem:$0x0];
	_ =	sdelay $0x2  }
0xbf: {  	s31 =	sshll.u32 s1, $0xD;
	s1 =	sshrl.u32 s1, $0x2  }
0xc0: {  	s3 =	sand.u32 $0x4000, s31;
	s1 =	sadd.s32 s1, s30  }
0xc1: {  	s0 =	sor.u32 s3, s0;
	s1 =	sshll.u32 s1, $0x11  }
0xc2: {  	s0 =	sor.u32 s1, s0  }
0xc3: {  	s0 =	sadd.s32 $0x8F2B, s0  }
0xc4: {  	[sflag:s0] =	ssyncadd.remote.s32 $0x1  }
0xc5: {  	_ =	sfence.sel $0xFFFF  }
0xc6: {  	[dreg:$0x0] =	wrdreg $0xFFFFFFFF;
	(pc) =	sbr.abs _section_cstart, $3  }
0xc7: {  	[dreg:$0x1] =	wrdreg $0xFFFFFFFF  }
0xc8: {  	_ =	task.clear_ibuf [dreg:s7], $0x2FFFF;
	_ =	strace $0x9FFFFFFF  }
0xc9: {  	(tm) =	ssettm $0x7FFFFFFF  }
tec
execute0_lowered:
.L_overlay_start_1:
0x0: {  	(tag) =	ssettag $0x1  }
0x1: {  	s6 =	rddreg [dreg:$0x0]  }
0x2: {  	s7 =	rddreg [dreg:$0x1]  }
0x3: {  	s1 =	rddreg [dreg:$0x2]  }
0x4: {  	s0 =	rddreg [dreg:$0x3];
	s3 =	simm.s32 $0x0;
	s2 =	srdreg.scid  }
0x5: {  	s13 =	simm.s32 $0x80;
	[smem:$0x7FF] =	sst s3;
	s8 =	sand.u32 $0x1, s2  }
0x6: {  	s14 =	simm.s32 $0x0;
	s2 =	stileid.u32;
	s9 =	smul.u32 $0x13C000, s8  }
0x7: {  	s4 =	sadd.s32 $0x5800, s7;
	s5 =	sadd.s32 $0x3000, s7;
	s10 =	smul.u32 $0x13C00, s2  }
0x8: {  	_ =	strace $0x80000047;
	s11 =	sshll.u32 s2, $0x1;
	s29 =	smul.u32 $0x4F000, s2  }
0x9: {  	s31 =	sshll.u32 s2, $0x6;
	s28 =	sor.u32 s8, s11;
	s8 =	ssub.s32 $0x2, s8  }
0xa: {  	s9 =	sadd.s32 s10, s9;
	s10 =	smul.u32 $0x500, s28;
	s30 =	sshrl.u32 s8, $0x1  }
0xb: {  	s11 =	sshrl.u32 s29, $0x2;
	s9 =	sshrl.u32 s9, $0x3;
	s8 =	ssub.s32 s8, s30  }
0xc: {  	s12 =	sadd.s32 s11, s1;
	s11 =	sor.u32 $0x1C01, s31;
	s7 =	sadd.s32 s9, s7  }
0xd: {  	s6 =	sadd.s32 s6, s10;
	s8 =	smax.u32 s8, $0x1;
	s9 =	simm.s32 $0x1  }
0xe: {  	s10 =	simm.s32 $0x2800;
	s12 =	sshrl.u32 s12, $0x3;
	s7 =	sadd.s32 $0x6000, s7  }
.LBB2_1:
0xf: {  	[tilespmem:s3], [sflag:$0x1] =	stream.linear.gather [hbm4b:s6+s3], $0x2800, $0x38;
	[tilespmem:$0x1A400] =	vst v63  }
0x10: {  	_ =	swait.ge [sflag:s9], $0x2800  }
0x11: {  	[sflag:s9] =	ssyncset.done $0x0  }
0x12: {  	[sflag:s9] =	ssyncadd.s32 $0xFFFFD800  }
0x13: {  	[tilespmem:s10], [sflag:$0x1] =	stream.linear.gather [hbm4b:s4+s3], $0x4000, $0x38;
	[tilespmem:$0x1A400] =	vst v63  }
0x14: {  	_ =	swait.ge [sflag:s9], $0x4000  }
0x15: {  	[sflag:s9] =	ssyncset.done $0x0  }
0x16: {  	[sflag:s9] =	ssyncadd.s32 $0xFFFFC000  }
0x17: {  	[spmem:s12], [sflag:s11] =	dma.local [hbm:s5], $0x2780  }
0x18: {  	_ =	swait.ge [sflag:s9], $0x2780  }
0x19: {  	[sflag:s9] =	ssyncset.done $0x0  }
0x1a: {  	[sflag:s9] =	ssyncadd.s32 $0xFFFFD880  }
0x1b: {  	s15 =	simm.s32 $0x0;
	[bflag:$0x0] =	sbarrier.arrive $0xFFFF  }
0x1c: {  	[spmem:s1] =	stream.indirect.scatter.add.f32 [tilespmem:s10], [sflag:$0x1], $0x80, s15, s13, $0xb8;
	[tilespmem:$0x1A400] =	vst v63  }
0x1d: {  	_ =	swait.ge [sflag:s9], $0x4000  }
0x1e: {  	s15 =	simm.s32 $0x200;
	[sflag:s9] =	ssyncset.done $0x0  }
.LBB2_2:
0x1f: {  	s16 =	sshra.s32 s15, $0x2;
	[sflag:s9] =	ssyncadd.s32 $0xFFFFC000;
	p0 =	sne.s32 s15, $0x9E00  }
0x20: {  	[spmem:s1] =	stream.indirect.scatter.add.f32 [tilespmem:s10], [sflag:$0x1], $0x80, s16, s13, $0xb8;
	[tilespmem:$0x1A400] =	vst v63  }
.Ltmp0:
0x21: {  	_ = 	snop;
	(pc) =	sbr.rel @p0 .LBB2_2-.Ltmp0, $4  }
0x22: {  	_ = 	snop  }
0x23: {  	s15 =	sadd.s32 $0x200, s15  }
0x24: {  	_ =	swait.ge [sflag:s9], $0x4000  }
0x25: {  	[sflag:s9] =	ssyncset.done $0x0  }
0x26: {  	s14 =	sadd.s32 $0x1, s14  }
0x27: {  	[sflag:s9] =	ssyncadd.s32 $0xFFFFC000;
	p0 =	sne.s32 s14, s8  }
.Ltmp1:
0x28: {  	[bflag:$0x0] =	sbarrier.arrive $0xFFFF;
	(pc) =	sbr.rel @p0 .LBB2_1-.Ltmp1, $4  }
0x29: {  	[hbm:s7], [sflag:s11] =	dma.local [spmem:s12], $0x2780  }
0x2a: {  	_ =	swait.ge [sflag:s9], $0x2780  }
0x2b: {  	[sflag:s9] =	ssyncset.done $0x0  }
0x2c: {  	[sflag:s9] =	ssyncadd.s32 $0xFFFFD880  }
0x2d: {  	_ =	sfence.sel $0x180000  }
0x2e: {  	[bflag:$0x0] =	sbarrier.arrive $0xFFFF  }
0x2f: {  	p0 =	sne.s32 s2, $0x0;
	_ =	strace $0x90000047  }
0x30: {  	s0 =	sadd.s32 @!p0 $0x100000, s0;
	[bflag:$0x2] =	sbarrier.arrive $0xFFFF  }
0x31: {  	[sflag:s0] =	ssyncadd.tile.s32 @!p0 $0x1;
	_ =	shalt  }
.Lfunc_end2:
_tile_overlayer_lowered:
.L_overlay_start_2:
0x32: {  	(tag) =	ssettag $0x2  }
0x33: {  	s0 =	rddreg [dreg:$0x0];
	s2 =	stileid.u32  }
0x34: {  	s1 =	rddreg [dreg:$0x1];
	p0 =	sne.s32 s2, $0x0  }
0x35: {  	s3 =	rddreg [dreg:$0x2];
	[bflag:$0x3] =	sbarrier.arrive $0xFFFF;
	s2 =	simm.s32 @!p0 $0x1C01  }
0x36: {  	[timem:s3], [sflag:s2] =	dma.local @!p0 [hbm:s0], s1  }
0x37: {  	s0 =	simm.s32 @!p0 $0x1  }
0x38: {  	_ =	swait.ge @!p0 [sflag:s0], s1  }
0x39: {  	s1 =	ssub.s32 @!p0 $0x0, s1;
	[sflag:s0] =	ssyncset.done @!p0 $0x0  }
0x3a: {  	[sflag:s0] =	ssyncadd.s32 @!p0 s1  }
0x3b: {  	[bflag:$0x3] =	sbarrier.arrive $0xFFFF  }
0x3c: {  	_ =	shalt  }

</sc_bundles>
